<compile_context>
chip_gen: v7x
topology: tpu7x:2x2x1
jax: 0.10.2.dev20260603
libtpu: 0.0.44.dev20260713+nightly
codegen_flags: <defaults>
</compile_context>

<pallas_src>
import functools

import jax
import jax.numpy as jnp
from jax import lax
from jax.experimental import pallas as pl
from jax.experimental.pallas import tpu as pltpu
from jax.experimental.pallas import tpu_sc as plsc

DIM = 16
BATCH = 16384
_SUB = 8

_NC = 2
_NS = 16
_NW = _NC * _NS
_BPW = BATCH // _NW
_HALF = _BPW // 2
_HGROUPS = _HALF // 16


def _newton_rsqrt(p):
    i = plsc.bitcast(p, jnp.int32)
    i = jnp.int32(0x5F3759DF) - (i >> 1)
    y = plsc.bitcast(i, jnp.float32)
    for _ in range(3):
        y = y * (jnp.float32(1.5) - jnp.float32(0.5) * p * y * y)
    return y


def _make_kernel():
    mesh = plsc.VectorSubcoreMesh(core_axis_name="c", subcore_axis_name="s")

    @functools.partial(
        pl.kernel,
        mesh=mesh,
        out_type=jax.ShapeDtypeStruct((BATCH,), jnp.float32),
        compiler_params=pltpu.CompilerParams(needs_layout_passes=False),
        scratch_types=[
            pltpu.VMEM((_BPW,), jnp.int32),
            pltpu.VMEM((_HALF // _SUB, _SUB, DIM), jnp.float32),
            pltpu.VMEM((_HALF // _SUB, _SUB, DIM), jnp.float32),
            pltpu.VMEM((_BPW,), jnp.float32),
            pltpu.SemaphoreType.DMA,
        ],
    )
    def k(e1_hbm, e2_hbm, idx_hbm, out_hbm,
          raw_v, a_v, b_v, out_v, sem):
        wid = lax.axis_index("s") * _NC + lax.axis_index("c")
        base = wid * _BPW

        pltpu.sync_copy(idx_hbm.at[pl.ds(base, _BPW)], raw_v)

        lane = lax.iota(jnp.int32, 16)

        def gather_half(h):
            def issue(g, carry):
                vec = raw_v[pl.ds(h * _HALF + g * 16, 16)]
                for j in range(16):
                    r = vec[j]
                    t = r >> 3
                    s = r & jnp.int32(_SUB - 1)
                    e = g * 16 + j
                    pltpu.async_copy(
                        e1_hbm.at[t, s], a_v.at[e >> 3, e & (_SUB - 1)], sem)
                    pltpu.async_copy(
                        e2_hbm.at[t, s], b_v.at[e >> 3, e & (_SUB - 1)], sem)
                return carry

            lax.fori_loop(0, _HGROUPS, issue, 0)
            pltpu.make_async_copy(
                e1_hbm.at[pl.ds(0, _HALF // _SUB)], a_v, sem).wait()
            pltpu.make_async_copy(
                e2_hbm.at[pl.ds(0, _HALF // _SUB)], b_v, sem).wait()

        def compute_half(h):
            def body(g, carry):
                le = g * 16 + lane
                num = jnp.zeros((16,), jnp.float32)
                na = jnp.zeros((16,), jnp.float32)
                nb = jnp.zeros((16,), jnp.float32)
                for d in range(DIM):
                    col = jnp.full((16,), d, jnp.int32)
                    av = plsc.load_gather(
                        a_v, [le >> 3, le & jnp.int32(_SUB - 1), col])
                    bv = plsc.load_gather(
                        b_v, [le >> 3, le & jnp.int32(_SUB - 1), col])
                    num = num + av * bv
                    na = na + av * av
                    nb = nb + bv * bv
                p = na * nb
                denom = jnp.maximum(p * _newton_rsqrt(p), jnp.float32(1e-8))
                out_v[pl.ds(h * _HALF + g * 16, 16)] = num / denom
                return carry

            lax.fori_loop(0, _HGROUPS, body, 0)

        for h in range(2):
            gather_half(h)
            compute_half(h)

        pltpu.sync_copy(out_v, out_hbm.at[pl.ds(base, _BPW)])

    return k


_cosine_gather_kernel = _make_kernel()


@jax.jit
def kernel(entity_emb1, entity_emb2, entities):
    idx = entities.astype(jnp.int32)
    e1 = entity_emb1.reshape(-1, _SUB, DIM)
    e2 = entity_emb2.reshape(-1, _SUB, DIM)
    return _cosine_gather_kernel(e1, e2, idx)

# --- scband reference (transcript-rebuilt; emitter-appended) ---
"""Pipeline reference for scband-joint-learning-model-36232344109470 (READ-ONLY COPY).

The authoritative reference and input builder live on the scoring server;
editing this copy changes nothing except your own understanding.
"""

import jax, jax.numpy as jnp
import numpy as np

VOCAB = 1000000
DIM = 16
BATCH = 16384

def setup_inputs(seed: int = 0) -> dict:
    key = jax.random.key(seed)
    k1, k2, k3 = jax.random.split(key, 3)
    entity_emb1 = jax.random.normal(k1, (VOCAB, DIM), dtype=jnp.float32)
    entity_emb2 = jax.random.normal(k2, (VOCAB, DIM), dtype=jnp.float32)
    entities = jax.random.randint(k3, (BATCH,), 0, VOCAB, dtype=jnp.int64)
    return {"entity_emb1": entity_emb1, "entity_emb2": entity_emb2, "entities": entities}

def reference(entity_emb1, entity_emb2, entities):
    # gather rows from both embedding tables (SparseCore-friendly gather)
    a = jnp.take(entity_emb1, entities, axis=0)
    b = jnp.take(entity_emb2, entities, axis=0)
    # torch.nn.CosineSimilarity(dim=1): dot / max(||a||*||b||, eps)
    eps = 1e-8
    num = jnp.sum(a * b, axis=1)
    na = jnp.sqrt(jnp.sum(a * a, axis=1))
    nb = jnp.sqrt(jnp.sum(b * b, axis=1))
    denom = jnp.maximum(na * nb, eps)
    return num / denom

if __name__ == "__main__":
    import jax
    _d = setup_inputs()
    print(jax.jit(kernel)(*tuple(_d.values())))

</pallas_src>

<mosaic_0001>
#map = affine_map<(d0, d1) -> (0, 0, 0)>
#map1 = affine_map<(d0, d1) -> (0)>
module attributes {stable_mosaic.version = 14 : i64} {
  func.func @k(%arg0: i32, %arg1: i32, %arg2: memref<125000x8x16xf32, #tpu.memory_space<hbm>>, %arg3: memref<125000x8x16xf32, #tpu.memory_space<hbm>>, %arg4: memref<16384xi32, #tpu.memory_space<hbm>>, %arg5: memref<16384xf32, #tpu.memory_space<hbm>>, %arg6: memref<512xi32, #tpu.memory_space<vmem>>, %arg7: memref<32x8x16xf32, #tpu.memory_space<vmem>>, %arg8: memref<32x8x16xf32, #tpu.memory_space<vmem>>, %arg9: memref<512xf32, #tpu.memory_space<vmem>>, %arg10: memref<!tpu.dma_semaphore, #tpu.memory_space<semaphore_mem>>) attributes {dimension_semantics = [#tpu.dimension_semantics<core_parallel>, #tpu.dimension_semantics<subcore_parallel>], iteration_bounds = array<i64: 2, 16>, scalar_prefetch = 0 : i64, scratch_operands = 5 : i64, tpu.core_type = #tpu.core_type<sc_vector_subcore>, window_params = [{transform_indices = #map}, {transform_indices = #map}, {transform_indices = #map1}, {transform_indices = #map1}]} {
    %mul3A = arith.constant 2 : i32
    %mul3A_0 = arith.muli %arg1, %mul3A : i32
    %add3A = arith.addi %mul3A_0, %arg0 : i32
    %mul3A_1 = arith.constant 512 : i32
    %mul3A_2 = arith.muli %add3A, %mul3A_1 : i32
    "tpu.region"() ({
      %run_scoped3A = tpu.sem_alloc : memref<!tpu.dma_semaphore, #tpu.memory_space<semaphore_mem>>
      %dma_start3A = tpu.memref_slice %arg4[%mul3A_2] : memref<16384xi32, #tpu.memory_space<hbm>> -> memref<512xi32, #tpu.memory_space<hbm>>
      %dma_start3A_57 = tpu.memref_slice %arg4[%mul3A_2] : memref<16384xi32, #tpu.memory_space<hbm>> -> memref<512xi32, #tpu.memory_space<hbm>>
      tpu.enqueue_dma source(%dma_start3A_57 : memref<512xi32, #tpu.memory_space<hbm>>) target(%arg6 : memref<512xi32, #tpu.memory_space<vmem>>) target_semaphore(%run_scoped3A : memref<!tpu.dma_semaphore, #tpu.memory_space<semaphore_mem>>)
      %dma_wait3A_58 = tpu.memref_slice %arg4[%mul3A_2] : memref<16384xi32, #tpu.memory_space<hbm>> -> memref<512xi32, #tpu.memory_space<hbm>>
      %dma_wait3A_59 = tpu.memref_slice %arg4[%mul3A_2] : memref<16384xi32, #tpu.memory_space<hbm>> -> memref<512xi32, #tpu.memory_space<hbm>>
      tpu.wait_dma2 semaphore(%run_scoped3A : memref<!tpu.dma_semaphore, #tpu.memory_space<semaphore_mem>>) src(%dma_wait3A_59 : memref<512xi32, #tpu.memory_space<hbm>>) dst(%arg6 : memref<512xi32, #tpu.memory_space<vmem>>)
      tpu.yield
    }) : () -> ()
    %iota3A = tpu.iota {dimensions = array<i32: 0>} : vector<16xi32>
    %scan3A = arith.constant 0 : i32
    %scan3A_3 = arith.constant 0 : i32
    %scan3A_4 = arith.constant 16 : i32
    %scan3A_5 = arith.addi %scan3A_3, %scan3A_4 : i32
    %scan3A_6 = arith.constant 1 : i32
    scf.for %scan3A_57 = %scan3A_3 to %scan3A_5 step %scan3A_6  : i32 {
      %mul3A_58 = arith.constant 16 : i32
      %mul3A_59 = arith.muli %scan3A_57, %mul3A_58 : i32
      %add3A_60 = arith.constant 0 : i32
      %add3A_61 = arith.addi %add3A_60, %mul3A_59 : i32
      %get3A = arith.index_cast %add3A_61 : i32 to index
      %get3A_62 = tpu.vector_load %arg6[%get3A] {strides = array<i32>} : memref<512xi32, #tpu.memory_space<vmem>>, vector<16xi32>,
      %slice3A = vector.extract_strided_slice %get3A_62 {offsets = [0], sizes = [1], strides = [1]} : vector<16xi32> to vector<1xi32>
      %squeeze3A = vector.extract %slice3A[0] : i32 from vector<1xi32>
      %shift_right_arithmetic3A = arith.constant 3 : i32
      %shift_right_arithmetic3A_63 = arith.shrsi %squeeze3A, %shift_right_arithmetic3A : i32
      %and3A = arith.constant 7 : i32
      %and3A_64 = arith.andi %squeeze3A, %and3A : i32
      %mul3A_65 = arith.constant 16 : i32
      %mul3A_66 = arith.muli %scan3A_57, %mul3A_65 : i32
      %add3A_67 = arith.constant 0 : i32
      %add3A_68 = arith.addi %mul3A_66, %add3A_67 : i32
      %shift_right_arithmetic3A_69 = arith.constant 3 : i32
      %shift_right_arithmetic3A_70 = arith.shrsi %add3A_68, %shift_right_arithmetic3A_69 : i32
      %and3A_71 = arith.constant 7 : i32
      %and3A_72 = arith.andi %add3A_68, %and3A_71 : i32
      %dma_start3A = arith.constant 0 : i32
      %dma_start3A_73 = tpu.memref_slice %arg7[%shift_right_arithmetic3A_70, %and3A_72, %dma_start3A] : memref<32x8x16xf32, #tpu.memory_space<vmem>> -> memref<1x1x16xf32, #tpu.memory_space<vmem>>
      %dma_start3A_74 = tpu.memref_squeeze %dma_start3A_73 : memref<1x1x16xf32, #tpu.memory_space<vmem>> -> memref<16xf32, #tpu.memory_space<vmem>>
      %dma_start3A_75 = arith.constant 0 : i32
      %dma_start3A_76 = tpu.memref_slice %arg2[%shift_right_arithmetic3A_63, %and3A_64, %dma_start3A_75] : memref<125000x8x16xf32, #tpu.memory_space<hbm>> -> memref<1x1x16xf32, #tpu.memory_space<hbm>>
      %dma_start3A_77 = tpu.memref_squeeze %dma_start3A_76 : memref<1x1x16xf32, #tpu.memory_space<hbm>> -> memref<16xf32, #tpu.memory_space<hbm>>
      %dma_start3A_78 = arith.constant 0 : i32
      %dma_start3A_79 = tpu.memref_slice %arg7[%shift_right_arithmetic3A_70, %and3A_72, %dma_start3A_78] : memref<32x8x16xf32, #tpu.memory_space<vmem>> -> memref<1x1x16xf32, #tpu.memory_space<vmem>>
      %dma_start3A_80 = tpu.memref_squeeze %dma_start3A_79 : memref<1x1x16xf32, #tpu.memory_space<vmem>> -> memref<16xf32, #tpu.memory_space<vmem>>
      %dma_start3A_81 = arith.constant 0 : i32
      %dma_start3A_82 = tpu.memref_slice %arg2[%shift_right_arithmetic3A_63, %and3A_64, %dma_start3A_81] : memref<125000x8x16xf32, #tpu.memory_space<hbm>> -> memref<1x1x16xf32, #tpu.memory_space<hbm>>
      %dma_start3A_83 = tpu.memref_squeeze %dma_start3A_82 : memref<1x1x16xf32, #tpu.memory_space<hbm>> -> memref<16xf32, #tpu.memory_space<hbm>>
      tpu.enqueue_dma source(%dma_start3A_83 : memref<16xf32, #tpu.memory_space<hbm>>) target(%dma_start3A_80 : memref<16xf32, #tpu.memory_space<vmem>>) target_semaphore(%arg10 : memref<!tpu.dma_semaphore, #tpu.memory_space<semaphore_mem>>)
      %shift_right_arithmetic3A_84 = arith.constant 3 : i32
      %shift_right_arithmetic3A_85 = arith.shrsi %add3A_68, %shift_right_arithmetic3A_84 : i32
      %and3A_86 = arith.constant 7 : i32
      %and3A_87 = arith.andi %add3A_68, %and3A_86 : i32
      %dma_start3A_88 = arith.constant 0 : i32
      %dma_start3A_89 = tpu.memref_slice %arg8[%shift_right_arithmetic3A_85, %and3A_87, %dma_start3A_88] : memref<32x8x16xf32, #tpu.memory_space<vmem>> -> memref<1x1x16xf32, #tpu.memory_space<vmem>>
      %dma_start3A_90 = tpu.memref_squeeze %dma_start3A_89 : memref<1x1x16xf32, #tpu.memory_space<vmem>> -> memref<16xf32, #tpu.memory_space<vmem>>
      %dma_start3A_91 = arith.constant 0 : i32
      %dma_start3A_92 = tpu.memref_slice %arg3[%shift_right_arithmetic3A_63, %and3A_64, %dma_start3A_91] : memref<125000x8x16xf32, #tpu.memory_space<hbm>> -> memref<1x1x16xf32, #tpu.memory_space<hbm>>
      %dma_start3A_93 = tpu.memref_squeeze %dma_start3A_92 : memref<1x1x16xf32, #tpu.memory_space<hbm>> -> memref<16xf32, #tpu.memory_space<hbm>>
      %dma_start3A_94 = arith.constant 0 : i32
      %dma_start3A_95 = tpu.memref_slice %arg8[%shift_right_arithmetic3A_85, %and3A_87, %dma_start3A_94] : memref<32x8x16xf32, #tpu.memory_space<vmem>> -> memref<1x1x16xf32, #tpu.memory_space<vmem>>
      %dma_start3A_96 = tpu.memref_squeeze %dma_start3A_95 : memref<1x1x16xf32, #tpu.memory_space<vmem>> -> memref<16xf32, #tpu.memory_space<vmem>>
      %dma_start3A_97 = arith.constant 0 : i32
      %dma_start3A_98 = tpu.memref_slice %arg3[%shift_right_arithmetic3A_63, %and3A_64, %dma_start3A_97] : memref<125000x8x16xf32, #tpu.memory_space<hbm>> -> memref<1x1x16xf32, #tpu.memory_space<hbm>>
      %dma_start3A_99 = tpu.memref_squeeze %dma_start3A_98 : memref<1x1x16xf32, #tpu.memory_space<hbm>> -> memref<16xf32, #tpu.memory_space<hbm>>
      tpu.enqueue_dma source(%dma_start3A_99 : memref<16xf32, #tpu.memory_space<hbm>>) target(%dma_start3A_96 : memref<16xf32, #tpu.memory_space<vmem>>) target_semaphore(%arg10 : memref<!tpu.dma_semaphore, #tpu.memory_space<semaphore_mem>>)
      %slice3A_100 = vector.extract_strided_slice %get3A_62 {offsets = [1], sizes = [1], strides = [1]} : vector<16xi32> to vector<1xi32>
      %squeeze3A_101 = vector.extract %slice3A_100[0] : i32 from vector<1xi32>
      %shift_right_arithmetic3A_102 = arith.constant 3 : i32
      %shift_right_arithmetic3A_103 = arith.shrsi %squeeze3A_101, %shift_right_arithmetic3A_102 : i32
      %and3A_104 = arith.constant 7 : i32
      %and3A_105 = arith.andi %squeeze3A_101, %and3A_104 : i32
      %mul3A_106 = arith.constant 16 : i32
      %mul3A_107 = arith.muli %scan3A_57, %mul3A_106 : i32
      %add3A_108 = arith.constant 1 : i32
      %add3A_109 = arith.addi %mul3A_107, %add3A_108 : i32
      %shift_right_arithmetic3A_110 = arith.constant 3 : i32
      %shift_right_arithmetic3A_111 = arith.shrsi %add3A_109, %shift_right_arithmetic3A_110 : i32
      %and3A_112 = arith.constant 7 : i32
      %and3A_113 = arith.andi %add3A_109, %and3A_112 : i32
      %dma_start3A_114 = arith.constant 0 : i32
      %dma_start3A_115 = tpu.memref_slice %arg7[%shift_right_arithmetic3A_111, %and3A_113, %dma_start3A_114] : memref<32x8x16xf32, #tpu.memory_space<vmem>> -> memref<1x1x16xf32, #tpu.memory_space<vmem>>
      %dma_start3A_116 = tpu.memref_squeeze %dma_start3A_115 : memref<1x1x16xf32, #tpu.memory_space<vmem>> -> memref<16xf32, #tpu.memory_space<vmem>>
      %dma_start3A_117 = arith.constant 0 : i32
      %dma_start3A_118 = tpu.memref_slice %arg2[%shift_right_arithmetic3A_103, %and3A_105, %dma_start3A_117] : memref<125000x8x16xf32, #tpu.memory_space<hbm>> -> memref<1x1x16xf32, #tpu.memory_space<hbm>>
      %dma_start3A_119 = tpu.memref_squeeze %dma_start3A_118 : memref<1x1x16xf32, #tpu.memory_space<hbm>> -> memref<16xf32, #tpu.memory_space<hbm>>
      %dma_start3A_120 = arith.constant 0 : i32
      %dma_start3A_121 = tpu.memref_slice %arg7[%shift_right_arithmetic3A_111, %and3A_113, %dma_start3A_120] : memref<32x8x16xf32, #tpu.memory_space<vmem>> -> memref<1x1x16xf32, #tpu.memory_space<vmem>>
      %dma_start3A_122 = tpu.memref_squeeze %dma_start3A_121 : memref<1x1x16xf32, #tpu.memory_space<vmem>> -> memref<16xf32, #tpu.memory_space<vmem>>
      %dma_start3A_123 = arith.constant 0 : i32
      %dma_start3A_124 = tpu.memref_slice %arg2[%shift_right_arithmetic3A_103, %and3A_105, %dma_start3A_123] : memref<125000x8x16xf32, #tpu.memory_space<hbm>> -> memref<1x1x16xf32, #tpu.memory_space<hbm>>
      %dma_start3A_125 = tpu.memref_squeeze %dma_start3A_124 : memref<1x1x16xf32, #tpu.memory_space<hbm>> -> memref<16xf32, #tpu.memory_space<hbm>>
      tpu.enqueue_dma source(%dma_start3A_125 : memref<16xf32, #tpu.memory_space<hbm>>) target(%dma_start3A_122 : memref<16xf32, #tpu.memory_space<vmem>>) target_semaphore(%arg10 : memref<!tpu.dma_semaphore, #tpu.memory_space<semaphore_mem>>)
      %shift_right_arithmetic3A_126 = arith.constant 3 : i32
      %shift_right_arithmetic3A_127 = arith.shrsi %add3A_109, %shift_right_arithmetic3A_126 : i32
      %and3A_128 = arith.constant 7 : i32
      %and3A_129 = arith.andi %add3A_109, %and3A_128 : i32
      %dma_start3A_130 = arith.constant 0 : i32
      %dma_start3A_131 = tpu.memref_slice %arg8[%shift_right_arithmetic3A_127, %and3A_129, %dma_start3A_130] : memref<32x8x16xf32, #tpu.memory_space<vmem>> -> memref<1x1x16xf32, #tpu.memory_space<vmem>>
      %dma_start3A_132 = tpu.memref_squeeze %dma_start3A_131 : memref<1x1x16xf32, #tpu.memory_space<vmem>> -> memref<16xf32, #tpu.memory_space<vmem>>
      %dma_start3A_133 = arith.constant 0 : i32
      %dma_start3A_134 = tpu.memref_slice %arg3[%shift_right_arithmetic3A_103, %and3A_105, %dma_start3A_133] : memref<125000x8x16xf32, #tpu.memory_space<hbm>> -> memref<1x1x16xf32, #tpu.memory_space<hbm>>
      %dma_start3A_135 = tpu.memref_squeeze %dma_start3A_134 : memref<1x1x16xf32, #tpu.memory_space<hbm>> -> memref<16xf32, #tpu.memory_space<hbm>>
      %dma_start3A_136 = arith.constant 0 : i32
      %dma_start3A_137 = tpu.memref_slice %arg8[%shift_right_arithmetic3A_127, %and3A_129, %dma_start3A_136] : memref<32x8x16xf32, #tpu.memory_space<vmem>> -> memref<1x1x16xf32, #tpu.memory_space<vmem>>
      %dma_start3A_138 = tpu.memref_squeeze %dma_start3A_137 : memref<1x1x16xf32, #tpu.memory_space<vmem>> -> memref<16xf32, #tpu.memory_space<vmem>>
      %dma_start3A_139 = arith.constant 0 : i32
      %dma_start3A_140 = tpu.memref_slice %arg3[%shift_right_arithmetic3A_103, %and3A_105, %dma_start3A_139] : memref<125000x8x16xf32, #tpu.memory_space<hbm>> -> memref<1x1x16xf32, #tpu.memory_space<hbm>>
      %dma_start3A_141 = tpu.memref_squeeze %dma_start3A_140 : memref<1x1x16xf32, #tpu.memory_space<hbm>> -> memref<16xf32, #tpu.memory_space<hbm>>
      tpu.enqueue_dma source(%dma_start3A_141 : memref<16xf32, #tpu.memory_space<hbm>>) target(%dma_start3A_138 : memref<16xf32, #tpu.memory_space<vmem>>) target_semaphore(%arg10 : memref<!tpu.dma_semaphore, #tpu.memory_space<semaphore_mem>>)
      %slice3A_142 = vector.extract_strided_slice %get3A_62 {offsets = [2], sizes = [1], strides = [1]} : vector<16xi32> to vector<1xi32>
      %squeeze3A_143 = vector.extract %slice3A_142[0] : i32 from vector<1xi32>
      %shift_right_arithmetic3A_144 = arith.constant 3 : i32
      %shift_right_arithmetic3A_145 = arith.shrsi %squeeze3A_143, %shift_right_arithmetic3A_144 : i32
      %and3A_146 = arith.constant 7 : i32
      %and3A_147 = arith.andi %squeeze3A_143, %and3A_146 : i32
      %mul3A_148 = arith.constant 16 : i32
      %mul3A_149 = arith.muli %scan3A_57, %mul3A_148 : i32
      %add3A_150 = arith.constant 2 : i32
      %add3A_151 = arith.addi %mul3A_149, %add3A_150 : i32
      %shift_right_arithmetic3A_152 = arith.constant 3 : i32
      %shift_right_arithmetic3A_153 = arith.shrsi %add3A_151, %shift_right_arithmetic3A_152 : i32
      %and3A_154 = arith.constant 7 : i32
      %and3A_155 = arith.andi %add3A_151, %and3A_154 : i32
      %dma_start3A_156 = arith.constant 0 : i32
      %dma_start3A_157 = tpu.memref_slice %arg7[%shift_right_arithmetic3A_153, %and3A_155, %dma_start3A_156] : memref<32x8x16xf32, #tpu.memory_space<vmem>> -> memref<1x1x16xf32, #tpu.memory_space<vmem>>
      %dma_start3A_158 = tpu.memref_squeeze %dma_start3A_157 : memref<1x1x16xf32, #tpu.memory_space<vmem>> -> memref<16xf32, #tpu.memory_space<vmem>>
      %dma_start3A_159 = arith.constant 0 : i32
      %dma_start3A_160 = tpu.memref_slice %arg2[%shift_right_arithmetic3A_145, %and3A_147, %dma_start3A_159] : memref<125000x8x16xf32, #tpu.memory_space<hbm>> -> memref<1x1x16xf32, #tpu.memory_space<hbm>>
      %dma_start3A_161 = tpu.memref_squeeze %dma_start3A_160 : memref<1x1x16xf32, #tpu.memory_space<hbm>> -> memref<16xf32, #tpu.memory_space<hbm>>
      %dma_start3A_162 = arith.constant 0 : i32
      %dma_start3A_163 = tpu.memref_slice %arg7[%shift_right_arithmetic3A_153, %and3A_155, %dma_start3A_162] : memref<32x8x16xf32, #tpu.memory_space<vmem>> -> memref<1x1x16xf32, #tpu.memory_space<vmem>>
      %dma_start3A_164 = tpu.memref_squeeze %dma_start3A_163 : memref<1x1x16xf32, #tpu.memory_space<vmem>> -> memref<16xf32, #tpu.memory_space<vmem>>
      %dma_start3A_165 = arith.constant 0 : i32
      %dma_start3A_166 = tpu.memref_slice %arg2[%shift_right_arithmetic3A_145, %and3A_147, %dma_start3A_165] : memref<125000x8x16xf32, #tpu.memory_space<hbm>> -> memref<1x1x16xf32, #tpu.memory_space<hbm>>
      %dma_start3A_167 = tpu.memref_squeeze %dma_start3A_166 : memref<1x1x16xf32, #tpu.memory_space<hbm>> -> memref<16xf32, #tpu.memory_space<hbm>>
      tpu.enqueue_dma source(%dma_start3A_167 : memref<16xf32, #tpu.memory_space<hbm>>) target(%dma_start3A_164 : memref<16xf32, #tpu.memory_space<vmem>>) target_semaphore(%arg10 : memref<!tpu.dma_semaphore, #tpu.memory_space<semaphore_mem>>)
      %shift_right_arithmetic3A_168 = arith.constant 3 : i32
      %shift_right_arithmetic3A_169 = arith.shrsi %add3A_151, %shift_right_arithmetic3A_168 : i32
      %and3A_170 = arith.constant 7 : i32
      %and3A_171 = arith.andi %add3A_151, %and3A_170 : i32
      %dma_start3A_172 = arith.constant 0 : i32
      %dma_start3A_173 = tpu.memref_slice %arg8[%shift_right_arithmetic3A_169, %and3A_171, %dma_start3A_172] : memref<32x8x16xf32, #tpu.memory_space<vmem>> -> memref<1x1x16xf32, #tpu.memory_space<vmem>>
      %dma_start3A_174 = tpu.memref_squeeze %dma_start3A_173 : memref<1x1x16xf32, #tpu.memory_space<vmem>> -> memref<16xf32, #tpu.memory_space<vmem>>
      %dma_start3A_175 = arith.constant 0 : i32
      %dma_start3A_176 = tpu.memref_slice %arg3[%shift_right_arithmetic3A_145, %and3A_147, %dma_start3A_175] : memref<125000x8x16xf32, #tpu.memory_space<hbm>> -> memref<1x1x16xf32, #tpu.memory_space<hbm>>
      %dma_start3A_177 = tpu.memref_squeeze %dma_start3A_176 : memref<1x1x16xf32, #tpu.memory_space<hbm>> -> memref<16xf32, #tpu.memory_space<hbm>>
      %dma_start3A_178 = arith.constant 0 : i32
      %dma_start3A_179 = tpu.memref_slice %arg8[%shift_right_arithmetic3A_169, %and3A_171, %dma_start3A_178] : memref<32x8x16xf32, #tpu.memory_space<vmem>> -> memref<1x1x16xf32, #tpu.memory_space<vmem>>
      %dma_start3A_180 = tpu.memref_squeeze %dma_start3A_179 : memref<1x1x16xf32, #tpu.memory_space<vmem>> -> memref<16xf32, #tpu.memory_space<vmem>>
      %dma_start3A_181 = arith.constant 0 : i32
      %dma_start3A_182 = tpu.memref_slice %arg3[%shift_right_arithmetic3A_145, %and3A_147, %dma_start3A_181] : memref<125000x8x16xf32, #tpu.memory_space<hbm>> -> memref<1x1x16xf32, #tpu.memory_space<hbm>>
      %dma_start3A_183 = tpu.memref_squeeze %dma_start3A_182 : memref<1x1x16xf32, #tpu.memory_space<hbm>> -> memref<16xf32, #tpu.memory_space<hbm>>
      tpu.enqueue_dma source(%dma_start3A_183 : memref<16xf32, #tpu.memory_space<hbm>>) target(%dma_start3A_180 : memref<16xf32, #tpu.memory_space<vmem>>) target_semaphore(%arg10 : memref<!tpu.dma_semaphore, #tpu.memory_space<semaphore_mem>>)
      %slice3A_184 = vector.extract_strided_slice %get3A_62 {offsets = [3], sizes = [1], strides = [1]} : vector<16xi32> to vector<1xi32>
      %squeeze3A_185 = vector.extract %slice3A_184[0] : i32 from vector<1xi32>
      %shift_right_arithmetic3A_186 = arith.constant 3 : i32
      %shift_right_arithmetic3A_187 = arith.shrsi %squeeze3A_185, %shift_right_arithmetic3A_186 : i32
      %and3A_188 = arith.constant 7 : i32
      %and3A_189 = arith.andi %squeeze3A_185, %and3A_188 : i32
      %mul3A_190 = arith.constant 16 : i32
      %mul3A_191 = arith.muli %scan3A_57, %mul3A_190 : i32
      %add3A_192 = arith.constant 3 : i32
      %add3A_193 = arith.addi %mul3A_191, %add3A_192 : i32
      %shift_right_arithmetic3A_194 = arith.constant 3 : i32
      %shift_right_arithmetic3A_195 = arith.shrsi %add3A_193, %shift_right_arithmetic3A_194 : i32
      %and3A_196 = arith.constant 7 : i32
      %and3A_197 = arith.andi %add3A_193, %and3A_196 : i32
      %dma_start3A_198 = arith.constant 0 : i32
      %dma_start3A_199 = tpu.memref_slice %arg7[%shift_right_arithmetic3A_195, %and3A_197, %dma_start3A_198] : memref<32x8x16xf32, #tpu.memory_space<vmem>> -> memref<1x1x16xf32, #tpu.memory_space<vmem>>
      %dma_start3A_200 = tpu.memref_squeeze %dma_start3A_199 : memref<1x1x16xf32, #tpu.memory_space<vmem>> -> memref<16xf32, #tpu.memory_space<vmem>>
      %dma_start3A_201 = arith.constant 0 : i32
      %dma_start3A_202 = tpu.memref_slice %arg2[%shift_right_arithmetic3A_187, %and3A_189, %dma_start3A_201] : memref<125000x8x16xf32, #tpu.memory_space<hbm>> -> memref<1x1x16xf32, #tpu.memory_space<hbm>>
      %dma_start3A_203 = tpu.memref_squeeze %dma_start3A_202 : memref<1x1x16xf32, #tpu.memory_space<hbm>> -> memref<16xf32, #tpu.memory_space<hbm>>
      %dma_start3A_204 = arith.constant 0 : i32
      %dma_start3A_205 = tpu.memref_slice %arg7[%shift_right_arithmetic3A_195, %and3A_197, %dma_start3A_204] : memref<32x8x16xf32, #tpu.memory_space<vmem>> -> memref<1x1x16xf32, #tpu.memory_space<vmem>>
      %dma_start3A_206 = tpu.memref_squeeze %dma_start3A_205 : memref<1x1x16xf32, #tpu.memory_space<vmem>> -> memref<16xf32, #tpu.memory_space<vmem>>
      %dma_start3A_207 = arith.constant 0 : i32
      %dma_start3A_208 = tpu.memref_slice %arg2[%shift_right_arithmetic3A_187, %and3A_189, %dma_start3A_207] : memref<125000x8x16xf32, #tpu.memory_space<hbm>> -> memref<1x1x16xf32, #tpu.memory_space<hbm>>
      %dma_start3A_209 = tpu.memref_squeeze %dma_start3A_208 : memref<1x1x16xf32, #tpu.memory_space<hbm>> -> memref<16xf32, #tpu.memory_space<hbm>>
      tpu.enqueue_dma source(%dma_start3A_209 : memref<16xf32, #tpu.memory_space<hbm>>) target(%dma_start3A_206 : memref<16xf32, #tpu.memory_space<vmem>>) target_semaphore(%arg10 : memref<!tpu.dma_semaphore, #tpu.memory_space<semaphore_mem>>)
      %shift_right_arithmetic3A_210 = arith.constant 3 : i32
      %shift_right_arithmetic3A_211 = arith.shrsi %add3A_193, %shift_right_arithmetic3A_210 : i32
      %and3A_212 = arith.constant 7 : i32
      %and3A_213 = arith.andi %add3A_193, %and3A_212 : i32
      %dma_start3A_214 = arith.constant 0 : i32
      %dma_start3A_215 = tpu.memref_slice %arg8[%shift_right_arithmetic3A_211, %and3A_213, %dma_start3A_214] : memref<32x8x16xf32, #tpu.memory_space<vmem>> -> memref<1x1x16xf32, #tpu.memory_space<vmem>>
      %dma_start3A_216 = tpu.memref_squeeze %dma_start3A_215 : memref<1x1x16xf32, #tpu.memory_space<vmem>> -> memref<16xf32, #tpu.memory_space<vmem>>
      %dma_start3A_217 = arith.constant 0 : i32
      %dma_start3A_218 = tpu.memref_slice %arg3[%shift_right_arithmetic3A_187, %and3A_189, %dma_start3A_217] : memref<125000x8x16xf32, #tpu.memory_space<hbm>> -> memref<1x1x16xf32, #tpu.memory_space<hbm>>
      %dma_start3A_219 = tpu.memref_squeeze %dma_start3A_218 : memref<1x1x16xf32, #tpu.memory_space<hbm>> -> memref<16xf32, #tpu.memory_space<hbm>>
      %dma_start3A_220 = arith.constant 0 : i32
      %dma_start3A_221 = tpu.memref_slice %arg8[%shift_right_arithmetic3A_211, %and3A_213, %dma_start3A_220] : memref<32x8x16xf32, #tpu.memory_space<vmem>> -> memref<1x1x16xf32, #tpu.memory_space<vmem>>
      %dma_start3A_222 = tpu.memref_squeeze %dma_start3A_221 : memref<1x1x16xf32, #tpu.memory_space<vmem>> -> memref<16xf32, #tpu.memory_space<vmem>>
      %dma_start3A_223 = arith.constant 0 : i32
      %dma_start3A_224 = tpu.memref_slice %arg3[%shift_right_arithmetic3A_187, %and3A_189, %dma_start3A_223] : memref<125000x8x16xf32, #tpu.memory_space<hbm>> -> memref<1x1x16xf32, #tpu.memory_space<hbm>>
      %dma_start3A_225 = tpu.memref_squeeze %dma_start3A_224 : memref<1x1x16xf32, #tpu.memory_space<hbm>> -> memref<16xf32, #tpu.memory_space<hbm>>
      tpu.enqueue_dma source(%dma_start3A_225 : memref<16xf32, #tpu.memory_space<hbm>>) target(%dma_start3A_222 : memref<16xf32, #tpu.memory_space<vmem>>) target_semaphore(%arg10 : memref<!tpu.dma_semaphore, #tpu.memory_space<semaphore_mem>>)
      %slice3A_226 = vector.extract_strided_slice %get3A_62 {offsets = [4], sizes = [1], strides = [1]} : vector<16xi32> to vector<1xi32>
      %squeeze3A_227 = vector.extract %slice3A_226[0] : i32 from vector<1xi32>
      %shift_right_arithmetic3A_228 = arith.constant 3 : i32
      %shift_right_arithmetic3A_229 = arith.shrsi %squeeze3A_227, %shift_right_arithmetic3A_228 : i32
      %and3A_230 = arith.constant 7 : i32
      %and3A_231 = arith.andi %squeeze3A_227, %and3A_230 : i32
      %mul3A_232 = arith.constant 16 : i32
      %mul3A_233 = arith.muli %scan3A_57, %mul3A_232 : i32
      %add3A_234 = arith.constant 4 : i32
      %add3A_235 = arith.addi %mul3A_233, %add3A_234 : i32
      %shift_right_arithmetic3A_236 = arith.constant 3 : i32
      %shift_right_arithmetic3A_237 = arith.shrsi %add3A_235, %shift_right_arithmetic3A_236 : i32
      %and3A_238 = arith.constant 7 : i32
      %and3A_239 = arith.andi %add3A_235, %and3A_238 : i32
      %dma_start3A_240 = arith.constant 0 : i32
      %dma_start3A_241 = tpu.memref_slice %arg7[%shift_right_arithmetic3A_237, %and3A_239, %dma_start3A_240] : memref<32x8x16xf32, #tpu.memory_space<vmem>> -> memref<1x1x16xf32, #tpu.memory_space<vmem>>
      %dma_start3A_242 = tpu.memref_squeeze %dma_start3A_241 : memref<1x1x16xf32, #tpu.memory_space<vmem>> -> memref<16xf32, #tpu.memory_space<vmem>>
      %dma_start3A_243 = arith.constant 0 : i32
      %dma_start3A_244 = tpu.memref_slice %arg2[%shift_right_arithmetic3A_229, %and3A_231, %dma_start3A_243] : memref<125000x8x16xf32, #tpu.memory_space<hbm>> -> memref<1x1x16xf32, #tpu.memory_space<hbm>>
      %dma_start3A_245 = tpu.memref_squeeze %dma_start3A_244 : memref<1x1x16xf32, #tpu.memory_space<hbm>> -> memref<16xf32, #tpu.memory_space<hbm>>
      %dma_start3A_246 = arith.constant 0 : i32
      %dma_start3A_247 = tpu.memref_slice %arg7[%shift_right_arithmetic3A_237, %and3A_239, %dma_start3A_246] : memref<32x8x16xf32, #tpu.memory_space<vmem>> -> memref<1x1x16xf32, #tpu.memory_space<vmem>>
      %dma_start3A_248 = tpu.memref_squeeze %dma_start3A_247 : memref<1x1x16xf32, #tpu.memory_space<vmem>> -> memref<16xf32, #tpu.memory_space<vmem>>
      %dma_start3A_249 = arith.constant 0 : i32
      %dma_start3A_250 = tpu.memref_slice %arg2[%shift_right_arithmetic3A_229, %and3A_231, %dma_start3A_249] : memref<125000x8x16xf32, #tpu.memory_space<hbm>> -> memref<1x1x16xf32, #tpu.memory_space<hbm>>
      %dma_start3A_251 = tpu.memref_squeeze %dma_start3A_250 : memref<1x1x16xf32, #tpu.memory_space<hbm>> -> memref<16xf32, #tpu.memory_space<hbm>>
      tpu.enqueue_dma source(%dma_start3A_251 : memref<16xf32, #tpu.memory_space<hbm>>) target(%dma_start3A_248 : memref<16xf32, #tpu.memory_space<vmem>>) target_semaphore(%arg10 : memref<!tpu.dma_semaphore, #tpu.memory_space<semaphore_mem>>)
      %shift_right_arithmetic3A_252 = arith.constant 3 : i32
      %shift_right_arithmetic3A_253 = arith.shrsi %add3A_235, %shift_right_arithmetic3A_252 : i32
      %and3A_254 = arith.constant 7 : i32
      %and3A_255 = arith.andi %add3A_235, %and3A_254 : i32
      %dma_start3A_256 = arith.constant 0 : i32
      %dma_start3A_257 = tpu.memref_slice %arg8[%shift_right_arithmetic3A_253, %and3A_255, %dma_start3A_256] : memref<32x8x16xf32, #tpu.memory_space<vmem>> -> memref<1x1x16xf32, #tpu.memory_space<vmem>>
      %dma_start3A_258 = tpu.memref_squeeze %dma_start3A_257 : memref<1x1x16xf32, #tpu.memory_space<vmem>> -> memref<16xf32, #tpu.memory_space<vmem>>
      %dma_start3A_259 = arith.constant 0 : i32
      %dma_start3A_260 = tpu.memref_slice %arg3[%shift_right_arithmetic3A_229, %and3A_231, %dma_start3A_259] : memref<125000x8x16xf32, #tpu.memory_space<hbm>> -> memref<1x1x16xf32, #tpu.memory_space<hbm>>
      %dma_start3A_261 = tpu.memref_squeeze %dma_start3A_260 : memref<1x1x16xf32, #tpu.memory_space<hbm>> -> memref<16xf32, #tpu.memory_space<hbm>>
      %dma_start3A_262 = arith.constant 0 : i32
      %dma_start3A_263 = tpu.memref_slice %arg8[%shift_right_arithmetic3A_253, %and3A_255, %dma_start3A_262] : memref<32x8x16xf32, #tpu.memory_space<vmem>> -> memref<1x1x16xf32, #tpu.memory_space<vmem>>
      %dma_start3A_264 = tpu.memref_squeeze %dma_start3A_263 : memref<1x1x16xf32, #tpu.memory_space<vmem>> -> memref<16xf32, #tpu.memory_space<vmem>>
      %dma_start3A_265 = arith.constant 0 : i32
      %dma_start3A_266 = tpu.memref_slice %arg3[%shift_right_arithmetic3A_229, %and3A_231, %dma_start3A_265] : memref<125000x8x16xf32, #tpu.memory_space<hbm>> -> memref<1x1x16xf32, #tpu.memory_space<hbm>>
      %dma_start3A_267 = tpu.memref_squeeze %dma_start3A_266 : memref<1x1x16xf32, #tpu.memory_space<hbm>> -> memref<16xf32, #tpu.memory_space<hbm>>
      tpu.enqueue_dma source(%dma_start3A_267 : memref<16xf32, #tpu.memory_space<hbm>>) target(%dma_start3A_264 : memref<16xf32, #tpu.memory_space<vmem>>) target_semaphore(%arg10 : memref<!tpu.dma_semaphore, #tpu.memory_space<semaphore_mem>>)
      %slice3A_268 = vector.extract_strided_slice %get3A_62 {offsets = [5], sizes = [1], strides = [1]} : vector<16xi32> to vector<1xi32>
      %squeeze3A_269 = vector.extract %slice3A_268[0] : i32 from vector<1xi32>
      %shift_right_arithmetic3A_270 = arith.constant 3 : i32
      %shift_right_arithmetic3A_271 = arith.shrsi %squeeze3A_269, %shift_right_arithmetic3A_270 : i32
      %and3A_272 = arith.constant 7 : i32
      %and3A_273 = arith.andi %squeeze3A_269, %and3A_272 : i32
      %mul3A_274 = arith.constant 16 : i32
      %mul3A_275 = arith.muli %scan3A_57, %mul3A_274 : i32
      %add3A_276 = arith.constant 5 : i32
      %add3A_277 = arith.addi %mul3A_275, %add3A_276 : i32
      %shift_right_arithmetic3A_278 = arith.constant 3 : i32
      %shift_right_arithmetic3A_279 = arith.shrsi %add3A_277, %shift_right_arithmetic3A_278 : i32
      %and3A_280 = arith.constant 7 : i32
      %and3A_281 = arith.andi %add3A_277, %and3A_280 : i32
      %dma_start3A_282 = arith.constant 0 : i32
      %dma_start3A_283 = tpu.memref_slice %arg7[%shift_right_arithmetic3A_279, %and3A_281, %dma_start3A_282] : memref<32x8x16xf32, #tpu.memory_space<vmem>> -> memref<1x1x16xf32, #tpu.memory_space<vmem>>
      %dma_start3A_284 = tpu.memref_squeeze %dma_start3A_283 : memref<1x1x16xf32, #tpu.memory_space<vmem>> -> memref<16xf32, #tpu.memory_space<vmem>>
      %dma_start3A_285 = arith.constant 0 : i32
      %dma_start3A_286 = tpu.memref_slice %arg2[%shift_right_arithmetic3A_271, %and3A_273, %dma_start3A_285] : memref<125000x8x16xf32, #tpu.memory_space<hbm>> -> memref<1x1x16xf32, #tpu.memory_space<hbm>>
      %dma_start3A_287 = tpu.memref_squeeze %dma_start3A_286 : memref<1x1x16xf32, #tpu.memory_space<hbm>> -> memref<16xf32, #tpu.memory_space<hbm>>
      %dma_start3A_288 = arith.constant 0 : i32
      %dma_start3A_289 = tpu.memref_slice %arg7[%shift_right_arithmetic3A_279, %and3A_281, %dma_start3A_288] : memref<32x8x16xf32, #tpu.memory_space<vmem>> -> memref<1x1x16xf32, #tpu.memory_space<vmem>>
      %dma_start3A_290 = tpu.memref_squeeze %dma_start3A_289 : memref<1x1x16xf32, #tpu.memory_space<vmem>> -> memref<16xf32, #tpu.memory_space<vmem>>
      %dma_start3A_291 = arith.constant 0 : i32
      %dma_start3A_292 = tpu.memref_slice %arg2[%shift_right_arithmetic3A_271, %and3A_273, %dma_start3A_291] : memref<125000x8x16xf32, #tpu.memory_space<hbm>> -> memref<1x1x16xf32, #tpu.memory_space<hbm>>
      %dma_start3A_293 = tpu.memref_squeeze %dma_start3A_292 : memref<1x1x16xf32, #tpu.memory_space<hbm>> -> memref<16xf32, #tpu.memory_space<hbm>>
      tpu.enqueue_dma source(%dma_start3A_293 : memref<16xf32, #tpu.memory_space<hbm>>) target(%dma_start3A_290 : memref<16xf32, #tpu.memory_space<vmem>>) target_semaphore(%arg10 : memref<!tpu.dma_semaphore, #tpu.memory_space<semaphore_mem>>)
      %shift_right_arithmetic3A_294 = arith.constant 3 : i32
      %shift_right_arithmetic3A_295 = arith.shrsi %add3A_277, %shift_right_arithmetic3A_294 : i32
      %and3A_296 = arith.constant 7 : i32
      %and3A_297 = arith.andi %add3A_277, %and3A_296 : i32
      %dma_start3A_298 = arith.constant 0 : i32
      %dma_start3A_299 = tpu.memref_slice %arg8[%shift_right_arithmetic3A_295, %and3A_297, %dma_start3A_298] : memref<32x8x16xf32, #tpu.memory_space<vmem>> -> memref<1x1x16xf32, #tpu.memory_space<vmem>>
      %dma_start3A_300 = tpu.memref_squeeze %dma_start3A_299 : memref<1x1x16xf32, #tpu.memory_space<vmem>> -> memref<16xf32, #tpu.memory_space<vmem>>
      %dma_start3A_301 = arith.constant 0 : i32
      %dma_start3A_302 = tpu.memref_slice %arg3[%shift_right_arithmetic3A_271, %and3A_273, %dma_start3A_301] : memref<125000x8x16xf32, #tpu.memory_space<hbm>> -> memref<1x1x16xf32, #tpu.memory_space<hbm>>
      %dma_start3A_303 = tpu.memref_squeeze %dma_start3A_302 : memref<1x1x16xf32, #tpu.memory_space<hbm>> -> memref<16xf32, #tpu.memory_space<hbm>>
      %dma_start3A_304 = arith.constant 0 : i32
      %dma_start3A_305 = tpu.memref_slice %arg8[%shift_right_arithmetic3A_295, %and3A_297, %dma_start3A_304] : memref<32x8x16xf32, #tpu.memory_space<vmem>> -> memref<1x1x16xf32, #tpu.memory_space<vmem>>
      %dma_start3A_306 = tpu.memref_squeeze %dma_start3A_305 : memref<1x1x16xf32, #tpu.memory_space<vmem>> -> memref<16xf32, #tpu.memory_space<vmem>>
      %dma_start3A_307 = arith.constant 0 : i32
      %dma_start3A_308 = tpu.memref_slice %arg3[%shift_right_arithmetic3A_271, %and3A_273, %dma_start3A_307] : memref<125000x8x16xf32, #tpu.memory_space<hbm>> -> memref<1x1x16xf32, #tpu.memory_space<hbm>>
      %dma_start3A_309 = tpu.memref_squeeze %dma_start3A_308 : memref<1x1x16xf32, #tpu.memory_space<hbm>> -> memref<16xf32, #tpu.memory_space<hbm>>
      tpu.enqueue_dma source(%dma_start3A_309 : memref<16xf32, #tpu.memory_space<hbm>>) target(%dma_start3A_306 : memref<16xf32, #tpu.memory_space<vmem>>) target_semaphore(%arg10 : memref<!tpu.dma_semaphore, #tpu.memory_space<semaphore_mem>>)
      %slice3A_310 = vector.extract_strided_slice %get3A_62 {offsets = [6], sizes = [1], strides = [1]} : vector<16xi32> to vector<1xi32>
      %squeeze3A_311 = vector.extract %slice3A_310[0] : i32 from vector<1xi32>
      %shift_right_arithmetic3A_312 = arith.constant 3 : i32
      %shift_right_arithmetic3A_313 = arith.shrsi %squeeze3A_311, %shift_right_arithmetic3A_312 : i32
      %and3A_314 = arith.constant 7 : i32
      %and3A_315 = arith.andi %squeeze3A_311, %and3A_314 : i32
      %mul3A_316 = arith.constant 16 : i32
      %mul3A_317 = arith.muli %scan3A_57, %mul3A_316 : i32
      %add3A_318 = arith.constant 6 : i32
      %add3A_319 = arith.addi %mul3A_317, %add3A_318 : i32
      %shift_right_arithmetic3A_320 = arith.constant 3 : i32
      %shift_right_arithmetic3A_321 = arith.shrsi %add3A_319, %shift_right_arithmetic3A_320 : i32
      %and3A_322 = arith.constant 7 : i32
      %and3A_323 = arith.andi %add3A_319, %and3A_322 : i32
      %dma_start3A_324 = arith.constant 0 : i32
      %dma_start3A_325 = tpu.memref_slice %arg7[%shift_right_arithmetic3A_321, %and3A_323, %dma_start3A_324] : memref<32x8x16xf32, #tpu.memory_space<vmem>> -> memref<1x1x16xf32, #tpu.memory_space<vmem>>
      %dma_start3A_326 = tpu.memref_squeeze %dma_start3A_325 : memref<1x1x16xf32, #tpu.memory_space<vmem>> -> memref<16xf32, #tpu.memory_space<vmem>>
      %dma_start3A_327 = arith.constant 0 : i32
      %dma_start3A_328 = tpu.memref_slice %arg2[%shift_right_arithmetic3A_313, %and3A_315, %dma_start3A_327] : memref<125000x8x16xf32, #tpu.memory_space<hbm>> -> memref<1x1x16xf32, #tpu.memory_space<hbm>>
      %dma_start3A_329 = tpu.memref_squeeze %dma_start3A_328 : memref<1x1x16xf32, #tpu.memory_space<hbm>> -> memref<16xf32, #tpu.memory_space<hbm>>
      %dma_start3A_330 = arith.constant 0 : i32
      %dma_start3A_331 = tpu.memref_slice %arg7[%shift_right_arithmetic3A_321, %and3A_323, %dma_start3A_330] : memref<32x8x16xf32, #tpu.memory_space<vmem>> -> memref<1x1x16xf32, #tpu.memory_space<vmem>>
      %dma_start3A_332 = tpu.memref_squeeze %dma_start3A_331 : memref<1x1x16xf32, #tpu.memory_space<vmem>> -> memref<16xf32, #tpu.memory_space<vmem>>
      %dma_start3A_333 = arith.constant 0 : i32
      %dma_start3A_334 = tpu.memref_slice %arg2[%shift_right_arithmetic3A_313, %and3A_315, %dma_start3A_333] : memref<125000x8x16xf32, #tpu.memory_space<hbm>> -> memref<1x1x16xf32, #tpu.memory_space<hbm>>
      %dma_start3A_335 = tpu.memref_squeeze %dma_start3A_334 : memref<1x1x16xf32, #tpu.memory_space<hbm>> -> memref<16xf32, #tpu.memory_space<hbm>>
      tpu.enqueue_dma source(%dma_start3A_335 : memref<16xf32, #tpu.memory_space<hbm>>) target(%dma_start3A_332 : memref<16xf32, #tpu.memory_space<vmem>>) target_semaphore(%arg10 : memref<!tpu.dma_semaphore, #tpu.memory_space<semaphore_mem>>)
      %shift_right_arithmetic3A_336 = arith.constant 3 : i32
      %shift_right_arithmetic3A_337 = arith.shrsi %add3A_319, %shift_right_arithmetic3A_336 : i32
      %and3A_338 = arith.constant 7 : i32
      %and3A_339 = arith.andi %add3A_319, %and3A_338 : i32
      %dma_start3A_340 = arith.constant 0 : i32
      %dma_start3A_341 = tpu.memref_slice %arg8[%shift_right_arithmetic3A_337, %and3A_339, %dma_start3A_340] : memref<32x8x16xf32, #tpu.memory_space<vmem>> -> memref<1x1x16xf32, #tpu.memory_space<vmem>>
      %dma_start3A_342 = tpu.memref_squeeze %dma_start3A_341 : memref<1x1x16xf32, #tpu.memory_space<vmem>> -> memref<16xf32, #tpu.memory_space<vmem>>
      %dma_start3A_343 = arith.constant 0 : i32
      %dma_start3A_344 = tpu.memref_slice %arg3[%shift_right_arithmetic3A_313, %and3A_315, %dma_start3A_343] : memref<125000x8x16xf32, #tpu.memory_space<hbm>> -> memref<1x1x16xf32, #tpu.memory_space<hbm>>
      %dma_start3A_345 = tpu.memref_squeeze %dma_start3A_344 : memref<1x1x16xf32, #tpu.memory_space<hbm>> -> memref<16xf32, #tpu.memory_space<hbm>>
      %dma_start3A_346 = arith.constant 0 : i32
      %dma_start3A_347 = tpu.memref_slice %arg8[%shift_right_arithmetic3A_337, %and3A_339, %dma_start3A_346] : memref<32x8x16xf32, #tpu.memory_space<vmem>> -> memref<1x1x16xf32, #tpu.memory_space<vmem>>
      %dma_start3A_348 = tpu.memref_squeeze %dma_start3A_347 : memref<1x1x16xf32, #tpu.memory_space<vmem>> -> memref<16xf32, #tpu.memory_space<vmem>>
      %dma_start3A_349 = arith.constant 0 : i32
      %dma_start3A_350 = tpu.memref_slice %arg3[%shift_right_arithmetic3A_313, %and3A_315, %dma_start3A_349] : memref<125000x8x16xf32, #tpu.memory_space<hbm>> -> memref<1x1x16xf32, #tpu.memory_space<hbm>>
      %dma_start3A_351 = tpu.memref_squeeze %dma_start3A_350 : memref<1x1x16xf32, #tpu.memory_space<hbm>> -> memref<16xf32, #tpu.memory_space<hbm>>
      tpu.enqueue_dma source(%dma_start3A_351 : memref<16xf32, #tpu.memory_space<hbm>>) target(%dma_start3A_348 : memref<16xf32, #tpu.memory_space<vmem>>) target_semaphore(%arg10 : memref<!tpu.dma_semaphore, #tpu.memory_space<semaphore_mem>>)
      %slice3A_352 = vector.extract_strided_slice %get3A_62 {offsets = [7], sizes = [1], strides = [1]} : vector<16xi32> to vector<1xi32>
      %squeeze3A_353 = vector.extract %slice3A_352[0] : i32 from vector<1xi32>
      %shift_right_arithmetic3A_354 = arith.constant 3 : i32
      %shift_right_arithmetic3A_355 = arith.shrsi %squeeze3A_353, %shift_right_arithmetic3A_354 : i32
      %and3A_356 = arith.constant 7 : i32
      %and3A_357 = arith.andi %squeeze3A_353, %and3A_356 : i32
      %mul3A_358 = arith.constant 16 : i32
      %mul3A_359 = arith.muli %scan3A_57, %mul3A_358 : i32
      %add3A_360 = arith.constant 7 : i32
      %add3A_361 = arith.addi %mul3A_359, %add3A_360 : i32
      %shift_right_arithmetic3A_362 = arith.constant 3 : i32
      %shift_right_arithmetic3A_363 = arith.shrsi %add3A_361, %shift_right_arithmetic3A_362 : i32
      %and3A_364 = arith.constant 7 : i32
      %and3A_365 = arith.andi %add3A_361, %and3A_364 : i32
      %dma_start3A_366 = arith.constant 0 : i32
      %dma_start3A_367 = tpu.memref_slice %arg7[%shift_right_arithmetic3A_363, %and3A_365, %dma_start3A_366] : memref<32x8x16xf32, #tpu.memory_space<vmem>> -> memref<1x1x16xf32, #tpu.memory_space<vmem>>
      %dma_start3A_368 = tpu.memref_squeeze %dma_start3A_367 : memref<1x1x16xf32, #tpu.memory_space<vmem>> -> memref<16xf32, #tpu.memory_space<vmem>>
      %dma_start3A_369 = arith.constant 0 : i32
      %dma_start3A_370 = tpu.memref_slice %arg2[%shift_right_arithmetic3A_355, %and3A_357, %dma_start3A_369] : memref<125000x8x16xf32, #tpu.memory_space<hbm>> -> memref<1x1x16xf32, #tpu.memory_space<hbm>>
      %dma_start3A_371 = tpu.memref_squeeze %dma_start3A_370 : memref<1x1x16xf32, #tpu.memory_space<hbm>> -> memref<16xf32, #tpu.memory_space<hbm>>
      %dma_start3A_372 = arith.constant 0 : i32
      %dma_start3A_373 = tpu.memref_slice %arg7[%shift_right_arithmetic3A_363, %and3A_365, %dma_start3A_372] : memref<32x8x16xf32, #tpu.memory_space<vmem>> -> memref<1x1x16xf32, #tpu.memory_space<vmem>>
      %dma_start3A_374 = tpu.memref_squeeze %dma_start3A_373 : memref<1x1x16xf32, #tpu.memory_space<vmem>> -> memref<16xf32, #tpu.memory_space<vmem>>
      %dma_start3A_375 = arith.constant 0 : i32
      %dma_start3A_376 = tpu.memref_slice %arg2[%shift_right_arithmetic3A_355, %and3A_357, %dma_start3A_375] : memref<125000x8x16xf32, #tpu.memory_space<hbm>> -> memref<1x1x16xf32, #tpu.memory_space<hbm>>
      %dma_start3A_377 = tpu.memref_squeeze %dma_start3A_376 : memref<1x1x16xf32, #tpu.memory_space<hbm>> -> memref<16xf32, #tpu.memory_space<hbm>>
      tpu.enqueue_dma source(%dma_start3A_377 : memref<16xf32, #tpu.memory_space<hbm>>) target(%dma_start3A_374 : memref<16xf32, #tpu.memory_space<vmem>>) target_semaphore(%arg10 : memref<!tpu.dma_semaphore, #tpu.memory_space<semaphore_mem>>)
      %shift_right_arithmetic3A_378 = arith.constant 3 : i32
      %shift_right_arithmetic3A_379 = arith.shrsi %add3A_361, %shift_right_arithmetic3A_378 : i32
      %and3A_380 = arith.constant 7 : i32
      %and3A_381 = arith.andi %add3A_361, %and3A_380 : i32
      %dma_start3A_382 = arith.constant 0 : i32
      %dma_start3A_383 = tpu.memref_slice %arg8[%shift_right_arithmetic3A_379, %and3A_381, %dma_start3A_382] : memref<32x8x16xf32, #tpu.memory_space<vmem>> -> memref<1x1x16xf32, #tpu.memory_space<vmem>>
      %dma_start3A_384 = tpu.memref_squeeze %dma_start3A_383 : memref<1x1x16xf32, #tpu.memory_space<vmem>> -> memref<16xf32, #tpu.memory_space<vmem>>
      %dma_start3A_385 = arith.constant 0 : i32
      %dma_start3A_386 = tpu.memref_slice %arg3[%shift_right_arithmetic3A_355, %and3A_357, %dma_start3A_385] : memref<125000x8x16xf32, #tpu.memory_space<hbm>> -> memref<1x1x16xf32, #tpu.memory_space<hbm>>
      %dma_start3A_387 = tpu.memref_squeeze %dma_start3A_386 : memref<1x1x16xf32, #tpu.memory_space<hbm>> -> memref<16xf32, #tpu.memory_space<hbm>>
      %dma_start3A_388 = arith.constant 0 : i32
      %dma_start3A_389 = tpu.memref_slice %arg8[%shift_right_arithmetic3A_379, %and3A_381, %dma_start3A_388] : memref<32x8x16xf32, #tpu.memory_space<vmem>> -> memref<1x1x16xf32, #tpu.memory_space<vmem>>
      %dma_start3A_390 = tpu.memref_squeeze %dma_start3A_389 : memref<1x1x16xf32, #tpu.memory_space<vmem>> -> memref<16xf32, #tpu.memory_space<vmem>>
      %dma_start3A_391 = arith.constant 0 : i32
      %dma_start3A_392 = tpu.memref_slice %arg3[%shift_right_arithmetic3A_355, %and3A_357, %dma_start3A_391] : memref<125000x8x16xf32, #tpu.memory_space<hbm>> -> memref<1x1x16xf32, #tpu.memory_space<hbm>>
      %dma_start3A_393 = tpu.memref_squeeze %dma_start3A_392 : memref<1x1x16xf32, #tpu.memory_space<hbm>> -> memref<16xf32, #tpu.memory_space<hbm>>
      tpu.enqueue_dma source(%dma_start3A_393 : memref<16xf32, #tpu.memory_space<hbm>>) target(%dma_start3A_390 : memref<16xf32, #tpu.memory_space<vmem>>) target_semaphore(%arg10 : memref<!tpu.dma_semaphore, #tpu.memory_space<semaphore_mem>>)
      %slice3A_394 = vector.extract_strided_slice %get3A_62 {offsets = [8], sizes = [1], strides = [1]} : vector<16xi32> to vector<1xi32>
      %squeeze3A_395 = vector.extract %slice3A_394[0] : i32 from vector<1xi32>
      %shift_right_arithmetic3A_396 = arith.constant 3 : i32
      %shift_right_arithmetic3A_397 = arith.shrsi %squeeze3A_395, %shift_right_arithmetic3A_396 : i32
      %and3A_398 = arith.constant 7 : i32
      %and3A_399 = arith.andi %squeeze3A_395, %and3A_398 : i32
      %mul3A_400 = arith.constant 16 : i32
      %mul3A_401 = arith.muli %scan3A_57, %mul3A_400 : i32
      %add3A_402 = arith.constant 8 : i32
      %add3A_403 = arith.addi %mul3A_401, %add3A_402 : i32
      %shift_right_arithmetic3A_404 = arith.constant 3 : i32
      %shift_right_arithmetic3A_405 = arith.shrsi %add3A_403, %shift_right_arithmetic3A_404 : i32
      %and3A_406 = arith.constant 7 : i32
      %and3A_407 = arith.andi %add3A_403, %and3A_406 : i32
      %dma_start3A_408 = arith.constant 0 : i32
      %dma_start3A_409 = tpu.memref_slice %arg7[%shift_right_arithmetic3A_405, %and3A_407, %dma_start3A_408] : memref<32x8x16xf32, #tpu.memory_space<vmem>> -> memref<1x1x16xf32, #tpu.memory_space<vmem>>
      %dma_start3A_410 = tpu.memref_squeeze %dma_start3A_409 : memref<1x1x16xf32, #tpu.memory_space<vmem>> -> memref<16xf32, #tpu.memory_space<vmem>>
      %dma_start3A_411 = arith.constant 0 : i32
      %dma_start3A_412 = tpu.memref_slice %arg2[%shift_right_arithmetic3A_397, %and3A_399, %dma_start3A_411] : memref<125000x8x16xf32, #tpu.memory_space<hbm>> -> memref<1x1x16xf32, #tpu.memory_space<hbm>>
      %dma_start3A_413 = tpu.memref_squeeze %dma_start3A_412 : memref<1x1x16xf32, #tpu.memory_space<hbm>> -> memref<16xf32, #tpu.memory_space<hbm>>
      %dma_start3A_414 = arith.constant 0 : i32
      %dma_start3A_415 = tpu.memref_slice %arg7[%shift_right_arithmetic3A_405, %and3A_407, %dma_start3A_414] : memref<32x8x16xf32, #tpu.memory_space<vmem>> -> memref<1x1x16xf32, #tpu.memory_space<vmem>>
      %dma_start3A_416 = tpu.memref_squeeze %dma_start3A_415 : memref<1x1x16xf32, #tpu.memory_space<vmem>> -> memref<16xf32, #tpu.memory_space<vmem>>
      %dma_start3A_417 = arith.constant 0 : i32
      %dma_start3A_418 = tpu.memref_slice %arg2[%shift_right_arithmetic3A_397, %and3A_399, %dma_start3A_417] : memref<125000x8x16xf32, #tpu.memory_space<hbm>> -> memref<1x1x16xf32, #tpu.memory_space<hbm>>
      %dma_start3A_419 = tpu.memref_squeeze %dma_start3A_418 : memref<1x1x16xf32, #tpu.memory_space<hbm>> -> memref<16xf32, #tpu.memory_space<hbm>>
      tpu.enqueue_dma source(%dma_start3A_419 : memref<16xf32, #tpu.memory_space<hbm>>) target(%dma_start3A_416 : memref<16xf32, #tpu.memory_space<vmem>>) target_semaphore(%arg10 : memref<!tpu.dma_semaphore, #tpu.memory_space<semaphore_mem>>)
      %shift_right_arithmetic3A_420 = arith.constant 3 : i32
      %shift_right_arithmetic3A_421 = arith.shrsi %add3A_403, %shift_right_arithmetic3A_420 : i32
      %and3A_422 = arith.constant 7 : i32
      %and3A_423 = arith.andi %add3A_403, %and3A_422 : i32
      %dma_start3A_424 = arith.constant 0 : i32
      %dma_start3A_425 = tpu.memref_slice %arg8[%shift_right_arithmetic3A_421, %and3A_423, %dma_start3A_424] : memref<32x8x16xf32, #tpu.memory_space<vmem>> -> memref<1x1x16xf32, #tpu.memory_space<vmem>>
      %dma_start3A_426 = tpu.memref_squeeze %dma_start3A_425 : memref<1x1x16xf32, #tpu.memory_space<vmem>> -> memref<16xf32, #tpu.memory_space<vmem>>
      %dma_start3A_427 = arith.constant 0 : i32
      %dma_start3A_428 = tpu.memref_slice %arg3[%shift_right_arithmetic3A_397, %and3A_399, %dma_start3A_427] : memref<125000x8x16xf32, #tpu.memory_space<hbm>> -> memref<1x1x16xf32, #tpu.memory_space<hbm>>
      %dma_start3A_429 = tpu.memref_squeeze %dma_start3A_428 : memref<1x1x16xf32, #tpu.memory_space<hbm>> -> memref<16xf32, #tpu.memory_space<hbm>>
      %dma_start3A_430 = arith.constant 0 : i32
      %dma_start3A_431 = tpu.memref_slice %arg8[%shift_right_arithmetic3A_421, %and3A_423, %dma_start3A_430] : memref<32x8x16xf32, #tpu.memory_space<vmem>> -> memref<1x1x16xf32, #tpu.memory_space<vmem>>
      %dma_start3A_432 = tpu.memref_squeeze %dma_start3A_431 : memref<1x1x16xf32, #tpu.memory_space<vmem>> -> memref<16xf32, #tpu.memory_space<vmem>>
      %dma_start3A_433 = arith.constant 0 : i32
      %dma_start3A_434 = tpu.memref_slice %arg3[%shift_right_arithmetic3A_397, %and3A_399, %dma_start3A_433] : memref<125000x8x16xf32, #tpu.memory_space<hbm>> -> memref<1x1x16xf32, #tpu.memory_space<hbm>>
      %dma_start3A_435 = tpu.memref_squeeze %dma_start3A_434 : memref<1x1x16xf32, #tpu.memory_space<hbm>> -> memref<16xf32, #tpu.memory_space<hbm>>
      tpu.enqueue_dma source(%dma_start3A_435 : memref<16xf32, #tpu.memory_space<hbm>>) target(%dma_start3A_432 : memref<16xf32, #tpu.memory_space<vmem>>) target_semaphore(%arg10 : memref<!tpu.dma_semaphore, #tpu.memory_space<semaphore_mem>>)
      %slice3A_436 = vector.extract_strided_slice %get3A_62 {offsets = [9], sizes = [1], strides = [1]} : vector<16xi32> to vector<1xi32>
      %squeeze3A_437 = vector.extract %slice3A_436[0] : i32 from vector<1xi32>
      %shift_right_arithmetic3A_438 = arith.constant 3 : i32
      %shift_right_arithmetic3A_439 = arith.shrsi %squeeze3A_437, %shift_right_arithmetic3A_438 : i32
      %and3A_440 = arith.constant 7 : i32
      %and3A_441 = arith.andi %squeeze3A_437, %and3A_440 : i32
      %mul3A_442 = arith.constant 16 : i32
      %mul3A_443 = arith.muli %scan3A_57, %mul3A_442 : i32
      %add3A_444 = arith.constant 9 : i32
      %add3A_445 = arith.addi %mul3A_443, %add3A_444 : i32
      %shift_right_arithmetic3A_446 = arith.constant 3 : i32
      %shift_right_arithmetic3A_447 = arith.shrsi %add3A_445, %shift_right_arithmetic3A_446 : i32
      %and3A_448 = arith.constant 7 : i32
      %and3A_449 = arith.andi %add3A_445, %and3A_448 : i32
      %dma_start3A_450 = arith.constant 0 : i32
      %dma_start3A_451 = tpu.memref_slice %arg7[%shift_right_arithmetic3A_447, %and3A_449, %dma_start3A_450] : memref<32x8x16xf32, #tpu.memory_space<vmem>> -> memref<1x1x16xf32, #tpu.memory_space<vmem>>
      %dma_start3A_452 = tpu.memref_squeeze %dma_start3A_451 : memref<1x1x16xf32, #tpu.memory_space<vmem>> -> memref<16xf32, #tpu.memory_space<vmem>>
      %dma_start3A_453 = arith.constant 0 : i32
      %dma_start3A_454 = tpu.memref_slice %arg2[%shift_right_arithmetic3A_439, %and3A_441, %dma_start3A_453] : memref<125000x8x16xf32, #tpu.memory_space<hbm>> -> memref<1x1x16xf32, #tpu.memory_space<hbm>>
      %dma_start3A_455 = tpu.memref_squeeze %dma_start3A_454 : memref<1x1x16xf32, #tpu.memory_space<hbm>> -> memref<16xf32, #tpu.memory_space<hbm>>
      %dma_start3A_456 = arith.constant 0 : i32
      %dma_start3A_457 = tpu.memref_slice %arg7[%shift_right_arithmetic3A_447, %and3A_449, %dma_start3A_456] : memref<32x8x16xf32, #tpu.memory_space<vmem>> -> memref<1x1x16xf32, #tpu.memory_space<vmem>>
      %dma_start3A_458 = tpu.memref_squeeze %dma_start3A_457 : memref<1x1x16xf32, #tpu.memory_space<vmem>> -> memref<16xf32, #tpu.memory_space<vmem>>
      %dma_start3A_459 = arith.constant 0 : i32
      %dma_start3A_460 = tpu.memref_slice %arg2[%shift_right_arithmetic3A_439, %and3A_441, %dma_start3A_459] : memref<125000x8x16xf32, #tpu.memory_space<hbm>> -> memref<1x1x16xf32, #tpu.memory_space<hbm>>
      %dma_start3A_461 = tpu.memref_squeeze %dma_start3A_460 : memref<1x1x16xf32, #tpu.memory_space<hbm>> -> memref<16xf32, #tpu.memory_space<hbm>>
      tpu.enqueue_dma source(%dma_start3A_461 : memref<16xf32, #tpu.memory_space<hbm>>) target(%dma_start3A_458 : memref<16xf32, #tpu.memory_space<vmem>>) target_semaphore(%arg10 : memref<!tpu.dma_semaphore, #tpu.memory_space<semaphore_mem>>)
      %shift_right_arithmetic3A_462 = arith.constant 3 : i32
      %shift_right_arithmetic3A_463 = arith.shrsi %add3A_445, %shift_right_arithmetic3A_462 : i32
      %and3A_464 = arith.constant 7 : i32
      %and3A_465 = arith.andi %add3A_445, %and3A_464 : i32
      %dma_start3A_466 = arith.constant 0 : i32
      %dma_start3A_467 = tpu.memref_slice %arg8[%shift_right_arithmetic3A_463, %and3A_465, %dma_start3A_466] : memref<32x8x16xf32, #tpu.memory_space<vmem>> -> memref<1x1x16xf32, #tpu.memory_space<vmem>>
      %dma_start3A_468 = tpu.memref_squeeze %dma_start3A_467 : memref<1x1x16xf32, #tpu.memory_space<vmem>> -> memref<16xf32, #tpu.memory_space<vmem>>
      %dma_start3A_469 = arith.constant 0 : i32
      %dma_start3A_470 = tpu.memref_slice %arg3[%shift_right_arithmetic3A_439, %and3A_441, %dma_start3A_469] : memref<125000x8x16xf32, #tpu.memory_space<hbm>> -> memref<1x1x16xf32, #tpu.memory_space<hbm>>
      %dma_start3A_471 = tpu.memref_squeeze %dma_start3A_470 : memref<1x1x16xf32, #tpu.memory_space<hbm>> -> memref<16xf32, #tpu.memory_space<hbm>>
      %dma_start3A_472 = arith.constant 0 : i32
      %dma_start3A_473 = tpu.memref_slice %arg8[%shift_right_arithmetic3A_463, %and3A_465, %dma_start3A_472] : memref<32x8x16xf32, #tpu.memory_space<vmem>> -> memref<1x1x16xf32, #tpu.memory_space<vmem>>
      %dma_start3A_474 = tpu.memref_squeeze %dma_start3A_473 : memref<1x1x16xf32, #tpu.memory_space<vmem>> -> memref<16xf32, #tpu.memory_space<vmem>>
      %dma_start3A_475 = arith.constant 0 : i32
      %dma_start3A_476 = tpu.memref_slice %arg3[%shift_right_arithmetic3A_439, %and3A_441, %dma_start3A_475] : memref<125000x8x16xf32, #tpu.memory_space<hbm>> -> memref<1x1x16xf32, #tpu.memory_space<hbm>>
      %dma_start3A_477 = tpu.memref_squeeze %dma_start3A_476 : memref<1x1x16xf32, #tpu.memory_space<hbm>> -> memref<16xf32, #tpu.memory_space<hbm>>
      tpu.enqueue_dma source(%dma_start3A_477 : memref<16xf32, #tpu.memory_space<hbm>>) target(%dma_start3A_474 : memref<16xf32, #tpu.memory_space<vmem>>) target_semaphore(%arg10 : memref<!tpu.dma_semaphore, #tpu.memory_space<semaphore_mem>>)
      %slice3A_478 = vector.extract_strided_slice %get3A_62 {offsets = [10], sizes = [1], strides = [1]} : vector<16xi32> to vector<1xi32>
      %squeeze3A_479 = vector.extract %slice3A_478[0] : i32 from vector<1xi32>
      %shift_right_arithmetic3A_480 = arith.constant 3 : i32
      %shift_right_arithmetic3A_481 = arith.shrsi %squeeze3A_479, %shift_right_arithmetic3A_480 : i32
      %and3A_482 = arith.constant 7 : i32
      %and3A_483 = arith.andi %squeeze3A_479, %and3A_482 : i32
      %mul3A_484 = arith.constant 16 : i32
      %mul3A_485 = arith.muli %scan3A_57, %mul3A_484 : i32
      %add3A_486 = arith.constant 10 : i32
      %add3A_487 = arith.addi %mul3A_485, %add3A_486 : i32
      %shift_right_arithmetic3A_488 = arith.constant 3 : i32
      %shift_right_arithmetic3A_489 = arith.shrsi %add3A_487, %shift_right_arithmetic3A_488 : i32
      %and3A_490 = arith.constant 7 : i32
      %and3A_491 = arith.andi %add3A_487, %and3A_490 : i32
      %dma_start3A_492 = arith.constant 0 : i32
      %dma_start3A_493 = tpu.memref_slice %arg7[%shift_right_arithmetic3A_489, %and3A_491, %dma_start3A_492] : memref<32x8x16xf32, #tpu.memory_space<vmem>> -> memref<1x1x16xf32, #tpu.memory_space<vmem>>
      %dma_start3A_494 = tpu.memref_squeeze %dma_start3A_493 : memref<1x1x16xf32, #tpu.memory_space<vmem>> -> memref<16xf32, #tpu.memory_space<vmem>>
      %dma_start3A_495 = arith.constant 0 : i32
      %dma_start3A_496 = tpu.memref_slice %arg2[%shift_right_arithmetic3A_481, %and3A_483, %dma_start3A_495] : memref<125000x8x16xf32, #tpu.memory_space<hbm>> -> memref<1x1x16xf32, #tpu.memory_space<hbm>>
      %dma_start3A_497 = tpu.memref_squeeze %dma_start3A_496 : memref<1x1x16xf32, #tpu.memory_space<hbm>> -> memref<16xf32, #tpu.memory_space<hbm>>
      %dma_start3A_498 = arith.constant 0 : i32
      %dma_start3A_499 = tpu.memref_slice %arg7[%shift_right_arithmetic3A_489, %and3A_491, %dma_start3A_498] : memref<32x8x16xf32, #tpu.memory_space<vmem>> -> memref<1x1x16xf32, #tpu.memory_space<vmem>>
      %dma_start3A_500 = tpu.memref_squeeze %dma_start3A_499 : memref<1x1x16xf32, #tpu.memory_space<vmem>> -> memref<16xf32, #tpu.memory_space<vmem>>
      %dma_start3A_501 = arith.constant 0 : i32
      %dma_start3A_502 = tpu.memref_slice %arg2[%shift_right_arithmetic3A_481, %and3A_483, %dma_start3A_501] : memref<125000x8x16xf32, #tpu.memory_space<hbm>> -> memref<1x1x16xf32, #tpu.memory_space<hbm>>
      %dma_start3A_503 = tpu.memref_squeeze %dma_start3A_502 : memref<1x1x16xf32, #tpu.memory_space<hbm>> -> memref<16xf32, #tpu.memory_space<hbm>>
      tpu.enqueue_dma source(%dma_start3A_503 : memref<16xf32, #tpu.memory_space<hbm>>) target(%dma_start3A_500 : memref<16xf32, #tpu.memory_space<vmem>>) target_semaphore(%arg10 : memref<!tpu.dma_semaphore, #tpu.memory_space<semaphore_mem>>)
      %shift_right_arithmetic3A_504 = arith.constant 3 : i32
      %shift_right_arithmetic3A_505 = arith.shrsi %add3A_487, %shift_right_arithmetic3A_504 : i32
      %and3A_506 = arith.constant 7 : i32
      %and3A_507 = arith.andi %add3A_487, %and3A_506 : i32
      %dma_start3A_508 = arith.constant 0 : i32
      %dma_start3A_509 = tpu.memref_slice %arg8[%shift_right_arithmetic3A_505, %and3A_507, %dma_start3A_508] : memref<32x8x16xf32, #tpu.memory_space<vmem>> -> memref<1x1x16xf32, #tpu.memory_space<vmem>>
      %dma_start3A_510 = tpu.memref_squeeze %dma_start3A_509 : memref<1x1x16xf32, #tpu.memory_space<vmem>> -> memref<16xf32, #tpu.memory_space<vmem>>
      %dma_start3A_511 = arith.constant 0 : i32
      %dma_start3A_512 = tpu.memref_slice %arg3[%shift_right_arithmetic3A_481, %and3A_483, %dma_start3A_511] : memref<125000x8x16xf32, #tpu.memory_space<hbm>> -> memref<1x1x16xf32, #tpu.memory_space<hbm>>
      %dma_start3A_513 = tpu.memref_squeeze %dma_start3A_512 : memref<1x1x16xf32, #tpu.memory_space<hbm>> -> memref<16xf32, #tpu.memory_space<hbm>>
      %dma_start3A_514 = arith.constant 0 : i32
      %dma_start3A_515 = tpu.memref_slice %arg8[%shift_right_arithmetic3A_505, %and3A_507, %dma_start3A_514] : memref<32x8x16xf32, #tpu.memory_space<vmem>> -> memref<1x1x16xf32, #tpu.memory_space<vmem>>
      %dma_start3A_516 = tpu.memref_squeeze %dma_start3A_515 : memref<1x1x16xf32, #tpu.memory_space<vmem>> -> memref<16xf32, #tpu.memory_space<vmem>>
      %dma_start3A_517 = arith.constant 0 : i32
      %dma_start3A_518 = tpu.memref_slice %arg3[%shift_right_arithmetic3A_481, %and3A_483, %dma_start3A_517] : memref<125000x8x16xf32, #tpu.memory_space<hbm>> -> memref<1x1x16xf32, #tpu.memory_space<hbm>>
      %dma_start3A_519 = tpu.memref_squeeze %dma_start3A_518 : memref<1x1x16xf32, #tpu.memory_space<hbm>> -> memref<16xf32, #tpu.memory_space<hbm>>
      tpu.enqueue_dma source(%dma_start3A_519 : memref<16xf32, #tpu.memory_space<hbm>>) target(%dma_start3A_516 : memref<16xf32, #tpu.memory_space<vmem>>) target_semaphore(%arg10 : memref<!tpu.dma_semaphore, #tpu.memory_space<semaphore_mem>>)
      %slice3A_520 = vector.extract_strided_slice %get3A_62 {offsets = [11], sizes = [1], strides = [1]} : vector<16xi32> to vector<1xi32>
      %squeeze3A_521 = vector.extract %slice3A_520[0] : i32 from vector<1xi32>
      %shift_right_arithmetic3A_522 = arith.constant 3 : i32
      %shift_right_arithmetic3A_523 = arith.shrsi %squeeze3A_521, %shift_right_arithmetic3A_522 : i32
      %and3A_524 = arith.constant 7 : i32
      %and3A_525 = arith.andi %squeeze3A_521, %and3A_524 : i32
      %mul3A_526 = arith.constant 16 : i32
      %mul3A_527 = arith.muli %scan3A_57, %mul3A_526 : i32
      %add3A_528 = arith.constant 11 : i32
      %add3A_529 = arith.addi %mul3A_527, %add3A_528 : i32
      %shift_right_arithmetic3A_530 = arith.constant 3 : i32
      %shift_right_arithmetic3A_531 = arith.shrsi %add3A_529, %shift_right_arithmetic3A_530 : i32
      %and3A_532 = arith.constant 7 : i32
      %and3A_533 = arith.andi %add3A_529, %and3A_532 : i32
      %dma_start3A_534 = arith.constant 0 : i32
      %dma_start3A_535 = tpu.memref_slice %arg7[%shift_right_arithmetic3A_531, %and3A_533, %dma_start3A_534] : memref<32x8x16xf32, #tpu.memory_space<vmem>> -> memref<1x1x16xf32, #tpu.memory_space<vmem>>
      %dma_start3A_536 = tpu.memref_squeeze %dma_start3A_535 : memref<1x1x16xf32, #tpu.memory_space<vmem>> -> memref<16xf32, #tpu.memory_space<vmem>>
      %dma_start3A_537 = arith.constant 0 : i32
      %dma_start3A_538 = tpu.memref_slice %arg2[%shift_right_arithmetic3A_523, %and3A_525, %dma_start3A_537] : memref<125000x8x16xf32, #tpu.memory_space<hbm>> -> memref<1x1x16xf32, #tpu.memory_space<hbm>>
      %dma_start3A_539 = tpu.memref_squeeze %dma_start3A_538 : memref<1x1x16xf32, #tpu.memory_space<hbm>> -> memref<16xf32, #tpu.memory_space<hbm>>
      %dma_start3A_540 = arith.constant 0 : i32
      %dma_start3A_541 = tpu.memref_slice %arg7[%shift_right_arithmetic3A_531, %and3A_533, %dma_start3A_540] : memref<32x8x16xf32, #tpu.memory_space<vmem>> -> memref<1x1x16xf32, #tpu.memory_space<vmem>>
      %dma_start3A_542 = tpu.memref_squeeze %dma_start3A_541 : memref<1x1x16xf32, #tpu.memory_space<vmem>> -> memref<16xf32, #tpu.memory_space<vmem>>
      %dma_start3A_543 = arith.constant 0 : i32
      %dma_start3A_544 = tpu.memref_slice %arg2[%shift_right_arithmetic3A_523, %and3A_525, %dma_start3A_543] : memref<125000x8x16xf32, #tpu.memory_space<hbm>> -> memref<1x1x16xf32, #tpu.memory_space<hbm>>
      %dma_start3A_545 = tpu.memref_squeeze %dma_start3A_544 : memref<1x1x16xf32, #tpu.memory_space<hbm>> -> memref<16xf32, #tpu.memory_space<hbm>>
      tpu.enqueue_dma source(%dma_start3A_545 : memref<16xf32, #tpu.memory_space<hbm>>) target(%dma_start3A_542 : memref<16xf32, #tpu.memory_space<vmem>>) target_semaphore(%arg10 : memref<!tpu.dma_semaphore, #tpu.memory_space<semaphore_mem>>)
      %shift_right_arithmetic3A_546 = arith.constant 3 : i32
      %shift_right_arithmetic3A_547 = arith.shrsi %add3A_529, %shift_right_arithmetic3A_546 : i32
      %and3A_548 = arith.constant 7 : i32
      %and3A_549 = arith.andi %add3A_529, %and3A_548 : i32
      %dma_start3A_550 = arith.constant 0 : i32
      %dma_start3A_551 = tpu.memref_slice %arg8[%shift_right_arithmetic3A_547, %and3A_549, %dma_start3A_550] : memref<32x8x16xf32, #tpu.memory_space<vmem>> -> memref<1x1x16xf32, #tpu.memory_space<vmem>>
      %dma_start3A_552 = tpu.memref_squeeze %dma_start3A_551 : memref<1x1x16xf32, #tpu.memory_space<vmem>> -> memref<16xf32, #tpu.memory_space<vmem>>
      %dma_start3A_553 = arith.constant 0 : i32
      %dma_start3A_554 = tpu.memref_slice %arg3[%shift_right_arithmetic3A_523, %and3A_525, %dma_start3A_553] : memref<125000x8x16xf32, #tpu.memory_space<hbm>> -> memref<1x1x16xf32, #tpu.memory_space<hbm>>
      %dma_start3A_555 = tpu.memref_squeeze %dma_start3A_554 : memref<1x1x16xf32, #tpu.memory_space<hbm>> -> memref<16xf32, #tpu.memory_space<hbm>>
      %dma_start3A_556 = arith.constant 0 : i32
      %dma_start3A_557 = tpu.memref_slice %arg8[%shift_right_arithmetic3A_547, %and3A_549, %dma_start3A_556] : memref<32x8x16xf32, #tpu.memory_space<vmem>> -> memref<1x1x16xf32, #tpu.memory_space<vmem>>
      %dma_start3A_558 = tpu.memref_squeeze %dma_start3A_557 : memref<1x1x16xf32, #tpu.memory_space<vmem>> -> memref<16xf32, #tpu.memory_space<vmem>>
      %dma_start3A_559 = arith.constant 0 : i32
      %dma_start3A_560 = tpu.memref_slice %arg3[%shift_right_arithmetic3A_523, %and3A_525, %dma_start3A_559] : memref<125000x8x16xf32, #tpu.memory_space<hbm>> -> memref<1x1x16xf32, #tpu.memory_space<hbm>>
      %dma_start3A_561 = tpu.memref_squeeze %dma_start3A_560 : memref<1x1x16xf32, #tpu.memory_space<hbm>> -> memref<16xf32, #tpu.memory_space<hbm>>
      tpu.enqueue_dma source(%dma_start3A_561 : memref<16xf32, #tpu.memory_space<hbm>>) target(%dma_start3A_558 : memref<16xf32, #tpu.memory_space<vmem>>) target_semaphore(%arg10 : memref<!tpu.dma_semaphore, #tpu.memory_space<semaphore_mem>>)
      %slice3A_562 = vector.extract_strided_slice %get3A_62 {offsets = [12], sizes = [1], strides = [1]} : vector<16xi32> to vector<1xi32>
      %squeeze3A_563 = vector.extract %slice3A_562[0] : i32 from vector<1xi32>
      %shift_right_arithmetic3A_564 = arith.constant 3 : i32
      %shift_right_arithmetic3A_565 = arith.shrsi %squeeze3A_563, %shift_right_arithmetic3A_564 : i32
      %and3A_566 = arith.constant 7 : i32
      %and3A_567 = arith.andi %squeeze3A_563, %and3A_566 : i32
      %mul3A_568 = arith.constant 16 : i32
      %mul3A_569 = arith.muli %scan3A_57, %mul3A_568 : i32
      %add3A_570 = arith.constant 12 : i32
      %add3A_571 = arith.addi %mul3A_569, %add3A_570 : i32
      %shift_right_arithmetic3A_572 = arith.constant 3 : i32
      %shift_right_arithmetic3A_573 = arith.shrsi %add3A_571, %shift_right_arithmetic3A_572 : i32
      %and3A_574 = arith.constant 7 : i32
      %and3A_575 = arith.andi %add3A_571, %and3A_574 : i32
      %dma_start3A_576 = arith.constant 0 : i32
      %dma_start3A_577 = tpu.memref_slice %arg7[%shift_right_arithmetic3A_573, %and3A_575, %dma_start3A_576] : memref<32x8x16xf32, #tpu.memory_space<vmem>> -> memref<1x1x16xf32, #tpu.memory_space<vmem>>
      %dma_start3A_578 = tpu.memref_squeeze %dma_start3A_577 : memref<1x1x16xf32, #tpu.memory_space<vmem>> -> memref<16xf32, #tpu.memory_space<vmem>>
      %dma_start3A_579 = arith.constant 0 : i32
      %dma_start3A_580 = tpu.memref_slice %arg2[%shift_right_arithmetic3A_565, %and3A_567, %dma_start3A_579] : memref<125000x8x16xf32, #tpu.memory_space<hbm>> -> memref<1x1x16xf32, #tpu.memory_space<hbm>>
      %dma_start3A_581 = tpu.memref_squeeze %dma_start3A_580 : memref<1x1x16xf32, #tpu.memory_space<hbm>> -> memref<16xf32, #tpu.memory_space<hbm>>
      %dma_start3A_582 = arith.constant 0 : i32
      %dma_start3A_583 = tpu.memref_slice %arg7[%shift_right_arithmetic3A_573, %and3A_575, %dma_start3A_582] : memref<32x8x16xf32, #tpu.memory_space<vmem>> -> memref<1x1x16xf32, #tpu.memory_space<vmem>>
      %dma_start3A_584 = tpu.memref_squeeze %dma_start3A_583 : memref<1x1x16xf32, #tpu.memory_space<vmem>> -> memref<16xf32, #tpu.memory_space<vmem>>
      %dma_start3A_585 = arith.constant 0 : i32
      %dma_start3A_586 = tpu.memref_slice %arg2[%shift_right_arithmetic3A_565, %and3A_567, %dma_start3A_585] : memref<125000x8x16xf32, #tpu.memory_space<hbm>> -> memref<1x1x16xf32, #tpu.memory_space<hbm>>
      %dma_start3A_587 = tpu.memref_squeeze %dma_start3A_586 : memref<1x1x16xf32, #tpu.memory_space<hbm>> -> memref<16xf32, #tpu.memory_space<hbm>>
      tpu.enqueue_dma source(%dma_start3A_587 : memref<16xf32, #tpu.memory_space<hbm>>) target(%dma_start3A_584 : memref<16xf32, #tpu.memory_space<vmem>>) target_semaphore(%arg10 : memref<!tpu.dma_semaphore, #tpu.memory_space<semaphore_mem>>)
      %shift_right_arithmetic3A_588 = arith.constant 3 : i32
      %shift_right_arithmetic3A_589 = arith.shrsi %add3A_571, %shift_right_arithmetic3A_588 : i32
      %and3A_590 = arith.constant 7 : i32
      %and3A_591 = arith.andi %add3A_571, %and3A_590 : i32
      %dma_start3A_592 = arith.constant 0 : i32
      %dma_start3A_593 = tpu.memref_slice %arg8[%shift_right_arithmetic3A_589, %and3A_591, %dma_start3A_592] : memref<32x8x16xf32, #tpu.memory_space<vmem>> -> memref<1x1x16xf32, #tpu.memory_space<vmem>>
      %dma_start3A_594 = tpu.memref_squeeze %dma_start3A_593 : memref<1x1x16xf32, #tpu.memory_space<vmem>> -> memref<16xf32, #tpu.memory_space<vmem>>
      %dma_start3A_595 = arith.constant 0 : i32
      %dma_start3A_596 = tpu.memref_slice %arg3[%shift_right_arithmetic3A_565, %and3A_567, %dma_start3A_595] : memref<125000x8x16xf32, #tpu.memory_space<hbm>> -> memref<1x1x16xf32, #tpu.memory_space<hbm>>
      %dma_start3A_597 = tpu.memref_squeeze %dma_start3A_596 : memref<1x1x16xf32, #tpu.memory_space<hbm>> -> memref<16xf32, #tpu.memory_space<hbm>>
      %dma_start3A_598 = arith.constant 0 : i32
      %dma_start3A_599 = tpu.memref_slice %arg8[%shift_right_arithmetic3A_589, %and3A_591, %dma_start3A_598] : memref<32x8x16xf32, #tpu.memory_space<vmem>> -> memref<1x1x16xf32, #tpu.memory_space<vmem>>
      %dma_start3A_600 = tpu.memref_squeeze %dma_start3A_599 : memref<1x1x16xf32, #tpu.memory_space<vmem>> -> memref<16xf32, #tpu.memory_space<vmem>>
      %dma_start3A_601 = arith.constant 0 : i32
      %dma_start3A_602 = tpu.memref_slice %arg3[%shift_right_arithmetic3A_565, %and3A_567, %dma_start3A_601] : memref<125000x8x16xf32, #tpu.memory_space<hbm>> -> memref<1x1x16xf32, #tpu.memory_space<hbm>>
      %dma_start3A_603 = tpu.memref_squeeze %dma_start3A_602 : memref<1x1x16xf32, #tpu.memory_space<hbm>> -> memref<16xf32, #tpu.memory_space<hbm>>
      tpu.enqueue_dma source(%dma_start3A_603 : memref<16xf32, #tpu.memory_space<hbm>>) target(%dma_start3A_600 : memref<16xf32, #tpu.memory_space<vmem>>) target_semaphore(%arg10 : memref<!tpu.dma_semaphore, #tpu.memory_space<semaphore_mem>>)
      %slice3A_604 = vector.extract_strided_slice %get3A_62 {offsets = [13], sizes = [1], strides = [1]} : vector<16xi32> to vector<1xi32>
      %squeeze3A_605 = vector.extract %slice3A_604[0] : i32 from vector<1xi32>
      %shift_right_arithmetic3A_606 = arith.constant 3 : i32
      %shift_right_arithmetic3A_607 = arith.shrsi %squeeze3A_605, %shift_right_arithmetic3A_606 : i32
      %and3A_608 = arith.constant 7 : i32
      %and3A_609 = arith.andi %squeeze3A_605, %and3A_608 : i32
      %mul3A_610 = arith.constant 16 : i32
      %mul3A_611 = arith.muli %scan3A_57, %mul3A_610 : i32
      %add3A_612 = arith.constant 13 : i32
      %add3A_613 = arith.addi %mul3A_611, %add3A_612 : i32
      %shift_right_arithmetic3A_614 = arith.constant 3 : i32
      %shift_right_arithmetic3A_615 = arith.shrsi %add3A_613, %shift_right_arithmetic3A_614 : i32
      %and3A_616 = arith.constant 7 : i32
      %and3A_617 = arith.andi %add3A_613, %and3A_616 : i32
      %dma_start3A_618 = arith.constant 0 : i32
      %dma_start3A_619 = tpu.memref_slice %arg7[%shift_right_arithmetic3A_615, %and3A_617, %dma_start3A_618] : memref<32x8x16xf32, #tpu.memory_space<vmem>> -> memref<1x1x16xf32, #tpu.memory_space<vmem>>
      %dma_start3A_620 = tpu.memref_squeeze %dma_start3A_619 : memref<1x1x16xf32, #tpu.memory_space<vmem>> -> memref<16xf32, #tpu.memory_space<vmem>>
      %dma_start3A_621 = arith.constant 0 : i32
      %dma_start3A_622 = tpu.memref_slice %arg2[%shift_right_arithmetic3A_607, %and3A_609, %dma_start3A_621] : memref<125000x8x16xf32, #tpu.memory_space<hbm>> -> memref<1x1x16xf32, #tpu.memory_space<hbm>>
      %dma_start3A_623 = tpu.memref_squeeze %dma_start3A_622 : memref<1x1x16xf32, #tpu.memory_space<hbm>> -> memref<16xf32, #tpu.memory_space<hbm>>
      %dma_start3A_624 = arith.constant 0 : i32
      %dma_start3A_625 = tpu.memref_slice %arg7[%shift_right_arithmetic3A_615, %and3A_617, %dma_start3A_624] : memref<32x8x16xf32, #tpu.memory_space<vmem>> -> memref<1x1x16xf32, #tpu.memory_space<vmem>>
      %dma_start3A_626 = tpu.memref_squeeze %dma_start3A_625 : memref<1x1x16xf32, #tpu.memory_space<vmem>> -> memref<16xf32, #tpu.memory_space<vmem>>
      %dma_start3A_627 = arith.constant 0 : i32
      %dma_start3A_628 = tpu.memref_slice %arg2[%shift_right_arithmetic3A_607, %and3A_609, %dma_start3A_627] : memref<125000x8x16xf32, #tpu.memory_space<hbm>> -> memref<1x1x16xf32, #tpu.memory_space<hbm>>
      %dma_start3A_629 = tpu.memref_squeeze %dma_start3A_628 : memref<1x1x16xf32, #tpu.memory_space<hbm>> -> memref<16xf32, #tpu.memory_space<hbm>>
      tpu.enqueue_dma source(%dma_start3A_629 : memref<16xf32, #tpu.memory_space<hbm>>) target(%dma_start3A_626 : memref<16xf32, #tpu.memory_space<vmem>>) target_semaphore(%arg10 : memref<!tpu.dma_semaphore, #tpu.memory_space<semaphore_mem>>)
      %shift_right_arithmetic3A_630 = arith.constant 3 : i32
      %shift_right_arithmetic3A_631 = arith.shrsi %add3A_613, %shift_right_arithmetic3A_630 : i32
      %and3A_632 = arith.constant 7 : i32
      %and3A_633 = arith.andi %add3A_613, %and3A_632 : i32
      %dma_start3A_634 = arith.constant 0 : i32
      %dma_start3A_635 = tpu.memref_slice %arg8[%shift_right_arithmetic3A_631, %and3A_633, %dma_start3A_634] : memref<32x8x16xf32, #tpu.memory_space<vmem>> -> memref<1x1x16xf32, #tpu.memory_space<vmem>>
      %dma_start3A_636 = tpu.memref_squeeze %dma_start3A_635 : memref<1x1x16xf32, #tpu.memory_space<vmem>> -> memref<16xf32, #tpu.memory_space<vmem>>
      %dma_start3A_637 = arith.constant 0 : i32
      %dma_start3A_638 = tpu.memref_slice %arg3[%shift_right_arithmetic3A_607, %and3A_609, %dma_start3A_637] : memref<125000x8x16xf32, #tpu.memory_space<hbm>> -> memref<1x1x16xf32, #tpu.memory_space<hbm>>
      %dma_start3A_639 = tpu.memref_squeeze %dma_start3A_638 : memref<1x1x16xf32, #tpu.memory_space<hbm>> -> memref<16xf32, #tpu.memory_space<hbm>>
      %dma_start3A_640 = arith.constant 0 : i32
      %dma_start3A_641 = tpu.memref_slice %arg8[%shift_right_arithmetic3A_631, %and3A_633, %dma_start3A_640] : memref<32x8x16xf32, #tpu.memory_space<vmem>> -> memref<1x1x16xf32, #tpu.memory_space<vmem>>
      %dma_start3A_642 = tpu.memref_squeeze %dma_start3A_641 : memref<1x1x16xf32, #tpu.memory_space<vmem>> -> memref<16xf32, #tpu.memory_space<vmem>>
      %dma_start3A_643 = arith.constant 0 : i32
      %dma_start3A_644 = tpu.memref_slice %arg3[%shift_right_arithmetic3A_607, %and3A_609, %dma_start3A_643] : memref<125000x8x16xf32, #tpu.memory_space<hbm>> -> memref<1x1x16xf32, #tpu.memory_space<hbm>>
      %dma_start3A_645 = tpu.memref_squeeze %dma_start3A_644 : memref<1x1x16xf32, #tpu.memory_space<hbm>> -> memref<16xf32, #tpu.memory_space<hbm>>
      tpu.enqueue_dma source(%dma_start3A_645 : memref<16xf32, #tpu.memory_space<hbm>>) target(%dma_start3A_642 : memref<16xf32, #tpu.memory_space<vmem>>) target_semaphore(%arg10 : memref<!tpu.dma_semaphore, #tpu.memory_space<semaphore_mem>>)
      %slice3A_646 = vector.extract_strided_slice %get3A_62 {offsets = [14], sizes = [1], strides = [1]} : vector<16xi32> to vector<1xi32>
      %squeeze3A_647 = vector.extract %slice3A_646[0] : i32 from vector<1xi32>
      %shift_right_arithmetic3A_648 = arith.constant 3 : i32
      %shift_right_arithmetic3A_649 = arith.shrsi %squeeze3A_647, %shift_right_arithmetic3A_648 : i32
      %and3A_650 = arith.constant 7 : i32
      %and3A_651 = arith.andi %squeeze3A_647, %and3A_650 : i32
      %mul3A_652 = arith.constant 16 : i32
      %mul3A_653 = arith.muli %scan3A_57, %mul3A_652 : i32
      %add3A_654 = arith.constant 14 : i32
      %add3A_655 = arith.addi %mul3A_653, %add3A_654 : i32
      %shift_right_arithmetic3A_656 = arith.constant 3 : i32
      %shift_right_arithmetic3A_657 = arith.shrsi %add3A_655, %shift_right_arithmetic3A_656 : i32
      %and3A_658 = arith.constant 7 : i32
      %and3A_659 = arith.andi %add3A_655, %and3A_658 : i32
      %dma_start3A_660 = arith.constant 0 : i32
      %dma_start3A_661 = tpu.memref_slice %arg7[%shift_right_arithmetic3A_657, %and3A_659, %dma_start3A_660] : memref<32x8x16xf32, #tpu.memory_space<vmem>> -> memref<1x1x16xf32, #tpu.memory_space<vmem>>
      %dma_start3A_662 = tpu.memref_squeeze %dma_start3A_661 : memref<1x1x16xf32, #tpu.memory_space<vmem>> -> memref<16xf32, #tpu.memory_space<vmem>>
      %dma_start3A_663 = arith.constant 0 : i32
      %dma_start3A_664 = tpu.memref_slice %arg2[%shift_right_arithmetic3A_649, %and3A_651, %dma_start3A_663] : memref<125000x8x16xf32, #tpu.memory_space<hbm>> -> memref<1x1x16xf32, #tpu.memory_space<hbm>>
      %dma_start3A_665 = tpu.memref_squeeze %dma_start3A_664 : memref<1x1x16xf32, #tpu.memory_space<hbm>> -> memref<16xf32, #tpu.memory_space<hbm>>
      %dma_start3A_666 = arith.constant 0 : i32
      %dma_start3A_667 = tpu.memref_slice %arg7[%shift_right_arithmetic3A_657, %and3A_659, %dma_start3A_666] : memref<32x8x16xf32, #tpu.memory_space<vmem>> -> memref<1x1x16xf32, #tpu.memory_space<vmem>>
      %dma_start3A_668 = tpu.memref_squeeze %dma_start3A_667 : memref<1x1x16xf32, #tpu.memory_space<vmem>> -> memref<16xf32, #tpu.memory_space<vmem>>
      %dma_start3A_669 = arith.constant 0 : i32
      %dma_start3A_670 = tpu.memref_slice %arg2[%shift_right_arithmetic3A_649, %and3A_651, %dma_start3A_669] : memref<125000x8x16xf32, #tpu.memory_space<hbm>> -> memref<1x1x16xf32, #tpu.memory_space<hbm>>
      %dma_start3A_671 = tpu.memref_squeeze %dma_start3A_670 : memref<1x1x16xf32, #tpu.memory_space<hbm>> -> memref<16xf32, #tpu.memory_space<hbm>>
      tpu.enqueue_dma source(%dma_start3A_671 : memref<16xf32, #tpu.memory_space<hbm>>) target(%dma_start3A_668 : memref<16xf32, #tpu.memory_space<vmem>>) target_semaphore(%arg10 : memref<!tpu.dma_semaphore, #tpu.memory_space<semaphore_mem>>)
      %shift_right_arithmetic3A_672 = arith.constant 3 : i32
      %shift_right_arithmetic3A_673 = arith.shrsi %add3A_655, %shift_right_arithmetic3A_672 : i32
      %and3A_674 = arith.constant 7 : i32
      %and3A_675 = arith.andi %add3A_655, %and3A_674 : i32
      %dma_start3A_676 = arith.constant 0 : i32
      %dma_start3A_677 = tpu.memref_slice %arg8[%shift_right_arithmetic3A_673, %and3A_675, %dma_start3A_676] : memref<32x8x16xf32, #tpu.memory_space<vmem>> -> memref<1x1x16xf32, #tpu.memory_space<vmem>>
      %dma_start3A_678 = tpu.memref_squeeze %dma_start3A_677 : memref<1x1x16xf32, #tpu.memory_space<vmem>> -> memref<16xf32, #tpu.memory_space<vmem>>
      %dma_start3A_679 = arith.constant 0 : i32
      %dma_start3A_680 = tpu.memref_slice %arg3[%shift_right_arithmetic3A_649, %and3A_651, %dma_start3A_679] : memref<125000x8x16xf32, #tpu.memory_space<hbm>> -> memref<1x1x16xf32, #tpu.memory_space<hbm>>
      %dma_start3A_681 = tpu.memref_squeeze %dma_start3A_680 : memref<1x1x16xf32, #tpu.memory_space<hbm>> -> memref<16xf32, #tpu.memory_space<hbm>>
      %dma_start3A_682 = arith.constant 0 : i32
      %dma_start3A_683 = tpu.memref_slice %arg8[%shift_right_arithmetic3A_673, %and3A_675, %dma_start3A_682] : memref<32x8x16xf32, #tpu.memory_space<vmem>> -> memref<1x1x16xf32, #tpu.memory_space<vmem>>
      %dma_start3A_684 = tpu.memref_squeeze %dma_start3A_683 : memref<1x1x16xf32, #tpu.memory_space<vmem>> -> memref<16xf32, #tpu.memory_space<vmem>>
      %dma_start3A_685 = arith.constant 0 : i32
      %dma_start3A_686 = tpu.memref_slice %arg3[%shift_right_arithmetic3A_649, %and3A_651, %dma_start3A_685] : memref<125000x8x16xf32, #tpu.memory_space<hbm>> -> memref<1x1x16xf32, #tpu.memory_space<hbm>>
      %dma_start3A_687 = tpu.memref_squeeze %dma_start3A_686 : memref<1x1x16xf32, #tpu.memory_space<hbm>> -> memref<16xf32, #tpu.memory_space<hbm>>
      tpu.enqueue_dma source(%dma_start3A_687 : memref<16xf32, #tpu.memory_space<hbm>>) target(%dma_start3A_684 : memref<16xf32, #tpu.memory_space<vmem>>) target_semaphore(%arg10 : memref<!tpu.dma_semaphore, #tpu.memory_space<semaphore_mem>>)
      %slice3A_688 = vector.extract_strided_slice %get3A_62 {offsets = [15], sizes = [1], strides = [1]} : vector<16xi32> to vector<1xi32>
      %squeeze3A_689 = vector.extract %slice3A_688[0] : i32 from vector<1xi32>
      %shift_right_arithmetic3A_690 = arith.constant 3 : i32
      %shift_right_arithmetic3A_691 = arith.shrsi %squeeze3A_689, %shift_right_arithmetic3A_690 : i32
      %and3A_692 = arith.constant 7 : i32
      %and3A_693 = arith.andi %squeeze3A_689, %and3A_692 : i32
      %mul3A_694 = arith.constant 16 : i32
      %mul3A_695 = arith.muli %scan3A_57, %mul3A_694 : i32
      %add3A_696 = arith.constant 15 : i32
      %add3A_697 = arith.addi %mul3A_695, %add3A_696 : i32
      %shift_right_arithmetic3A_698 = arith.constant 3 : i32
      %shift_right_arithmetic3A_699 = arith.shrsi %add3A_697, %shift_right_arithmetic3A_698 : i32
      %and3A_700 = arith.constant 7 : i32
      %and3A_701 = arith.andi %add3A_697, %and3A_700 : i32
      %dma_start3A_702 = arith.constant 0 : i32
      %dma_start3A_703 = tpu.memref_slice %arg7[%shift_right_arithmetic3A_699, %and3A_701, %dma_start3A_702] : memref<32x8x16xf32, #tpu.memory_space<vmem>> -> memref<1x1x16xf32, #tpu.memory_space<vmem>>
      %dma_start3A_704 = tpu.memref_squeeze %dma_start3A_703 : memref<1x1x16xf32, #tpu.memory_space<vmem>> -> memref<16xf32, #tpu.memory_space<vmem>>
      %dma_start3A_705 = arith.constant 0 : i32
      %dma_start3A_706 = tpu.memref_slice %arg2[%shift_right_arithmetic3A_691, %and3A_693, %dma_start3A_705] : memref<125000x8x16xf32, #tpu.memory_space<hbm>> -> memref<1x1x16xf32, #tpu.memory_space<hbm>>
      %dma_start3A_707 = tpu.memref_squeeze %dma_start3A_706 : memref<1x1x16xf32, #tpu.memory_space<hbm>> -> memref<16xf32, #tpu.memory_space<hbm>>
      %dma_start3A_708 = arith.constant 0 : i32
      %dma_start3A_709 = tpu.memref_slice %arg7[%shift_right_arithmetic3A_699, %and3A_701, %dma_start3A_708] : memref<32x8x16xf32, #tpu.memory_space<vmem>> -> memref<1x1x16xf32, #tpu.memory_space<vmem>>
      %dma_start3A_710 = tpu.memref_squeeze %dma_start3A_709 : memref<1x1x16xf32, #tpu.memory_space<vmem>> -> memref<16xf32, #tpu.memory_space<vmem>>
      %dma_start3A_711 = arith.constant 0 : i32
      %dma_start3A_712 = tpu.memref_slice %arg2[%shift_right_arithmetic3A_691, %and3A_693, %dma_start3A_711] : memref<125000x8x16xf32, #tpu.memory_space<hbm>> -> memref<1x1x16xf32, #tpu.memory_space<hbm>>
      %dma_start3A_713 = tpu.memref_squeeze %dma_start3A_712 : memref<1x1x16xf32, #tpu.memory_space<hbm>> -> memref<16xf32, #tpu.memory_space<hbm>>
      tpu.enqueue_dma source(%dma_start3A_713 : memref<16xf32, #tpu.memory_space<hbm>>) target(%dma_start3A_710 : memref<16xf32, #tpu.memory_space<vmem>>) target_semaphore(%arg10 : memref<!tpu.dma_semaphore, #tpu.memory_space<semaphore_mem>>)
      %shift_right_arithmetic3A_714 = arith.constant 3 : i32
      %shift_right_arithmetic3A_715 = arith.shrsi %add3A_697, %shift_right_arithmetic3A_714 : i32
      %and3A_716 = arith.constant 7 : i32
      %and3A_717 = arith.andi %add3A_697, %and3A_716 : i32
      %dma_start3A_718 = arith.constant 0 : i32
      %dma_start3A_719 = tpu.memref_slice %arg8[%shift_right_arithmetic3A_715, %and3A_717, %dma_start3A_718] : memref<32x8x16xf32, #tpu.memory_space<vmem>> -> memref<1x1x16xf32, #tpu.memory_space<vmem>>
      %dma_start3A_720 = tpu.memref_squeeze %dma_start3A_719 : memref<1x1x16xf32, #tpu.memory_space<vmem>> -> memref<16xf32, #tpu.memory_space<vmem>>
      %dma_start3A_721 = arith.constant 0 : i32
      %dma_start3A_722 = tpu.memref_slice %arg3[%shift_right_arithmetic3A_691, %and3A_693, %dma_start3A_721] : memref<125000x8x16xf32, #tpu.memory_space<hbm>> -> memref<1x1x16xf32, #tpu.memory_space<hbm>>
      %dma_start3A_723 = tpu.memref_squeeze %dma_start3A_722 : memref<1x1x16xf32, #tpu.memory_space<hbm>> -> memref<16xf32, #tpu.memory_space<hbm>>
      %dma_start3A_724 = arith.constant 0 : i32
      %dma_start3A_725 = tpu.memref_slice %arg8[%shift_right_arithmetic3A_715, %and3A_717, %dma_start3A_724] : memref<32x8x16xf32, #tpu.memory_space<vmem>> -> memref<1x1x16xf32, #tpu.memory_space<vmem>>
      %dma_start3A_726 = tpu.memref_squeeze %dma_start3A_725 : memref<1x1x16xf32, #tpu.memory_space<vmem>> -> memref<16xf32, #tpu.memory_space<vmem>>
      %dma_start3A_727 = arith.constant 0 : i32
      %dma_start3A_728 = tpu.memref_slice %arg3[%shift_right_arithmetic3A_691, %and3A_693, %dma_start3A_727] : memref<125000x8x16xf32, #tpu.memory_space<hbm>> -> memref<1x1x16xf32, #tpu.memory_space<hbm>>
      %dma_start3A_729 = tpu.memref_squeeze %dma_start3A_728 : memref<1x1x16xf32, #tpu.memory_space<hbm>> -> memref<16xf32, #tpu.memory_space<hbm>>
      tpu.enqueue_dma source(%dma_start3A_729 : memref<16xf32, #tpu.memory_space<hbm>>) target(%dma_start3A_726 : memref<16xf32, #tpu.memory_space<vmem>>) target_semaphore(%arg10 : memref<!tpu.dma_semaphore, #tpu.memory_space<semaphore_mem>>)
    }
    %scan3A_7 = arith.constant 16 : i32
    %dma_wait3A = arith.constant 0 : i32
    %dma_wait3A_8 = arith.constant 0 : i32
    %dma_wait3A_9 = arith.constant 0 : i32
    %dma_wait3A_10 = tpu.memref_slice %arg2[%dma_wait3A, %dma_wait3A_8, %dma_wait3A_9] : memref<125000x8x16xf32, #tpu.memory_space<hbm>> -> memref<32x8x16xf32, #tpu.memory_space<hbm>>
    %dma_wait3A_11 = arith.constant 0 : i32
    %dma_wait3A_12 = arith.constant 0 : i32
    %dma_wait3A_13 = arith.constant 0 : i32
    %dma_wait3A_14 = tpu.memref_slice %arg2[%dma_wait3A_11, %dma_wait3A_12, %dma_wait3A_13] : memref<125000x8x16xf32, #tpu.memory_space<hbm>> -> memref<32x8x16xf32, #tpu.memory_space<hbm>>
    tpu.wait_dma2 semaphore(%arg10 : memref<!tpu.dma_semaphore, #tpu.memory_space<semaphore_mem>>) src(%dma_wait3A_14 : memref<32x8x16xf32, #tpu.memory_space<hbm>>) dst(%arg7 : memref<32x8x16xf32, #tpu.memory_space<vmem>>)
    %dma_wait3A_15 = arith.constant 0 : i32
    %dma_wait3A_16 = arith.constant 0 : i32
    %dma_wait3A_17 = arith.constant 0 : i32
    %dma_wait3A_18 = tpu.memref_slice %arg3[%dma_wait3A_15, %dma_wait3A_16, %dma_wait3A_17] : memref<125000x8x16xf32, #tpu.memory_space<hbm>> -> memref<32x8x16xf32, #tpu.memory_space<hbm>>
    %dma_wait3A_19 = arith.constant 0 : i32
    %dma_wait3A_20 = arith.constant 0 : i32
    %dma_wait3A_21 = arith.constant 0 : i32
    %dma_wait3A_22 = tpu.memref_slice %arg3[%dma_wait3A_19, %dma_wait3A_20, %dma_wait3A_21] : memref<125000x8x16xf32, #tpu.memory_space<hbm>> -> memref<32x8x16xf32, #tpu.memory_space<hbm>>
    tpu.wait_dma2 semaphore(%arg10 : memref<!tpu.dma_semaphore, #tpu.memory_space<semaphore_mem>>) src(%dma_wait3A_22 : memref<32x8x16xf32, #tpu.memory_space<hbm>>) dst(%arg8 : memref<32x8x16xf32, #tpu.memory_space<vmem>>)
    %scan3A_23 = arith.constant 0 : i32
    %scan3A_24 = arith.constant 0 : i32
    %scan3A_25 = arith.constant 16 : i32
    %scan3A_26 = arith.addi %scan3A_24, %scan3A_25 : i32
    %scan3A_27 = arith.constant 1 : i32
    scf.for %scan3A_57 = %scan3A_24 to %scan3A_26 step %scan3A_27  : i32 {
      %mul3A_58 = arith.constant 16 : i32
      %mul3A_59 = arith.muli %scan3A_57, %mul3A_58 : i32
      %add3A_60 = vector.broadcast %mul3A_59 : i32 to vector<16xi32>
      %add3A_61 = arith.addi %add3A_60, %iota3A : vector<16xi32>
      %broadcast_in_dim3A = arith.constant 0.000000e+00 : f32
      %broadcast_in_dim3A_62 = vector.broadcast %broadcast_in_dim3A : f32 to vector<16xf32>
      %broadcast_in_dim3A_63 = arith.constant 0.000000e+00 : f32
      %broadcast_in_dim3A_64 = vector.broadcast %broadcast_in_dim3A_63 : f32 to vector<16xf32>
      %broadcast_in_dim3A_65 = arith.constant 0.000000e+00 : f32
      %broadcast_in_dim3A_66 = vector.broadcast %broadcast_in_dim3A_65 : f32 to vector<16xf32>
      %broadcast_in_dim3A_67 = arith.constant 0 : i32
      %broadcast_in_dim3A_68 = vector.broadcast %broadcast_in_dim3A_67 : i32 to vector<16xi32>
      %shift_right_arithmetic3A = arith.constant 3 : i32
      %shift_right_arithmetic3A_69 = vector.broadcast %shift_right_arithmetic3A : i32 to vector<16xi32>
      %shift_right_arithmetic3A_70 = arith.shrsi %add3A_61, %shift_right_arithmetic3A_69 : vector<16xi32>
      %and3A = arith.constant 7 : i32
      %and3A_71 = vector.broadcast %and3A : i32 to vector<16xi32>
      %and3A_72 = arith.andi %add3A_61, %and3A_71 : vector<16xi32>
      %gather3A = tpu.vector_load_idx %arg7[%shift_right_arithmetic3A_70, %and3A_72, %broadcast_in_dim3A_68] : memref<32x8x16xf32, #tpu.memory_space<vmem>>[vector<16xi32>, vector<16xi32>, vector<16xi32>], vector<16xf32>,
      %shift_right_arithmetic3A_73 = arith.constant 3 : i32
      %shift_right_arithmetic3A_74 = vector.broadcast %shift_right_arithmetic3A_73 : i32 to vector<16xi32>
      %shift_right_arithmetic3A_75 = arith.shrsi %add3A_61, %shift_right_arithmetic3A_74 : vector<16xi32>
      %and3A_76 = arith.constant 7 : i32
      %and3A_77 = vector.broadcast %and3A_76 : i32 to vector<16xi32>
      %and3A_78 = arith.andi %add3A_61, %and3A_77 : vector<16xi32>
      %gather3A_79 = tpu.vector_load_idx %arg8[%shift_right_arithmetic3A_75, %and3A_78, %broadcast_in_dim3A_68] : memref<32x8x16xf32, #tpu.memory_space<vmem>>[vector<16xi32>, vector<16xi32>, vector<16xi32>], vector<16xf32>,
      %mul3A_80 = arith.mulf %gather3A, %gather3A_79 : vector<16xf32>
      %add3A_81 = arith.addf %broadcast_in_dim3A_62, %mul3A_80 : vector<16xf32>
      %mul3A_82 = arith.mulf %gather3A, %gather3A : vector<16xf32>
      %add3A_83 = arith.addf %broadcast_in_dim3A_64, %mul3A_82 : vector<16xf32>
      %mul3A_84 = arith.mulf %gather3A_79, %gather3A_79 : vector<16xf32>
      %add3A_85 = arith.addf %broadcast_in_dim3A_66, %mul3A_84 : vector<16xf32>
      %broadcast_in_dim3A_86 = arith.constant 1 : i32
      %broadcast_in_dim3A_87 = vector.broadcast %broadcast_in_dim3A_86 : i32 to vector<16xi32>
      %shift_right_arithmetic3A_88 = arith.constant 3 : i32
      %shift_right_arithmetic3A_89 = vector.broadcast %shift_right_arithmetic3A_88 : i32 to vector<16xi32>
      %shift_right_arithmetic3A_90 = arith.shrsi %add3A_61, %shift_right_arithmetic3A_89 : vector<16xi32>
      %and3A_91 = arith.constant 7 : i32
      %and3A_92 = vector.broadcast %and3A_91 : i32 to vector<16xi32>
      %and3A_93 = arith.andi %add3A_61, %and3A_92 : vector<16xi32>
      %gather3A_94 = tpu.vector_load_idx %arg7[%shift_right_arithmetic3A_90, %and3A_93, %broadcast_in_dim3A_87] : memref<32x8x16xf32, #tpu.memory_space<vmem>>[vector<16xi32>, vector<16xi32>, vector<16xi32>], vector<16xf32>,
      %shift_right_arithmetic3A_95 = arith.constant 3 : i32
      %shift_right_arithmetic3A_96 = vector.broadcast %shift_right_arithmetic3A_95 : i32 to vector<16xi32>
      %shift_right_arithmetic3A_97 = arith.shrsi %add3A_61, %shift_right_arithmetic3A_96 : vector<16xi32>
      %and3A_98 = arith.constant 7 : i32
      %and3A_99 = vector.broadcast %and3A_98 : i32 to vector<16xi32>
      %and3A_100 = arith.andi %add3A_61, %and3A_99 : vector<16xi32>
      %gather3A_101 = tpu.vector_load_idx %arg8[%shift_right_arithmetic3A_97, %and3A_100, %broadcast_in_dim3A_87] : memref<32x8x16xf32, #tpu.memory_space<vmem>>[vector<16xi32>, vector<16xi32>, vector<16xi32>], vector<16xf32>,
      %mul3A_102 = arith.mulf %gather3A_94, %gather3A_101 : vector<16xf32>
      %add3A_103 = arith.addf %add3A_81, %mul3A_102 : vector<16xf32>
      %mul3A_104 = arith.mulf %gather3A_94, %gather3A_94 : vector<16xf32>
      %add3A_105 = arith.addf %add3A_83, %mul3A_104 : vector<16xf32>
      %mul3A_106 = arith.mulf %gather3A_101, %gather3A_101 : vector<16xf32>
      %add3A_107 = arith.addf %add3A_85, %mul3A_106 : vector<16xf32>
      %broadcast_in_dim3A_108 = arith.constant 2 : i32
      %broadcast_in_dim3A_109 = vector.broadcast %broadcast_in_dim3A_108 : i32 to vector<16xi32>
      %shift_right_arithmetic3A_110 = arith.constant 3 : i32
      %shift_right_arithmetic3A_111 = vector.broadcast %shift_right_arithmetic3A_110 : i32 to vector<16xi32>
      %shift_right_arithmetic3A_112 = arith.shrsi %add3A_61, %shift_right_arithmetic3A_111 : vector<16xi32>
      %and3A_113 = arith.constant 7 : i32
      %and3A_114 = vector.broadcast %and3A_113 : i32 to vector<16xi32>
      %and3A_115 = arith.andi %add3A_61, %and3A_114 : vector<16xi32>
      %gather3A_116 = tpu.vector_load_idx %arg7[%shift_right_arithmetic3A_112, %and3A_115, %broadcast_in_dim3A_109] : memref<32x8x16xf32, #tpu.memory_space<vmem>>[vector<16xi32>, vector<16xi32>, vector<16xi32>], vector<16xf32>,
      %shift_right_arithmetic3A_117 = arith.constant 3 : i32
      %shift_right_arithmetic3A_118 = vector.broadcast %shift_right_arithmetic3A_117 : i32 to vector<16xi32>
      %shift_right_arithmetic3A_119 = arith.shrsi %add3A_61, %shift_right_arithmetic3A_118 : vector<16xi32>
      %and3A_120 = arith.constant 7 : i32
      %and3A_121 = vector.broadcast %and3A_120 : i32 to vector<16xi32>
      %and3A_122 = arith.andi %add3A_61, %and3A_121 : vector<16xi32>
      %gather3A_123 = tpu.vector_load_idx %arg8[%shift_right_arithmetic3A_119, %and3A_122, %broadcast_in_dim3A_109] : memref<32x8x16xf32, #tpu.memory_space<vmem>>[vector<16xi32>, vector<16xi32>, vector<16xi32>], vector<16xf32>,
      %mul3A_124 = arith.mulf %gather3A_116, %gather3A_123 : vector<16xf32>
      %add3A_125 = arith.addf %add3A_103, %mul3A_124 : vector<16xf32>
      %mul3A_126 = arith.mulf %gather3A_116, %gather3A_116 : vector<16xf32>
      %add3A_127 = arith.addf %add3A_105, %mul3A_126 : vector<16xf32>
      %mul3A_128 = arith.mulf %gather3A_123, %gather3A_123 : vector<16xf32>
      %add3A_129 = arith.addf %add3A_107, %mul3A_128 : vector<16xf32>
      %broadcast_in_dim3A_130 = arith.constant 3 : i32
      %broadcast_in_dim3A_131 = vector.broadcast %broadcast_in_dim3A_130 : i32 to vector<16xi32>
      %shift_right_arithmetic3A_132 = arith.constant 3 : i32
      %shift_right_arithmetic3A_133 = vector.broadcast %shift_right_arithmetic3A_132 : i32 to vector<16xi32>
      %shift_right_arithmetic3A_134 = arith.shrsi %add3A_61, %shift_right_arithmetic3A_133 : vector<16xi32>
      %and3A_135 = arith.constant 7 : i32
      %and3A_136 = vector.broadcast %and3A_135 : i32 to vector<16xi32>
      %and3A_137 = arith.andi %add3A_61, %and3A_136 : vector<16xi32>
      %gather3A_138 = tpu.vector_load_idx %arg7[%shift_right_arithmetic3A_134, %and3A_137, %broadcast_in_dim3A_131] : memref<32x8x16xf32, #tpu.memory_space<vmem>>[vector<16xi32>, vector<16xi32>, vector<16xi32>], vector<16xf32>,
      %shift_right_arithmetic3A_139 = arith.constant 3 : i32
      %shift_right_arithmetic3A_140 = vector.broadcast %shift_right_arithmetic3A_139 : i32 to vector<16xi32>
      %shift_right_arithmetic3A_141 = arith.shrsi %add3A_61, %shift_right_arithmetic3A_140 : vector<16xi32>
      %and3A_142 = arith.constant 7 : i32
      %and3A_143 = vector.broadcast %and3A_142 : i32 to vector<16xi32>
      %and3A_144 = arith.andi %add3A_61, %and3A_143 : vector<16xi32>
      %gather3A_145 = tpu.vector_load_idx %arg8[%shift_right_arithmetic3A_141, %and3A_144, %broadcast_in_dim3A_131] : memref<32x8x16xf32, #tpu.memory_space<vmem>>[vector<16xi32>, vector<16xi32>, vector<16xi32>], vector<16xf32>,
      %mul3A_146 = arith.mulf %gather3A_138, %gather3A_145 : vector<16xf32>
      %add3A_147 = arith.addf %add3A_125, %mul3A_146 : vector<16xf32>
      %mul3A_148 = arith.mulf %gather3A_138, %gather3A_138 : vector<16xf32>
      %add3A_149 = arith.addf %add3A_127, %mul3A_148 : vector<16xf32>
      %mul3A_150 = arith.mulf %gather3A_145, %gather3A_145 : vector<16xf32>
      %add3A_151 = arith.addf %add3A_129, %mul3A_150 : vector<16xf32>
      %broadcast_in_dim3A_152 = arith.constant 4 : i32
      %broadcast_in_dim3A_153 = vector.broadcast %broadcast_in_dim3A_152 : i32 to vector<16xi32>
      %shift_right_arithmetic3A_154 = arith.constant 3 : i32
      %shift_right_arithmetic3A_155 = vector.broadcast %shift_right_arithmetic3A_154 : i32 to vector<16xi32>
      %shift_right_arithmetic3A_156 = arith.shrsi %add3A_61, %shift_right_arithmetic3A_155 : vector<16xi32>
      %and3A_157 = arith.constant 7 : i32
      %and3A_158 = vector.broadcast %and3A_157 : i32 to vector<16xi32>
      %and3A_159 = arith.andi %add3A_61, %and3A_158 : vector<16xi32>
      %gather3A_160 = tpu.vector_load_idx %arg7[%shift_right_arithmetic3A_156, %and3A_159, %broadcast_in_dim3A_153] : memref<32x8x16xf32, #tpu.memory_space<vmem>>[vector<16xi32>, vector<16xi32>, vector<16xi32>], vector<16xf32>,
      %shift_right_arithmetic3A_161 = arith.constant 3 : i32
      %shift_right_arithmetic3A_162 = vector.broadcast %shift_right_arithmetic3A_161 : i32 to vector<16xi32>
      %shift_right_arithmetic3A_163 = arith.shrsi %add3A_61, %shift_right_arithmetic3A_162 : vector<16xi32>
      %and3A_164 = arith.constant 7 : i32
      %and3A_165 = vector.broadcast %and3A_164 : i32 to vector<16xi32>
      %and3A_166 = arith.andi %add3A_61, %and3A_165 : vector<16xi32>
      %gather3A_167 = tpu.vector_load_idx %arg8[%shift_right_arithmetic3A_163, %and3A_166, %broadcast_in_dim3A_153] : memref<32x8x16xf32, #tpu.memory_space<vmem>>[vector<16xi32>, vector<16xi32>, vector<16xi32>], vector<16xf32>,
      %mul3A_168 = arith.mulf %gather3A_160, %gather3A_167 : vector<16xf32>
      %add3A_169 = arith.addf %add3A_147, %mul3A_168 : vector<16xf32>
      %mul3A_170 = arith.mulf %gather3A_160, %gather3A_160 : vector<16xf32>
      %add3A_171 = arith.addf %add3A_149, %mul3A_170 : vector<16xf32>
      %mul3A_172 = arith.mulf %gather3A_167, %gather3A_167 : vector<16xf32>
      %add3A_173 = arith.addf %add3A_151, %mul3A_172 : vector<16xf32>
      %broadcast_in_dim3A_174 = arith.constant 5 : i32
      %broadcast_in_dim3A_175 = vector.broadcast %broadcast_in_dim3A_174 : i32 to vector<16xi32>
      %shift_right_arithmetic3A_176 = arith.constant 3 : i32
      %shift_right_arithmetic3A_177 = vector.broadcast %shift_right_arithmetic3A_176 : i32 to vector<16xi32>
      %shift_right_arithmetic3A_178 = arith.shrsi %add3A_61, %shift_right_arithmetic3A_177 : vector<16xi32>
      %and3A_179 = arith.constant 7 : i32
      %and3A_180 = vector.broadcast %and3A_179 : i32 to vector<16xi32>
      %and3A_181 = arith.andi %add3A_61, %and3A_180 : vector<16xi32>
      %gather3A_182 = tpu.vector_load_idx %arg7[%shift_right_arithmetic3A_178, %and3A_181, %broadcast_in_dim3A_175] : memref<32x8x16xf32, #tpu.memory_space<vmem>>[vector<16xi32>, vector<16xi32>, vector<16xi32>], vector<16xf32>,
      %shift_right_arithmetic3A_183 = arith.constant 3 : i32
      %shift_right_arithmetic3A_184 = vector.broadcast %shift_right_arithmetic3A_183 : i32 to vector<16xi32>
      %shift_right_arithmetic3A_185 = arith.shrsi %add3A_61, %shift_right_arithmetic3A_184 : vector<16xi32>
      %and3A_186 = arith.constant 7 : i32
      %and3A_187 = vector.broadcast %and3A_186 : i32 to vector<16xi32>
      %and3A_188 = arith.andi %add3A_61, %and3A_187 : vector<16xi32>
      %gather3A_189 = tpu.vector_load_idx %arg8[%shift_right_arithmetic3A_185, %and3A_188, %broadcast_in_dim3A_175] : memref<32x8x16xf32, #tpu.memory_space<vmem>>[vector<16xi32>, vector<16xi32>, vector<16xi32>], vector<16xf32>,
      %mul3A_190 = arith.mulf %gather3A_182, %gather3A_189 : vector<16xf32>
      %add3A_191 = arith.addf %add3A_169, %mul3A_190 : vector<16xf32>
      %mul3A_192 = arith.mulf %gather3A_182, %gather3A_182 : vector<16xf32>
      %add3A_193 = arith.addf %add3A_171, %mul3A_192 : vector<16xf32>
      %mul3A_194 = arith.mulf %gather3A_189, %gather3A_189 : vector<16xf32>
      %add3A_195 = arith.addf %add3A_173, %mul3A_194 : vector<16xf32>
      %broadcast_in_dim3A_196 = arith.constant 6 : i32
      %broadcast_in_dim3A_197 = vector.broadcast %broadcast_in_dim3A_196 : i32 to vector<16xi32>
      %shift_right_arithmetic3A_198 = arith.constant 3 : i32
      %shift_right_arithmetic3A_199 = vector.broadcast %shift_right_arithmetic3A_198 : i32 to vector<16xi32>
      %shift_right_arithmetic3A_200 = arith.shrsi %add3A_61, %shift_right_arithmetic3A_199 : vector<16xi32>
      %and3A_201 = arith.constant 7 : i32
      %and3A_202 = vector.broadcast %and3A_201 : i32 to vector<16xi32>
      %and3A_203 = arith.andi %add3A_61, %and3A_202 : vector<16xi32>
      %gather3A_204 = tpu.vector_load_idx %arg7[%shift_right_arithmetic3A_200, %and3A_203, %broadcast_in_dim3A_197] : memref<32x8x16xf32, #tpu.memory_space<vmem>>[vector<16xi32>, vector<16xi32>, vector<16xi32>], vector<16xf32>,
      %shift_right_arithmetic3A_205 = arith.constant 3 : i32
      %shift_right_arithmetic3A_206 = vector.broadcast %shift_right_arithmetic3A_205 : i32 to vector<16xi32>
      %shift_right_arithmetic3A_207 = arith.shrsi %add3A_61, %shift_right_arithmetic3A_206 : vector<16xi32>
      %and3A_208 = arith.constant 7 : i32
      %and3A_209 = vector.broadcast %and3A_208 : i32 to vector<16xi32>
      %and3A_210 = arith.andi %add3A_61, %and3A_209 : vector<16xi32>
      %gather3A_211 = tpu.vector_load_idx %arg8[%shift_right_arithmetic3A_207, %and3A_210, %broadcast_in_dim3A_197] : memref<32x8x16xf32, #tpu.memory_space<vmem>>[vector<16xi32>, vector<16xi32>, vector<16xi32>], vector<16xf32>,
      %mul3A_212 = arith.mulf %gather3A_204, %gather3A_211 : vector<16xf32>
      %add3A_213 = arith.addf %add3A_191, %mul3A_212 : vector<16xf32>
      %mul3A_214 = arith.mulf %gather3A_204, %gather3A_204 : vector<16xf32>
      %add3A_215 = arith.addf %add3A_193, %mul3A_214 : vector<16xf32>
      %mul3A_216 = arith.mulf %gather3A_211, %gather3A_211 : vector<16xf32>
      %add3A_217 = arith.addf %add3A_195, %mul3A_216 : vector<16xf32>
      %broadcast_in_dim3A_218 = arith.constant 7 : i32
      %broadcast_in_dim3A_219 = vector.broadcast %broadcast_in_dim3A_218 : i32 to vector<16xi32>
      %shift_right_arithmetic3A_220 = arith.constant 3 : i32
      %shift_right_arithmetic3A_221 = vector.broadcast %shift_right_arithmetic3A_220 : i32 to vector<16xi32>
      %shift_right_arithmetic3A_222 = arith.shrsi %add3A_61, %shift_right_arithmetic3A_221 : vector<16xi32>
      %and3A_223 = arith.constant 7 : i32
      %and3A_224 = vector.broadcast %and3A_223 : i32 to vector<16xi32>
      %and3A_225 = arith.andi %add3A_61, %and3A_224 : vector<16xi32>
      %gather3A_226 = tpu.vector_load_idx %arg7[%shift_right_arithmetic3A_222, %and3A_225, %broadcast_in_dim3A_219] : memref<32x8x16xf32, #tpu.memory_space<vmem>>[vector<16xi32>, vector<16xi32>, vector<16xi32>], vector<16xf32>,
      %shift_right_arithmetic3A_227 = arith.constant 3 : i32
      %shift_right_arithmetic3A_228 = vector.broadcast %shift_right_arithmetic3A_227 : i32 to vector<16xi32>
      %shift_right_arithmetic3A_229 = arith.shrsi %add3A_61, %shift_right_arithmetic3A_228 : vector<16xi32>
      %and3A_230 = arith.constant 7 : i32
      %and3A_231 = vector.broadcast %and3A_230 : i32 to vector<16xi32>
      %and3A_232 = arith.andi %add3A_61, %and3A_231 : vector<16xi32>
      %gather3A_233 = tpu.vector_load_idx %arg8[%shift_right_arithmetic3A_229, %and3A_232, %broadcast_in_dim3A_219] : memref<32x8x16xf32, #tpu.memory_space<vmem>>[vector<16xi32>, vector<16xi32>, vector<16xi32>], vector<16xf32>,
      %mul3A_234 = arith.mulf %gather3A_226, %gather3A_233 : vector<16xf32>
      %add3A_235 = arith.addf %add3A_213, %mul3A_234 : vector<16xf32>
      %mul3A_236 = arith.mulf %gather3A_226, %gather3A_226 : vector<16xf32>
      %add3A_237 = arith.addf %add3A_215, %mul3A_236 : vector<16xf32>
      %mul3A_238 = arith.mulf %gather3A_233, %gather3A_233 : vector<16xf32>
      %add3A_239 = arith.addf %add3A_217, %mul3A_238 : vector<16xf32>
      %broadcast_in_dim3A_240 = arith.constant 8 : i32
      %broadcast_in_dim3A_241 = vector.broadcast %broadcast_in_dim3A_240 : i32 to vector<16xi32>
      %shift_right_arithmetic3A_242 = arith.constant 3 : i32
      %shift_right_arithmetic3A_243 = vector.broadcast %shift_right_arithmetic3A_242 : i32 to vector<16xi32>
      %shift_right_arithmetic3A_244 = arith.shrsi %add3A_61, %shift_right_arithmetic3A_243 : vector<16xi32>
      %and3A_245 = arith.constant 7 : i32
      %and3A_246 = vector.broadcast %and3A_245 : i32 to vector<16xi32>
      %and3A_247 = arith.andi %add3A_61, %and3A_246 : vector<16xi32>
      %gather3A_248 = tpu.vector_load_idx %arg7[%shift_right_arithmetic3A_244, %and3A_247, %broadcast_in_dim3A_241] : memref<32x8x16xf32, #tpu.memory_space<vmem>>[vector<16xi32>, vector<16xi32>, vector<16xi32>], vector<16xf32>,
      %shift_right_arithmetic3A_249 = arith.constant 3 : i32
      %shift_right_arithmetic3A_250 = vector.broadcast %shift_right_arithmetic3A_249 : i32 to vector<16xi32>
      %shift_right_arithmetic3A_251 = arith.shrsi %add3A_61, %shift_right_arithmetic3A_250 : vector<16xi32>
      %and3A_252 = arith.constant 7 : i32
      %and3A_253 = vector.broadcast %and3A_252 : i32 to vector<16xi32>
      %and3A_254 = arith.andi %add3A_61, %and3A_253 : vector<16xi32>
      %gather3A_255 = tpu.vector_load_idx %arg8[%shift_right_arithmetic3A_251, %and3A_254, %broadcast_in_dim3A_241] : memref<32x8x16xf32, #tpu.memory_space<vmem>>[vector<16xi32>, vector<16xi32>, vector<16xi32>], vector<16xf32>,
      %mul3A_256 = arith.mulf %gather3A_248, %gather3A_255 : vector<16xf32>
      %add3A_257 = arith.addf %add3A_235, %mul3A_256 : vector<16xf32>
      %mul3A_258 = arith.mulf %gather3A_248, %gather3A_248 : vector<16xf32>
      %add3A_259 = arith.addf %add3A_237, %mul3A_258 : vector<16xf32>
      %mul3A_260 = arith.mulf %gather3A_255, %gather3A_255 : vector<16xf32>
      %add3A_261 = arith.addf %add3A_239, %mul3A_260 : vector<16xf32>
      %broadcast_in_dim3A_262 = arith.constant 9 : i32
      %broadcast_in_dim3A_263 = vector.broadcast %broadcast_in_dim3A_262 : i32 to vector<16xi32>
      %shift_right_arithmetic3A_264 = arith.constant 3 : i32
      %shift_right_arithmetic3A_265 = vector.broadcast %shift_right_arithmetic3A_264 : i32 to vector<16xi32>
      %shift_right_arithmetic3A_266 = arith.shrsi %add3A_61, %shift_right_arithmetic3A_265 : vector<16xi32>
      %and3A_267 = arith.constant 7 : i32
      %and3A_268 = vector.broadcast %and3A_267 : i32 to vector<16xi32>
      %and3A_269 = arith.andi %add3A_61, %and3A_268 : vector<16xi32>
      %gather3A_270 = tpu.vector_load_idx %arg7[%shift_right_arithmetic3A_266, %and3A_269, %broadcast_in_dim3A_263] : memref<32x8x16xf32, #tpu.memory_space<vmem>>[vector<16xi32>, vector<16xi32>, vector<16xi32>], vector<16xf32>,
      %shift_right_arithmetic3A_271 = arith.constant 3 : i32
      %shift_right_arithmetic3A_272 = vector.broadcast %shift_right_arithmetic3A_271 : i32 to vector<16xi32>
      %shift_right_arithmetic3A_273 = arith.shrsi %add3A_61, %shift_right_arithmetic3A_272 : vector<16xi32>
      %and3A_274 = arith.constant 7 : i32
      %and3A_275 = vector.broadcast %and3A_274 : i32 to vector<16xi32>
      %and3A_276 = arith.andi %add3A_61, %and3A_275 : vector<16xi32>
      %gather3A_277 = tpu.vector_load_idx %arg8[%shift_right_arithmetic3A_273, %and3A_276, %broadcast_in_dim3A_263] : memref<32x8x16xf32, #tpu.memory_space<vmem>>[vector<16xi32>, vector<16xi32>, vector<16xi32>], vector<16xf32>,
      %mul3A_278 = arith.mulf %gather3A_270, %gather3A_277 : vector<16xf32>
      %add3A_279 = arith.addf %add3A_257, %mul3A_278 : vector<16xf32>
      %mul3A_280 = arith.mulf %gather3A_270, %gather3A_270 : vector<16xf32>
      %add3A_281 = arith.addf %add3A_259, %mul3A_280 : vector<16xf32>
      %mul3A_282 = arith.mulf %gather3A_277, %gather3A_277 : vector<16xf32>
      %add3A_283 = arith.addf %add3A_261, %mul3A_282 : vector<16xf32>
      %broadcast_in_dim3A_284 = arith.constant 10 : i32
      %broadcast_in_dim3A_285 = vector.broadcast %broadcast_in_dim3A_284 : i32 to vector<16xi32>
      %shift_right_arithmetic3A_286 = arith.constant 3 : i32
      %shift_right_arithmetic3A_287 = vector.broadcast %shift_right_arithmetic3A_286 : i32 to vector<16xi32>
      %shift_right_arithmetic3A_288 = arith.shrsi %add3A_61, %shift_right_arithmetic3A_287 : vector<16xi32>
      %and3A_289 = arith.constant 7 : i32
      %and3A_290 = vector.broadcast %and3A_289 : i32 to vector<16xi32>
      %and3A_291 = arith.andi %add3A_61, %and3A_290 : vector<16xi32>
      %gather3A_292 = tpu.vector_load_idx %arg7[%shift_right_arithmetic3A_288, %and3A_291, %broadcast_in_dim3A_285] : memref<32x8x16xf32, #tpu.memory_space<vmem>>[vector<16xi32>, vector<16xi32>, vector<16xi32>], vector<16xf32>,
      %shift_right_arithmetic3A_293 = arith.constant 3 : i32
      %shift_right_arithmetic3A_294 = vector.broadcast %shift_right_arithmetic3A_293 : i32 to vector<16xi32>
      %shift_right_arithmetic3A_295 = arith.shrsi %add3A_61, %shift_right_arithmetic3A_294 : vector<16xi32>
      %and3A_296 = arith.constant 7 : i32
      %and3A_297 = vector.broadcast %and3A_296 : i32 to vector<16xi32>
      %and3A_298 = arith.andi %add3A_61, %and3A_297 : vector<16xi32>
      %gather3A_299 = tpu.vector_load_idx %arg8[%shift_right_arithmetic3A_295, %and3A_298, %broadcast_in_dim3A_285] : memref<32x8x16xf32, #tpu.memory_space<vmem>>[vector<16xi32>, vector<16xi32>, vector<16xi32>], vector<16xf32>,
      %mul3A_300 = arith.mulf %gather3A_292, %gather3A_299 : vector<16xf32>
      %add3A_301 = arith.addf %add3A_279, %mul3A_300 : vector<16xf32>
      %mul3A_302 = arith.mulf %gather3A_292, %gather3A_292 : vector<16xf32>
      %add3A_303 = arith.addf %add3A_281, %mul3A_302 : vector<16xf32>
      %mul3A_304 = arith.mulf %gather3A_299, %gather3A_299 : vector<16xf32>
      %add3A_305 = arith.addf %add3A_283, %mul3A_304 : vector<16xf32>
      %broadcast_in_dim3A_306 = arith.constant 11 : i32
      %broadcast_in_dim3A_307 = vector.broadcast %broadcast_in_dim3A_306 : i32 to vector<16xi32>
      %shift_right_arithmetic3A_308 = arith.constant 3 : i32
      %shift_right_arithmetic3A_309 = vector.broadcast %shift_right_arithmetic3A_308 : i32 to vector<16xi32>
      %shift_right_arithmetic3A_310 = arith.shrsi %add3A_61, %shift_right_arithmetic3A_309 : vector<16xi32>
      %and3A_311 = arith.constant 7 : i32
      %and3A_312 = vector.broadcast %and3A_311 : i32 to vector<16xi32>
      %and3A_313 = arith.andi %add3A_61, %and3A_312 : vector<16xi32>
      %gather3A_314 = tpu.vector_load_idx %arg7[%shift_right_arithmetic3A_310, %and3A_313, %broadcast_in_dim3A_307] : memref<32x8x16xf32, #tpu.memory_space<vmem>>[vector<16xi32>, vector<16xi32>, vector<16xi32>], vector<16xf32>,
      %shift_right_arithmetic3A_315 = arith.constant 3 : i32
      %shift_right_arithmetic3A_316 = vector.broadcast %shift_right_arithmetic3A_315 : i32 to vector<16xi32>
      %shift_right_arithmetic3A_317 = arith.shrsi %add3A_61, %shift_right_arithmetic3A_316 : vector<16xi32>
      %and3A_318 = arith.constant 7 : i32
      %and3A_319 = vector.broadcast %and3A_318 : i32 to vector<16xi32>
      %and3A_320 = arith.andi %add3A_61, %and3A_319 : vector<16xi32>
      %gather3A_321 = tpu.vector_load_idx %arg8[%shift_right_arithmetic3A_317, %and3A_320, %broadcast_in_dim3A_307] : memref<32x8x16xf32, #tpu.memory_space<vmem>>[vector<16xi32>, vector<16xi32>, vector<16xi32>], vector<16xf32>,
      %mul3A_322 = arith.mulf %gather3A_314, %gather3A_321 : vector<16xf32>
      %add3A_323 = arith.addf %add3A_301, %mul3A_322 : vector<16xf32>
      %mul3A_324 = arith.mulf %gather3A_314, %gather3A_314 : vector<16xf32>
      %add3A_325 = arith.addf %add3A_303, %mul3A_324 : vector<16xf32>
      %mul3A_326 = arith.mulf %gather3A_321, %gather3A_321 : vector<16xf32>
      %add3A_327 = arith.addf %add3A_305, %mul3A_326 : vector<16xf32>
      %broadcast_in_dim3A_328 = arith.constant 12 : i32
      %broadcast_in_dim3A_329 = vector.broadcast %broadcast_in_dim3A_328 : i32 to vector<16xi32>
      %shift_right_arithmetic3A_330 = arith.constant 3 : i32
      %shift_right_arithmetic3A_331 = vector.broadcast %shift_right_arithmetic3A_330 : i32 to vector<16xi32>
      %shift_right_arithmetic3A_332 = arith.shrsi %add3A_61, %shift_right_arithmetic3A_331 : vector<16xi32>
      %and3A_333 = arith.constant 7 : i32
      %and3A_334 = vector.broadcast %and3A_333 : i32 to vector<16xi32>
      %and3A_335 = arith.andi %add3A_61, %and3A_334 : vector<16xi32>
      %gather3A_336 = tpu.vector_load_idx %arg7[%shift_right_arithmetic3A_332, %and3A_335, %broadcast_in_dim3A_329] : memref<32x8x16xf32, #tpu.memory_space<vmem>>[vector<16xi32>, vector<16xi32>, vector<16xi32>], vector<16xf32>,
      %shift_right_arithmetic3A_337 = arith.constant 3 : i32
      %shift_right_arithmetic3A_338 = vector.broadcast %shift_right_arithmetic3A_337 : i32 to vector<16xi32>
      %shift_right_arithmetic3A_339 = arith.shrsi %add3A_61, %shift_right_arithmetic3A_338 : vector<16xi32>
      %and3A_340 = arith.constant 7 : i32
      %and3A_341 = vector.broadcast %and3A_340 : i32 to vector<16xi32>
      %and3A_342 = arith.andi %add3A_61, %and3A_341 : vector<16xi32>
      %gather3A_343 = tpu.vector_load_idx %arg8[%shift_right_arithmetic3A_339, %and3A_342, %broadcast_in_dim3A_329] : memref<32x8x16xf32, #tpu.memory_space<vmem>>[vector<16xi32>, vector<16xi32>, vector<16xi32>], vector<16xf32>,
      %mul3A_344 = arith.mulf %gather3A_336, %gather3A_343 : vector<16xf32>
      %add3A_345 = arith.addf %add3A_323, %mul3A_344 : vector<16xf32>
      %mul3A_346 = arith.mulf %gather3A_336, %gather3A_336 : vector<16xf32>
      %add3A_347 = arith.addf %add3A_325, %mul3A_346 : vector<16xf32>
      %mul3A_348 = arith.mulf %gather3A_343, %gather3A_343 : vector<16xf32>
      %add3A_349 = arith.addf %add3A_327, %mul3A_348 : vector<16xf32>
      %broadcast_in_dim3A_350 = arith.constant 13 : i32
      %broadcast_in_dim3A_351 = vector.broadcast %broadcast_in_dim3A_350 : i32 to vector<16xi32>
      %shift_right_arithmetic3A_352 = arith.constant 3 : i32
      %shift_right_arithmetic3A_353 = vector.broadcast %shift_right_arithmetic3A_352 : i32 to vector<16xi32>
      %shift_right_arithmetic3A_354 = arith.shrsi %add3A_61, %shift_right_arithmetic3A_353 : vector<16xi32>
      %and3A_355 = arith.constant 7 : i32
      %and3A_356 = vector.broadcast %and3A_355 : i32 to vector<16xi32>
      %and3A_357 = arith.andi %add3A_61, %and3A_356 : vector<16xi32>
      %gather3A_358 = tpu.vector_load_idx %arg7[%shift_right_arithmetic3A_354, %and3A_357, %broadcast_in_dim3A_351] : memref<32x8x16xf32, #tpu.memory_space<vmem>>[vector<16xi32>, vector<16xi32>, vector<16xi32>], vector<16xf32>,
      %shift_right_arithmetic3A_359 = arith.constant 3 : i32
      %shift_right_arithmetic3A_360 = vector.broadcast %shift_right_arithmetic3A_359 : i32 to vector<16xi32>
      %shift_right_arithmetic3A_361 = arith.shrsi %add3A_61, %shift_right_arithmetic3A_360 : vector<16xi32>
      %and3A_362 = arith.constant 7 : i32
      %and3A_363 = vector.broadcast %and3A_362 : i32 to vector<16xi32>
      %and3A_364 = arith.andi %add3A_61, %and3A_363 : vector<16xi32>
      %gather3A_365 = tpu.vector_load_idx %arg8[%shift_right_arithmetic3A_361, %and3A_364, %broadcast_in_dim3A_351] : memref<32x8x16xf32, #tpu.memory_space<vmem>>[vector<16xi32>, vector<16xi32>, vector<16xi32>], vector<16xf32>,
      %mul3A_366 = arith.mulf %gather3A_358, %gather3A_365 : vector<16xf32>
      %add3A_367 = arith.addf %add3A_345, %mul3A_366 : vector<16xf32>
      %mul3A_368 = arith.mulf %gather3A_358, %gather3A_358 : vector<16xf32>
      %add3A_369 = arith.addf %add3A_347, %mul3A_368 : vector<16xf32>
      %mul3A_370 = arith.mulf %gather3A_365, %gather3A_365 : vector<16xf32>
      %add3A_371 = arith.addf %add3A_349, %mul3A_370 : vector<16xf32>
      %broadcast_in_dim3A_372 = arith.constant 14 : i32
      %broadcast_in_dim3A_373 = vector.broadcast %broadcast_in_dim3A_372 : i32 to vector<16xi32>
      %shift_right_arithmetic3A_374 = arith.constant 3 : i32
      %shift_right_arithmetic3A_375 = vector.broadcast %shift_right_arithmetic3A_374 : i32 to vector<16xi32>
      %shift_right_arithmetic3A_376 = arith.shrsi %add3A_61, %shift_right_arithmetic3A_375 : vector<16xi32>
      %and3A_377 = arith.constant 7 : i32
      %and3A_378 = vector.broadcast %and3A_377 : i32 to vector<16xi32>
      %and3A_379 = arith.andi %add3A_61, %and3A_378 : vector<16xi32>
      %gather3A_380 = tpu.vector_load_idx %arg7[%shift_right_arithmetic3A_376, %and3A_379, %broadcast_in_dim3A_373] : memref<32x8x16xf32, #tpu.memory_space<vmem>>[vector<16xi32>, vector<16xi32>, vector<16xi32>], vector<16xf32>,
      %shift_right_arithmetic3A_381 = arith.constant 3 : i32
      %shift_right_arithmetic3A_382 = vector.broadcast %shift_right_arithmetic3A_381 : i32 to vector<16xi32>
      %shift_right_arithmetic3A_383 = arith.shrsi %add3A_61, %shift_right_arithmetic3A_382 : vector<16xi32>
      %and3A_384 = arith.constant 7 : i32
      %and3A_385 = vector.broadcast %and3A_384 : i32 to vector<16xi32>
      %and3A_386 = arith.andi %add3A_61, %and3A_385 : vector<16xi32>
      %gather3A_387 = tpu.vector_load_idx %arg8[%shift_right_arithmetic3A_383, %and3A_386, %broadcast_in_dim3A_373] : memref<32x8x16xf32, #tpu.memory_space<vmem>>[vector<16xi32>, vector<16xi32>, vector<16xi32>], vector<16xf32>,
      %mul3A_388 = arith.mulf %gather3A_380, %gather3A_387 : vector<16xf32>
      %add3A_389 = arith.addf %add3A_367, %mul3A_388 : vector<16xf32>
      %mul3A_390 = arith.mulf %gather3A_380, %gather3A_380 : vector<16xf32>
      %add3A_391 = arith.addf %add3A_369, %mul3A_390 : vector<16xf32>
      %mul3A_392 = arith.mulf %gather3A_387, %gather3A_387 : vector<16xf32>
      %add3A_393 = arith.addf %add3A_371, %mul3A_392 : vector<16xf32>
      %broadcast_in_dim3A_394 = arith.constant 15 : i32
      %broadcast_in_dim3A_395 = vector.broadcast %broadcast_in_dim3A_394 : i32 to vector<16xi32>
      %shift_right_arithmetic3A_396 = arith.constant 3 : i32
      %shift_right_arithmetic3A_397 = vector.broadcast %shift_right_arithmetic3A_396 : i32 to vector<16xi32>
      %shift_right_arithmetic3A_398 = arith.shrsi %add3A_61, %shift_right_arithmetic3A_397 : vector<16xi32>
      %and3A_399 = arith.constant 7 : i32
      %and3A_400 = vector.broadcast %and3A_399 : i32 to vector<16xi32>
      %and3A_401 = arith.andi %add3A_61, %and3A_400 : vector<16xi32>
      %gather3A_402 = tpu.vector_load_idx %arg7[%shift_right_arithmetic3A_398, %and3A_401, %broadcast_in_dim3A_395] : memref<32x8x16xf32, #tpu.memory_space<vmem>>[vector<16xi32>, vector<16xi32>, vector<16xi32>], vector<16xf32>,
      %shift_right_arithmetic3A_403 = arith.constant 3 : i32
      %shift_right_arithmetic3A_404 = vector.broadcast %shift_right_arithmetic3A_403 : i32 to vector<16xi32>
      %shift_right_arithmetic3A_405 = arith.shrsi %add3A_61, %shift_right_arithmetic3A_404 : vector<16xi32>
      %and3A_406 = arith.constant 7 : i32
      %and3A_407 = vector.broadcast %and3A_406 : i32 to vector<16xi32>
      %and3A_408 = arith.andi %add3A_61, %and3A_407 : vector<16xi32>
      %gather3A_409 = tpu.vector_load_idx %arg8[%shift_right_arithmetic3A_405, %and3A_408, %broadcast_in_dim3A_395] : memref<32x8x16xf32, #tpu.memory_space<vmem>>[vector<16xi32>, vector<16xi32>, vector<16xi32>], vector<16xf32>,
      %mul3A_410 = arith.mulf %gather3A_402, %gather3A_409 : vector<16xf32>
      %add3A_411 = arith.addf %add3A_389, %mul3A_410 : vector<16xf32>
      %mul3A_412 = arith.mulf %gather3A_402, %gather3A_402 : vector<16xf32>
      %add3A_413 = arith.addf %add3A_391, %mul3A_412 : vector<16xf32>
      %mul3A_414 = arith.mulf %gather3A_409, %gather3A_409 : vector<16xf32>
      %add3A_415 = arith.addf %add3A_393, %mul3A_414 : vector<16xf32>
      %mul3A_416 = arith.mulf %add3A_413, %add3A_415 : vector<16xf32>
      %bitcast3A = vector.bitcast %mul3A_416 : vector<16xf32> to vector<16xi32>
      %shift_right_arithmetic3A_417 = arith.constant 1 : i32
      %shift_right_arithmetic3A_418 = vector.broadcast %shift_right_arithmetic3A_417 : i32 to vector<16xi32>
      %shift_right_arithmetic3A_419 = arith.shrsi %bitcast3A, %shift_right_arithmetic3A_418 : vector<16xi32>
      %sub3A = arith.constant 1597463007 : i32
      %sub3A_420 = vector.broadcast %sub3A : i32 to vector<16xi32>
      %sub3A_421 = arith.subi %sub3A_420, %shift_right_arithmetic3A_419 : vector<16xi32>
      %bitcast3A_422 = vector.bitcast %sub3A_421 : vector<16xi32> to vector<16xf32>
      %mul3A_423 = arith.constant 5.000000e-01 : f32
      %mul3A_424 = vector.broadcast %mul3A_423 : f32 to vector<16xf32>
      %mul3A_425 = arith.mulf %mul3A_424, %mul3A_416 : vector<16xf32>
      %mul3A_426 = arith.mulf %mul3A_425, %bitcast3A_422 : vector<16xf32>
      %mul3A_427 = arith.mulf %mul3A_426, %bitcast3A_422 : vector<16xf32>
      %sub3A_428 = arith.constant 1.500000e+00 : f32
      %sub3A_429 = vector.broadcast %sub3A_428 : f32 to vector<16xf32>
      %sub3A_430 = arith.subf %sub3A_429, %mul3A_427 : vector<16xf32>
      %mul3A_431 = arith.mulf %bitcast3A_422, %sub3A_430 : vector<16xf32>
      %mul3A_432 = arith.constant 5.000000e-01 : f32
      %mul3A_433 = vector.broadcast %mul3A_432 : f32 to vector<16xf32>
      %mul3A_434 = arith.mulf %mul3A_433, %mul3A_416 : vector<16xf32>
      %mul3A_435 = arith.mulf %mul3A_434, %mul3A_431 : vector<16xf32>
      %mul3A_436 = arith.mulf %mul3A_435, %mul3A_431 : vector<16xf32>
      %sub3A_437 = arith.constant 1.500000e+00 : f32
      %sub3A_438 = vector.broadcast %sub3A_437 : f32 to vector<16xf32>
      %sub3A_439 = arith.subf %sub3A_438, %mul3A_436 : vector<16xf32>
      %mul3A_440 = arith.mulf %mul3A_431, %sub3A_439 : vector<16xf32>
      %mul3A_441 = arith.constant 5.000000e-01 : f32
      %mul3A_442 = vector.broadcast %mul3A_441 : f32 to vector<16xf32>
      %mul3A_443 = arith.mulf %mul3A_442, %mul3A_416 : vector<16xf32>
      %mul3A_444 = arith.mulf %mul3A_443, %mul3A_440 : vector<16xf32>
      %mul3A_445 = arith.mulf %mul3A_444, %mul3A_440 : vector<16xf32>
      %sub3A_446 = arith.constant 1.500000e+00 : f32
      %sub3A_447 = vector.broadcast %sub3A_446 : f32 to vector<16xf32>
      %sub3A_448 = arith.subf %sub3A_447, %mul3A_445 : vector<16xf32>
      %mul3A_449 = arith.mulf %mul3A_440, %sub3A_448 : vector<16xf32>
      %mul3A_450 = arith.mulf %mul3A_416, %mul3A_449 : vector<16xf32>
      %max3A = arith.constant 9.99999993E-9 : f32
      %max3A_451 = vector.broadcast %max3A : f32 to vector<16xf32>
      %max3A_452 = arith.maximumf %mul3A_450, %max3A_451 : vector<16xf32>
      %div3A = arith.divf %add3A_411, %max3A_452 : vector<16xf32>
      %mul3A_453 = arith.constant 16 : i32
      %mul3A_454 = arith.muli %scan3A_57, %mul3A_453 : i32
      %add3A_455 = arith.constant 0 : i32
      %add3A_456 = arith.addi %add3A_455, %mul3A_454 : i32
      %swap3A = arith.index_cast %add3A_456 : i32 to index
      %swap3A_457 = tpu.vector_load %arg9[%swap3A] {strides = array<i32>} : memref<512xf32, #tpu.memory_space<vmem>>, vector<16xf32>,
      tpu.vector_store %arg9[%swap3A], %div3A {strides = array<i32>} : memref<512xf32, #tpu.memory_space<vmem>>, vector<16xf32>,
    }
    %scan3A_28 = arith.constant 16 : i32
    %scan3A_29 = arith.constant 0 : i32
    %scan3A_30 = arith.constant 0 : i32
    %scan3A_31 = arith.constant 16 : i32
    %scan3A_32 = arith.addi %scan3A_30, %scan3A_31 : i32
    %scan3A_33 = arith.constant 1 : i32
    scf.for %scan3A_57 = %scan3A_30 to %scan3A_32 step %scan3A_33  : i32 {
      %mul3A_58 = arith.constant 16 : i32
      %mul3A_59 = arith.muli %scan3A_57, %mul3A_58 : i32
      %add3A_60 = arith.constant 256 : i32
      %add3A_61 = arith.addi %add3A_60, %mul3A_59 : i32
      %get3A = arith.index_cast %add3A_61 : i32 to index
      %get3A_62 = tpu.vector_load %arg6[%get3A] {strides = array<i32>} : memref<512xi32, #tpu.memory_space<vmem>>, vector<16xi32>,
      %slice3A = vector.extract_strided_slice %get3A_62 {offsets = [0], sizes = [1], strides = [1]} : vector<16xi32> to vector<1xi32>
      %squeeze3A = vector.extract %slice3A[0] : i32 from vector<1xi32>
      %shift_right_arithmetic3A = arith.constant 3 : i32
      %shift_right_arithmetic3A_63 = arith.shrsi %squeeze3A, %shift_right_arithmetic3A : i32
      %and3A = arith.constant 7 : i32
      %and3A_64 = arith.andi %squeeze3A, %and3A : i32
      %mul3A_65 = arith.constant 16 : i32
      %mul3A_66 = arith.muli %scan3A_57, %mul3A_65 : i32
      %add3A_67 = arith.constant 0 : i32
      %add3A_68 = arith.addi %mul3A_66, %add3A_67 : i32
      %shift_right_arithmetic3A_69 = arith.constant 3 : i32
      %shift_right_arithmetic3A_70 = arith.shrsi %add3A_68, %shift_right_arithmetic3A_69 : i32
      %and3A_71 = arith.constant 7 : i32
      %and3A_72 = arith.andi %add3A_68, %and3A_71 : i32
      %dma_start3A = arith.constant 0 : i32
      %dma_start3A_73 = tpu.memref_slice %arg7[%shift_right_arithmetic3A_70, %and3A_72, %dma_start3A] : memref<32x8x16xf32, #tpu.memory_space<vmem>> -> memref<1x1x16xf32, #tpu.memory_space<vmem>>
      %dma_start3A_74 = tpu.memref_squeeze %dma_start3A_73 : memref<1x1x16xf32, #tpu.memory_space<vmem>> -> memref<16xf32, #tpu.memory_space<vmem>>
      %dma_start3A_75 = arith.constant 0 : i32
      %dma_start3A_76 = tpu.memref_slice %arg2[%shift_right_arithmetic3A_63, %and3A_64, %dma_start3A_75] : memref<125000x8x16xf32, #tpu.memory_space<hbm>> -> memref<1x1x16xf32, #tpu.memory_space<hbm>>
      %dma_start3A_77 = tpu.memref_squeeze %dma_start3A_76 : memref<1x1x16xf32, #tpu.memory_space<hbm>> -> memref<16xf32, #tpu.memory_space<hbm>>
      %dma_start3A_78 = arith.constant 0 : i32
      %dma_start3A_79 = tpu.memref_slice %arg7[%shift_right_arithmetic3A_70, %and3A_72, %dma_start3A_78] : memref<32x8x16xf32, #tpu.memory_space<vmem>> -> memref<1x1x16xf32, #tpu.memory_space<vmem>>
      %dma_start3A_80 = tpu.memref_squeeze %dma_start3A_79 : memref<1x1x16xf32, #tpu.memory_space<vmem>> -> memref<16xf32, #tpu.memory_space<vmem>>
      %dma_start3A_81 = arith.constant 0 : i32
      %dma_start3A_82 = tpu.memref_slice %arg2[%shift_right_arithmetic3A_63, %and3A_64, %dma_start3A_81] : memref<125000x8x16xf32, #tpu.memory_space<hbm>> -> memref<1x1x16xf32, #tpu.memory_space<hbm>>
      %dma_start3A_83 = tpu.memref_squeeze %dma_start3A_82 : memref<1x1x16xf32, #tpu.memory_space<hbm>> -> memref<16xf32, #tpu.memory_space<hbm>>
      tpu.enqueue_dma source(%dma_start3A_83 : memref<16xf32, #tpu.memory_space<hbm>>) target(%dma_start3A_80 : memref<16xf32, #tpu.memory_space<vmem>>) target_semaphore(%arg10 : memref<!tpu.dma_semaphore, #tpu.memory_space<semaphore_mem>>)
      %shift_right_arithmetic3A_84 = arith.constant 3 : i32
      %shift_right_arithmetic3A_85 = arith.shrsi %add3A_68, %shift_right_arithmetic3A_84 : i32
      %and3A_86 = arith.constant 7 : i32
      %and3A_87 = arith.andi %add3A_68, %and3A_86 : i32
      %dma_start3A_88 = arith.constant 0 : i32
      %dma_start3A_89 = tpu.memref_slice %arg8[%shift_right_arithmetic3A_85, %and3A_87, %dma_start3A_88] : memref<32x8x16xf32, #tpu.memory_space<vmem>> -> memref<1x1x16xf32, #tpu.memory_space<vmem>>
      %dma_start3A_90 = tpu.memref_squeeze %dma_start3A_89 : memref<1x1x16xf32, #tpu.memory_space<vmem>> -> memref<16xf32, #tpu.memory_space<vmem>>
      %dma_start3A_91 = arith.constant 0 : i32
      %dma_start3A_92 = tpu.memref_slice %arg3[%shift_right_arithmetic3A_63, %and3A_64, %dma_start3A_91] : memref<125000x8x16xf32, #tpu.memory_space<hbm>> -> memref<1x1x16xf32, #tpu.memory_space<hbm>>
      %dma_start3A_93 = tpu.memref_squeeze %dma_start3A_92 : memref<1x1x16xf32, #tpu.memory_space<hbm>> -> memref<16xf32, #tpu.memory_space<hbm>>
      %dma_start3A_94 = arith.constant 0 : i32
      %dma_start3A_95 = tpu.memref_slice %arg8[%shift_right_arithmetic3A_85, %and3A_87, %dma_start3A_94] : memref<32x8x16xf32, #tpu.memory_space<vmem>> -> memref<1x1x16xf32, #tpu.memory_space<vmem>>
      %dma_start3A_96 = tpu.memref_squeeze %dma_start3A_95 : memref<1x1x16xf32, #tpu.memory_space<vmem>> -> memref<16xf32, #tpu.memory_space<vmem>>
      %dma_start3A_97 = arith.constant 0 : i32
      %dma_start3A_98 = tpu.memref_slice %arg3[%shift_right_arithmetic3A_63, %and3A_64, %dma_start3A_97] : memref<125000x8x16xf32, #tpu.memory_space<hbm>> -> memref<1x1x16xf32, #tpu.memory_space<hbm>>
      %dma_start3A_99 = tpu.memref_squeeze %dma_start3A_98 : memref<1x1x16xf32, #tpu.memory_space<hbm>> -> memref<16xf32, #tpu.memory_space<hbm>>
      tpu.enqueue_dma source(%dma_start3A_99 : memref<16xf32, #tpu.memory_space<hbm>>) target(%dma_start3A_96 : memref<16xf32, #tpu.memory_space<vmem>>) target_semaphore(%arg10 : memref<!tpu.dma_semaphore, #tpu.memory_space<semaphore_mem>>)
      %slice3A_100 = vector.extract_strided_slice %get3A_62 {offsets = [1], sizes = [1], strides = [1]} : vector<16xi32> to vector<1xi32>
      %squeeze3A_101 = vector.extract %slice3A_100[0] : i32 from vector<1xi32>
      %shift_right_arithmetic3A_102 = arith.constant 3 : i32
      %shift_right_arithmetic3A_103 = arith.shrsi %squeeze3A_101, %shift_right_arithmetic3A_102 : i32
      %and3A_104 = arith.constant 7 : i32
      %and3A_105 = arith.andi %squeeze3A_101, %and3A_104 : i32
      %mul3A_106 = arith.constant 16 : i32
      %mul3A_107 = arith.muli %scan3A_57, %mul3A_106 : i32
      %add3A_108 = arith.constant 1 : i32
      %add3A_109 = arith.addi %mul3A_107, %add3A_108 : i32
      %shift_right_arithmetic3A_110 = arith.constant 3 : i32
      %shift_right_arithmetic3A_111 = arith.shrsi %add3A_109, %shift_right_arithmetic3A_110 : i32
      %and3A_112 = arith.constant 7 : i32
      %and3A_113 = arith.andi %add3A_109, %and3A_112 : i32
      %dma_start3A_114 = arith.constant 0 : i32
      %dma_start3A_115 = tpu.memref_slice %arg7[%shift_right_arithmetic3A_111, %and3A_113, %dma_start3A_114] : memref<32x8x16xf32, #tpu.memory_space<vmem>> -> memref<1x1x16xf32, #tpu.memory_space<vmem>>
      %dma_start3A_116 = tpu.memref_squeeze %dma_start3A_115 : memref<1x1x16xf32, #tpu.memory_space<vmem>> -> memref<16xf32, #tpu.memory_space<vmem>>
      %dma_start3A_117 = arith.constant 0 : i32
      %dma_start3A_118 = tpu.memref_slice %arg2[%shift_right_arithmetic3A_103, %and3A_105, %dma_start3A_117] : memref<125000x8x16xf32, #tpu.memory_space<hbm>> -> memref<1x1x16xf32, #tpu.memory_space<hbm>>
      %dma_start3A_119 = tpu.memref_squeeze %dma_start3A_118 : memref<1x1x16xf32, #tpu.memory_space<hbm>> -> memref<16xf32, #tpu.memory_space<hbm>>
      %dma_start3A_120 = arith.constant 0 : i32
      %dma_start3A_121 = tpu.memref_slice %arg7[%shift_right_arithmetic3A_111, %and3A_113, %dma_start3A_120] : memref<32x8x16xf32, #tpu.memory_space<vmem>> -> memref<1x1x16xf32, #tpu.memory_space<vmem>>
      %dma_start3A_122 = tpu.memref_squeeze %dma_start3A_121 : memref<1x1x16xf32, #tpu.memory_space<vmem>> -> memref<16xf32, #tpu.memory_space<vmem>>
      %dma_start3A_123 = arith.constant 0 : i32
      %dma_start3A_124 = tpu.memref_slice %arg2[%shift_right_arithmetic3A_103, %and3A_105, %dma_start3A_123] : memref<125000x8x16xf32, #tpu.memory_space<hbm>> -> memref<1x1x16xf32, #tpu.memory_space<hbm>>
      %dma_start3A_125 = tpu.memref_squeeze %dma_start3A_124 : memref<1x1x16xf32, #tpu.memory_space<hbm>> -> memref<16xf32, #tpu.memory_space<hbm>>
      tpu.enqueue_dma source(%dma_start3A_125 : memref<16xf32, #tpu.memory_space<hbm>>) target(%dma_start3A_122 : memref<16xf32, #tpu.memory_space<vmem>>) target_semaphore(%arg10 : memref<!tpu.dma_semaphore, #tpu.memory_space<semaphore_mem>>)
      %shift_right_arithmetic3A_126 = arith.constant 3 : i32
      %shift_right_arithmetic3A_127 = arith.shrsi %add3A_109, %shift_right_arithmetic3A_126 : i32
      %and3A_128 = arith.constant 7 : i32
      %and3A_129 = arith.andi %add3A_109, %and3A_128 : i32
      %dma_start3A_130 = arith.constant 0 : i32
      %dma_start3A_131 = tpu.memref_slice %arg8[%shift_right_arithmetic3A_127, %and3A_129, %dma_start3A_130] : memref<32x8x16xf32, #tpu.memory_space<vmem>> -> memref<1x1x16xf32, #tpu.memory_space<vmem>>
      %dma_start3A_132 = tpu.memref_squeeze %dma_start3A_131 : memref<1x1x16xf32, #tpu.memory_space<vmem>> -> memref<16xf32, #tpu.memory_space<vmem>>
      %dma_start3A_133 = arith.constant 0 : i32
      %dma_start3A_134 = tpu.memref_slice %arg3[%shift_right_arithmetic3A_103, %and3A_105, %dma_start3A_133] : memref<125000x8x16xf32, #tpu.memory_space<hbm>> -> memref<1x1x16xf32, #tpu.memory_space<hbm>>
      %dma_start3A_135 = tpu.memref_squeeze %dma_start3A_134 : memref<1x1x16xf32, #tpu.memory_space<hbm>> -> memref<16xf32, #tpu.memory_space<hbm>>
      %dma_start3A_136 = arith.constant 0 : i32
      %dma_start3A_137 = tpu.memref_slice %arg8[%shift_right_arithmetic3A_127, %and3A_129, %dma_start3A_136] : memref<32x8x16xf32, #tpu.memory_space<vmem>> -> memref<1x1x16xf32, #tpu.memory_space<vmem>>
      %dma_start3A_138 = tpu.memref_squeeze %dma_start3A_137 : memref<1x1x16xf32, #tpu.memory_space<vmem>> -> memref<16xf32, #tpu.memory_space<vmem>>
      %dma_start3A_139 = arith.constant 0 : i32
      %dma_start3A_140 = tpu.memref_slice %arg3[%shift_right_arithmetic3A_103, %and3A_105, %dma_start3A_139] : memref<125000x8x16xf32, #tpu.memory_space<hbm>> -> memref<1x1x16xf32, #tpu.memory_space<hbm>>
      %dma_start3A_141 = tpu.memref_squeeze %dma_start3A_140 : memref<1x1x16xf32, #tpu.memory_space<hbm>> -> memref<16xf32, #tpu.memory_space<hbm>>
      tpu.enqueue_dma source(%dma_start3A_141 : memref<16xf32, #tpu.memory_space<hbm>>) target(%dma_start3A_138 : memref<16xf32, #tpu.memory_space<vmem>>) target_semaphore(%arg10 : memref<!tpu.dma_semaphore, #tpu.memory_space<semaphore_mem>>)
      %slice3A_142 = vector.extract_strided_slice %get3A_62 {offsets = [2], sizes = [1], strides = [1]} : vector<16xi32> to vector<1xi32>
      %squeeze3A_143 = vector.extract %slice3A_142[0] : i32 from vector<1xi32>
      %shift_right_arithmetic3A_144 = arith.constant 3 : i32
      %shift_right_arithmetic3A_145 = arith.shrsi %squeeze3A_143, %shift_right_arithmetic3A_144 : i32
      %and3A_146 = arith.constant 7 : i32
      %and3A_147 = arith.andi %squeeze3A_143, %and3A_146 : i32
      %mul3A_148 = arith.constant 16 : i32
      %mul3A_149 = arith.muli %scan3A_57, %mul3A_148 : i32
      %add3A_150 = arith.constant 2 : i32
      %add3A_151 = arith.addi %mul3A_149, %add3A_150 : i32
      %shift_right_arithmetic3A_152 = arith.constant 3 : i32
      %shift_right_arithmetic3A_153 = arith.shrsi %add3A_151, %shift_right_arithmetic3A_152 : i32
      %and3A_154 = arith.constant 7 : i32
      %and3A_155 = arith.andi %add3A_151, %and3A_154 : i32
      %dma_start3A_156 = arith.constant 0 : i32
      %dma_start3A_157 = tpu.memref_slice %arg7[%shift_right_arithmetic3A_153, %and3A_155, %dma_start3A_156] : memref<32x8x16xf32, #tpu.memory_space<vmem>> -> memref<1x1x16xf32, #tpu.memory_space<vmem>>
      %dma_start3A_158 = tpu.memref_squeeze %dma_start3A_157 : memref<1x1x16xf32, #tpu.memory_space<vmem>> -> memref<16xf32, #tpu.memory_space<vmem>>
      %dma_start3A_159 = arith.constant 0 : i32
      %dma_start3A_160 = tpu.memref_slice %arg2[%shift_right_arithmetic3A_145, %and3A_147, %dma_start3A_159] : memref<125000x8x16xf32, #tpu.memory_space<hbm>> -> memref<1x1x16xf32, #tpu.memory_space<hbm>>
      %dma_start3A_161 = tpu.memref_squeeze %dma_start3A_160 : memref<1x1x16xf32, #tpu.memory_space<hbm>> -> memref<16xf32, #tpu.memory_space<hbm>>
      %dma_start3A_162 = arith.constant 0 : i32
      %dma_start3A_163 = tpu.memref_slice %arg7[%shift_right_arithmetic3A_153, %and3A_155, %dma_start3A_162] : memref<32x8x16xf32, #tpu.memory_space<vmem>> -> memref<1x1x16xf32, #tpu.memory_space<vmem>>
      %dma_start3A_164 = tpu.memref_squeeze %dma_start3A_163 : memref<1x1x16xf32, #tpu.memory_space<vmem>> -> memref<16xf32, #tpu.memory_space<vmem>>
      %dma_start3A_165 = arith.constant 0 : i32
      %dma_start3A_166 = tpu.memref_slice %arg2[%shift_right_arithmetic3A_145, %and3A_147, %dma_start3A_165] : memref<125000x8x16xf32, #tpu.memory_space<hbm>> -> memref<1x1x16xf32, #tpu.memory_space<hbm>>
      %dma_start3A_167 = tpu.memref_squeeze %dma_start3A_166 : memref<1x1x16xf32, #tpu.memory_space<hbm>> -> memref<16xf32, #tpu.memory_space<hbm>>
      tpu.enqueue_dma source(%dma_start3A_167 : memref<16xf32, #tpu.memory_space<hbm>>) target(%dma_start3A_164 : memref<16xf32, #tpu.memory_space<vmem>>) target_semaphore(%arg10 : memref<!tpu.dma_semaphore, #tpu.memory_space<semaphore_mem>>)
      %shift_right_arithmetic3A_168 = arith.constant 3 : i32
      %shift_right_arithmetic3A_169 = arith.shrsi %add3A_151, %shift_right_arithmetic3A_168 : i32
      %and3A_170 = arith.constant 7 : i32
      %and3A_171 = arith.andi %add3A_151, %and3A_170 : i32
      %dma_start3A_172 = arith.constant 0 : i32
      %dma_start3A_173 = tpu.memref_slice %arg8[%shift_right_arithmetic3A_169, %and3A_171, %dma_start3A_172] : memref<32x8x16xf32, #tpu.memory_space<vmem>> -> memref<1x1x16xf32, #tpu.memory_space<vmem>>
      %dma_start3A_174 = tpu.memref_squeeze %dma_start3A_173 : memref<1x1x16xf32, #tpu.memory_space<vmem>> -> memref<16xf32, #tpu.memory_space<vmem>>
      %dma_start3A_175 = arith.constant 0 : i32
      %dma_start3A_176 = tpu.memref_slice %arg3[%shift_right_arithmetic3A_145, %and3A_147, %dma_start3A_175] : memref<125000x8x16xf32, #tpu.memory_space<hbm>> -> memref<1x1x16xf32, #tpu.memory_space<hbm>>
      %dma_start3A_177 = tpu.memref_squeeze %dma_start3A_176 : memref<1x1x16xf32, #tpu.memory_space<hbm>> -> memref<16xf32, #tpu.memory_space<hbm>>
      %dma_start3A_178 = arith.constant 0 : i32
      %dma_start3A_179 = tpu.memref_slice %arg8[%shift_right_arithmetic3A_169, %and3A_171, %dma_start3A_178] : memref<32x8x16xf32, #tpu.memory_space<vmem>> -> memref<1x1x16xf32, #tpu.memory_space<vmem>>
      %dma_start3A_180 = tpu.memref_squeeze %dma_start3A_179 : memref<1x1x16xf32, #tpu.memory_space<vmem>> -> memref<16xf32, #tpu.memory_space<vmem>>
      %dma_start3A_181 = arith.constant 0 : i32
      %dma_start3A_182 = tpu.memref_slice %arg3[%shift_right_arithmetic3A_145, %and3A_147, %dma_start3A_181] : memref<125000x8x16xf32, #tpu.memory_space<hbm>> -> memref<1x1x16xf32, #tpu.memory_space<hbm>>
      %dma_start3A_183 = tpu.memref_squeeze %dma_start3A_182 : memref<1x1x16xf32, #tpu.memory_space<hbm>> -> memref<16xf32, #tpu.memory_space<hbm>>
      tpu.enqueue_dma source(%dma_start3A_183 : memref<16xf32, #tpu.memory_space<hbm>>) target(%dma_start3A_180 : memref<16xf32, #tpu.memory_space<vmem>>) target_semaphore(%arg10 : memref<!tpu.dma_semaphore, #tpu.memory_space<semaphore_mem>>)
      %slice3A_184 = vector.extract_strided_slice %get3A_62 {offsets = [3], sizes = [1], strides = [1]} : vector<16xi32> to vector<1xi32>
      %squeeze3A_185 = vector.extract %slice3A_184[0] : i32 from vector<1xi32>
      %shift_right_arithmetic3A_186 = arith.constant 3 : i32
      %shift_right_arithmetic3A_187 = arith.shrsi %squeeze3A_185, %shift_right_arithmetic3A_186 : i32
      %and3A_188 = arith.constant 7 : i32
      %and3A_189 = arith.andi %squeeze3A_185, %and3A_188 : i32
      %mul3A_190 = arith.constant 16 : i32
      %mul3A_191 = arith.muli %scan3A_57, %mul3A_190 : i32
      %add3A_192 = arith.constant 3 : i32
      %add3A_193 = arith.addi %mul3A_191, %add3A_192 : i32
      %shift_right_arithmetic3A_194 = arith.constant 3 : i32
      %shift_right_arithmetic3A_195 = arith.shrsi %add3A_193, %shift_right_arithmetic3A_194 : i32
      %and3A_196 = arith.constant 7 : i32
      %and3A_197 = arith.andi %add3A_193, %and3A_196 : i32
      %dma_start3A_198 = arith.constant 0 : i32
      %dma_start3A_199 = tpu.memref_slice %arg7[%shift_right_arithmetic3A_195, %and3A_197, %dma_start3A_198] : memref<32x8x16xf32, #tpu.memory_space<vmem>> -> memref<1x1x16xf32, #tpu.memory_space<vmem>>
      %dma_start3A_200 = tpu.memref_squeeze %dma_start3A_199 : memref<1x1x16xf32, #tpu.memory_space<vmem>> -> memref<16xf32, #tpu.memory_space<vmem>>
      %dma_start3A_201 = arith.constant 0 : i32
      %dma_start3A_202 = tpu.memref_slice %arg2[%shift_right_arithmetic3A_187, %and3A_189, %dma_start3A_201] : memref<125000x8x16xf32, #tpu.memory_space<hbm>> -> memref<1x1x16xf32, #tpu.memory_space<hbm>>
      %dma_start3A_203 = tpu.memref_squeeze %dma_start3A_202 : memref<1x1x16xf32, #tpu.memory_space<hbm>> -> memref<16xf32, #tpu.memory_space<hbm>>
      %dma_start3A_204 = arith.constant 0 : i32
      %dma_start3A_205 = tpu.memref_slice %arg7[%shift_right_arithmetic3A_195, %and3A_197, %dma_start3A_204] : memref<32x8x16xf32, #tpu.memory_space<vmem>> -> memref<1x1x16xf32, #tpu.memory_space<vmem>>
      %dma_start3A_206 = tpu.memref_squeeze %dma_start3A_205 : memref<1x1x16xf32, #tpu.memory_space<vmem>> -> memref<16xf32, #tpu.memory_space<vmem>>
      %dma_start3A_207 = arith.constant 0 : i32
      %dma_start3A_208 = tpu.memref_slice %arg2[%shift_right_arithmetic3A_187, %and3A_189, %dma_start3A_207] : memref<125000x8x16xf32, #tpu.memory_space<hbm>> -> memref<1x1x16xf32, #tpu.memory_space<hbm>>
      %dma_start3A_209 = tpu.memref_squeeze %dma_start3A_208 : memref<1x1x16xf32, #tpu.memory_space<hbm>> -> memref<16xf32, #tpu.memory_space<hbm>>
      tpu.enqueue_dma source(%dma_start3A_209 : memref<16xf32, #tpu.memory_space<hbm>>) target(%dma_start3A_206 : memref<16xf32, #tpu.memory_space<vmem>>) target_semaphore(%arg10 : memref<!tpu.dma_semaphore, #tpu.memory_space<semaphore_mem>>)
      %shift_right_arithmetic3A_210 = arith.constant 3 : i32
      %shift_right_arithmetic3A_211 = arith.shrsi %add3A_193, %shift_right_arithmetic3A_210 : i32
      %and3A_212 = arith.constant 7 : i32
      %and3A_213 = arith.andi %add3A_193, %and3A_212 : i32
      %dma_start3A_214 = arith.constant 0 : i32
      %dma_start3A_215 = tpu.memref_slice %arg8[%shift_right_arithmetic3A_211, %and3A_213, %dma_start3A_214] : memref<32x8x16xf32, #tpu.memory_space<vmem>> -> memref<1x1x16xf32, #tpu.memory_space<vmem>>
      %dma_start3A_216 = tpu.memref_squeeze %dma_start3A_215 : memref<1x1x16xf32, #tpu.memory_space<vmem>> -> memref<16xf32, #tpu.memory_space<vmem>>
      %dma_start3A_217 = arith.constant 0 : i32
      %dma_start3A_218 = tpu.memref_slice %arg3[%shift_right_arithmetic3A_187, %and3A_189, %dma_start3A_217] : memref<125000x8x16xf32, #tpu.memory_space<hbm>> -> memref<1x1x16xf32, #tpu.memory_space<hbm>>
      %dma_start3A_219 = tpu.memref_squeeze %dma_start3A_218 : memref<1x1x16xf32, #tpu.memory_space<hbm>> -> memref<16xf32, #tpu.memory_space<hbm>>
      %dma_start3A_220 = arith.constant 0 : i32
      %dma_start3A_221 = tpu.memref_slice %arg8[%shift_right_arithmetic3A_211, %and3A_213, %dma_start3A_220] : memref<32x8x16xf32, #tpu.memory_space<vmem>> -> memref<1x1x16xf32, #tpu.memory_space<vmem>>
      %dma_start3A_222 = tpu.memref_squeeze %dma_start3A_221 : memref<1x1x16xf32, #tpu.memory_space<vmem>> -> memref<16xf32, #tpu.memory_space<vmem>>
      %dma_start3A_223 = arith.constant 0 : i32
      %dma_start3A_224 = tpu.memref_slice %arg3[%shift_right_arithmetic3A_187, %and3A_189, %dma_start3A_223] : memref<125000x8x16xf32, #tpu.memory_space<hbm>> -> memref<1x1x16xf32, #tpu.memory_space<hbm>>
      %dma_start3A_225 = tpu.memref_squeeze %dma_start3A_224 : memref<1x1x16xf32, #tpu.memory_space<hbm>> -> memref<16xf32, #tpu.memory_space<hbm>>
      tpu.enqueue_dma source(%dma_start3A_225 : memref<16xf32, #tpu.memory_space<hbm>>) target(%dma_start3A_222 : memref<16xf32, #tpu.memory_space<vmem>>) target_semaphore(%arg10 : memref<!tpu.dma_semaphore, #tpu.memory_space<semaphore_mem>>)
      %slice3A_226 = vector.extract_strided_slice %get3A_62 {offsets = [4], sizes = [1], strides = [1]} : vector<16xi32> to vector<1xi32>
      %squeeze3A_227 = vector.extract %slice3A_226[0] : i32 from vector<1xi32>
      %shift_right_arithmetic3A_228 = arith.constant 3 : i32
      %shift_right_arithmetic3A_229 = arith.shrsi %squeeze3A_227, %shift_right_arithmetic3A_228 : i32
      %and3A_230 = arith.constant 7 : i32
      %and3A_231 = arith.andi %squeeze3A_227, %and3A_230 : i32
      %mul3A_232 = arith.constant 16 : i32
      %mul3A_233 = arith.muli %scan3A_57, %mul3A_232 : i32
      %add3A_234 = arith.constant 4 : i32
      %add3A_235 = arith.addi %mul3A_233, %add3A_234 : i32
      %shift_right_arithmetic3A_236 = arith.constant 3 : i32
      %shift_right_arithmetic3A_237 = arith.shrsi %add3A_235, %shift_right_arithmetic3A_236 : i32
      %and3A_238 = arith.constant 7 : i32
      %and3A_239 = arith.andi %add3A_235, %and3A_238 : i32
      %dma_start3A_240 = arith.constant 0 : i32
      %dma_start3A_241 = tpu.memref_slice %arg7[%shift_right_arithmetic3A_237, %and3A_239, %dma_start3A_240] : memref<32x8x16xf32, #tpu.memory_space<vmem>> -> memref<1x1x16xf32, #tpu.memory_space<vmem>>
      %dma_start3A_242 = tpu.memref_squeeze %dma_start3A_241 : memref<1x1x16xf32, #tpu.memory_space<vmem>> -> memref<16xf32, #tpu.memory_space<vmem>>
      %dma_start3A_243 = arith.constant 0 : i32
      %dma_start3A_244 = tpu.memref_slice %arg2[%shift_right_arithmetic3A_229, %and3A_231, %dma_start3A_243] : memref<125000x8x16xf32, #tpu.memory_space<hbm>> -> memref<1x1x16xf32, #tpu.memory_space<hbm>>
      %dma_start3A_245 = tpu.memref_squeeze %dma_start3A_244 : memref<1x1x16xf32, #tpu.memory_space<hbm>> -> memref<16xf32, #tpu.memory_space<hbm>>
      %dma_start3A_246 = arith.constant 0 : i32
      %dma_start3A_247 = tpu.memref_slice %arg7[%shift_right_arithmetic3A_237, %and3A_239, %dma_start3A_246] : memref<32x8x16xf32, #tpu.memory_space<vmem>> -> memref<1x1x16xf32, #tpu.memory_space<vmem>>
      %dma_start3A_248 = tpu.memref_squeeze %dma_start3A_247 : memref<1x1x16xf32, #tpu.memory_space<vmem>> -> memref<16xf32, #tpu.memory_space<vmem>>
      %dma_start3A_249 = arith.constant 0 : i32
      %dma_start3A_250 = tpu.memref_slice %arg2[%shift_right_arithmetic3A_229, %and3A_231, %dma_start3A_249] : memref<125000x8x16xf32, #tpu.memory_space<hbm>> -> memref<1x1x16xf32, #tpu.memory_space<hbm>>
      %dma_start3A_251 = tpu.memref_squeeze %dma_start3A_250 : memref<1x1x16xf32, #tpu.memory_space<hbm>> -> memref<16xf32, #tpu.memory_space<hbm>>
      tpu.enqueue_dma source(%dma_start3A_251 : memref<16xf32, #tpu.memory_space<hbm>>) target(%dma_start3A_248 : memref<16xf32, #tpu.memory_space<vmem>>) target_semaphore(%arg10 : memref<!tpu.dma_semaphore, #tpu.memory_space<semaphore_mem>>)
      %shift_right_arithmetic3A_252 = arith.constant 3 : i32
      %shift_right_arithmetic3A_253 = arith.shrsi %add3A_235, %shift_right_arithmetic3A_252 : i32
      %and3A_254 = arith.constant 7 : i32
      %and3A_255 = arith.andi %add3A_235, %and3A_254 : i32
      %dma_start3A_256 = arith.constant 0 : i32
      %dma_start3A_257 = tpu.memref_slice %arg8[%shift_right_arithmetic3A_253, %and3A_255, %dma_start3A_256] : memref<32x8x16xf32, #tpu.memory_space<vmem>> -> memref<1x1x16xf32, #tpu.memory_space<vmem>>
      %dma_start3A_258 = tpu.memref_squeeze %dma_start3A_257 : memref<1x1x16xf32, #tpu.memory_space<vmem>> -> memref<16xf32, #tpu.memory_space<vmem>>
      %dma_start3A_259 = arith.constant 0 : i32
      %dma_start3A_260 = tpu.memref_slice %arg3[%shift_right_arithmetic3A_229, %and3A_231, %dma_start3A_259] : memref<125000x8x16xf32, #tpu.memory_space<hbm>> -> memref<1x1x16xf32, #tpu.memory_space<hbm>>
      %dma_start3A_261 = tpu.memref_squeeze %dma_start3A_260 : memref<1x1x16xf32, #tpu.memory_space<hbm>> -> memref<16xf32, #tpu.memory_space<hbm>>
      %dma_start3A_262 = arith.constant 0 : i32
      %dma_start3A_263 = tpu.memref_slice %arg8[%shift_right_arithmetic3A_253, %and3A_255, %dma_start3A_262] : memref<32x8x16xf32, #tpu.memory_space<vmem>> -> memref<1x1x16xf32, #tpu.memory_space<vmem>>
      %dma_start3A_264 = tpu.memref_squeeze %dma_start3A_263 : memref<1x1x16xf32, #tpu.memory_space<vmem>> -> memref<16xf32, #tpu.memory_space<vmem>>
      %dma_start3A_265 = arith.constant 0 : i32
      %dma_start3A_266 = tpu.memref_slice %arg3[%shift_right_arithmetic3A_229, %and3A_231, %dma_start3A_265] : memref<125000x8x16xf32, #tpu.memory_space<hbm>> -> memref<1x1x16xf32, #tpu.memory_space<hbm>>
      %dma_start3A_267 = tpu.memref_squeeze %dma_start3A_266 : memref<1x1x16xf32, #tpu.memory_space<hbm>> -> memref<16xf32, #tpu.memory_space<hbm>>
      tpu.enqueue_dma source(%dma_start3A_267 : memref<16xf32, #tpu.memory_space<hbm>>) target(%dma_start3A_264 : memref<16xf32, #tpu.memory_space<vmem>>) target_semaphore(%arg10 : memref<!tpu.dma_semaphore, #tpu.memory_space<semaphore_mem>>)
      %slice3A_268 = vector.extract_strided_slice %get3A_62 {offsets = [5], sizes = [1], strides = [1]} : vector<16xi32> to vector<1xi32>
      %squeeze3A_269 = vector.extract %slice3A_268[0] : i32 from vector<1xi32>
      %shift_right_arithmetic3A_270 = arith.constant 3 : i32
      %shift_right_arithmetic3A_271 = arith.shrsi %squeeze3A_269, %shift_right_arithmetic3A_270 : i32
      %and3A_272 = arith.constant 7 : i32
      %and3A_273 = arith.andi %squeeze3A_269, %and3A_272 : i32
      %mul3A_274 = arith.constant 16 : i32
      %mul3A_275 = arith.muli %scan3A_57, %mul3A_274 : i32
      %add3A_276 = arith.constant 5 : i32
      %add3A_277 = arith.addi %mul3A_275, %add3A_276 : i32
      %shift_right_arithmetic3A_278 = arith.constant 3 : i32
      %shift_right_arithmetic3A_279 = arith.shrsi %add3A_277, %shift_right_arithmetic3A_278 : i32
      %and3A_280 = arith.constant 7 : i32
      %and3A_281 = arith.andi %add3A_277, %and3A_280 : i32
      %dma_start3A_282 = arith.constant 0 : i32
      %dma_start3A_283 = tpu.memref_slice %arg7[%shift_right_arithmetic3A_279, %and3A_281, %dma_start3A_282] : memref<32x8x16xf32, #tpu.memory_space<vmem>> -> memref<1x1x16xf32, #tpu.memory_space<vmem>>
      %dma_start3A_284 = tpu.memref_squeeze %dma_start3A_283 : memref<1x1x16xf32, #tpu.memory_space<vmem>> -> memref<16xf32, #tpu.memory_space<vmem>>
      %dma_start3A_285 = arith.constant 0 : i32
      %dma_start3A_286 = tpu.memref_slice %arg2[%shift_right_arithmetic3A_271, %and3A_273, %dma_start3A_285] : memref<125000x8x16xf32, #tpu.memory_space<hbm>> -> memref<1x1x16xf32, #tpu.memory_space<hbm>>
      %dma_start3A_287 = tpu.memref_squeeze %dma_start3A_286 : memref<1x1x16xf32, #tpu.memory_space<hbm>> -> memref<16xf32, #tpu.memory_space<hbm>>
      %dma_start3A_288 = arith.constant 0 : i32
      %dma_start3A_289 = tpu.memref_slice %arg7[%shift_right_arithmetic3A_279, %and3A_281, %dma_start3A_288] : memref<32x8x16xf32, #tpu.memory_space<vmem>> -> memref<1x1x16xf32, #tpu.memory_space<vmem>>
      %dma_start3A_290 = tpu.memref_squeeze %dma_start3A_289 : memref<1x1x16xf32, #tpu.memory_space<vmem>> -> memref<16xf32, #tpu.memory_space<vmem>>
      %dma_start3A_291 = arith.constant 0 : i32
      %dma_start3A_292 = tpu.memref_slice %arg2[%shift_right_arithmetic3A_271, %and3A_273, %dma_start3A_291] : memref<125000x8x16xf32, #tpu.memory_space<hbm>> -> memref<1x1x16xf32, #tpu.memory_space<hbm>>
      %dma_start3A_293 = tpu.memref_squeeze %dma_start3A_292 : memref<1x1x16xf32, #tpu.memory_space<hbm>> -> memref<16xf32, #tpu.memory_space<hbm>>
      tpu.enqueue_dma source(%dma_start3A_293 : memref<16xf32, #tpu.memory_space<hbm>>) target(%dma_start3A_290 : memref<16xf32, #tpu.memory_space<vmem>>) target_semaphore(%arg10 : memref<!tpu.dma_semaphore, #tpu.memory_space<semaphore_mem>>)
      %shift_right_arithmetic3A_294 = arith.constant 3 : i32
      %shift_right_arithmetic3A_295 = arith.shrsi %add3A_277, %shift_right_arithmetic3A_294 : i32
      %and3A_296 = arith.constant 7 : i32
      %and3A_297 = arith.andi %add3A_277, %and3A_296 : i32
      %dma_start3A_298 = arith.constant 0 : i32
      %dma_start3A_299 = tpu.memref_slice %arg8[%shift_right_arithmetic3A_295, %and3A_297, %dma_start3A_298] : memref<32x8x16xf32, #tpu.memory_space<vmem>> -> memref<1x1x16xf32, #tpu.memory_space<vmem>>
      %dma_start3A_300 = tpu.memref_squeeze %dma_start3A_299 : memref<1x1x16xf32, #tpu.memory_space<vmem>> -> memref<16xf32, #tpu.memory_space<vmem>>
      %dma_start3A_301 = arith.constant 0 : i32
      %dma_start3A_302 = tpu.memref_slice %arg3[%shift_right_arithmetic3A_271, %and3A_273, %dma_start3A_301] : memref<125000x8x16xf32, #tpu.memory_space<hbm>> -> memref<1x1x16xf32, #tpu.memory_space<hbm>>
      %dma_start3A_303 = tpu.memref_squeeze %dma_start3A_302 : memref<1x1x16xf32, #tpu.memory_space<hbm>> -> memref<16xf32, #tpu.memory_space<hbm>>
      %dma_start3A_304 = arith.constant 0 : i32
      %dma_start3A_305 = tpu.memref_slice %arg8[%shift_right_arithmetic3A_295, %and3A_297, %dma_start3A_304] : memref<32x8x16xf32, #tpu.memory_space<vmem>> -> memref<1x1x16xf32, #tpu.memory_space<vmem>>
      %dma_start3A_306 = tpu.memref_squeeze %dma_start3A_305 : memref<1x1x16xf32, #tpu.memory_space<vmem>> -> memref<16xf32, #tpu.memory_space<vmem>>
      %dma_start3A_307 = arith.constant 0 : i32
      %dma_start3A_308 = tpu.memref_slice %arg3[%shift_right_arithmetic3A_271, %and3A_273, %dma_start3A_307] : memref<125000x8x16xf32, #tpu.memory_space<hbm>> -> memref<1x1x16xf32, #tpu.memory_space<hbm>>
      %dma_start3A_309 = tpu.memref_squeeze %dma_start3A_308 : memref<1x1x16xf32, #tpu.memory_space<hbm>> -> memref<16xf32, #tpu.memory_space<hbm>>
      tpu.enqueue_dma source(%dma_start3A_309 : memref<16xf32, #tpu.memory_space<hbm>>) target(%dma_start3A_306 : memref<16xf32, #tpu.memory_space<vmem>>) target_semaphore(%arg10 : memref<!tpu.dma_semaphore, #tpu.memory_space<semaphore_mem>>)
      %slice3A_310 = vector.extract_strided_slice %get3A_62 {offsets = [6], sizes = [1], strides = [1]} : vector<16xi32> to vector<1xi32>
      %squeeze3A_311 = vector.extract %slice3A_310[0] : i32 from vector<1xi32>
      %shift_right_arithmetic3A_312 = arith.constant 3 : i32
      %shift_right_arithmetic3A_313 = arith.shrsi %squeeze3A_311, %shift_right_arithmetic3A_312 : i32
      %and3A_314 = arith.constant 7 : i32
      %and3A_315 = arith.andi %squeeze3A_311, %and3A_314 : i32
      %mul3A_316 = arith.constant 16 : i32
      %mul3A_317 = arith.muli %scan3A_57, %mul3A_316 : i32
      %add3A_318 = arith.constant 6 : i32
      %add3A_319 = arith.addi %mul3A_317, %add3A_318 : i32
      %shift_right_arithmetic3A_320 = arith.constant 3 : i32
      %shift_right_arithmetic3A_321 = arith.shrsi %add3A_319, %shift_right_arithmetic3A_320 : i32
      %and3A_322 = arith.constant 7 : i32
      %and3A_323 = arith.andi %add3A_319, %and3A_322 : i32
      %dma_start3A_324 = arith.constant 0 : i32
      %dma_start3A_325 = tpu.memref_slice %arg7[%shift_right_arithmetic3A_321, %and3A_323, %dma_start3A_324] : memref<32x8x16xf32, #tpu.memory_space<vmem>> -> memref<1x1x16xf32, #tpu.memory_space<vmem>>
      %dma_start3A_326 = tpu.memref_squeeze %dma_start3A_325 : memref<1x1x16xf32, #tpu.memory_space<vmem>> -> memref<16xf32, #tpu.memory_space<vmem>>
      %dma_start3A_327 = arith.constant 0 : i32
      %dma_start3A_328 = tpu.memref_slice %arg2[%shift_right_arithmetic3A_313, %and3A_315, %dma_start3A_327] : memref<125000x8x16xf32, #tpu.memory_space<hbm>> -> memref<1x1x16xf32, #tpu.memory_space<hbm>>
      %dma_start3A_329 = tpu.memref_squeeze %dma_start3A_328 : memref<1x1x16xf32, #tpu.memory_space<hbm>> -> memref<16xf32, #tpu.memory_space<hbm>>
      %dma_start3A_330 = arith.constant 0 : i32
      %dma_start3A_331 = tpu.memref_slice %arg7[%shift_right_arithmetic3A_321, %and3A_323, %dma_start3A_330] : memref<32x8x16xf32, #tpu.memory_space<vmem>> -> memref<1x1x16xf32, #tpu.memory_space<vmem>>
      %dma_start3A_332 = tpu.memref_squeeze %dma_start3A_331 : memref<1x1x16xf32, #tpu.memory_space<vmem>> -> memref<16xf32, #tpu.memory_space<vmem>>
      %dma_start3A_333 = arith.constant 0 : i32
      %dma_start3A_334 = tpu.memref_slice %arg2[%shift_right_arithmetic3A_313, %and3A_315, %dma_start3A_333] : memref<125000x8x16xf32, #tpu.memory_space<hbm>> -> memref<1x1x16xf32, #tpu.memory_space<hbm>>
      %dma_start3A_335 = tpu.memref_squeeze %dma_start3A_334 : memref<1x1x16xf32, #tpu.memory_space<hbm>> -> memref<16xf32, #tpu.memory_space<hbm>>
      tpu.enqueue_dma source(%dma_start3A_335 : memref<16xf32, #tpu.memory_space<hbm>>) target(%dma_start3A_332 : memref<16xf32, #tpu.memory_space<vmem>>) target_semaphore(%arg10 : memref<!tpu.dma_semaphore, #tpu.memory_space<semaphore_mem>>)
      %shift_right_arithmetic3A_336 = arith.constant 3 : i32
      %shift_right_arithmetic3A_337 = arith.shrsi %add3A_319, %shift_right_arithmetic3A_336 : i32
      %and3A_338 = arith.constant 7 : i32
      %and3A_339 = arith.andi %add3A_319, %and3A_338 : i32
      %dma_start3A_340 = arith.constant 0 : i32
      %dma_start3A_341 = tpu.memref_slice %arg8[%shift_right_arithmetic3A_337, %and3A_339, %dma_start3A_340] : memref<32x8x16xf32, #tpu.memory_space<vmem>> -> memref<1x1x16xf32, #tpu.memory_space<vmem>>
      %dma_start3A_342 = tpu.memref_squeeze %dma_start3A_341 : memref<1x1x16xf32, #tpu.memory_space<vmem>> -> memref<16xf32, #tpu.memory_space<vmem>>
      %dma_start3A_343 = arith.constant 0 : i32
      %dma_start3A_344 = tpu.memref_slice %arg3[%shift_right_arithmetic3A_313, %and3A_315, %dma_start3A_343] : memref<125000x8x16xf32, #tpu.memory_space<hbm>> -> memref<1x1x16xf32, #tpu.memory_space<hbm>>
      %dma_start3A_345 = tpu.memref_squeeze %dma_start3A_344 : memref<1x1x16xf32, #tpu.memory_space<hbm>> -> memref<16xf32, #tpu.memory_space<hbm>>
      %dma_start3A_346 = arith.constant 0 : i32
      %dma_start3A_347 = tpu.memref_slice %arg8[%shift_right_arithmetic3A_337, %and3A_339, %dma_start3A_346] : memref<32x8x16xf32, #tpu.memory_space<vmem>> -> memref<1x1x16xf32, #tpu.memory_space<vmem>>
      %dma_start3A_348 = tpu.memref_squeeze %dma_start3A_347 : memref<1x1x16xf32, #tpu.memory_space<vmem>> -> memref<16xf32, #tpu.memory_space<vmem>>
      %dma_start3A_349 = arith.constant 0 : i32
      %dma_start3A_350 = tpu.memref_slice %arg3[%shift_right_arithmetic3A_313, %and3A_315, %dma_start3A_349] : memref<125000x8x16xf32, #tpu.memory_space<hbm>> -> memref<1x1x16xf32, #tpu.memory_space<hbm>>
      %dma_start3A_351 = tpu.memref_squeeze %dma_start3A_350 : memref<1x1x16xf32, #tpu.memory_space<hbm>> -> memref<16xf32, #tpu.memory_space<hbm>>
      tpu.enqueue_dma source(%dma_start3A_351 : memref<16xf32, #tpu.memory_space<hbm>>) target(%dma_start3A_348 : memref<16xf32, #tpu.memory_space<vmem>>) target_semaphore(%arg10 : memref<!tpu.dma_semaphore, #tpu.memory_space<semaphore_mem>>)
      %slice3A_352 = vector.extract_strided_slice %get3A_62 {offsets = [7], sizes = [1], strides = [1]} : vector<16xi32> to vector<1xi32>
      %squeeze3A_353 = vector.extract %slice3A_352[0] : i32 from vector<1xi32>
      %shift_right_arithmetic3A_354 = arith.constant 3 : i32
      %shift_right_arithmetic3A_355 = arith.shrsi %squeeze3A_353, %shift_right_arithmetic3A_354 : i32
      %and3A_356 = arith.constant 7 : i32
      %and3A_357 = arith.andi %squeeze3A_353, %and3A_356 : i32
      %mul3A_358 = arith.constant 16 : i32
      %mul3A_359 = arith.muli %scan3A_57, %mul3A_358 : i32
      %add3A_360 = arith.constant 7 : i32
      %add3A_361 = arith.addi %mul3A_359, %add3A_360 : i32
      %shift_right_arithmetic3A_362 = arith.constant 3 : i32
      %shift_right_arithmetic3A_363 = arith.shrsi %add3A_361, %shift_right_arithmetic3A_362 : i32
      %and3A_364 = arith.constant 7 : i32
      %and3A_365 = arith.andi %add3A_361, %and3A_364 : i32
      %dma_start3A_366 = arith.constant 0 : i32
      %dma_start3A_367 = tpu.memref_slice %arg7[%shift_right_arithmetic3A_363, %and3A_365, %dma_start3A_366] : memref<32x8x16xf32, #tpu.memory_space<vmem>> -> memref<1x1x16xf32, #tpu.memory_space<vmem>>
      %dma_start3A_368 = tpu.memref_squeeze %dma_start3A_367 : memref<1x1x16xf32, #tpu.memory_space<vmem>> -> memref<16xf32, #tpu.memory_space<vmem>>
      %dma_start3A_369 = arith.constant 0 : i32
      %dma_start3A_370 = tpu.memref_slice %arg2[%shift_right_arithmetic3A_355, %and3A_357, %dma_start3A_369] : memref<125000x8x16xf32, #tpu.memory_space<hbm>> -> memref<1x1x16xf32, #tpu.memory_space<hbm>>
      %dma_start3A_371 = tpu.memref_squeeze %dma_start3A_370 : memref<1x1x16xf32, #tpu.memory_space<hbm>> -> memref<16xf32, #tpu.memory_space<hbm>>
      %dma_start3A_372 = arith.constant 0 : i32
      %dma_start3A_373 = tpu.memref_slice %arg7[%shift_right_arithmetic3A_363, %and3A_365, %dma_start3A_372] : memref<32x8x16xf32, #tpu.memory_space<vmem>> -> memref<1x1x16xf32, #tpu.memory_space<vmem>>
      %dma_start3A_374 = tpu.memref_squeeze %dma_start3A_373 : memref<1x1x16xf32, #tpu.memory_space<vmem>> -> memref<16xf32, #tpu.memory_space<vmem>>
      %dma_start3A_375 = arith.constant 0 : i32
      %dma_start3A_376 = tpu.memref_slice %arg2[%shift_right_arithmetic3A_355, %and3A_357, %dma_start3A_375] : memref<125000x8x16xf32, #tpu.memory_space<hbm>> -> memref<1x1x16xf32, #tpu.memory_space<hbm>>
      %dma_start3A_377 = tpu.memref_squeeze %dma_start3A_376 : memref<1x1x16xf32, #tpu.memory_space<hbm>> -> memref<16xf32, #tpu.memory_space<hbm>>
      tpu.enqueue_dma source(%dma_start3A_377 : memref<16xf32, #tpu.memory_space<hbm>>) target(%dma_start3A_374 : memref<16xf32, #tpu.memory_space<vmem>>) target_semaphore(%arg10 : memref<!tpu.dma_semaphore, #tpu.memory_space<semaphore_mem>>)
      %shift_right_arithmetic3A_378 = arith.constant 3 : i32
      %shift_right_arithmetic3A_379 = arith.shrsi %add3A_361, %shift_right_arithmetic3A_378 : i32
      %and3A_380 = arith.constant 7 : i32
      %and3A_381 = arith.andi %add3A_361, %and3A_380 : i32
      %dma_start3A_382 = arith.constant 0 : i32
      %dma_start3A_383 = tpu.memref_slice %arg8[%shift_right_arithmetic3A_379, %and3A_381, %dma_start3A_382] : memref<32x8x16xf32, #tpu.memory_space<vmem>> -> memref<1x1x16xf32, #tpu.memory_space<vmem>>
      %dma_start3A_384 = tpu.memref_squeeze %dma_start3A_383 : memref<1x1x16xf32, #tpu.memory_space<vmem>> -> memref<16xf32, #tpu.memory_space<vmem>>
      %dma_start3A_385 = arith.constant 0 : i32
      %dma_start3A_386 = tpu.memref_slice %arg3[%shift_right_arithmetic3A_355, %and3A_357, %dma_start3A_385] : memref<125000x8x16xf32, #tpu.memory_space<hbm>> -> memref<1x1x16xf32, #tpu.memory_space<hbm>>
      %dma_start3A_387 = tpu.memref_squeeze %dma_start3A_386 : memref<1x1x16xf32, #tpu.memory_space<hbm>> -> memref<16xf32, #tpu.memory_space<hbm>>
      %dma_start3A_388 = arith.constant 0 : i32
      %dma_start3A_389 = tpu.memref_slice %arg8[%shift_right_arithmetic3A_379, %and3A_381, %dma_start3A_388] : memref<32x8x16xf32, #tpu.memory_space<vmem>> -> memref<1x1x16xf32, #tpu.memory_space<vmem>>
      %dma_start3A_390 = tpu.memref_squeeze %dma_start3A_389 : memref<1x1x16xf32, #tpu.memory_space<vmem>> -> memref<16xf32, #tpu.memory_space<vmem>>
      %dma_start3A_391 = arith.constant 0 : i32
      %dma_start3A_392 = tpu.memref_slice %arg3[%shift_right_arithmetic3A_355, %and3A_357, %dma_start3A_391] : memref<125000x8x16xf32, #tpu.memory_space<hbm>> -> memref<1x1x16xf32, #tpu.memory_space<hbm>>
      %dma_start3A_393 = tpu.memref_squeeze %dma_start3A_392 : memref<1x1x16xf32, #tpu.memory_space<hbm>> -> memref<16xf32, #tpu.memory_space<hbm>>
      tpu.enqueue_dma source(%dma_start3A_393 : memref<16xf32, #tpu.memory_space<hbm>>) target(%dma_start3A_390 : memref<16xf32, #tpu.memory_space<vmem>>) target_semaphore(%arg10 : memref<!tpu.dma_semaphore, #tpu.memory_space<semaphore_mem>>)
      %slice3A_394 = vector.extract_strided_slice %get3A_62 {offsets = [8], sizes = [1], strides = [1]} : vector<16xi32> to vector<1xi32>
      %squeeze3A_395 = vector.extract %slice3A_394[0] : i32 from vector<1xi32>
      %shift_right_arithmetic3A_396 = arith.constant 3 : i32
      %shift_right_arithmetic3A_397 = arith.shrsi %squeeze3A_395, %shift_right_arithmetic3A_396 : i32
      %and3A_398 = arith.constant 7 : i32
      %and3A_399 = arith.andi %squeeze3A_395, %and3A_398 : i32
      %mul3A_400 = arith.constant 16 : i32
      %mul3A_401 = arith.muli %scan3A_57, %mul3A_400 : i32
      %add3A_402 = arith.constant 8 : i32
      %add3A_403 = arith.addi %mul3A_401, %add3A_402 : i32
      %shift_right_arithmetic3A_404 = arith.constant 3 : i32
      %shift_right_arithmetic3A_405 = arith.shrsi %add3A_403, %shift_right_arithmetic3A_404 : i32
      %and3A_406 = arith.constant 7 : i32
      %and3A_407 = arith.andi %add3A_403, %and3A_406 : i32
      %dma_start3A_408 = arith.constant 0 : i32
      %dma_start3A_409 = tpu.memref_slice %arg7[%shift_right_arithmetic3A_405, %and3A_407, %dma_start3A_408] : memref<32x8x16xf32, #tpu.memory_space<vmem>> -> memref<1x1x16xf32, #tpu.memory_space<vmem>>
      %dma_start3A_410 = tpu.memref_squeeze %dma_start3A_409 : memref<1x1x16xf32, #tpu.memory_space<vmem>> -> memref<16xf32, #tpu.memory_space<vmem>>
      %dma_start3A_411 = arith.constant 0 : i32
      %dma_start3A_412 = tpu.memref_slice %arg2[%shift_right_arithmetic3A_397, %and3A_399, %dma_start3A_411] : memref<125000x8x16xf32, #tpu.memory_space<hbm>> -> memref<1x1x16xf32, #tpu.memory_space<hbm>>
      %dma_start3A_413 = tpu.memref_squeeze %dma_start3A_412 : memref<1x1x16xf32, #tpu.memory_space<hbm>> -> memref<16xf32, #tpu.memory_space<hbm>>
      %dma_start3A_414 = arith.constant 0 : i32
      %dma_start3A_415 = tpu.memref_slice %arg7[%shift_right_arithmetic3A_405, %and3A_407, %dma_start3A_414] : memref<32x8x16xf32, #tpu.memory_space<vmem>> -> memref<1x1x16xf32, #tpu.memory_space<vmem>>
      %dma_start3A_416 = tpu.memref_squeeze %dma_start3A_415 : memref<1x1x16xf32, #tpu.memory_space<vmem>> -> memref<16xf32, #tpu.memory_space<vmem>>
      %dma_start3A_417 = arith.constant 0 : i32
      %dma_start3A_418 = tpu.memref_slice %arg2[%shift_right_arithmetic3A_397, %and3A_399, %dma_start3A_417] : memref<125000x8x16xf32, #tpu.memory_space<hbm>> -> memref<1x1x16xf32, #tpu.memory_space<hbm>>
      %dma_start3A_419 = tpu.memref_squeeze %dma_start3A_418 : memref<1x1x16xf32, #tpu.memory_space<hbm>> -> memref<16xf32, #tpu.memory_space<hbm>>
      tpu.enqueue_dma source(%dma_start3A_419 : memref<16xf32, #tpu.memory_space<hbm>>) target(%dma_start3A_416 : memref<16xf32, #tpu.memory_space<vmem>>) target_semaphore(%arg10 : memref<!tpu.dma_semaphore, #tpu.memory_space<semaphore_mem>>)
      %shift_right_arithmetic3A_420 = arith.constant 3 : i32
      %shift_right_arithmetic3A_421 = arith.shrsi %add3A_403, %shift_right_arithmetic3A_420 : i32
      %and3A_422 = arith.constant 7 : i32
      %and3A_423 = arith.andi %add3A_403, %and3A_422 : i32
      %dma_start3A_424 = arith.constant 0 : i32
      %dma_start3A_425 = tpu.memref_slice %arg8[%shift_right_arithmetic3A_421, %and3A_423, %dma_start3A_424] : memref<32x8x16xf32, #tpu.memory_space<vmem>> -> memref<1x1x16xf32, #tpu.memory_space<vmem>>
      %dma_start3A_426 = tpu.memref_squeeze %dma_start3A_425 : memref<1x1x16xf32, #tpu.memory_space<vmem>> -> memref<16xf32, #tpu.memory_space<vmem>>
      %dma_start3A_427 = arith.constant 0 : i32
      %dma_start3A_428 = tpu.memref_slice %arg3[%shift_right_arithmetic3A_397, %and3A_399, %dma_start3A_427] : memref<125000x8x16xf32, #tpu.memory_space<hbm>> -> memref<1x1x16xf32, #tpu.memory_space<hbm>>
      %dma_start3A_429 = tpu.memref_squeeze %dma_start3A_428 : memref<1x1x16xf32, #tpu.memory_space<hbm>> -> memref<16xf32, #tpu.memory_space<hbm>>
      %dma_start3A_430 = arith.constant 0 : i32
      %dma_start3A_431 = tpu.memref_slice %arg8[%shift_right_arithmetic3A_421, %and3A_423, %dma_start3A_430] : memref<32x8x16xf32, #tpu.memory_space<vmem>> -> memref<1x1x16xf32, #tpu.memory_space<vmem>>
      %dma_start3A_432 = tpu.memref_squeeze %dma_start3A_431 : memref<1x1x16xf32, #tpu.memory_space<vmem>> -> memref<16xf32, #tpu.memory_space<vmem>>
      %dma_start3A_433 = arith.constant 0 : i32
      %dma_start3A_434 = tpu.memref_slice %arg3[%shift_right_arithmetic3A_397, %and3A_399, %dma_start3A_433] : memref<125000x8x16xf32, #tpu.memory_space<hbm>> -> memref<1x1x16xf32, #tpu.memory_space<hbm>>
      %dma_start3A_435 = tpu.memref_squeeze %dma_start3A_434 : memref<1x1x16xf32, #tpu.memory_space<hbm>> -> memref<16xf32, #tpu.memory_space<hbm>>
      tpu.enqueue_dma source(%dma_start3A_435 : memref<16xf32, #tpu.memory_space<hbm>>) target(%dma_start3A_432 : memref<16xf32, #tpu.memory_space<vmem>>) target_semaphore(%arg10 : memref<!tpu.dma_semaphore, #tpu.memory_space<semaphore_mem>>)
      %slice3A_436 = vector.extract_strided_slice %get3A_62 {offsets = [9], sizes = [1], strides = [1]} : vector<16xi32> to vector<1xi32>
      %squeeze3A_437 = vector.extract %slice3A_436[0] : i32 from vector<1xi32>
      %shift_right_arithmetic3A_438 = arith.constant 3 : i32
      %shift_right_arithmetic3A_439 = arith.shrsi %squeeze3A_437, %shift_right_arithmetic3A_438 : i32
      %and3A_440 = arith.constant 7 : i32
      %and3A_441 = arith.andi %squeeze3A_437, %and3A_440 : i32
      %mul3A_442 = arith.constant 16 : i32
      %mul3A_443 = arith.muli %scan3A_57, %mul3A_442 : i32
      %add3A_444 = arith.constant 9 : i32
      %add3A_445 = arith.addi %mul3A_443, %add3A_444 : i32
      %shift_right_arithmetic3A_446 = arith.constant 3 : i32
      %shift_right_arithmetic3A_447 = arith.shrsi %add3A_445, %shift_right_arithmetic3A_446 : i32
      %and3A_448 = arith.constant 7 : i32
      %and3A_449 = arith.andi %add3A_445, %and3A_448 : i32
      %dma_start3A_450 = arith.constant 0 : i32
      %dma_start3A_451 = tpu.memref_slice %arg7[%shift_right_arithmetic3A_447, %and3A_449, %dma_start3A_450] : memref<32x8x16xf32, #tpu.memory_space<vmem>> -> memref<1x1x16xf32, #tpu.memory_space<vmem>>
      %dma_start3A_452 = tpu.memref_squeeze %dma_start3A_451 : memref<1x1x16xf32, #tpu.memory_space<vmem>> -> memref<16xf32, #tpu.memory_space<vmem>>
      %dma_start3A_453 = arith.constant 0 : i32
      %dma_start3A_454 = tpu.memref_slice %arg2[%shift_right_arithmetic3A_439, %and3A_441, %dma_start3A_453] : memref<125000x8x16xf32, #tpu.memory_space<hbm>> -> memref<1x1x16xf32, #tpu.memory_space<hbm>>
      %dma_start3A_455 = tpu.memref_squeeze %dma_start3A_454 : memref<1x1x16xf32, #tpu.memory_space<hbm>> -> memref<16xf32, #tpu.memory_space<hbm>>
      %dma_start3A_456 = arith.constant 0 : i32
      %dma_start3A_457 = tpu.memref_slice %arg7[%shift_right_arithmetic3A_447, %and3A_449, %dma_start3A_456] : memref<32x8x16xf32, #tpu.memory_space<vmem>> -> memref<1x1x16xf32, #tpu.memory_space<vmem>>
      %dma_start3A_458 = tpu.memref_squeeze %dma_start3A_457 : memref<1x1x16xf32, #tpu.memory_space<vmem>> -> memref<16xf32, #tpu.memory_space<vmem>>
      %dma_start3A_459 = arith.constant 0 : i32
      %dma_start3A_460 = tpu.memref_slice %arg2[%shift_right_arithmetic3A_439, %and3A_441, %dma_start3A_459] : memref<125000x8x16xf32, #tpu.memory_space<hbm>> -> memref<1x1x16xf32, #tpu.memory_space<hbm>>
      %dma_start3A_461 = tpu.memref_squeeze %dma_start3A_460 : memref<1x1x16xf32, #tpu.memory_space<hbm>> -> memref<16xf32, #tpu.memory_space<hbm>>
      tpu.enqueue_dma source(%dma_start3A_461 : memref<16xf32, #tpu.memory_space<hbm>>) target(%dma_start3A_458 : memref<16xf32, #tpu.memory_space<vmem>>) target_semaphore(%arg10 : memref<!tpu.dma_semaphore, #tpu.memory_space<semaphore_mem>>)
      %shift_right_arithmetic3A_462 = arith.constant 3 : i32
      %shift_right_arithmetic3A_463 = arith.shrsi %add3A_445, %shift_right_arithmetic3A_462 : i32
      %and3A_464 = arith.constant 7 : i32
      %and3A_465 = arith.andi %add3A_445, %and3A_464 : i32
      %dma_start3A_466 = arith.constant 0 : i32
      %dma_start3A_467 = tpu.memref_slice %arg8[%shift_right_arithmetic3A_463, %and3A_465, %dma_start3A_466] : memref<32x8x16xf32, #tpu.memory_space<vmem>> -> memref<1x1x16xf32, #tpu.memory_space<vmem>>
      %dma_start3A_468 = tpu.memref_squeeze %dma_start3A_467 : memref<1x1x16xf32, #tpu.memory_space<vmem>> -> memref<16xf32, #tpu.memory_space<vmem>>
      %dma_start3A_469 = arith.constant 0 : i32
      %dma_start3A_470 = tpu.memref_slice %arg3[%shift_right_arithmetic3A_439, %and3A_441, %dma_start3A_469] : memref<125000x8x16xf32, #tpu.memory_space<hbm>> -> memref<1x1x16xf32, #tpu.memory_space<hbm>>
      %dma_start3A_471 = tpu.memref_squeeze %dma_start3A_470 : memref<1x1x16xf32, #tpu.memory_space<hbm>> -> memref<16xf32, #tpu.memory_space<hbm>>
      %dma_start3A_472 = arith.constant 0 : i32
      %dma_start3A_473 = tpu.memref_slice %arg8[%shift_right_arithmetic3A_463, %and3A_465, %dma_start3A_472] : memref<32x8x16xf32, #tpu.memory_space<vmem>> -> memref<1x1x16xf32, #tpu.memory_space<vmem>>
      %dma_start3A_474 = tpu.memref_squeeze %dma_start3A_473 : memref<1x1x16xf32, #tpu.memory_space<vmem>> -> memref<16xf32, #tpu.memory_space<vmem>>
      %dma_start3A_475 = arith.constant 0 : i32
      %dma_start3A_476 = tpu.memref_slice %arg3[%shift_right_arithmetic3A_439, %and3A_441, %dma_start3A_475] : memref<125000x8x16xf32, #tpu.memory_space<hbm>> -> memref<1x1x16xf32, #tpu.memory_space<hbm>>
      %dma_start3A_477 = tpu.memref_squeeze %dma_start3A_476 : memref<1x1x16xf32, #tpu.memory_space<hbm>> -> memref<16xf32, #tpu.memory_space<hbm>>
      tpu.enqueue_dma source(%dma_start3A_477 : memref<16xf32, #tpu.memory_space<hbm>>) target(%dma_start3A_474 : memref<16xf32, #tpu.memory_space<vmem>>) target_semaphore(%arg10 : memref<!tpu.dma_semaphore, #tpu.memory_space<semaphore_mem>>)
      %slice3A_478 = vector.extract_strided_slice %get3A_62 {offsets = [10], sizes = [1], strides = [1]} : vector<16xi32> to vector<1xi32>
      %squeeze3A_479 = vector.extract %slice3A_478[0] : i32 from vector<1xi32>
      %shift_right_arithmetic3A_480 = arith.constant 3 : i32
      %shift_right_arithmetic3A_481 = arith.shrsi %squeeze3A_479, %shift_right_arithmetic3A_480 : i32
      %and3A_482 = arith.constant 7 : i32
      %and3A_483 = arith.andi %squeeze3A_479, %and3A_482 : i32
      %mul3A_484 = arith.constant 16 : i32
      %mul3A_485 = arith.muli %scan3A_57, %mul3A_484 : i32
      %add3A_486 = arith.constant 10 : i32
      %add3A_487 = arith.addi %mul3A_485, %add3A_486 : i32
      %shift_right_arithmetic3A_488 = arith.constant 3 : i32
      %shift_right_arithmetic3A_489 = arith.shrsi %add3A_487, %shift_right_arithmetic3A_488 : i32
      %and3A_490 = arith.constant 7 : i32
      %and3A_491 = arith.andi %add3A_487, %and3A_490 : i32
      %dma_start3A_492 = arith.constant 0 : i32
      %dma_start3A_493 = tpu.memref_slice %arg7[%shift_right_arithmetic3A_489, %and3A_491, %dma_start3A_492] : memref<32x8x16xf32, #tpu.memory_space<vmem>> -> memref<1x1x16xf32, #tpu.memory_space<vmem>>
      %dma_start3A_494 = tpu.memref_squeeze %dma_start3A_493 : memref<1x1x16xf32, #tpu.memory_space<vmem>> -> memref<16xf32, #tpu.memory_space<vmem>>
      %dma_start3A_495 = arith.constant 0 : i32
      %dma_start3A_496 = tpu.memref_slice %arg2[%shift_right_arithmetic3A_481, %and3A_483, %dma_start3A_495] : memref<125000x8x16xf32, #tpu.memory_space<hbm>> -> memref<1x1x16xf32, #tpu.memory_space<hbm>>
      %dma_start3A_497 = tpu.memref_squeeze %dma_start3A_496 : memref<1x1x16xf32, #tpu.memory_space<hbm>> -> memref<16xf32, #tpu.memory_space<hbm>>
      %dma_start3A_498 = arith.constant 0 : i32
      %dma_start3A_499 = tpu.memref_slice %arg7[%shift_right_arithmetic3A_489, %and3A_491, %dma_start3A_498] : memref<32x8x16xf32, #tpu.memory_space<vmem>> -> memref<1x1x16xf32, #tpu.memory_space<vmem>>
      %dma_start3A_500 = tpu.memref_squeeze %dma_start3A_499 : memref<1x1x16xf32, #tpu.memory_space<vmem>> -> memref<16xf32, #tpu.memory_space<vmem>>
      %dma_start3A_501 = arith.constant 0 : i32
      %dma_start3A_502 = tpu.memref_slice %arg2[%shift_right_arithmetic3A_481, %and3A_483, %dma_start3A_501] : memref<125000x8x16xf32, #tpu.memory_space<hbm>> -> memref<1x1x16xf32, #tpu.memory_space<hbm>>
      %dma_start3A_503 = tpu.memref_squeeze %dma_start3A_502 : memref<1x1x16xf32, #tpu.memory_space<hbm>> -> memref<16xf32, #tpu.memory_space<hbm>>
      tpu.enqueue_dma source(%dma_start3A_503 : memref<16xf32, #tpu.memory_space<hbm>>) target(%dma_start3A_500 : memref<16xf32, #tpu.memory_space<vmem>>) target_semaphore(%arg10 : memref<!tpu.dma_semaphore, #tpu.memory_space<semaphore_mem>>)
      %shift_right_arithmetic3A_504 = arith.constant 3 : i32
      %shift_right_arithmetic3A_505 = arith.shrsi %add3A_487, %shift_right_arithmetic3A_504 : i32
      %and3A_506 = arith.constant 7 : i32
      %and3A_507 = arith.andi %add3A_487, %and3A_506 : i32
      %dma_start3A_508 = arith.constant 0 : i32
      %dma_start3A_509 = tpu.memref_slice %arg8[%shift_right_arithmetic3A_505, %and3A_507, %dma_start3A_508] : memref<32x8x16xf32, #tpu.memory_space<vmem>> -> memref<1x1x16xf32, #tpu.memory_space<vmem>>
      %dma_start3A_510 = tpu.memref_squeeze %dma_start3A_509 : memref<1x1x16xf32, #tpu.memory_space<vmem>> -> memref<16xf32, #tpu.memory_space<vmem>>
      %dma_start3A_511 = arith.constant 0 : i32
      %dma_start3A_512 = tpu.memref_slice %arg3[%shift_right_arithmetic3A_481, %and3A_483, %dma_start3A_511] : memref<125000x8x16xf32, #tpu.memory_space<hbm>> -> memref<1x1x16xf32, #tpu.memory_space<hbm>>
      %dma_start3A_513 = tpu.memref_squeeze %dma_start3A_512 : memref<1x1x16xf32, #tpu.memory_space<hbm>> -> memref<16xf32, #tpu.memory_space<hbm>>
      %dma_start3A_514 = arith.constant 0 : i32
      %dma_start3A_515 = tpu.memref_slice %arg8[%shift_right_arithmetic3A_505, %and3A_507, %dma_start3A_514] : memref<32x8x16xf32, #tpu.memory_space<vmem>> -> memref<1x1x16xf32, #tpu.memory_space<vmem>>
      %dma_start3A_516 = tpu.memref_squeeze %dma_start3A_515 : memref<1x1x16xf32, #tpu.memory_space<vmem>> -> memref<16xf32, #tpu.memory_space<vmem>>
      %dma_start3A_517 = arith.constant 0 : i32
      %dma_start3A_518 = tpu.memref_slice %arg3[%shift_right_arithmetic3A_481, %and3A_483, %dma_start3A_517] : memref<125000x8x16xf32, #tpu.memory_space<hbm>> -> memref<1x1x16xf32, #tpu.memory_space<hbm>>
      %dma_start3A_519 = tpu.memref_squeeze %dma_start3A_518 : memref<1x1x16xf32, #tpu.memory_space<hbm>> -> memref<16xf32, #tpu.memory_space<hbm>>
      tpu.enqueue_dma source(%dma_start3A_519 : memref<16xf32, #tpu.memory_space<hbm>>) target(%dma_start3A_516 : memref<16xf32, #tpu.memory_space<vmem>>) target_semaphore(%arg10 : memref<!tpu.dma_semaphore, #tpu.memory_space<semaphore_mem>>)
      %slice3A_520 = vector.extract_strided_slice %get3A_62 {offsets = [11], sizes = [1], strides = [1]} : vector<16xi32> to vector<1xi32>
      %squeeze3A_521 = vector.extract %slice3A_520[0] : i32 from vector<1xi32>
      %shift_right_arithmetic3A_522 = arith.constant 3 : i32
      %shift_right_arithmetic3A_523 = arith.shrsi %squeeze3A_521, %shift_right_arithmetic3A_522 : i32
      %and3A_524 = arith.constant 7 : i32
      %and3A_525 = arith.andi %squeeze3A_521, %and3A_524 : i32
      %mul3A_526 = arith.constant 16 : i32
      %mul3A_527 = arith.muli %scan3A_57, %mul3A_526 : i32
      %add3A_528 = arith.constant 11 : i32
      %add3A_529 = arith.addi %mul3A_527, %add3A_528 : i32
      %shift_right_arithmetic3A_530 = arith.constant 3 : i32
      %shift_right_arithmetic3A_531 = arith.shrsi %add3A_529, %shift_right_arithmetic3A_530 : i32
      %and3A_532 = arith.constant 7 : i32
      %and3A_533 = arith.andi %add3A_529, %and3A_532 : i32
      %dma_start3A_534 = arith.constant 0 : i32
      %dma_start3A_535 = tpu.memref_slice %arg7[%shift_right_arithmetic3A_531, %and3A_533, %dma_start3A_534] : memref<32x8x16xf32, #tpu.memory_space<vmem>> -> memref<1x1x16xf32, #tpu.memory_space<vmem>>
      %dma_start3A_536 = tpu.memref_squeeze %dma_start3A_535 : memref<1x1x16xf32, #tpu.memory_space<vmem>> -> memref<16xf32, #tpu.memory_space<vmem>>
      %dma_start3A_537 = arith.constant 0 : i32
      %dma_start3A_538 = tpu.memref_slice %arg2[%shift_right_arithmetic3A_523, %and3A_525, %dma_start3A_537] : memref<125000x8x16xf32, #tpu.memory_space<hbm>> -> memref<1x1x16xf32, #tpu.memory_space<hbm>>
      %dma_start3A_539 = tpu.memref_squeeze %dma_start3A_538 : memref<1x1x16xf32, #tpu.memory_space<hbm>> -> memref<16xf32, #tpu.memory_space<hbm>>
      %dma_start3A_540 = arith.constant 0 : i32
      %dma_start3A_541 = tpu.memref_slice %arg7[%shift_right_arithmetic3A_531, %and3A_533, %dma_start3A_540] : memref<32x8x16xf32, #tpu.memory_space<vmem>> -> memref<1x1x16xf32, #tpu.memory_space<vmem>>
      %dma_start3A_542 = tpu.memref_squeeze %dma_start3A_541 : memref<1x1x16xf32, #tpu.memory_space<vmem>> -> memref<16xf32, #tpu.memory_space<vmem>>
      %dma_start3A_543 = arith.constant 0 : i32
      %dma_start3A_544 = tpu.memref_slice %arg2[%shift_right_arithmetic3A_523, %and3A_525, %dma_start3A_543] : memref<125000x8x16xf32, #tpu.memory_space<hbm>> -> memref<1x1x16xf32, #tpu.memory_space<hbm>>
      %dma_start3A_545 = tpu.memref_squeeze %dma_start3A_544 : memref<1x1x16xf32, #tpu.memory_space<hbm>> -> memref<16xf32, #tpu.memory_space<hbm>>
      tpu.enqueue_dma source(%dma_start3A_545 : memref<16xf32, #tpu.memory_space<hbm>>) target(%dma_start3A_542 : memref<16xf32, #tpu.memory_space<vmem>>) target_semaphore(%arg10 : memref<!tpu.dma_semaphore, #tpu.memory_space<semaphore_mem>>)
      %shift_right_arithmetic3A_546 = arith.constant 3 : i32
      %shift_right_arithmetic3A_547 = arith.shrsi %add3A_529, %shift_right_arithmetic3A_546 : i32
      %and3A_548 = arith.constant 7 : i32
      %and3A_549 = arith.andi %add3A_529, %and3A_548 : i32
      %dma_start3A_550 = arith.constant 0 : i32
      %dma_start3A_551 = tpu.memref_slice %arg8[%shift_right_arithmetic3A_547, %and3A_549, %dma_start3A_550] : memref<32x8x16xf32, #tpu.memory_space<vmem>> -> memref<1x1x16xf32, #tpu.memory_space<vmem>>
      %dma_start3A_552 = tpu.memref_squeeze %dma_start3A_551 : memref<1x1x16xf32, #tpu.memory_space<vmem>> -> memref<16xf32, #tpu.memory_space<vmem>>
      %dma_start3A_553 = arith.constant 0 : i32
      %dma_start3A_554 = tpu.memref_slice %arg3[%shift_right_arithmetic3A_523, %and3A_525, %dma_start3A_553] : memref<125000x8x16xf32, #tpu.memory_space<hbm>> -> memref<1x1x16xf32, #tpu.memory_space<hbm>>
      %dma_start3A_555 = tpu.memref_squeeze %dma_start3A_554 : memref<1x1x16xf32, #tpu.memory_space<hbm>> -> memref<16xf32, #tpu.memory_space<hbm>>
      %dma_start3A_556 = arith.constant 0 : i32
      %dma_start3A_557 = tpu.memref_slice %arg8[%shift_right_arithmetic3A_547, %and3A_549, %dma_start3A_556] : memref<32x8x16xf32, #tpu.memory_space<vmem>> -> memref<1x1x16xf32, #tpu.memory_space<vmem>>
      %dma_start3A_558 = tpu.memref_squeeze %dma_start3A_557 : memref<1x1x16xf32, #tpu.memory_space<vmem>> -> memref<16xf32, #tpu.memory_space<vmem>>
      %dma_start3A_559 = arith.constant 0 : i32
      %dma_start3A_560 = tpu.memref_slice %arg3[%shift_right_arithmetic3A_523, %and3A_525, %dma_start3A_559] : memref<125000x8x16xf32, #tpu.memory_space<hbm>> -> memref<1x1x16xf32, #tpu.memory_space<hbm>>
      %dma_start3A_561 = tpu.memref_squeeze %dma_start3A_560 : memref<1x1x16xf32, #tpu.memory_space<hbm>> -> memref<16xf32, #tpu.memory_space<hbm>>
      tpu.enqueue_dma source(%dma_start3A_561 : memref<16xf32, #tpu.memory_space<hbm>>) target(%dma_start3A_558 : memref<16xf32, #tpu.memory_space<vmem>>) target_semaphore(%arg10 : memref<!tpu.dma_semaphore, #tpu.memory_space<semaphore_mem>>)
      %slice3A_562 = vector.extract_strided_slice %get3A_62 {offsets = [12], sizes = [1], strides = [1]} : vector<16xi32> to vector<1xi32>
      %squeeze3A_563 = vector.extract %slice3A_562[0] : i32 from vector<1xi32>
      %shift_right_arithmetic3A_564 = arith.constant 3 : i32
      %shift_right_arithmetic3A_565 = arith.shrsi %squeeze3A_563, %shift_right_arithmetic3A_564 : i32
      %and3A_566 = arith.constant 7 : i32
      %and3A_567 = arith.andi %squeeze3A_563, %and3A_566 : i32
      %mul3A_568 = arith.constant 16 : i32
      %mul3A_569 = arith.muli %scan3A_57, %mul3A_568 : i32
      %add3A_570 = arith.constant 12 : i32
      %add3A_571 = arith.addi %mul3A_569, %add3A_570 : i32
      %shift_right_arithmetic3A_572 = arith.constant 3 : i32
      %shift_right_arithmetic3A_573 = arith.shrsi %add3A_571, %shift_right_arithmetic3A_572 : i32
      %and3A_574 = arith.constant 7 : i32
      %and3A_575 = arith.andi %add3A_571, %and3A_574 : i32
      %dma_start3A_576 = arith.constant 0 : i32
      %dma_start3A_577 = tpu.memref_slice %arg7[%shift_right_arithmetic3A_573, %and3A_575, %dma_start3A_576] : memref<32x8x16xf32, #tpu.memory_space<vmem>> -> memref<1x1x16xf32, #tpu.memory_space<vmem>>
      %dma_start3A_578 = tpu.memref_squeeze %dma_start3A_577 : memref<1x1x16xf32, #tpu.memory_space<vmem>> -> memref<16xf32, #tpu.memory_space<vmem>>
      %dma_start3A_579 = arith.constant 0 : i32
      %dma_start3A_580 = tpu.memref_slice %arg2[%shift_right_arithmetic3A_565, %and3A_567, %dma_start3A_579] : memref<125000x8x16xf32, #tpu.memory_space<hbm>> -> memref<1x1x16xf32, #tpu.memory_space<hbm>>
      %dma_start3A_581 = tpu.memref_squeeze %dma_start3A_580 : memref<1x1x16xf32, #tpu.memory_space<hbm>> -> memref<16xf32, #tpu.memory_space<hbm>>
      %dma_start3A_582 = arith.constant 0 : i32
      %dma_start3A_583 = tpu.memref_slice %arg7[%shift_right_arithmetic3A_573, %and3A_575, %dma_start3A_582] : memref<32x8x16xf32, #tpu.memory_space<vmem>> -> memref<1x1x16xf32, #tpu.memory_space<vmem>>
      %dma_start3A_584 = tpu.memref_squeeze %dma_start3A_583 : memref<1x1x16xf32, #tpu.memory_space<vmem>> -> memref<16xf32, #tpu.memory_space<vmem>>
      %dma_start3A_585 = arith.constant 0 : i32
      %dma_start3A_586 = tpu.memref_slice %arg2[%shift_right_arithmetic3A_565, %and3A_567, %dma_start3A_585] : memref<125000x8x16xf32, #tpu.memory_space<hbm>> -> memref<1x1x16xf32, #tpu.memory_space<hbm>>
      %dma_start3A_587 = tpu.memref_squeeze %dma_start3A_586 : memref<1x1x16xf32, #tpu.memory_space<hbm>> -> memref<16xf32, #tpu.memory_space<hbm>>
      tpu.enqueue_dma source(%dma_start3A_587 : memref<16xf32, #tpu.memory_space<hbm>>) target(%dma_start3A_584 : memref<16xf32, #tpu.memory_space<vmem>>) target_semaphore(%arg10 : memref<!tpu.dma_semaphore, #tpu.memory_space<semaphore_mem>>)
      %shift_right_arithmetic3A_588 = arith.constant 3 : i32
      %shift_right_arithmetic3A_589 = arith.shrsi %add3A_571, %shift_right_arithmetic3A_588 : i32
      %and3A_590 = arith.constant 7 : i32
      %and3A_591 = arith.andi %add3A_571, %and3A_590 : i32
      %dma_start3A_592 = arith.constant 0 : i32
      %dma_start3A_593 = tpu.memref_slice %arg8[%shift_right_arithmetic3A_589, %and3A_591, %dma_start3A_592] : memref<32x8x16xf32, #tpu.memory_space<vmem>> -> memref<1x1x16xf32, #tpu.memory_space<vmem>>
      %dma_start3A_594 = tpu.memref_squeeze %dma_start3A_593 : memref<1x1x16xf32, #tpu.memory_space<vmem>> -> memref<16xf32, #tpu.memory_space<vmem>>
      %dma_start3A_595 = arith.constant 0 : i32
      %dma_start3A_596 = tpu.memref_slice %arg3[%shift_right_arithmetic3A_565, %and3A_567, %dma_start3A_595] : memref<125000x8x16xf32, #tpu.memory_space<hbm>> -> memref<1x1x16xf32, #tpu.memory_space<hbm>>
      %dma_start3A_597 = tpu.memref_squeeze %dma_start3A_596 : memref<1x1x16xf32, #tpu.memory_space<hbm>> -> memref<16xf32, #tpu.memory_space<hbm>>
      %dma_start3A_598 = arith.constant 0 : i32
      %dma_start3A_599 = tpu.memref_slice %arg8[%shift_right_arithmetic3A_589, %and3A_591, %dma_start3A_598] : memref<32x8x16xf32, #tpu.memory_space<vmem>> -> memref<1x1x16xf32, #tpu.memory_space<vmem>>
      %dma_start3A_600 = tpu.memref_squeeze %dma_start3A_599 : memref<1x1x16xf32, #tpu.memory_space<vmem>> -> memref<16xf32, #tpu.memory_space<vmem>>
      %dma_start3A_601 = arith.constant 0 : i32
      %dma_start3A_602 = tpu.memref_slice %arg3[%shift_right_arithmetic3A_565, %and3A_567, %dma_start3A_601] : memref<125000x8x16xf32, #tpu.memory_space<hbm>> -> memref<1x1x16xf32, #tpu.memory_space<hbm>>
      %dma_start3A_603 = tpu.memref_squeeze %dma_start3A_602 : memref<1x1x16xf32, #tpu.memory_space<hbm>> -> memref<16xf32, #tpu.memory_space<hbm>>
      tpu.enqueue_dma source(%dma_start3A_603 : memref<16xf32, #tpu.memory_space<hbm>>) target(%dma_start3A_600 : memref<16xf32, #tpu.memory_space<vmem>>) target_semaphore(%arg10 : memref<!tpu.dma_semaphore, #tpu.memory_space<semaphore_mem>>)
      %slice3A_604 = vector.extract_strided_slice %get3A_62 {offsets = [13], sizes = [1], strides = [1]} : vector<16xi32> to vector<1xi32>
      %squeeze3A_605 = vector.extract %slice3A_604[0] : i32 from vector<1xi32>
      %shift_right_arithmetic3A_606 = arith.constant 3 : i32
      %shift_right_arithmetic3A_607 = arith.shrsi %squeeze3A_605, %shift_right_arithmetic3A_606 : i32
      %and3A_608 = arith.constant 7 : i32
      %and3A_609 = arith.andi %squeeze3A_605, %and3A_608 : i32
      %mul3A_610 = arith.constant 16 : i32
      %mul3A_611 = arith.muli %scan3A_57, %mul3A_610 : i32
      %add3A_612 = arith.constant 13 : i32
      %add3A_613 = arith.addi %mul3A_611, %add3A_612 : i32
      %shift_right_arithmetic3A_614 = arith.constant 3 : i32
      %shift_right_arithmetic3A_615 = arith.shrsi %add3A_613, %shift_right_arithmetic3A_614 : i32
      %and3A_616 = arith.constant 7 : i32
      %and3A_617 = arith.andi %add3A_613, %and3A_616 : i32
      %dma_start3A_618 = arith.constant 0 : i32
      %dma_start3A_619 = tpu.memref_slice %arg7[%shift_right_arithmetic3A_615, %and3A_617, %dma_start3A_618] : memref<32x8x16xf32, #tpu.memory_space<vmem>> -> memref<1x1x16xf32, #tpu.memory_space<vmem>>
      %dma_start3A_620 = tpu.memref_squeeze %dma_start3A_619 : memref<1x1x16xf32, #tpu.memory_space<vmem>> -> memref<16xf32, #tpu.memory_space<vmem>>
      %dma_start3A_621 = arith.constant 0 : i32
      %dma_start3A_622 = tpu.memref_slice %arg2[%shift_right_arithmetic3A_607, %and3A_609, %dma_start3A_621] : memref<125000x8x16xf32, #tpu.memory_space<hbm>> -> memref<1x1x16xf32, #tpu.memory_space<hbm>>
      %dma_start3A_623 = tpu.memref_squeeze %dma_start3A_622 : memref<1x1x16xf32, #tpu.memory_space<hbm>> -> memref<16xf32, #tpu.memory_space<hbm>>
      %dma_start3A_624 = arith.constant 0 : i32
      %dma_start3A_625 = tpu.memref_slice %arg7[%shift_right_arithmetic3A_615, %and3A_617, %dma_start3A_624] : memref<32x8x16xf32, #tpu.memory_space<vmem>> -> memref<1x1x16xf32, #tpu.memory_space<vmem>>
      %dma_start3A_626 = tpu.memref_squeeze %dma_start3A_625 : memref<1x1x16xf32, #tpu.memory_space<vmem>> -> memref<16xf32, #tpu.memory_space<vmem>>
      %dma_start3A_627 = arith.constant 0 : i32
      %dma_start3A_628 = tpu.memref_slice %arg2[%shift_right_arithmetic3A_607, %and3A_609, %dma_start3A_627] : memref<125000x8x16xf32, #tpu.memory_space<hbm>> -> memref<1x1x16xf32, #tpu.memory_space<hbm>>
      %dma_start3A_629 = tpu.memref_squeeze %dma_start3A_628 : memref<1x1x16xf32, #tpu.memory_space<hbm>> -> memref<16xf32, #tpu.memory_space<hbm>>
      tpu.enqueue_dma source(%dma_start3A_629 : memref<16xf32, #tpu.memory_space<hbm>>) target(%dma_start3A_626 : memref<16xf32, #tpu.memory_space<vmem>>) target_semaphore(%arg10 : memref<!tpu.dma_semaphore, #tpu.memory_space<semaphore_mem>>)
      %shift_right_arithmetic3A_630 = arith.constant 3 : i32
      %shift_right_arithmetic3A_631 = arith.shrsi %add3A_613, %shift_right_arithmetic3A_630 : i32
      %and3A_632 = arith.constant 7 : i32
      %and3A_633 = arith.andi %add3A_613, %and3A_632 : i32
      %dma_start3A_634 = arith.constant 0 : i32
      %dma_start3A_635 = tpu.memref_slice %arg8[%shift_right_arithmetic3A_631, %and3A_633, %dma_start3A_634] : memref<32x8x16xf32, #tpu.memory_space<vmem>> -> memref<1x1x16xf32, #tpu.memory_space<vmem>>
      %dma_start3A_636 = tpu.memref_squeeze %dma_start3A_635 : memref<1x1x16xf32, #tpu.memory_space<vmem>> -> memref<16xf32, #tpu.memory_space<vmem>>
      %dma_start3A_637 = arith.constant 0 : i32
      %dma_start3A_638 = tpu.memref_slice %arg3[%shift_right_arithmetic3A_607, %and3A_609, %dma_start3A_637] : memref<125000x8x16xf32, #tpu.memory_space<hbm>> -> memref<1x1x16xf32, #tpu.memory_space<hbm>>
      %dma_start3A_639 = tpu.memref_squeeze %dma_start3A_638 : memref<1x1x16xf32, #tpu.memory_space<hbm>> -> memref<16xf32, #tpu.memory_space<hbm>>
      %dma_start3A_640 = arith.constant 0 : i32
      %dma_start3A_641 = tpu.memref_slice %arg8[%shift_right_arithmetic3A_631, %and3A_633, %dma_start3A_640] : memref<32x8x16xf32, #tpu.memory_space<vmem>> -> memref<1x1x16xf32, #tpu.memory_space<vmem>>
      %dma_start3A_642 = tpu.memref_squeeze %dma_start3A_641 : memref<1x1x16xf32, #tpu.memory_space<vmem>> -> memref<16xf32, #tpu.memory_space<vmem>>
      %dma_start3A_643 = arith.constant 0 : i32
      %dma_start3A_644 = tpu.memref_slice %arg3[%shift_right_arithmetic3A_607, %and3A_609, %dma_start3A_643] : memref<125000x8x16xf32, #tpu.memory_space<hbm>> -> memref<1x1x16xf32, #tpu.memory_space<hbm>>
      %dma_start3A_645 = tpu.memref_squeeze %dma_start3A_644 : memref<1x1x16xf32, #tpu.memory_space<hbm>> -> memref<16xf32, #tpu.memory_space<hbm>>
      tpu.enqueue_dma source(%dma_start3A_645 : memref<16xf32, #tpu.memory_space<hbm>>) target(%dma_start3A_642 : memref<16xf32, #tpu.memory_space<vmem>>) target_semaphore(%arg10 : memref<!tpu.dma_semaphore, #tpu.memory_space<semaphore_mem>>)
      %slice3A_646 = vector.extract_strided_slice %get3A_62 {offsets = [14], sizes = [1], strides = [1]} : vector<16xi32> to vector<1xi32>
      %squeeze3A_647 = vector.extract %slice3A_646[0] : i32 from vector<1xi32>
      %shift_right_arithmetic3A_648 = arith.constant 3 : i32
      %shift_right_arithmetic3A_649 = arith.shrsi %squeeze3A_647, %shift_right_arithmetic3A_648 : i32
      %and3A_650 = arith.constant 7 : i32
      %and3A_651 = arith.andi %squeeze3A_647, %and3A_650 : i32
      %mul3A_652 = arith.constant 16 : i32
      %mul3A_653 = arith.muli %scan3A_57, %mul3A_652 : i32
      %add3A_654 = arith.constant 14 : i32
      %add3A_655 = arith.addi %mul3A_653, %add3A_654 : i32
      %shift_right_arithmetic3A_656 = arith.constant 3 : i32
      %shift_right_arithmetic3A_657 = arith.shrsi %add3A_655, %shift_right_arithmetic3A_656 : i32
      %and3A_658 = arith.constant 7 : i32
      %and3A_659 = arith.andi %add3A_655, %and3A_658 : i32
      %dma_start3A_660 = arith.constant 0 : i32
      %dma_start3A_661 = tpu.memref_slice %arg7[%shift_right_arithmetic3A_657, %and3A_659, %dma_start3A_660] : memref<32x8x16xf32, #tpu.memory_space<vmem>> -> memref<1x1x16xf32, #tpu.memory_space<vmem>>
      %dma_start3A_662 = tpu.memref_squeeze %dma_start3A_661 : memref<1x1x16xf32, #tpu.memory_space<vmem>> -> memref<16xf32, #tpu.memory_space<vmem>>
      %dma_start3A_663 = arith.constant 0 : i32
      %dma_start3A_664 = tpu.memref_slice %arg2[%shift_right_arithmetic3A_649, %and3A_651, %dma_start3A_663] : memref<125000x8x16xf32, #tpu.memory_space<hbm>> -> memref<1x1x16xf32, #tpu.memory_space<hbm>>
      %dma_start3A_665 = tpu.memref_squeeze %dma_start3A_664 : memref<1x1x16xf32, #tpu.memory_space<hbm>> -> memref<16xf32, #tpu.memory_space<hbm>>
      %dma_start3A_666 = arith.constant 0 : i32
      %dma_start3A_667 = tpu.memref_slice %arg7[%shift_right_arithmetic3A_657, %and3A_659, %dma_start3A_666] : memref<32x8x16xf32, #tpu.memory_space<vmem>> -> memref<1x1x16xf32, #tpu.memory_space<vmem>>
      %dma_start3A_668 = tpu.memref_squeeze %dma_start3A_667 : memref<1x1x16xf32, #tpu.memory_space<vmem>> -> memref<16xf32, #tpu.memory_space<vmem>>
      %dma_start3A_669 = arith.constant 0 : i32
      %dma_start3A_670 = tpu.memref_slice %arg2[%shift_right_arithmetic3A_649, %and3A_651, %dma_start3A_669] : memref<125000x8x16xf32, #tpu.memory_space<hbm>> -> memref<1x1x16xf32, #tpu.memory_space<hbm>>
      %dma_start3A_671 = tpu.memref_squeeze %dma_start3A_670 : memref<1x1x16xf32, #tpu.memory_space<hbm>> -> memref<16xf32, #tpu.memory_space<hbm>>
      tpu.enqueue_dma source(%dma_start3A_671 : memref<16xf32, #tpu.memory_space<hbm>>) target(%dma_start3A_668 : memref<16xf32, #tpu.memory_space<vmem>>) target_semaphore(%arg10 : memref<!tpu.dma_semaphore, #tpu.memory_space<semaphore_mem>>)
      %shift_right_arithmetic3A_672 = arith.constant 3 : i32
      %shift_right_arithmetic3A_673 = arith.shrsi %add3A_655, %shift_right_arithmetic3A_672 : i32
      %and3A_674 = arith.constant 7 : i32
      %and3A_675 = arith.andi %add3A_655, %and3A_674 : i32
      %dma_start3A_676 = arith.constant 0 : i32
      %dma_start3A_677 = tpu.memref_slice %arg8[%shift_right_arithmetic3A_673, %and3A_675, %dma_start3A_676] : memref<32x8x16xf32, #tpu.memory_space<vmem>> -> memref<1x1x16xf32, #tpu.memory_space<vmem>>
      %dma_start3A_678 = tpu.memref_squeeze %dma_start3A_677 : memref<1x1x16xf32, #tpu.memory_space<vmem>> -> memref<16xf32, #tpu.memory_space<vmem>>
      %dma_start3A_679 = arith.constant 0 : i32
      %dma_start3A_680 = tpu.memref_slice %arg3[%shift_right_arithmetic3A_649, %and3A_651, %dma_start3A_679] : memref<125000x8x16xf32, #tpu.memory_space<hbm>> -> memref<1x1x16xf32, #tpu.memory_space<hbm>>
      %dma_start3A_681 = tpu.memref_squeeze %dma_start3A_680 : memref<1x1x16xf32, #tpu.memory_space<hbm>> -> memref<16xf32, #tpu.memory_space<hbm>>
      %dma_start3A_682 = arith.constant 0 : i32
      %dma_start3A_683 = tpu.memref_slice %arg8[%shift_right_arithmetic3A_673, %and3A_675, %dma_start3A_682] : memref<32x8x16xf32, #tpu.memory_space<vmem>> -> memref<1x1x16xf32, #tpu.memory_space<vmem>>
      %dma_start3A_684 = tpu.memref_squeeze %dma_start3A_683 : memref<1x1x16xf32, #tpu.memory_space<vmem>> -> memref<16xf32, #tpu.memory_space<vmem>>
      %dma_start3A_685 = arith.constant 0 : i32
      %dma_start3A_686 = tpu.memref_slice %arg3[%shift_right_arithmetic3A_649, %and3A_651, %dma_start3A_685] : memref<125000x8x16xf32, #tpu.memory_space<hbm>> -> memref<1x1x16xf32, #tpu.memory_space<hbm>>
      %dma_start3A_687 = tpu.memref_squeeze %dma_start3A_686 : memref<1x1x16xf32, #tpu.memory_space<hbm>> -> memref<16xf32, #tpu.memory_space<hbm>>
      tpu.enqueue_dma source(%dma_start3A_687 : memref<16xf32, #tpu.memory_space<hbm>>) target(%dma_start3A_684 : memref<16xf32, #tpu.memory_space<vmem>>) target_semaphore(%arg10 : memref<!tpu.dma_semaphore, #tpu.memory_space<semaphore_mem>>)
      %slice3A_688 = vector.extract_strided_slice %get3A_62 {offsets = [15], sizes = [1], strides = [1]} : vector<16xi32> to vector<1xi32>
      %squeeze3A_689 = vector.extract %slice3A_688[0] : i32 from vector<1xi32>
      %shift_right_arithmetic3A_690 = arith.constant 3 : i32
      %shift_right_arithmetic3A_691 = arith.shrsi %squeeze3A_689, %shift_right_arithmetic3A_690 : i32
      %and3A_692 = arith.constant 7 : i32
      %and3A_693 = arith.andi %squeeze3A_689, %and3A_692 : i32
      %mul3A_694 = arith.constant 16 : i32
      %mul3A_695 = arith.muli %scan3A_57, %mul3A_694 : i32
      %add3A_696 = arith.constant 15 : i32
      %add3A_697 = arith.addi %mul3A_695, %add3A_696 : i32
      %shift_right_arithmetic3A_698 = arith.constant 3 : i32
      %shift_right_arithmetic3A_699 = arith.shrsi %add3A_697, %shift_right_arithmetic3A_698 : i32
      %and3A_700 = arith.constant 7 : i32
      %and3A_701 = arith.andi %add3A_697, %and3A_700 : i32
      %dma_start3A_702 = arith.constant 0 : i32
      %dma_start3A_703 = tpu.memref_slice %arg7[%shift_right_arithmetic3A_699, %and3A_701, %dma_start3A_702] : memref<32x8x16xf32, #tpu.memory_space<vmem>> -> memref<1x1x16xf32, #tpu.memory_space<vmem>>
      %dma_start3A_704 = tpu.memref_squeeze %dma_start3A_703 : memref<1x1x16xf32, #tpu.memory_space<vmem>> -> memref<16xf32, #tpu.memory_space<vmem>>
      %dma_start3A_705 = arith.constant 0 : i32
      %dma_start3A_706 = tpu.memref_slice %arg2[%shift_right_arithmetic3A_691, %and3A_693, %dma_start3A_705] : memref<125000x8x16xf32, #tpu.memory_space<hbm>> -> memref<1x1x16xf32, #tpu.memory_space<hbm>>
      %dma_start3A_707 = tpu.memref_squeeze %dma_start3A_706 : memref<1x1x16xf32, #tpu.memory_space<hbm>> -> memref<16xf32, #tpu.memory_space<hbm>>
      %dma_start3A_708 = arith.constant 0 : i32
      %dma_start3A_709 = tpu.memref_slice %arg7[%shift_right_arithmetic3A_699, %and3A_701, %dma_start3A_708] : memref<32x8x16xf32, #tpu.memory_space<vmem>> -> memref<1x1x16xf32, #tpu.memory_space<vmem>>
      %dma_start3A_710 = tpu.memref_squeeze %dma_start3A_709 : memref<1x1x16xf32, #tpu.memory_space<vmem>> -> memref<16xf32, #tpu.memory_space<vmem>>
      %dma_start3A_711 = arith.constant 0 : i32
      %dma_start3A_712 = tpu.memref_slice %arg2[%shift_right_arithmetic3A_691, %and3A_693, %dma_start3A_711] : memref<125000x8x16xf32, #tpu.memory_space<hbm>> -> memref<1x1x16xf32, #tpu.memory_space<hbm>>
      %dma_start3A_713 = tpu.memref_squeeze %dma_start3A_712 : memref<1x1x16xf32, #tpu.memory_space<hbm>> -> memref<16xf32, #tpu.memory_space<hbm>>
      tpu.enqueue_dma source(%dma_start3A_713 : memref<16xf32, #tpu.memory_space<hbm>>) target(%dma_start3A_710 : memref<16xf32, #tpu.memory_space<vmem>>) target_semaphore(%arg10 : memref<!tpu.dma_semaphore, #tpu.memory_space<semaphore_mem>>)
      %shift_right_arithmetic3A_714 = arith.constant 3 : i32
      %shift_right_arithmetic3A_715 = arith.shrsi %add3A_697, %shift_right_arithmetic3A_714 : i32
      %and3A_716 = arith.constant 7 : i32
      %and3A_717 = arith.andi %add3A_697, %and3A_716 : i32
      %dma_start3A_718 = arith.constant 0 : i32
      %dma_start3A_719 = tpu.memref_slice %arg8[%shift_right_arithmetic3A_715, %and3A_717, %dma_start3A_718] : memref<32x8x16xf32, #tpu.memory_space<vmem>> -> memref<1x1x16xf32, #tpu.memory_space<vmem>>
      %dma_start3A_720 = tpu.memref_squeeze %dma_start3A_719 : memref<1x1x16xf32, #tpu.memory_space<vmem>> -> memref<16xf32, #tpu.memory_space<vmem>>
      %dma_start3A_721 = arith.constant 0 : i32
      %dma_start3A_722 = tpu.memref_slice %arg3[%shift_right_arithmetic3A_691, %and3A_693, %dma_start3A_721] : memref<125000x8x16xf32, #tpu.memory_space<hbm>> -> memref<1x1x16xf32, #tpu.memory_space<hbm>>
      %dma_start3A_723 = tpu.memref_squeeze %dma_start3A_722 : memref<1x1x16xf32, #tpu.memory_space<hbm>> -> memref<16xf32, #tpu.memory_space<hbm>>
      %dma_start3A_724 = arith.constant 0 : i32
      %dma_start3A_725 = tpu.memref_slice %arg8[%shift_right_arithmetic3A_715, %and3A_717, %dma_start3A_724] : memref<32x8x16xf32, #tpu.memory_space<vmem>> -> memref<1x1x16xf32, #tpu.memory_space<vmem>>
      %dma_start3A_726 = tpu.memref_squeeze %dma_start3A_725 : memref<1x1x16xf32, #tpu.memory_space<vmem>> -> memref<16xf32, #tpu.memory_space<vmem>>
      %dma_start3A_727 = arith.constant 0 : i32
      %dma_start3A_728 = tpu.memref_slice %arg3[%shift_right_arithmetic3A_691, %and3A_693, %dma_start3A_727] : memref<125000x8x16xf32, #tpu.memory_space<hbm>> -> memref<1x1x16xf32, #tpu.memory_space<hbm>>
      %dma_start3A_729 = tpu.memref_squeeze %dma_start3A_728 : memref<1x1x16xf32, #tpu.memory_space<hbm>> -> memref<16xf32, #tpu.memory_space<hbm>>
      tpu.enqueue_dma source(%dma_start3A_729 : memref<16xf32, #tpu.memory_space<hbm>>) target(%dma_start3A_726 : memref<16xf32, #tpu.memory_space<vmem>>) target_semaphore(%arg10 : memref<!tpu.dma_semaphore, #tpu.memory_space<semaphore_mem>>)
    }
    %scan3A_34 = arith.constant 16 : i32
    %dma_wait3A_35 = arith.constant 0 : i32
    %dma_wait3A_36 = arith.constant 0 : i32
    %dma_wait3A_37 = arith.constant 0 : i32
    %dma_wait3A_38 = tpu.memref_slice %arg2[%dma_wait3A_35, %dma_wait3A_36, %dma_wait3A_37] : memref<125000x8x16xf32, #tpu.memory_space<hbm>> -> memref<32x8x16xf32, #tpu.memory_space<hbm>>
    %dma_wait3A_39 = arith.constant 0 : i32
    %dma_wait3A_40 = arith.constant 0 : i32
    %dma_wait3A_41 = arith.constant 0 : i32
    %dma_wait3A_42 = tpu.memref_slice %arg2[%dma_wait3A_39, %dma_wait3A_40, %dma_wait3A_41] : memref<125000x8x16xf32, #tpu.memory_space<hbm>> -> memref<32x8x16xf32, #tpu.memory_space<hbm>>
    tpu.wait_dma2 semaphore(%arg10 : memref<!tpu.dma_semaphore, #tpu.memory_space<semaphore_mem>>) src(%dma_wait3A_42 : memref<32x8x16xf32, #tpu.memory_space<hbm>>) dst(%arg7 : memref<32x8x16xf32, #tpu.memory_space<vmem>>)
    %dma_wait3A_43 = arith.constant 0 : i32
    %dma_wait3A_44 = arith.constant 0 : i32
    %dma_wait3A_45 = arith.constant 0 : i32
    %dma_wait3A_46 = tpu.memref_slice %arg3[%dma_wait3A_43, %dma_wait3A_44, %dma_wait3A_45] : memref<125000x8x16xf32, #tpu.memory_space<hbm>> -> memref<32x8x16xf32, #tpu.memory_space<hbm>>
    %dma_wait3A_47 = arith.constant 0 : i32
    %dma_wait3A_48 = arith.constant 0 : i32
    %dma_wait3A_49 = arith.constant 0 : i32
    %dma_wait3A_50 = tpu.memref_slice %arg3[%dma_wait3A_47, %dma_wait3A_48, %dma_wait3A_49] : memref<125000x8x16xf32, #tpu.memory_space<hbm>> -> memref<32x8x16xf32, #tpu.memory_space<hbm>>
    tpu.wait_dma2 semaphore(%arg10 : memref<!tpu.dma_semaphore, #tpu.memory_space<semaphore_mem>>) src(%dma_wait3A_50 : memref<32x8x16xf32, #tpu.memory_space<hbm>>) dst(%arg8 : memref<32x8x16xf32, #tpu.memory_space<vmem>>)
    %scan3A_51 = arith.constant 0 : i32
    %scan3A_52 = arith.constant 0 : i32
    %scan3A_53 = arith.constant 16 : i32
    %scan3A_54 = arith.addi %scan3A_52, %scan3A_53 : i32
    %scan3A_55 = arith.constant 1 : i32
    scf.for %scan3A_57 = %scan3A_52 to %scan3A_54 step %scan3A_55  : i32 {
      %mul3A_58 = arith.constant 16 : i32
      %mul3A_59 = arith.muli %scan3A_57, %mul3A_58 : i32
      %add3A_60 = vector.broadcast %mul3A_59 : i32 to vector<16xi32>
      %add3A_61 = arith.addi %add3A_60, %iota3A : vector<16xi32>
      %broadcast_in_dim3A = arith.constant 0.000000e+00 : f32
      %broadcast_in_dim3A_62 = vector.broadcast %broadcast_in_dim3A : f32 to vector<16xf32>
      %broadcast_in_dim3A_63 = arith.constant 0.000000e+00 : f32
      %broadcast_in_dim3A_64 = vector.broadcast %broadcast_in_dim3A_63 : f32 to vector<16xf32>
      %broadcast_in_dim3A_65 = arith.constant 0.000000e+00 : f32
      %broadcast_in_dim3A_66 = vector.broadcast %broadcast_in_dim3A_65 : f32 to vector<16xf32>
      %broadcast_in_dim3A_67 = arith.constant 0 : i32
      %broadcast_in_dim3A_68 = vector.broadcast %broadcast_in_dim3A_67 : i32 to vector<16xi32>
      %shift_right_arithmetic3A = arith.constant 3 : i32
      %shift_right_arithmetic3A_69 = vector.broadcast %shift_right_arithmetic3A : i32 to vector<16xi32>
      %shift_right_arithmetic3A_70 = arith.shrsi %add3A_61, %shift_right_arithmetic3A_69 : vector<16xi32>
      %and3A = arith.constant 7 : i32
      %and3A_71 = vector.broadcast %and3A : i32 to vector<16xi32>
      %and3A_72 = arith.andi %add3A_61, %and3A_71 : vector<16xi32>
      %gather3A = tpu.vector_load_idx %arg7[%shift_right_arithmetic3A_70, %and3A_72, %broadcast_in_dim3A_68] : memref<32x8x16xf32, #tpu.memory_space<vmem>>[vector<16xi32>, vector<16xi32>, vector<16xi32>], vector<16xf32>,
      %shift_right_arithmetic3A_73 = arith.constant 3 : i32
      %shift_right_arithmetic3A_74 = vector.broadcast %shift_right_arithmetic3A_73 : i32 to vector<16xi32>
      %shift_right_arithmetic3A_75 = arith.shrsi %add3A_61, %shift_right_arithmetic3A_74 : vector<16xi32>
      %and3A_76 = arith.constant 7 : i32
      %and3A_77 = vector.broadcast %and3A_76 : i32 to vector<16xi32>
      %and3A_78 = arith.andi %add3A_61, %and3A_77 : vector<16xi32>
      %gather3A_79 = tpu.vector_load_idx %arg8[%shift_right_arithmetic3A_75, %and3A_78, %broadcast_in_dim3A_68] : memref<32x8x16xf32, #tpu.memory_space<vmem>>[vector<16xi32>, vector<16xi32>, vector<16xi32>], vector<16xf32>,
      %mul3A_80 = arith.mulf %gather3A, %gather3A_79 : vector<16xf32>
      %add3A_81 = arith.addf %broadcast_in_dim3A_62, %mul3A_80 : vector<16xf32>
      %mul3A_82 = arith.mulf %gather3A, %gather3A : vector<16xf32>
      %add3A_83 = arith.addf %broadcast_in_dim3A_64, %mul3A_82 : vector<16xf32>
      %mul3A_84 = arith.mulf %gather3A_79, %gather3A_79 : vector<16xf32>
      %add3A_85 = arith.addf %broadcast_in_dim3A_66, %mul3A_84 : vector<16xf32>
      %broadcast_in_dim3A_86 = arith.constant 1 : i32
      %broadcast_in_dim3A_87 = vector.broadcast %broadcast_in_dim3A_86 : i32 to vector<16xi32>
      %shift_right_arithmetic3A_88 = arith.constant 3 : i32
      %shift_right_arithmetic3A_89 = vector.broadcast %shift_right_arithmetic3A_88 : i32 to vector<16xi32>
      %shift_right_arithmetic3A_90 = arith.shrsi %add3A_61, %shift_right_arithmetic3A_89 : vector<16xi32>
      %and3A_91 = arith.constant 7 : i32
      %and3A_92 = vector.broadcast %and3A_91 : i32 to vector<16xi32>
      %and3A_93 = arith.andi %add3A_61, %and3A_92 : vector<16xi32>
      %gather3A_94 = tpu.vector_load_idx %arg7[%shift_right_arithmetic3A_90, %and3A_93, %broadcast_in_dim3A_87] : memref<32x8x16xf32, #tpu.memory_space<vmem>>[vector<16xi32>, vector<16xi32>, vector<16xi32>], vector<16xf32>,
      %shift_right_arithmetic3A_95 = arith.constant 3 : i32
      %shift_right_arithmetic3A_96 = vector.broadcast %shift_right_arithmetic3A_95 : i32 to vector<16xi32>
      %shift_right_arithmetic3A_97 = arith.shrsi %add3A_61, %shift_right_arithmetic3A_96 : vector<16xi32>
      %and3A_98 = arith.constant 7 : i32
      %and3A_99 = vector.broadcast %and3A_98 : i32 to vector<16xi32>
      %and3A_100 = arith.andi %add3A_61, %and3A_99 : vector<16xi32>
      %gather3A_101 = tpu.vector_load_idx %arg8[%shift_right_arithmetic3A_97, %and3A_100, %broadcast_in_dim3A_87] : memref<32x8x16xf32, #tpu.memory_space<vmem>>[vector<16xi32>, vector<16xi32>, vector<16xi32>], vector<16xf32>,
      %mul3A_102 = arith.mulf %gather3A_94, %gather3A_101 : vector<16xf32>
      %add3A_103 = arith.addf %add3A_81, %mul3A_102 : vector<16xf32>
      %mul3A_104 = arith.mulf %gather3A_94, %gather3A_94 : vector<16xf32>
      %add3A_105 = arith.addf %add3A_83, %mul3A_104 : vector<16xf32>
      %mul3A_106 = arith.mulf %gather3A_101, %gather3A_101 : vector<16xf32>
      %add3A_107 = arith.addf %add3A_85, %mul3A_106 : vector<16xf32>
      %broadcast_in_dim3A_108 = arith.constant 2 : i32
      %broadcast_in_dim3A_109 = vector.broadcast %broadcast_in_dim3A_108 : i32 to vector<16xi32>
      %shift_right_arithmetic3A_110 = arith.constant 3 : i32
      %shift_right_arithmetic3A_111 = vector.broadcast %shift_right_arithmetic3A_110 : i32 to vector<16xi32>
      %shift_right_arithmetic3A_112 = arith.shrsi %add3A_61, %shift_right_arithmetic3A_111 : vector<16xi32>
      %and3A_113 = arith.constant 7 : i32
      %and3A_114 = vector.broadcast %and3A_113 : i32 to vector<16xi32>
      %and3A_115 = arith.andi %add3A_61, %and3A_114 : vector<16xi32>
      %gather3A_116 = tpu.vector_load_idx %arg7[%shift_right_arithmetic3A_112, %and3A_115, %broadcast_in_dim3A_109] : memref<32x8x16xf32, #tpu.memory_space<vmem>>[vector<16xi32>, vector<16xi32>, vector<16xi32>], vector<16xf32>,
      %shift_right_arithmetic3A_117 = arith.constant 3 : i32
      %shift_right_arithmetic3A_118 = vector.broadcast %shift_right_arithmetic3A_117 : i32 to vector<16xi32>
      %shift_right_arithmetic3A_119 = arith.shrsi %add3A_61, %shift_right_arithmetic3A_118 : vector<16xi32>
      %and3A_120 = arith.constant 7 : i32
      %and3A_121 = vector.broadcast %and3A_120 : i32 to vector<16xi32>
      %and3A_122 = arith.andi %add3A_61, %and3A_121 : vector<16xi32>
      %gather3A_123 = tpu.vector_load_idx %arg8[%shift_right_arithmetic3A_119, %and3A_122, %broadcast_in_dim3A_109] : memref<32x8x16xf32, #tpu.memory_space<vmem>>[vector<16xi32>, vector<16xi32>, vector<16xi32>], vector<16xf32>,
      %mul3A_124 = arith.mulf %gather3A_116, %gather3A_123 : vector<16xf32>
      %add3A_125 = arith.addf %add3A_103, %mul3A_124 : vector<16xf32>
      %mul3A_126 = arith.mulf %gather3A_116, %gather3A_116 : vector<16xf32>
      %add3A_127 = arith.addf %add3A_105, %mul3A_126 : vector<16xf32>
      %mul3A_128 = arith.mulf %gather3A_123, %gather3A_123 : vector<16xf32>
      %add3A_129 = arith.addf %add3A_107, %mul3A_128 : vector<16xf32>
      %broadcast_in_dim3A_130 = arith.constant 3 : i32
      %broadcast_in_dim3A_131 = vector.broadcast %broadcast_in_dim3A_130 : i32 to vector<16xi32>
      %shift_right_arithmetic3A_132 = arith.constant 3 : i32
      %shift_right_arithmetic3A_133 = vector.broadcast %shift_right_arithmetic3A_132 : i32 to vector<16xi32>
      %shift_right_arithmetic3A_134 = arith.shrsi %add3A_61, %shift_right_arithmetic3A_133 : vector<16xi32>
      %and3A_135 = arith.constant 7 : i32
      %and3A_136 = vector.broadcast %and3A_135 : i32 to vector<16xi32>
      %and3A_137 = arith.andi %add3A_61, %and3A_136 : vector<16xi32>
      %gather3A_138 = tpu.vector_load_idx %arg7[%shift_right_arithmetic3A_134, %and3A_137, %broadcast_in_dim3A_131] : memref<32x8x16xf32, #tpu.memory_space<vmem>>[vector<16xi32>, vector<16xi32>, vector<16xi32>], vector<16xf32>,
      %shift_right_arithmetic3A_139 = arith.constant 3 : i32
      %shift_right_arithmetic3A_140 = vector.broadcast %shift_right_arithmetic3A_139 : i32 to vector<16xi32>
      %shift_right_arithmetic3A_141 = arith.shrsi %add3A_61, %shift_right_arithmetic3A_140 : vector<16xi32>
      %and3A_142 = arith.constant 7 : i32
      %and3A_143 = vector.broadcast %and3A_142 : i32 to vector<16xi32>
      %and3A_144 = arith.andi %add3A_61, %and3A_143 : vector<16xi32>
      %gather3A_145 = tpu.vector_load_idx %arg8[%shift_right_arithmetic3A_141, %and3A_144, %broadcast_in_dim3A_131] : memref<32x8x16xf32, #tpu.memory_space<vmem>>[vector<16xi32>, vector<16xi32>, vector<16xi32>], vector<16xf32>,
      %mul3A_146 = arith.mulf %gather3A_138, %gather3A_145 : vector<16xf32>
      %add3A_147 = arith.addf %add3A_125, %mul3A_146 : vector<16xf32>
      %mul3A_148 = arith.mulf %gather3A_138, %gather3A_138 : vector<16xf32>
      %add3A_149 = arith.addf %add3A_127, %mul3A_148 : vector<16xf32>
      %mul3A_150 = arith.mulf %gather3A_145, %gather3A_145 : vector<16xf32>
      %add3A_151 = arith.addf %add3A_129, %mul3A_150 : vector<16xf32>
      %broadcast_in_dim3A_152 = arith.constant 4 : i32
      %broadcast_in_dim3A_153 = vector.broadcast %broadcast_in_dim3A_152 : i32 to vector<16xi32>
      %shift_right_arithmetic3A_154 = arith.constant 3 : i32
      %shift_right_arithmetic3A_155 = vector.broadcast %shift_right_arithmetic3A_154 : i32 to vector<16xi32>
      %shift_right_arithmetic3A_156 = arith.shrsi %add3A_61, %shift_right_arithmetic3A_155 : vector<16xi32>
      %and3A_157 = arith.constant 7 : i32
      %and3A_158 = vector.broadcast %and3A_157 : i32 to vector<16xi32>
      %and3A_159 = arith.andi %add3A_61, %and3A_158 : vector<16xi32>
      %gather3A_160 = tpu.vector_load_idx %arg7[%shift_right_arithmetic3A_156, %and3A_159, %broadcast_in_dim3A_153] : memref<32x8x16xf32, #tpu.memory_space<vmem>>[vector<16xi32>, vector<16xi32>, vector<16xi32>], vector<16xf32>,
      %shift_right_arithmetic3A_161 = arith.constant 3 : i32
      %shift_right_arithmetic3A_162 = vector.broadcast %shift_right_arithmetic3A_161 : i32 to vector<16xi32>
      %shift_right_arithmetic3A_163 = arith.shrsi %add3A_61, %shift_right_arithmetic3A_162 : vector<16xi32>
      %and3A_164 = arith.constant 7 : i32
      %and3A_165 = vector.broadcast %and3A_164 : i32 to vector<16xi32>
      %and3A_166 = arith.andi %add3A_61, %and3A_165 : vector<16xi32>
      %gather3A_167 = tpu.vector_load_idx %arg8[%shift_right_arithmetic3A_163, %and3A_166, %broadcast_in_dim3A_153] : memref<32x8x16xf32, #tpu.memory_space<vmem>>[vector<16xi32>, vector<16xi32>, vector<16xi32>], vector<16xf32>,
      %mul3A_168 = arith.mulf %gather3A_160, %gather3A_167 : vector<16xf32>
      %add3A_169 = arith.addf %add3A_147, %mul3A_168 : vector<16xf32>
      %mul3A_170 = arith.mulf %gather3A_160, %gather3A_160 : vector<16xf32>
      %add3A_171 = arith.addf %add3A_149, %mul3A_170 : vector<16xf32>
      %mul3A_172 = arith.mulf %gather3A_167, %gather3A_167 : vector<16xf32>
      %add3A_173 = arith.addf %add3A_151, %mul3A_172 : vector<16xf32>
      %broadcast_in_dim3A_174 = arith.constant 5 : i32
      %broadcast_in_dim3A_175 = vector.broadcast %broadcast_in_dim3A_174 : i32 to vector<16xi32>
      %shift_right_arithmetic3A_176 = arith.constant 3 : i32
      %shift_right_arithmetic3A_177 = vector.broadcast %shift_right_arithmetic3A_176 : i32 to vector<16xi32>
      %shift_right_arithmetic3A_178 = arith.shrsi %add3A_61, %shift_right_arithmetic3A_177 : vector<16xi32>
      %and3A_179 = arith.constant 7 : i32
      %and3A_180 = vector.broadcast %and3A_179 : i32 to vector<16xi32>
      %and3A_181 = arith.andi %add3A_61, %and3A_180 : vector<16xi32>
      %gather3A_182 = tpu.vector_load_idx %arg7[%shift_right_arithmetic3A_178, %and3A_181, %broadcast_in_dim3A_175] : memref<32x8x16xf32, #tpu.memory_space<vmem>>[vector<16xi32>, vector<16xi32>, vector<16xi32>], vector<16xf32>,
      %shift_right_arithmetic3A_183 = arith.constant 3 : i32
      %shift_right_arithmetic3A_184 = vector.broadcast %shift_right_arithmetic3A_183 : i32 to vector<16xi32>
      %shift_right_arithmetic3A_185 = arith.shrsi %add3A_61, %shift_right_arithmetic3A_184 : vector<16xi32>
      %and3A_186 = arith.constant 7 : i32
      %and3A_187 = vector.broadcast %and3A_186 : i32 to vector<16xi32>
      %and3A_188 = arith.andi %add3A_61, %and3A_187 : vector<16xi32>
      %gather3A_189 = tpu.vector_load_idx %arg8[%shift_right_arithmetic3A_185, %and3A_188, %broadcast_in_dim3A_175] : memref<32x8x16xf32, #tpu.memory_space<vmem>>[vector<16xi32>, vector<16xi32>, vector<16xi32>], vector<16xf32>,
      %mul3A_190 = arith.mulf %gather3A_182, %gather3A_189 : vector<16xf32>
      %add3A_191 = arith.addf %add3A_169, %mul3A_190 : vector<16xf32>
      %mul3A_192 = arith.mulf %gather3A_182, %gather3A_182 : vector<16xf32>
      %add3A_193 = arith.addf %add3A_171, %mul3A_192 : vector<16xf32>
      %mul3A_194 = arith.mulf %gather3A_189, %gather3A_189 : vector<16xf32>
      %add3A_195 = arith.addf %add3A_173, %mul3A_194 : vector<16xf32>
      %broadcast_in_dim3A_196 = arith.constant 6 : i32
      %broadcast_in_dim3A_197 = vector.broadcast %broadcast_in_dim3A_196 : i32 to vector<16xi32>
      %shift_right_arithmetic3A_198 = arith.constant 3 : i32
      %shift_right_arithmetic3A_199 = vector.broadcast %shift_right_arithmetic3A_198 : i32 to vector<16xi32>
      %shift_right_arithmetic3A_200 = arith.shrsi %add3A_61, %shift_right_arithmetic3A_199 : vector<16xi32>
      %and3A_201 = arith.constant 7 : i32
      %and3A_202 = vector.broadcast %and3A_201 : i32 to vector<16xi32>
      %and3A_203 = arith.andi %add3A_61, %and3A_202 : vector<16xi32>
      %gather3A_204 = tpu.vector_load_idx %arg7[%shift_right_arithmetic3A_200, %and3A_203, %broadcast_in_dim3A_197] : memref<32x8x16xf32, #tpu.memory_space<vmem>>[vector<16xi32>, vector<16xi32>, vector<16xi32>], vector<16xf32>,
      %shift_right_arithmetic3A_205 = arith.constant 3 : i32
      %shift_right_arithmetic3A_206 = vector.broadcast %shift_right_arithmetic3A_205 : i32 to vector<16xi32>
      %shift_right_arithmetic3A_207 = arith.shrsi %add3A_61, %shift_right_arithmetic3A_206 : vector<16xi32>
      %and3A_208 = arith.constant 7 : i32
      %and3A_209 = vector.broadcast %and3A_208 : i32 to vector<16xi32>
      %and3A_210 = arith.andi %add3A_61, %and3A_209 : vector<16xi32>
      %gather3A_211 = tpu.vector_load_idx %arg8[%shift_right_arithmetic3A_207, %and3A_210, %broadcast_in_dim3A_197] : memref<32x8x16xf32, #tpu.memory_space<vmem>>[vector<16xi32>, vector<16xi32>, vector<16xi32>], vector<16xf32>,
      %mul3A_212 = arith.mulf %gather3A_204, %gather3A_211 : vector<16xf32>
      %add3A_213 = arith.addf %add3A_191, %mul3A_212 : vector<16xf32>
      %mul3A_214 = arith.mulf %gather3A_204, %gather3A_204 : vector<16xf32>
      %add3A_215 = arith.addf %add3A_193, %mul3A_214 : vector<16xf32>
      %mul3A_216 = arith.mulf %gather3A_211, %gather3A_211 : vector<16xf32>
      %add3A_217 = arith.addf %add3A_195, %mul3A_216 : vector<16xf32>
      %broadcast_in_dim3A_218 = arith.constant 7 : i32
      %broadcast_in_dim3A_219 = vector.broadcast %broadcast_in_dim3A_218 : i32 to vector<16xi32>
      %shift_right_arithmetic3A_220 = arith.constant 3 : i32
      %shift_right_arithmetic3A_221 = vector.broadcast %shift_right_arithmetic3A_220 : i32 to vector<16xi32>
      %shift_right_arithmetic3A_222 = arith.shrsi %add3A_61, %shift_right_arithmetic3A_221 : vector<16xi32>
      %and3A_223 = arith.constant 7 : i32
      %and3A_224 = vector.broadcast %and3A_223 : i32 to vector<16xi32>
      %and3A_225 = arith.andi %add3A_61, %and3A_224 : vector<16xi32>
      %gather3A_226 = tpu.vector_load_idx %arg7[%shift_right_arithmetic3A_222, %and3A_225, %broadcast_in_dim3A_219] : memref<32x8x16xf32, #tpu.memory_space<vmem>>[vector<16xi32>, vector<16xi32>, vector<16xi32>], vector<16xf32>,
      %shift_right_arithmetic3A_227 = arith.constant 3 : i32
      %shift_right_arithmetic3A_228 = vector.broadcast %shift_right_arithmetic3A_227 : i32 to vector<16xi32>
      %shift_right_arithmetic3A_229 = arith.shrsi %add3A_61, %shift_right_arithmetic3A_228 : vector<16xi32>
      %and3A_230 = arith.constant 7 : i32
      %and3A_231 = vector.broadcast %and3A_230 : i32 to vector<16xi32>
      %and3A_232 = arith.andi %add3A_61, %and3A_231 : vector<16xi32>
      %gather3A_233 = tpu.vector_load_idx %arg8[%shift_right_arithmetic3A_229, %and3A_232, %broadcast_in_dim3A_219] : memref<32x8x16xf32, #tpu.memory_space<vmem>>[vector<16xi32>, vector<16xi32>, vector<16xi32>], vector<16xf32>,
      %mul3A_234 = arith.mulf %gather3A_226, %gather3A_233 : vector<16xf32>
      %add3A_235 = arith.addf %add3A_213, %mul3A_234 : vector<16xf32>
      %mul3A_236 = arith.mulf %gather3A_226, %gather3A_226 : vector<16xf32>
      %add3A_237 = arith.addf %add3A_215, %mul3A_236 : vector<16xf32>
      %mul3A_238 = arith.mulf %gather3A_233, %gather3A_233 : vector<16xf32>
      %add3A_239 = arith.addf %add3A_217, %mul3A_238 : vector<16xf32>
      %broadcast_in_dim3A_240 = arith.constant 8 : i32
      %broadcast_in_dim3A_241 = vector.broadcast %broadcast_in_dim3A_240 : i32 to vector<16xi32>
      %shift_right_arithmetic3A_242 = arith.constant 3 : i32
      %shift_right_arithmetic3A_243 = vector.broadcast %shift_right_arithmetic3A_242 : i32 to vector<16xi32>
      %shift_right_arithmetic3A_244 = arith.shrsi %add3A_61, %shift_right_arithmetic3A_243 : vector<16xi32>
      %and3A_245 = arith.constant 7 : i32
      %and3A_246 = vector.broadcast %and3A_245 : i32 to vector<16xi32>
      %and3A_247 = arith.andi %add3A_61, %and3A_246 : vector<16xi32>
      %gather3A_248 = tpu.vector_load_idx %arg7[%shift_right_arithmetic3A_244, %and3A_247, %broadcast_in_dim3A_241] : memref<32x8x16xf32, #tpu.memory_space<vmem>>[vector<16xi32>, vector<16xi32>, vector<16xi32>], vector<16xf32>,
      %shift_right_arithmetic3A_249 = arith.constant 3 : i32
      %shift_right_arithmetic3A_250 = vector.broadcast %shift_right_arithmetic3A_249 : i32 to vector<16xi32>
      %shift_right_arithmetic3A_251 = arith.shrsi %add3A_61, %shift_right_arithmetic3A_250 : vector<16xi32>
      %and3A_252 = arith.constant 7 : i32
      %and3A_253 = vector.broadcast %and3A_252 : i32 to vector<16xi32>
      %and3A_254 = arith.andi %add3A_61, %and3A_253 : vector<16xi32>
      %gather3A_255 = tpu.vector_load_idx %arg8[%shift_right_arithmetic3A_251, %and3A_254, %broadcast_in_dim3A_241] : memref<32x8x16xf32, #tpu.memory_space<vmem>>[vector<16xi32>, vector<16xi32>, vector<16xi32>], vector<16xf32>,
      %mul3A_256 = arith.mulf %gather3A_248, %gather3A_255 : vector<16xf32>
      %add3A_257 = arith.addf %add3A_235, %mul3A_256 : vector<16xf32>
      %mul3A_258 = arith.mulf %gather3A_248, %gather3A_248 : vector<16xf32>
      %add3A_259 = arith.addf %add3A_237, %mul3A_258 : vector<16xf32>
      %mul3A_260 = arith.mulf %gather3A_255, %gather3A_255 : vector<16xf32>
      %add3A_261 = arith.addf %add3A_239, %mul3A_260 : vector<16xf32>
      %broadcast_in_dim3A_262 = arith.constant 9 : i32
      %broadcast_in_dim3A_263 = vector.broadcast %broadcast_in_dim3A_262 : i32 to vector<16xi32>
      %shift_right_arithmetic3A_264 = arith.constant 3 : i32
      %shift_right_arithmetic3A_265 = vector.broadcast %shift_right_arithmetic3A_264 : i32 to vector<16xi32>
      %shift_right_arithmetic3A_266 = arith.shrsi %add3A_61, %shift_right_arithmetic3A_265 : vector<16xi32>
      %and3A_267 = arith.constant 7 : i32
      %and3A_268 = vector.broadcast %and3A_267 : i32 to vector<16xi32>
      %and3A_269 = arith.andi %add3A_61, %and3A_268 : vector<16xi32>
      %gather3A_270 = tpu.vector_load_idx %arg7[%shift_right_arithmetic3A_266, %and3A_269, %broadcast_in_dim3A_263] : memref<32x8x16xf32, #tpu.memory_space<vmem>>[vector<16xi32>, vector<16xi32>, vector<16xi32>], vector<16xf32>,
      %shift_right_arithmetic3A_271 = arith.constant 3 : i32
      %shift_right_arithmetic3A_272 = vector.broadcast %shift_right_arithmetic3A_271 : i32 to vector<16xi32>
      %shift_right_arithmetic3A_273 = arith.shrsi %add3A_61, %shift_right_arithmetic3A_272 : vector<16xi32>
      %and3A_274 = arith.constant 7 : i32
      %and3A_275 = vector.broadcast %and3A_274 : i32 to vector<16xi32>
      %and3A_276 = arith.andi %add3A_61, %and3A_275 : vector<16xi32>
      %gather3A_277 = tpu.vector_load_idx %arg8[%shift_right_arithmetic3A_273, %and3A_276, %broadcast_in_dim3A_263] : memref<32x8x16xf32, #tpu.memory_space<vmem>>[vector<16xi32>, vector<16xi32>, vector<16xi32>], vector<16xf32>,
      %mul3A_278 = arith.mulf %gather3A_270, %gather3A_277 : vector<16xf32>
      %add3A_279 = arith.addf %add3A_257, %mul3A_278 : vector<16xf32>
      %mul3A_280 = arith.mulf %gather3A_270, %gather3A_270 : vector<16xf32>
      %add3A_281 = arith.addf %add3A_259, %mul3A_280 : vector<16xf32>
      %mul3A_282 = arith.mulf %gather3A_277, %gather3A_277 : vector<16xf32>
      %add3A_283 = arith.addf %add3A_261, %mul3A_282 : vector<16xf32>
      %broadcast_in_dim3A_284 = arith.constant 10 : i32
      %broadcast_in_dim3A_285 = vector.broadcast %broadcast_in_dim3A_284 : i32 to vector<16xi32>
      %shift_right_arithmetic3A_286 = arith.constant 3 : i32
      %shift_right_arithmetic3A_287 = vector.broadcast %shift_right_arithmetic3A_286 : i32 to vector<16xi32>
      %shift_right_arithmetic3A_288 = arith.shrsi %add3A_61, %shift_right_arithmetic3A_287 : vector<16xi32>
      %and3A_289 = arith.constant 7 : i32
      %and3A_290 = vector.broadcast %and3A_289 : i32 to vector<16xi32>
      %and3A_291 = arith.andi %add3A_61, %and3A_290 : vector<16xi32>
      %gather3A_292 = tpu.vector_load_idx %arg7[%shift_right_arithmetic3A_288, %and3A_291, %broadcast_in_dim3A_285] : memref<32x8x16xf32, #tpu.memory_space<vmem>>[vector<16xi32>, vector<16xi32>, vector<16xi32>], vector<16xf32>,
      %shift_right_arithmetic3A_293 = arith.constant 3 : i32
      %shift_right_arithmetic3A_294 = vector.broadcast %shift_right_arithmetic3A_293 : i32 to vector<16xi32>
      %shift_right_arithmetic3A_295 = arith.shrsi %add3A_61, %shift_right_arithmetic3A_294 : vector<16xi32>
      %and3A_296 = arith.constant 7 : i32
      %and3A_297 = vector.broadcast %and3A_296 : i32 to vector<16xi32>
      %and3A_298 = arith.andi %add3A_61, %and3A_297 : vector<16xi32>
      %gather3A_299 = tpu.vector_load_idx %arg8[%shift_right_arithmetic3A_295, %and3A_298, %broadcast_in_dim3A_285] : memref<32x8x16xf32, #tpu.memory_space<vmem>>[vector<16xi32>, vector<16xi32>, vector<16xi32>], vector<16xf32>,
      %mul3A_300 = arith.mulf %gather3A_292, %gather3A_299 : vector<16xf32>
      %add3A_301 = arith.addf %add3A_279, %mul3A_300 : vector<16xf32>
      %mul3A_302 = arith.mulf %gather3A_292, %gather3A_292 : vector<16xf32>
      %add3A_303 = arith.addf %add3A_281, %mul3A_302 : vector<16xf32>
      %mul3A_304 = arith.mulf %gather3A_299, %gather3A_299 : vector<16xf32>
      %add3A_305 = arith.addf %add3A_283, %mul3A_304 : vector<16xf32>
      %broadcast_in_dim3A_306 = arith.constant 11 : i32
      %broadcast_in_dim3A_307 = vector.broadcast %broadcast_in_dim3A_306 : i32 to vector<16xi32>
      %shift_right_arithmetic3A_308 = arith.constant 3 : i32
      %shift_right_arithmetic3A_309 = vector.broadcast %shift_right_arithmetic3A_308 : i32 to vector<16xi32>
      %shift_right_arithmetic3A_310 = arith.shrsi %add3A_61, %shift_right_arithmetic3A_309 : vector<16xi32>
      %and3A_311 = arith.constant 7 : i32
      %and3A_312 = vector.broadcast %and3A_311 : i32 to vector<16xi32>
      %and3A_313 = arith.andi %add3A_61, %and3A_312 : vector<16xi32>
      %gather3A_314 = tpu.vector_load_idx %arg7[%shift_right_arithmetic3A_310, %and3A_313, %broadcast_in_dim3A_307] : memref<32x8x16xf32, #tpu.memory_space<vmem>>[vector<16xi32>, vector<16xi32>, vector<16xi32>], vector<16xf32>,
      %shift_right_arithmetic3A_315 = arith.constant 3 : i32
      %shift_right_arithmetic3A_316 = vector.broadcast %shift_right_arithmetic3A_315 : i32 to vector<16xi32>
      %shift_right_arithmetic3A_317 = arith.shrsi %add3A_61, %shift_right_arithmetic3A_316 : vector<16xi32>
      %and3A_318 = arith.constant 7 : i32
      %and3A_319 = vector.broadcast %and3A_318 : i32 to vector<16xi32>
      %and3A_320 = arith.andi %add3A_61, %and3A_319 : vector<16xi32>
      %gather3A_321 = tpu.vector_load_idx %arg8[%shift_right_arithmetic3A_317, %and3A_320, %broadcast_in_dim3A_307] : memref<32x8x16xf32, #tpu.memory_space<vmem>>[vector<16xi32>, vector<16xi32>, vector<16xi32>], vector<16xf32>,
      %mul3A_322 = arith.mulf %gather3A_314, %gather3A_321 : vector<16xf32>
      %add3A_323 = arith.addf %add3A_301, %mul3A_322 : vector<16xf32>
      %mul3A_324 = arith.mulf %gather3A_314, %gather3A_314 : vector<16xf32>
      %add3A_325 = arith.addf %add3A_303, %mul3A_324 : vector<16xf32>
      %mul3A_326 = arith.mulf %gather3A_321, %gather3A_321 : vector<16xf32>
      %add3A_327 = arith.addf %add3A_305, %mul3A_326 : vector<16xf32>
      %broadcast_in_dim3A_328 = arith.constant 12 : i32
      %broadcast_in_dim3A_329 = vector.broadcast %broadcast_in_dim3A_328 : i32 to vector<16xi32>
      %shift_right_arithmetic3A_330 = arith.constant 3 : i32
      %shift_right_arithmetic3A_331 = vector.broadcast %shift_right_arithmetic3A_330 : i32 to vector<16xi32>
      %shift_right_arithmetic3A_332 = arith.shrsi %add3A_61, %shift_right_arithmetic3A_331 : vector<16xi32>
      %and3A_333 = arith.constant 7 : i32
      %and3A_334 = vector.broadcast %and3A_333 : i32 to vector<16xi32>
      %and3A_335 = arith.andi %add3A_61, %and3A_334 : vector<16xi32>
      %gather3A_336 = tpu.vector_load_idx %arg7[%shift_right_arithmetic3A_332, %and3A_335, %broadcast_in_dim3A_329] : memref<32x8x16xf32, #tpu.memory_space<vmem>>[vector<16xi32>, vector<16xi32>, vector<16xi32>], vector<16xf32>,
      %shift_right_arithmetic3A_337 = arith.constant 3 : i32
      %shift_right_arithmetic3A_338 = vector.broadcast %shift_right_arithmetic3A_337 : i32 to vector<16xi32>
      %shift_right_arithmetic3A_339 = arith.shrsi %add3A_61, %shift_right_arithmetic3A_338 : vector<16xi32>
      %and3A_340 = arith.constant 7 : i32
      %and3A_341 = vector.broadcast %and3A_340 : i32 to vector<16xi32>
      %and3A_342 = arith.andi %add3A_61, %and3A_341 : vector<16xi32>
      %gather3A_343 = tpu.vector_load_idx %arg8[%shift_right_arithmetic3A_339, %and3A_342, %broadcast_in_dim3A_329] : memref<32x8x16xf32, #tpu.memory_space<vmem>>[vector<16xi32>, vector<16xi32>, vector<16xi32>], vector<16xf32>,
      %mul3A_344 = arith.mulf %gather3A_336, %gather3A_343 : vector<16xf32>
      %add3A_345 = arith.addf %add3A_323, %mul3A_344 : vector<16xf32>
      %mul3A_346 = arith.mulf %gather3A_336, %gather3A_336 : vector<16xf32>
      %add3A_347 = arith.addf %add3A_325, %mul3A_346 : vector<16xf32>
      %mul3A_348 = arith.mulf %gather3A_343, %gather3A_343 : vector<16xf32>
      %add3A_349 = arith.addf %add3A_327, %mul3A_348 : vector<16xf32>
      %broadcast_in_dim3A_350 = arith.constant 13 : i32
      %broadcast_in_dim3A_351 = vector.broadcast %broadcast_in_dim3A_350 : i32 to vector<16xi32>
      %shift_right_arithmetic3A_352 = arith.constant 3 : i32
      %shift_right_arithmetic3A_353 = vector.broadcast %shift_right_arithmetic3A_352 : i32 to vector<16xi32>
      %shift_right_arithmetic3A_354 = arith.shrsi %add3A_61, %shift_right_arithmetic3A_353 : vector<16xi32>
      %and3A_355 = arith.constant 7 : i32
      %and3A_356 = vector.broadcast %and3A_355 : i32 to vector<16xi32>
      %and3A_357 = arith.andi %add3A_61, %and3A_356 : vector<16xi32>
      %gather3A_358 = tpu.vector_load_idx %arg7[%shift_right_arithmetic3A_354, %and3A_357, %broadcast_in_dim3A_351] : memref<32x8x16xf32, #tpu.memory_space<vmem>>[vector<16xi32>, vector<16xi32>, vector<16xi32>], vector<16xf32>,
      %shift_right_arithmetic3A_359 = arith.constant 3 : i32
      %shift_right_arithmetic3A_360 = vector.broadcast %shift_right_arithmetic3A_359 : i32 to vector<16xi32>
      %shift_right_arithmetic3A_361 = arith.shrsi %add3A_61, %shift_right_arithmetic3A_360 : vector<16xi32>
      %and3A_362 = arith.constant 7 : i32
      %and3A_363 = vector.broadcast %and3A_362 : i32 to vector<16xi32>
      %and3A_364 = arith.andi %add3A_61, %and3A_363 : vector<16xi32>
      %gather3A_365 = tpu.vector_load_idx %arg8[%shift_right_arithmetic3A_361, %and3A_364, %broadcast_in_dim3A_351] : memref<32x8x16xf32, #tpu.memory_space<vmem>>[vector<16xi32>, vector<16xi32>, vector<16xi32>], vector<16xf32>,
      %mul3A_366 = arith.mulf %gather3A_358, %gather3A_365 : vector<16xf32>
      %add3A_367 = arith.addf %add3A_345, %mul3A_366 : vector<16xf32>
      %mul3A_368 = arith.mulf %gather3A_358, %gather3A_358 : vector<16xf32>
      %add3A_369 = arith.addf %add3A_347, %mul3A_368 : vector<16xf32>
      %mul3A_370 = arith.mulf %gather3A_365, %gather3A_365 : vector<16xf32>
      %add3A_371 = arith.addf %add3A_349, %mul3A_370 : vector<16xf32>
      %broadcast_in_dim3A_372 = arith.constant 14 : i32
      %broadcast_in_dim3A_373 = vector.broadcast %broadcast_in_dim3A_372 : i32 to vector<16xi32>
      %shift_right_arithmetic3A_374 = arith.constant 3 : i32
      %shift_right_arithmetic3A_375 = vector.broadcast %shift_right_arithmetic3A_374 : i32 to vector<16xi32>
      %shift_right_arithmetic3A_376 = arith.shrsi %add3A_61, %shift_right_arithmetic3A_375 : vector<16xi32>
      %and3A_377 = arith.constant 7 : i32
      %and3A_378 = vector.broadcast %and3A_377 : i32 to vector<16xi32>
      %and3A_379 = arith.andi %add3A_61, %and3A_378 : vector<16xi32>
      %gather3A_380 = tpu.vector_load_idx %arg7[%shift_right_arithmetic3A_376, %and3A_379, %broadcast_in_dim3A_373] : memref<32x8x16xf32, #tpu.memory_space<vmem>>[vector<16xi32>, vector<16xi32>, vector<16xi32>], vector<16xf32>,
      %shift_right_arithmetic3A_381 = arith.constant 3 : i32
      %shift_right_arithmetic3A_382 = vector.broadcast %shift_right_arithmetic3A_381 : i32 to vector<16xi32>
      %shift_right_arithmetic3A_383 = arith.shrsi %add3A_61, %shift_right_arithmetic3A_382 : vector<16xi32>
      %and3A_384 = arith.constant 7 : i32
      %and3A_385 = vector.broadcast %and3A_384 : i32 to vector<16xi32>
      %and3A_386 = arith.andi %add3A_61, %and3A_385 : vector<16xi32>
      %gather3A_387 = tpu.vector_load_idx %arg8[%shift_right_arithmetic3A_383, %and3A_386, %broadcast_in_dim3A_373] : memref<32x8x16xf32, #tpu.memory_space<vmem>>[vector<16xi32>, vector<16xi32>, vector<16xi32>], vector<16xf32>,
      %mul3A_388 = arith.mulf %gather3A_380, %gather3A_387 : vector<16xf32>
      %add3A_389 = arith.addf %add3A_367, %mul3A_388 : vector<16xf32>
      %mul3A_390 = arith.mulf %gather3A_380, %gather3A_380 : vector<16xf32>
      %add3A_391 = arith.addf %add3A_369, %mul3A_390 : vector<16xf32>
      %mul3A_392 = arith.mulf %gather3A_387, %gather3A_387 : vector<16xf32>
      %add3A_393 = arith.addf %add3A_371, %mul3A_392 : vector<16xf32>
      %broadcast_in_dim3A_394 = arith.constant 15 : i32
      %broadcast_in_dim3A_395 = vector.broadcast %broadcast_in_dim3A_394 : i32 to vector<16xi32>
      %shift_right_arithmetic3A_396 = arith.constant 3 : i32
      %shift_right_arithmetic3A_397 = vector.broadcast %shift_right_arithmetic3A_396 : i32 to vector<16xi32>
      %shift_right_arithmetic3A_398 = arith.shrsi %add3A_61, %shift_right_arithmetic3A_397 : vector<16xi32>
      %and3A_399 = arith.constant 7 : i32
      %and3A_400 = vector.broadcast %and3A_399 : i32 to vector<16xi32>
      %and3A_401 = arith.andi %add3A_61, %and3A_400 : vector<16xi32>
      %gather3A_402 = tpu.vector_load_idx %arg7[%shift_right_arithmetic3A_398, %and3A_401, %broadcast_in_dim3A_395] : memref<32x8x16xf32, #tpu.memory_space<vmem>>[vector<16xi32>, vector<16xi32>, vector<16xi32>], vector<16xf32>,
      %shift_right_arithmetic3A_403 = arith.constant 3 : i32
      %shift_right_arithmetic3A_404 = vector.broadcast %shift_right_arithmetic3A_403 : i32 to vector<16xi32>
      %shift_right_arithmetic3A_405 = arith.shrsi %add3A_61, %shift_right_arithmetic3A_404 : vector<16xi32>
      %and3A_406 = arith.constant 7 : i32
      %and3A_407 = vector.broadcast %and3A_406 : i32 to vector<16xi32>
      %and3A_408 = arith.andi %add3A_61, %and3A_407 : vector<16xi32>
      %gather3A_409 = tpu.vector_load_idx %arg8[%shift_right_arithmetic3A_405, %and3A_408, %broadcast_in_dim3A_395] : memref<32x8x16xf32, #tpu.memory_space<vmem>>[vector<16xi32>, vector<16xi32>, vector<16xi32>], vector<16xf32>,
      %mul3A_410 = arith.mulf %gather3A_402, %gather3A_409 : vector<16xf32>
      %add3A_411 = arith.addf %add3A_389, %mul3A_410 : vector<16xf32>
      %mul3A_412 = arith.mulf %gather3A_402, %gather3A_402 : vector<16xf32>
      %add3A_413 = arith.addf %add3A_391, %mul3A_412 : vector<16xf32>
      %mul3A_414 = arith.mulf %gather3A_409, %gather3A_409 : vector<16xf32>
      %add3A_415 = arith.addf %add3A_393, %mul3A_414 : vector<16xf32>
      %mul3A_416 = arith.mulf %add3A_413, %add3A_415 : vector<16xf32>
      %bitcast3A = vector.bitcast %mul3A_416 : vector<16xf32> to vector<16xi32>
      %shift_right_arithmetic3A_417 = arith.constant 1 : i32
      %shift_right_arithmetic3A_418 = vector.broadcast %shift_right_arithmetic3A_417 : i32 to vector<16xi32>
      %shift_right_arithmetic3A_419 = arith.shrsi %bitcast3A, %shift_right_arithmetic3A_418 : vector<16xi32>
      %sub3A = arith.constant 1597463007 : i32
      %sub3A_420 = vector.broadcast %sub3A : i32 to vector<16xi32>
      %sub3A_421 = arith.subi %sub3A_420, %shift_right_arithmetic3A_419 : vector<16xi32>
      %bitcast3A_422 = vector.bitcast %sub3A_421 : vector<16xi32> to vector<16xf32>
      %mul3A_423 = arith.constant 5.000000e-01 : f32
      %mul3A_424 = vector.broadcast %mul3A_423 : f32 to vector<16xf32>
      %mul3A_425 = arith.mulf %mul3A_424, %mul3A_416 : vector<16xf32>
      %mul3A_426 = arith.mulf %mul3A_425, %bitcast3A_422 : vector<16xf32>
      %mul3A_427 = arith.mulf %mul3A_426, %bitcast3A_422 : vector<16xf32>
      %sub3A_428 = arith.constant 1.500000e+00 : f32
      %sub3A_429 = vector.broadcast %sub3A_428 : f32 to vector<16xf32>
      %sub3A_430 = arith.subf %sub3A_429, %mul3A_427 : vector<16xf32>
      %mul3A_431 = arith.mulf %bitcast3A_422, %sub3A_430 : vector<16xf32>
      %mul3A_432 = arith.constant 5.000000e-01 : f32
      %mul3A_433 = vector.broadcast %mul3A_432 : f32 to vector<16xf32>
      %mul3A_434 = arith.mulf %mul3A_433, %mul3A_416 : vector<16xf32>
      %mul3A_435 = arith.mulf %mul3A_434, %mul3A_431 : vector<16xf32>
      %mul3A_436 = arith.mulf %mul3A_435, %mul3A_431 : vector<16xf32>
      %sub3A_437 = arith.constant 1.500000e+00 : f32
      %sub3A_438 = vector.broadcast %sub3A_437 : f32 to vector<16xf32>
      %sub3A_439 = arith.subf %sub3A_438, %mul3A_436 : vector<16xf32>
      %mul3A_440 = arith.mulf %mul3A_431, %sub3A_439 : vector<16xf32>
      %mul3A_441 = arith.constant 5.000000e-01 : f32
      %mul3A_442 = vector.broadcast %mul3A_441 : f32 to vector<16xf32>
      %mul3A_443 = arith.mulf %mul3A_442, %mul3A_416 : vector<16xf32>
      %mul3A_444 = arith.mulf %mul3A_443, %mul3A_440 : vector<16xf32>
      %mul3A_445 = arith.mulf %mul3A_444, %mul3A_440 : vector<16xf32>
      %sub3A_446 = arith.constant 1.500000e+00 : f32
      %sub3A_447 = vector.broadcast %sub3A_446 : f32 to vector<16xf32>
      %sub3A_448 = arith.subf %sub3A_447, %mul3A_445 : vector<16xf32>
      %mul3A_449 = arith.mulf %mul3A_440, %sub3A_448 : vector<16xf32>
      %mul3A_450 = arith.mulf %mul3A_416, %mul3A_449 : vector<16xf32>
      %max3A = arith.constant 9.99999993E-9 : f32
      %max3A_451 = vector.broadcast %max3A : f32 to vector<16xf32>
      %max3A_452 = arith.maximumf %mul3A_450, %max3A_451 : vector<16xf32>
      %div3A = arith.divf %add3A_411, %max3A_452 : vector<16xf32>
      %mul3A_453 = arith.constant 16 : i32
      %mul3A_454 = arith.muli %scan3A_57, %mul3A_453 : i32
      %add3A_455 = arith.constant 256 : i32
      %add3A_456 = arith.addi %add3A_455, %mul3A_454 : i32
      %swap3A = arith.index_cast %add3A_456 : i32 to index
      %swap3A_457 = tpu.vector_load %arg9[%swap3A] {strides = array<i32>} : memref<512xf32, #tpu.memory_space<vmem>>, vector<16xf32>,
      tpu.vector_store %arg9[%swap3A], %div3A {strides = array<i32>} : memref<512xf32, #tpu.memory_space<vmem>>, vector<16xf32>,
    }
    %scan3A_56 = arith.constant 16 : i32
    "tpu.region"() ({
      %run_scoped3A = tpu.sem_alloc : memref<!tpu.dma_semaphore, #tpu.memory_space<semaphore_mem>>
      %dma_start3A = tpu.memref_slice %arg5[%mul3A_2] : memref<16384xf32, #tpu.memory_space<hbm>> -> memref<512xf32, #tpu.memory_space<hbm>>
      %dma_start3A_57 = tpu.memref_slice %arg5[%mul3A_2] : memref<16384xf32, #tpu.memory_space<hbm>> -> memref<512xf32, #tpu.memory_space<hbm>>
      tpu.enqueue_dma source(%arg9 : memref<512xf32, #tpu.memory_space<vmem>>) target(%dma_start3A_57 : memref<512xf32, #tpu.memory_space<hbm>>) target_semaphore(%run_scoped3A : memref<!tpu.dma_semaphore, #tpu.memory_space<semaphore_mem>>)
      %dma_wait3A_58 = tpu.memref_slice %arg5[%mul3A_2] : memref<16384xf32, #tpu.memory_space<hbm>> -> memref<512xf32, #tpu.memory_space<hbm>>
      %dma_wait3A_59 = tpu.memref_slice %arg5[%mul3A_2] : memref<16384xf32, #tpu.memory_space<hbm>> -> memref<512xf32, #tpu.memory_space<hbm>>
      tpu.wait_dma2 semaphore(%run_scoped3A : memref<!tpu.dma_semaphore, #tpu.memory_space<semaphore_mem>>) src(%arg9 : memref<512xf32, #tpu.memory_space<vmem>>) dst(%dma_wait3A_59 : memref<512xf32, #tpu.memory_space<hbm>>)
      tpu.yield
    }) : () -> ()
    return
  }
}

</mosaic_0001>

<sc_bundles>
// kernel: kernel.3.cloned.1.call-start
scs
__scs_entry_jumppad:
0x0: {  	(pc) =	sbr.rel $0x88, $3  }
0x1: {  	(tag) =	ssettag $0x0;
	lr =	simm.s32 $0x1  }
0x2: {  	[smem:$0x3F9E] =	sst lr;
	_ =	strace $0xD0000000  }
0x3: {  	_ = 	snop  }
0x4: {  	_ = 	snop  }
0x5: {  	_ = 	snop  }
0x6: {  	_ = 	snop  }
0x7: {  	_ = 	snop  }
__scs_overlays_trampoline_lowered:
0x8: {  	[smem:$0x3FAD] =	sst s0  }
0x9: {  	[smem:$0x3FAE] =	sst s1  }
0xa: {  	[smem:$0x3FAF] =	sst s2  }
0xb: {  	[smem:$0x3FB0] =	sst s3  }
0xc: {  	[smem:$0x3FB1] =	sst s4  }
0xd: {  	[smem:$0x3FB2] =	sst s5  }
0xe: {  	[smem:$0x3FB3] =	sst s6  }
0xf: {  	[smem:$0x3FB4] =	sst s7  }
0x10: {  	[smem:$0x3FB5] =	sst s8  }
0x11: {  	[smem:$0x3FB6] =	sst s9;
	s0 =	simm.s32 @!p0 $0x0  }
0x12: {  	s1 =	sld [smem:$0x3F9C];
	s0 =	simm.s32 @p0 $0x1  }
0x13: {  	[smem:$0x3FB7] =	sst s0;
	s0 =	simm.s32 @!p1 $0x0  }
0x14: {  	s2 =	sld [smem:$0x3F9B];
	s0 =	simm.s32 @p1 $0x1  }
0x15: {  	[smem:$0x3FB8] =	sst s0;
	s0 =	simm.s32 @!p2 $0x0  }
0x16: {  	s3 =	sld [smem:$0x3FDB];
	s0 =	simm.s32 @p2 $0x1  }
0x17: {  	s4 =	simm.s32 $0x1BF5;
	[smem:$0x3FBA] =	sst s0  }
0x18: {  	s0 =	sld [smem:$0x3F9D];
	_ =	swait.ge [sflag:s4], $0x0  }
0x19: {  	s7 =	sld [smem:$0x3F9E]  }
0x1a: {  	s8 =	sadd.s32 $0xFFFFE003, lr  }
0x1b: {  	s9 =	sadd.s32 $0xFFFFFEF7, lr;
	s5 =	simm.s32 $0xFFFFFFFF;
	p2 =	slt.u32 s8, $0xFFFFF086  }
0x1c: {  	p1 =	slt.u32 s9, $0xF7A;
	s5 =	simm.s32 @!p2 $0x0  }
0x1d: {  	s5 =	simm.s32 @p1 $0x1;
	p0 =	seq.s32 s7, s2  }
0x1e: {  	s7 =	smul.u32 @!p0 $0xF7A, s2;
	p2 =	seq.s32 @!p0 s5, $0x0  }
0x1f: {  	s9 =	smul.u32 $0xF7A, s1;
	s8 =	simm.s32 @!p0 $0x1BF5;
	p2 =	por !p2, p0  }
0x20: {  	[sflag:s8] =	ssyncset.s32 @!p0 $0xFFFFF086;
	s6 =	sadd.s32 @!p0 s3, s7;
	s7 =	simm.s32 @!p0 $0x108  }
0x21: {  	s3 =	sadd.s32 s3, s9;
	s6 =	sadd.s32 @!p0 $0x88, s6;
	s7 =	simm.s32 @p2 $0x1082  }
0x22: {  	[simem:s7], [sflag:s8] =	dma.local @!p0 [hbm:s6], $0xF7A  }
0x23: {  	s9 =	sor.u32 $0xD0000000, s2;
	s6 =	simm.s32 $0x108;
	_ =	swait.ge @!p0 [sflag:s8], $0x0  }
0x24: {  	s3 =	sadd.s32 $0x88, s3;
	s6 =	simm.s32 @!p1 $0x1082;
	[sflag:s4] =	ssyncset.s32 $0xFFFFF086  }
0x25: {  	[simem:s6], [sflag:s4] =	dma.local [hbm:s3], $0xF7A  }
0x26: {  	[smem:$0x3F9E] =	sst s1;
	(tag) =	ssettag s2;
	_ =	strace s9  }
0x27: {  	s1 =	sld [smem:$0x3FAE]  }
0x28: {  	s2 =	sld [smem:$0x3FAF]  }
0x29: {  	s4 =	sld [smem:$0x3FB1]  }
0x2a: {  	p0 =	seq.s32 s5, $0x0;
	s5 =	sld [smem:$0x3FB2]  }
0x2b: {  	s6 =	sld [smem:$0x3FB3]  }
0x2c: {  	s7 =	sld [smem:$0x3FB4]  }
0x2d: {  	s3 =	simm.s32 $0x108;
	s8 =	sld [smem:$0x3FB5]  }
0x2e: {  	s3 =	simm.s32 @!p0 $0x1082;
	s9 =	sld [smem:$0x3FB6]  }
0x2f: {  	lr =	sadd.s32 s0, s3;
	s0 =	sld [smem:$0x3FAD]  }
0x30: {  	s3 =	sld [smem:$0x3FB0]  }
0x31: {  	[smem:$0x3FB9] =	sst s10  }
0x32: {  	s10 =	sld [smem:$0x3FB7];
	_ =	sdelay $0x3  }
0x33: {  	p0 =	seq.s32 s10, $0x1;
	s10 =	sld [smem:$0x3FB9];
	_ =	sdelay $0x3  }
0x34: {  	[smem:$0x3FB9] =	sst s10  }
0x35: {  	s10 =	sld [smem:$0x3FB8];
	_ =	sdelay $0x3  }
0x36: {  	p1 =	seq.s32 s10, $0x1;
	s10 =	sld [smem:$0x3FB9];
	_ =	sdelay $0x3  }
0x37: {  	[smem:$0x3FB9] =	sst s10  }
0x38: {  	s10 =	sld [smem:$0x3FBA]  }
0x39: {  	_ = 	snop;
	(pc) =	sbr.ind lr, $3  }
0x3a: {  	_ = 	snop  }
0x3b: {  	_ = 	snop  }
0x3c: {  	p2 =	seq.s32 s10, $0x1;
	s10 =	sld [smem:$0x3FB9]  }
0x3d: {  	_ =	shalt  }
0x3e: {  	_ =	shalt  }
0x3f: {  	_ =	shalt  }
0x40: {  	_ =	shalt  }
0x41: {  	_ =	shalt  }
0x42: {  	_ =	shalt  }
0x43: {  	_ =	shalt  }
0x44: {  	_ =	shalt  }
0x45: {  	_ =	shalt  }
0x46: {  	_ =	shalt  }
0x47: {  	_ =	shalt  }
0x48: {  	_ =	shalt  }
0x49: {  	_ =	shalt  }
0x4a: {  	_ =	shalt  }
0x4b: {  	_ =	shalt  }
0x4c: {  	_ =	shalt  }
0x4d: {  	_ =	shalt  }
0x4e: {  	_ =	shalt  }
0x4f: {  	_ =	shalt  }
0x50: {  	_ =	shalt  }
0x51: {  	_ =	shalt  }
0x52: {  	_ =	shalt  }
0x53: {  	_ =	shalt  }
0x54: {  	_ =	shalt  }
0x55: {  	_ =	shalt  }
0x56: {  	_ =	shalt  }
0x57: {  	_ =	shalt  }
0x58: {  	_ =	shalt  }
0x59: {  	_ =	shalt  }
0x5a: {  	_ =	shalt  }
0x5b: {  	_ =	shalt  }
0x5c: {  	_ =	shalt  }
0x5d: {  	_ =	shalt  }
0x5e: {  	_ =	shalt  }
0x5f: {  	_ =	shalt  }
0x60: {  	_ =	shalt  }
0x61: {  	_ =	shalt  }
0x62: {  	_ =	shalt  }
0x63: {  	_ =	shalt  }
0x64: {  	_ =	shalt  }
0x65: {  	_ =	shalt  }
0x66: {  	_ =	shalt  }
0x67: {  	_ =	shalt  }
0x68: {  	_ =	shalt  }
0x69: {  	_ =	shalt  }
0x6a: {  	_ =	shalt  }
0x6b: {  	_ =	shalt  }
0x6c: {  	_ =	shalt  }
0x6d: {  	_ =	shalt  }
0x6e: {  	_ =	shalt  }
0x6f: {  	_ =	shalt  }
0x70: {  	_ =	shalt  }
0x71: {  	_ =	shalt  }
0x72: {  	_ =	shalt  }
0x73: {  	_ =	shalt  }
0x74: {  	_ =	shalt  }
0x75: {  	_ =	shalt  }
0x76: {  	_ =	shalt  }
0x77: {  	_ =	shalt  }
0x78: {  	_ =	shalt  }
0x79: {  	_ =	shalt  }
0x7a: {  	_ =	shalt  }
0x7b: {  	_ =	shalt  }
0x7c: {  	_ =	shalt  }
0x7d: {  	_ =	shalt  }
0x7e: {  	_ =	shalt  }
0x7f: {  	_ =	shalt  }
0x80: {  	_ =	shalt  }
0x81: {  	_ =	shalt  }
0x82: {  	_ =	shalt  }
0x83: {  	_ =	shalt  }
0x84: {  	_ =	shalt  }
0x85: {  	_ =	shalt  }
0x86: {  	_ =	shalt  }
0x87: {  	_ =	shalt  }
.Lfunc_end0:
.L_simem_size_0:
called_computation_lowered:
.L_overlay_start_0:
0x88: {  	s2 =	sld [smem:$0x3FD9]  }
0x89: {  	s3 =	sld [smem:$0x3FFE];
	_ =	sdelay $0x1  }
0x8a: {  	s1 =	srdreg.scid  }
0x8b: {  	s0 =	sand.u32 $0x1, s1  }
0x8c: {  	s17 =	sshll.u32 s0, $0xA;
	s2 =	sadd.s32 s3, s2  }
0x8d: {  	s2 =	sadd.s32 s2, s17  }
0x8e: {  	[smem:$0x3FC5] =	sst s2  }
0x8f: {  	_ = 	snop  }
0x90: {  	s2 =	sld [smem:$0x3FC7]  }
0x91: {  	s18 =	sld [smem:$0x3FD0];
	(tm) =	ssettm $0x1  }
0x92: {  	s4 =	sld [smem:$0x3FFB];
	_ =	sdelay $0x3  }
0x93: {  	_ =	strace s4  }
0x94: {  	s4 =	sld [smem:$0x3FFC];
	_ =	sdelay $0x3  }
0x95: {  	_ =	strace s4  }
0x96: {  	s4 =	sld [smem:$0x3FFD];
	_ =	sdelay $0x3  }
0x97: {  	_ =	strace s4  }
0x98: {  	_ =	strace $0x8FFFFFFF  }
0x99: {  	s19 =	sld [smem:$0x3FDB];
	_ =	sdelay $0x1  }
0x9a: {  	s5 =	simm.s32 $_scs_section_size  }
0x9b: {  	s6 =	simm.s32 $_size__tile_overlayer_lowered;
	s7 =	simm.s32 $_tile_overlayer_lowered  }
0x9c: {  	s22 =	simm.s32 $0x1BFF;
	s21 =	sshll.u32 s7, $0x1;
	s4 =	sadd.s32 s5, s19  }
0x9d: {  	s8 =	simm.s32 $0x0;
	s20 =	sshll.u32 s6, $0x1;
	s6 =	sadd.s32 s21, s4  }
0x9e: {  	[timem:s8], [sflag:s22] =	dma.local [hbm:s6], s20  }
0x9f: {  	_ =	swait.ge [sflag:s22], s20  }
0xa0: {  	s5 =	ssub.s32 $0x0, s20;
	[sflag:s22] =	ssyncset.done $0x0  }
0xa1: {  	[sflag:s22] =	ssyncadd.s32 s5;
	_ =	sdelay $0x1  }
0xa2: {  	s23 =	simm.s32 $0x1B8B  }
0xa3: {  	_ =	swait.ge [sflag:s23], $0x1  }
0xa4: {  	[sflag:s23] =	ssyncset.done $0x0  }
0xa5: {  	s25 =	simm.s32 $0x1B8E;
	s24 =	sld [smem:$0x3FFE];
	[sflag:s23] =	ssyncadd.s32 $0xFFFFFFFF  }
0xa6: {  	s26 =	simm.s32 $execute0_lowered;
	[smem:$0x3FD2] =	sst s25  }
0xa7: {  	s6 =	sshll.u32 s26, $0x1;
	_ =	strace $0x80000046;
	[dreg:$0x1] =	wrdreg $0xFFFFFFFF  }
0xa8: {  	s28 =	simm.s32 $_size_execute0_lowered;
	s4 =	sadd.s32 s4, s6;
	[dreg:$0x0] =	wrdreg $0x0  }
0xa9: {  	s6 =	sshll.u32 s28, $0x1;
	[dreg:$0x2] =	wrdreg s4  }
0xaa: {  	[dreg:$0x3] =	wrdreg s6  }
0xab: {  	[dreg:$0x4] =	wrdreg $0xC0  }
0xac: {  	_ =	task [dreg:s8], $0x5FFFF  }
0xad: {  	[dreg:$0x1] =	wrdreg $0xFFFFFFFF  }
0xae: {  	[dreg:$0x0] =	wrdreg $0x60  }
0xaf: {  	[dreg:$0x2] =	wrdreg s24  }
0xb0: {  	[dreg:$0x3] =	wrdreg s2  }
0xb1: {  	[dreg:$0x4] =	wrdreg s18  }
0xb2: {  	[dreg:$0x5] =	wrdreg $0x9  }
0xb3: {  	_ =	task.clear_ibuf [dreg:s8], $0x6FFFF;
	_ =	strace $0x90000046  }
0xb4: {  	s29 =	simm.s32 $0x9;
	_ =	strace $0x80000048  }
0xb5: {  	_ =	swait.ge [sflag:s29], $0x1  }
0xb6: {  	[sflag:s29] =	ssyncadd.s32 $0xFFFFFFFF  }
0xb7: {  	_ =	strace $0x90000048  }
0xb8: {  	_ =	sfence  }
0xb9: {  	s30 =	sld [smem:$0x0];
	_ =	sdelay $0x2  }
0xba: {  	s31 =	sshll.u32 s1, $0xD;
	s1 =	sshrl.u32 s1, $0x2  }
0xbb: {  	s3 =	sand.u32 $0x4000, s31;
	s1 =	sadd.s32 s1, s30  }
0xbc: {  	s0 =	sor.u32 s3, s0;
	s1 =	sshll.u32 s1, $0x11  }
0xbd: {  	s0 =	sor.u32 s1, s0  }
0xbe: {  	s0 =	sadd.s32 $0x8F2B, s0  }
0xbf: {  	[sflag:s0] =	ssyncadd.remote.s32 $0x1  }
0xc0: {  	_ =	sfence.sel $0xFFFF  }
0xc1: {  	[dreg:$0x0] =	wrdreg $0xFFFFFFFF;
	(pc) =	sbr.abs _section_cstart, $3  }
0xc2: {  	[dreg:$0x1] =	wrdreg $0xFFFFFFFF  }
0xc3: {  	_ =	task.clear_ibuf [dreg:s8], $0x2FFFF;
	_ =	strace $0x9FFFFFFF  }
0xc4: {  	(tm) =	ssettm $0x7FFFFFFF  }
0xc5: {  	_ =	shalt  }
tec
execute0_lowered:
.L_overlay_start_1:
0x0: {  	(tag) =	ssettag $0x1  }
0x1: {  	s4 =	rddreg [dreg:$0x0]  }
0x2: {  	s5 =	rddreg [dreg:$0x1]  }
0x3: {  	s6 =	rddreg [dreg:$0x2];
	v1 =	vlaneseq.u32  }
0x4: {  	s0 =	rddreg [dreg:$0x3];
	s1 =	simm.s32 $0x0;
	s2 =	srdreg.scid;
	v0 =	vand.u32 $0x7, v1  }
0x5: {  	s11 =	simm.s32 $0x8200;
	s12 =	simm.s32 $0x10200;
	s13 =	simm.s32 $0x0;
	v0 =	vmul.u32 $0x80, v0  }
0x6: {  	[smem:$0x7FF] =	sst s1;
	s7 =	sand.u32 $0x1, s2;
	s3 =	sadd.s32 $0x400, s4;
	v1 =	vmul.u32 $0x80, v1  }
0x7: {  	s2 =	stileid.u32;
	s4 =	sadd.s32 $0xF42800, s4;
	_ =	strace $0x80000047;
	v2 =	vor.u32 $0x1, v0;
	v3 =	vor.u32 $0x2, v0;
	v4 =	vor.u32 $0x3, v0  }
0x8: {  	s8 =	ssub.s32 $0x2, s7;
	s10 =	sshll.u32 s2, $0x7;
	s7 =	sshll.u32 s7, $0x6;
	v5 =	vor.u32 $0x4, v0;
	v6 =	vor.u32 $0x5, v0;
	v7 =	vor.u32 $0x6, v0  }
0x9: {  	s9 =	sshrl.u32 s8, $0x1;
	s7 =	sor.u32 s7, s10;
	s10 =	simm.s32 $0x200;
	v8 =	vor.u32 $0x7, v0;
	v9 =	vor.u32 $0x8, v0;
	v10 =	vor.u32 $0x9, v0  }
0xa: {  	s8 =	ssub.s32 s8, s9;
	s5 =	sadd.s32 s5, s7;
	s6 =	sadd.s32 s6, s7;
	v11 =	vor.u32 $0xA, v0;
	v12 =	vor.u32 $0xB, v0;
	v13 =	vor.u32 $0xC, v0  }
0xb: {  	s9 =	simm.s32 $0x1;
	v14 =	vor.u32 $0xD, v0;
	v15 =	vor.u32 $0xE, v0;
	v16 =	vor.u32 $0xF, v0;
	s7 =	smax.u32 s8, $0x1;
	s8 =	simm.s32 $0x2  }
.LBB2_1:
0xc: {  	[tilespmem:s1], [sflag:$0x2] =	stream.linear.gather [hbm4b:s5+s1], $0x200, $0x38;
	[tilespmem:$0x10400] =	vst v63  }
0xd: {  	_ =	swait.ge [sflag:s8], $0x200  }
0xe: {  	[sflag:s8] =	ssyncset.done $0x0  }
0xf: {  	[sflag:s8] =	ssyncadd.s32 $0xFFFFFE00  }
0x10: {  	v17 =	vld [tilespmem:s1+$0x0];
	_ =	sdelay $0x4  }
0x11: {  	v17 =	vshll.u32 v17, $0x4  }
0x12: {  	(v2sf) =	vpush v17, $0x0;
	_ =	sdelay $0x1  }
0x13: {  	(v2sf) =	vpush v17, $0x1;
	_ =	sdelay $0x3  }
0x14: {  	(v2sf) =	vpush v17, $0x2;
	_ =	sdelay $0x3  }
0x15: {  	(v2sf) =	vpush v17, $0x3;
	_ =	sdelay $0x3  }
0x16: {  	(v2sf) =	vpush v17, $0x4  }
0x17: {  	s17 =	simm.s32 $0x200;
	s14 =	spop (v2sf)  }
0x18: {  	s28 =	simm.s32 $0x8200;
	s30 =	simm.s32 $0x280;
	s14 =	sand.u32 $0x1FFFFFF0, s14  }
0x19: {  	s19 =	simm.s32 $0x300;
	s15 =	spop (v2sf);
	s16 =	sadd.s32 s3, s14  }
0x1a: {  	(v2sf) =	vpush v17, $0x5;
	[tilespmem:s17], [sflag:$0x1] =	stream.linear.gather [hbm4b:s16+s1], $0x80, $0x38;
	[tilespmem:$0x10400] =	vst v63  }
0x1b: {  	s21 =	simm.s32 $0x8300;
	s15 =	sand.u32 $0x1FFFFFF0, s15;
	s14 =	sadd.s32 s4, s14  }
0x1c: {  	[tilespmem:s28], [sflag:$0x1] =	stream.linear.gather [hbm4b:s14+s1], $0x80, $0x38;
	[tilespmem:$0x10400] =	vst v63  }
0x1d: {  	s23 =	simm.s32 $0x380;
	s29 =	spop (v2sf);
	s31 =	sadd.s32 s3, s15  }
0x1e: {  	(v2sf) =	vpush v17, $0x6;
	[tilespmem:s30], [sflag:$0x1] =	stream.linear.gather [hbm4b:s31+s1], $0x80, $0x38;
	[tilespmem:$0x10400] =	vst v63  }
0x1f: {  	s17 =	simm.s32 $0x8280;
	s15 =	sadd.s32 s4, s15;
	s14 =	sand.u32 $0x1FFFFFF0, s29  }
0x20: {  	(v2sf) =	vpush v17, $0x7;
	[tilespmem:s17], [sflag:$0x1] =	stream.linear.gather [hbm4b:s15+s1], $0x80, $0x38;
	[tilespmem:$0x10400] =	vst v63  }
0x21: {  	s25 =	simm.s32 $0x8380;
	s18 =	spop (v2sf);
	s20 =	sadd.s32 s3, s14  }
0x22: {  	(v2sf) =	vpush v17, $0x8;
	[tilespmem:s19], [sflag:$0x1] =	stream.linear.gather [hbm4b:s20+s1], $0x80, $0x38;
	[tilespmem:$0x10400] =	vst v63  }
0x23: {  	s16 =	simm.s32 $0x8980;
	s14 =	sadd.s32 s4, s14;
	s15 =	sand.u32 $0x1FFFFFF0, s18  }
0x24: {  	[tilespmem:s21], [sflag:$0x1] =	stream.linear.gather [hbm4b:s14+s1], $0x80, $0x38;
	[tilespmem:$0x10400] =	vst v63  }
0x25: {  	s22 =	spop (v2sf);
	s28 =	simm.s32 $0x400;
	s24 =	sadd.s32 s3, s15  }
0x26: {  	[tilespmem:s23], [sflag:$0x1] =	stream.linear.gather [hbm4b:s24+s1], $0x80, $0x38;
	[tilespmem:$0x10400] =	vst v63  }
0x27: {  	s30 =	simm.s32 $0x8400;
	s15 =	sadd.s32 s4, s15;
	s14 =	sand.u32 $0x1FFFFFF0, s22  }
0x28: {  	[tilespmem:s25], [sflag:$0x1] =	stream.linear.gather [hbm4b:s15+s1], $0x80, $0x38;
	[tilespmem:$0x10400] =	vst v63  }
0x29: {  	s17 =	simm.s32 $0x480;
	s29 =	sadd.s32 s3, s14;
	s26 =	spop (v2sf)  }
0x2a: {  	(v2sf) =	vpush v17, $0x9;
	[tilespmem:s28], [sflag:$0x1] =	stream.linear.gather [hbm4b:s29+s1], $0x80, $0x38;
	[tilespmem:$0x10400] =	vst v63  }
0x2b: {  	s19 =	simm.s32 $0x8480;
	s14 =	sadd.s32 s4, s14;
	s15 =	sand.u32 $0x1FFFFFF0, s26  }
0x2c: {  	[tilespmem:s30], [sflag:$0x1] =	stream.linear.gather [hbm4b:s14+s1], $0x80, $0x38;
	[tilespmem:$0x10400] =	vst v63  }
0x2d: {  	s21 =	simm.s32 $0x500;
	s31 =	spop (v2sf);
	s18 =	sadd.s32 s3, s15  }
0x2e: {  	(v2sf) =	vpush v17, $0xA;
	[tilespmem:s17], [sflag:$0x1] =	stream.linear.gather [hbm4b:s18+s1], $0x80, $0x38;
	[tilespmem:$0x10400] =	vst v63  }
0x2f: {  	s20 =	spop (v2sf);
	s15 =	sadd.s32 s4, s15;
	s14 =	sand.u32 $0x1FFFFFF0, s31  }
0x30: {  	(v2sf) =	vpush v17, $0xB;
	[tilespmem:s19], [sflag:$0x1] =	stream.linear.gather [hbm4b:s15+s1], $0x80, $0x38;
	[tilespmem:$0x10400] =	vst v63  }
0x31: {  	s23 =	simm.s32 $0x8500;
	s24 =	spop (v2sf);
	s22 =	sadd.s32 s3, s14  }
0x32: {  	(v2sf) =	vpush v17, $0xC;
	[tilespmem:s21], [sflag:$0x1] =	stream.linear.gather [hbm4b:s22+s1], $0x80, $0x38;
	[tilespmem:$0x10400] =	vst v63  }
0x33: {  	s25 =	simm.s32 $0x580;
	s14 =	sadd.s32 s4, s14;
	s15 =	sand.u32 $0x1FFFFFF0, s20  }
0x34: {  	[tilespmem:s23], [sflag:$0x1] =	stream.linear.gather [hbm4b:s14+s1], $0x80, $0x38;
	[tilespmem:$0x10400] =	vst v63  }
0x35: {  	s28 =	simm.s32 $0x8580;
	s30 =	simm.s32 $0x600;
	s26 =	sadd.s32 s3, s15  }
0x36: {  	[tilespmem:s25], [sflag:$0x1] =	stream.linear.gather [hbm4b:s26+s1], $0x80, $0x38;
	[tilespmem:$0x10400] =	vst v63  }
0x37: {  	s17 =	simm.s32 $0x8600;
	s15 =	sadd.s32 s4, s15;
	s14 =	sand.u32 $0x1FFFFFF0, s24  }
0x38: {  	[tilespmem:s28], [sflag:$0x1] =	stream.linear.gather [hbm4b:s15+s1], $0x80, $0x38;
	[tilespmem:$0x10400] =	vst v63  }
0x39: {  	s19 =	simm.s32 $0x680;
	s29 =	spop (v2sf);
	s31 =	sadd.s32 s3, s14  }
0x3a: {  	(v2sf) =	vpush v17, $0xD;
	[tilespmem:s30], [sflag:$0x1] =	stream.linear.gather [hbm4b:s31+s1], $0x80, $0x38;
	[tilespmem:$0x10400] =	vst v63  }
0x3b: {  	s21 =	simm.s32 $0x8680;
	s14 =	sadd.s32 s4, s14;
	s15 =	sand.u32 $0x1FFFFFF0, s29  }
0x3c: {  	[tilespmem:s17], [sflag:$0x1] =	stream.linear.gather [hbm4b:s14+s1], $0x80, $0x38;
	[tilespmem:$0x10400] =	vst v63  }
0x3d: {  	s23 =	simm.s32 $0x700;
	s18 =	spop (v2sf);
	s20 =	sadd.s32 s3, s15  }
0x3e: {  	(v2sf) =	vpush v17, $0xE;
	[tilespmem:s19], [sflag:$0x1] =	stream.linear.gather [hbm4b:s20+s1], $0x80, $0x38;
	[tilespmem:$0x10400] =	vst v63  }
0x3f: {  	s22 =	spop (v2sf);
	s15 =	sadd.s32 s4, s15;
	s14 =	sand.u32 $0x1FFFFFF0, s18  }
0x40: {  	(v2sf) =	vpush v17, $0xF;
	[tilespmem:s21], [sflag:$0x1] =	stream.linear.gather [hbm4b:s15+s1], $0x80, $0x38;
	[tilespmem:$0x10400] =	vst v63  }
0x41: {  	s25 =	simm.s32 $0x8700;
	s26 =	spop (v2sf);
	s24 =	sadd.s32 s3, s14  }
0x42: {  	[tilespmem:s23], [sflag:$0x1] =	stream.linear.gather [hbm4b:s24+s1], $0x80, $0x38;
	[tilespmem:$0x10400] =	vst v63  }
0x43: {  	s28 =	simm.s32 $0x780;
	s14 =	sadd.s32 s4, s14;
	s15 =	sand.u32 $0x1FFFFFF0, s22  }
0x44: {  	[tilespmem:s25], [sflag:$0x1] =	stream.linear.gather [hbm4b:s14+s1], $0x80, $0x38;
	[tilespmem:$0x10400] =	vst v63  }
0x45: {  	s30 =	simm.s32 $0x8780;
	s18 =	simm.s32 $0x800;
	s29 =	sadd.s32 s3, s15  }
0x46: {  	[tilespmem:s28], [sflag:$0x1] =	stream.linear.gather [hbm4b:s29+s1], $0x80, $0x38;
	[tilespmem:$0x10400] =	vst v63  }
0x47: {  	s20 =	simm.s32 $0x8800;
	s15 =	sadd.s32 s4, s15;
	s14 =	sand.u32 $0x1FFFFFF0, s26  }
0x48: {  	[tilespmem:s30], [sflag:$0x1] =	stream.linear.gather [hbm4b:s15+s1], $0x80, $0x38;
	[tilespmem:$0x10400] =	vst v63  }
0x49: {  	s22 =	simm.s32 $0x880;
	s31 =	spop (v2sf);
	s19 =	sadd.s32 s3, s14  }
0x4a: {  	[tilespmem:s18], [sflag:$0x1] =	stream.linear.gather [hbm4b:s19+s1], $0x80, $0x38;
	[tilespmem:$0x10400] =	vst v63  }
0x4b: {  	s24 =	simm.s32 $0x8880;
	s14 =	sadd.s32 s4, s14;
	s15 =	sand.u32 $0x1FFFFFF0, s31  }
0x4c: {  	[tilespmem:s20], [sflag:$0x1] =	stream.linear.gather [hbm4b:s14+s1], $0x80, $0x38;
	[tilespmem:$0x10400] =	vst v63  }
0x4d: {  	s26 =	simm.s32 $0x900;
	s21 =	spop (v2sf);
	s23 =	sadd.s32 s3, s15  }
0x4e: {  	[tilespmem:s22], [sflag:$0x1] =	stream.linear.gather [hbm4b:s23+s1], $0x80, $0x38;
	[tilespmem:$0x10400] =	vst v63  }
0x4f: {  	s25 =	spop (v2sf);
	s15 =	sadd.s32 s4, s15;
	s14 =	sand.u32 $0x1FFFFFF0, s21  }
0x50: {  	[tilespmem:s24], [sflag:$0x1] =	stream.linear.gather [hbm4b:s15+s1], $0x80, $0x38;
	[tilespmem:$0x10400] =	vst v63  }
0x51: {  	s29 =	simm.s32 $0x8900;
	s28 =	sadd.s32 s3, s14;
	s15 =	sand.u32 $0x1FFFFFF0, s25  }
0x52: {  	[tilespmem:s26], [sflag:$0x1] =	stream.linear.gather [hbm4b:s28+s1], $0x80, $0x38;
	[tilespmem:$0x10400] =	vst v63  }
0x53: {  	s30 =	simm.s32 $0x980;
	s14 =	sadd.s32 s4, s14;
	s31 =	sadd.s32 s3, s15  }
0x54: {  	[tilespmem:s29], [sflag:$0x1] =	stream.linear.gather [hbm4b:s14+s1], $0x80, $0x38;
	[tilespmem:$0x10400] =	vst v63  }
0x55: {  	s17 =	sadd.s32 s4, s15;
	s15 =	simm.s32 $0x0;
	s14 =	simm.s32 $0x2000  }
0x56: {  	[tilespmem:s30], [sflag:$0x1] =	stream.linear.gather [hbm4b:s31+s1], $0x80, $0x38;
	[tilespmem:$0x10400] =	vst v63  }
.LBB2_2:
0x57: {  	p0 =	sne.s32 s14, $0x1E000  }
0x58: {  	s15 =	sadd.s32 $0x10, s15;
	s18 =	smov.u32 s14;
	s14 =	sadd.s32 $0x2000, s14  }
0x59: {  	[tilespmem:s16], [sflag:$0x1] =	stream.linear.gather [hbm4b:s17+s1], $0x80, $0x38;
	[tilespmem:$0x10400] =	vst v63  }
0x5a: {  	v17 =	vld [tilespmem:s15+$0x0];
	_ =	sdelay $0x4  }
0x5b: {  	v17 =	vshll.u32 v17, $0x4  }
0x5c: {  	(v2sf) =	vpush v17, $0x0  }
0x5d: {  	(v2sf) =	vpush v17, $0x1  }
0x5e: {  	(v2sf) =	vpush v17, $0x2;
	_ =	sdelay $0x2  }
0x5f: {  	(v2sf) =	vpush v17, $0x3;
	_ =	sdelay $0x3  }
0x60: {  	(v2sf) =	vpush v17, $0x4;
	_ =	sdelay $0x3  }
0x61: {  	(v2sf) =	vpush v17, $0x5;
	_ =	sdelay $0x1  }
0x62: {  	s17 =	spop (v2sf)  }
0x63: {  	s16 =	sshra.s32 s18, $0x2;
	s17 =	sand.u32 $0x1FFFFFF0, s17;
	s18 =	spop (v2sf)  }
0x64: {  	s20 =	sadd.s32 $0x8200, s16;
	s19 =	sadd.s32 s3, s17;
	s21 =	spop (v2sf);
	(v2sf) =	vpush v17, $0x6  }
0x65: {  	s22 =	sadd.s32 $0x200, s16;
	s18 =	sand.u32 $0x1FFFFFF0, s18;
	s21 =	sand.u32 $0x1FFFFFF0, s21  }
0x66: {  	[tilespmem:s22], [sflag:$0x1] =	stream.linear.gather [hbm4b:s19+s1], $0x80, $0x38;
	[tilespmem:$0x10400] =	vst v63  }
0x67: {  	s17 =	sadd.s32 s4, s17;
	s19 =	sadd.s32 $0x280, s16;
	s22 =	spop (v2sf)  }
0x68: {  	[tilespmem:s20], [sflag:$0x1] =	stream.linear.gather [hbm4b:s17+s1], $0x80, $0x38;
	(v2sf) =	vpush v17, $0x7;
	[tilespmem:$0x10400] =	vst v63  }
0x69: {  	s17 =	sadd.s32 s3, s18;
	s20 =	sadd.s32 $0x8280, s16;
	s22 =	sand.u32 $0x1FFFFFF0, s22  }
0x6a: {  	[tilespmem:s19], [sflag:$0x1] =	stream.linear.gather [hbm4b:s17+s1], $0x80, $0x38;
	[tilespmem:$0x10400] =	vst v63  }
0x6b: {  	s17 =	sadd.s32 s4, s18;
	s18 =	sadd.s32 $0x300, s16;
	s19 =	spop (v2sf)  }
0x6c: {  	[tilespmem:s20], [sflag:$0x1] =	stream.linear.gather [hbm4b:s17+s1], $0x80, $0x38;
	[tilespmem:$0x10400] =	vst v63  }
0x6d: {  	s17 =	sadd.s32 s3, s21;
	s20 =	sadd.s32 $0x8300, s16;
	s19 =	sand.u32 $0x1FFFFFF0, s19  }
0x6e: {  	[tilespmem:s18], [sflag:$0x1] =	stream.linear.gather [hbm4b:s17+s1], $0x80, $0x38;
	(v2sf) =	vpush v17, $0x8;
	[tilespmem:$0x10400] =	vst v63  }
0x6f: {  	s17 =	sadd.s32 s4, s21;
	s18 =	sadd.s32 $0x380, s16;
	s21 =	spop (v2sf)  }
0x70: {  	[tilespmem:s20], [sflag:$0x1] =	stream.linear.gather [hbm4b:s17+s1], $0x80, $0x38;
	[tilespmem:$0x10400] =	vst v63  }
0x71: {  	s17 =	sadd.s32 s3, s22;
	s20 =	sadd.s32 $0x8380, s16;
	s21 =	sand.u32 $0x1FFFFFF0, s21  }
0x72: {  	[tilespmem:s18], [sflag:$0x1] =	stream.linear.gather [hbm4b:s17+s1], $0x80, $0x38;
	(v2sf) =	vpush v17, $0x9;
	[tilespmem:$0x10400] =	vst v63  }
0x73: {  	s17 =	sadd.s32 s4, s22;
	s18 =	sadd.s32 $0x400, s16;
	s22 =	spop (v2sf)  }
0x74: {  	[tilespmem:s20], [sflag:$0x1] =	stream.linear.gather [hbm4b:s17+s1], $0x80, $0x38;
	[tilespmem:$0x10400] =	vst v63  }
0x75: {  	s17 =	sadd.s32 s3, s19;
	s20 =	sadd.s32 $0x8400, s16;
	s22 =	sand.u32 $0x1FFFFFF0, s22  }
0x76: {  	[tilespmem:s18], [sflag:$0x1] =	stream.linear.gather [hbm4b:s17+s1], $0x80, $0x38;
	(v2sf) =	vpush v17, $0xA;
	[tilespmem:$0x10400] =	vst v63  }
0x77: {  	s17 =	sadd.s32 s4, s19;
	s18 =	sadd.s32 $0x480, s16;
	s19 =	spop (v2sf)  }
0x78: {  	[tilespmem:s20], [sflag:$0x1] =	stream.linear.gather [hbm4b:s17+s1], $0x80, $0x38;
	[tilespmem:$0x10400] =	vst v63  }
0x79: {  	s17 =	sadd.s32 s3, s21;
	s20 =	sadd.s32 $0x8480, s16;
	s19 =	sand.u32 $0x1FFFFFF0, s19  }
0x7a: {  	[tilespmem:s18], [sflag:$0x1] =	stream.linear.gather [hbm4b:s17+s1], $0x80, $0x38;
	(v2sf) =	vpush v17, $0xB;
	[tilespmem:$0x10400] =	vst v63  }
0x7b: {  	s17 =	sadd.s32 s4, s21;
	s18 =	sadd.s32 $0x500, s16;
	s21 =	sadd.s32 s3, s22  }
0x7c: {  	[tilespmem:s20], [sflag:$0x1] =	stream.linear.gather [hbm4b:s17+s1], $0x80, $0x38;
	[tilespmem:$0x10400] =	vst v63  }
0x7d: {  	s17 =	sadd.s32 $0x8500, s16;
	s20 =	sadd.s32 s4, s22;
	s22 =	spop (v2sf)  }
0x7e: {  	[tilespmem:s18], [sflag:$0x1] =	stream.linear.gather [hbm4b:s21+s1], $0x80, $0x38;
	(v2sf) =	vpush v17, $0xC;
	[tilespmem:$0x10400] =	vst v63  }
0x7f: {  	s18 =	sadd.s32 $0x580, s16;
	s21 =	sadd.s32 s3, s19;
	s22 =	sand.u32 $0x1FFFFFF0, s22  }
0x80: {  	[tilespmem:s17], [sflag:$0x1] =	stream.linear.gather [hbm4b:s20+s1], $0x80, $0x38;
	[tilespmem:$0x10400] =	vst v63  }
0x81: {  	s19 =	sadd.s32 s4, s19;
	s17 =	sadd.s32 $0x8580, s16;
	s20 =	spop (v2sf)  }
0x82: {  	[tilespmem:s18], [sflag:$0x1] =	stream.linear.gather [hbm4b:s21+s1], $0x80, $0x38;
	(v2sf) =	vpush v17, $0xD;
	[tilespmem:$0x10400] =	vst v63  }
0x83: {  	s18 =	sadd.s32 $0x600, s16;
	s21 =	sadd.s32 s3, s22;
	s20 =	sand.u32 $0x1FFFFFF0, s20  }
0x84: {  	[tilespmem:s17], [sflag:$0x1] =	stream.linear.gather [hbm4b:s19+s1], $0x80, $0x38;
	[tilespmem:$0x10400] =	vst v63  }
0x85: {  	s17 =	sadd.s32 $0x8600, s16;
	s19 =	sadd.s32 s4, s22;
	s22 =	spop (v2sf)  }
0x86: {  	[tilespmem:s18], [sflag:$0x1] =	stream.linear.gather [hbm4b:s21+s1], $0x80, $0x38;
	(v2sf) =	vpush v17, $0xE;
	[tilespmem:$0x10400] =	vst v63  }
0x87: {  	s18 =	sadd.s32 $0x680, s16;
	s21 =	sadd.s32 s3, s20;
	s22 =	sand.u32 $0x1FFFFFF0, s22  }
0x88: {  	[tilespmem:s17], [sflag:$0x1] =	stream.linear.gather [hbm4b:s19+s1], $0x80, $0x38;
	[tilespmem:$0x10400] =	vst v63  }
0x89: {  	s17 =	sadd.s32 $0x8680, s16;
	s19 =	sadd.s32 s4, s20;
	s20 =	spop (v2sf)  }
0x8a: {  	[tilespmem:s18], [sflag:$0x1] =	stream.linear.gather [hbm4b:s21+s1], $0x80, $0x38;
	(v2sf) =	vpush v17, $0xF;
	[tilespmem:$0x10400] =	vst v63  }
0x8b: {  	s18 =	sadd.s32 $0x700, s16;
	s21 =	sadd.s32 s3, s22;
	s20 =	sand.u32 $0x1FFFFFF0, s20  }
0x8c: {  	[tilespmem:s17], [sflag:$0x1] =	stream.linear.gather [hbm4b:s19+s1], $0x80, $0x38;
	[tilespmem:$0x10400] =	vst v63  }
0x8d: {  	s17 =	sadd.s32 $0x8700, s16;
	s19 =	sadd.s32 s4, s22;
	s22 =	spop (v2sf)  }
0x8e: {  	[tilespmem:s18], [sflag:$0x1] =	stream.linear.gather [hbm4b:s21+s1], $0x80, $0x38;
	[tilespmem:$0x10400] =	vst v63  }
0x8f: {  	s18 =	sadd.s32 $0x780, s16;
	s21 =	sadd.s32 s3, s20;
	s22 =	sand.u32 $0x1FFFFFF0, s22  }
0x90: {  	[tilespmem:s17], [sflag:$0x1] =	stream.linear.gather [hbm4b:s19+s1], $0x80, $0x38;
	[tilespmem:$0x10400] =	vst v63  }
0x91: {  	s17 =	sadd.s32 $0x8780, s16;
	s19 =	sadd.s32 s4, s20;
	s20 =	spop (v2sf)  }
0x92: {  	[tilespmem:s18], [sflag:$0x1] =	stream.linear.gather [hbm4b:s21+s1], $0x80, $0x38;
	[tilespmem:$0x10400] =	vst v63  }
0x93: {  	s18 =	sadd.s32 $0x800, s16;
	s21 =	sadd.s32 s3, s22;
	s20 =	sand.u32 $0x1FFFFFF0, s20  }
0x94: {  	[tilespmem:s17], [sflag:$0x1] =	stream.linear.gather [hbm4b:s19+s1], $0x80, $0x38;
	[tilespmem:$0x10400] =	vst v63  }
0x95: {  	s17 =	sadd.s32 $0x8800, s16;
	s19 =	sadd.s32 s4, s22;
	s22 =	spop (v2sf)  }
0x96: {  	[tilespmem:s18], [sflag:$0x1] =	stream.linear.gather [hbm4b:s21+s1], $0x80, $0x38;
	[tilespmem:$0x10400] =	vst v63  }
0x97: {  	s18 =	sadd.s32 $0x880, s16;
	s21 =	sadd.s32 s3, s20;
	s22 =	sand.u32 $0x1FFFFFF0, s22  }
0x98: {  	[tilespmem:s17], [sflag:$0x1] =	stream.linear.gather [hbm4b:s19+s1], $0x80, $0x38;
	[tilespmem:$0x10400] =	vst v63  }
0x99: {  	s17 =	sadd.s32 $0x8880, s16;
	s19 =	sadd.s32 s4, s20;
	s20 =	spop (v2sf)  }
0x9a: {  	[tilespmem:s18], [sflag:$0x1] =	stream.linear.gather [hbm4b:s21+s1], $0x80, $0x38;
	[tilespmem:$0x10400] =	vst v63  }
0x9b: {  	s18 =	sadd.s32 $0x900, s16;
	s21 =	sadd.s32 s3, s22;
	s20 =	sand.u32 $0x1FFFFFF0, s20  }
0x9c: {  	[tilespmem:s17], [sflag:$0x1] =	stream.linear.gather [hbm4b:s19+s1], $0x80, $0x38;
	[tilespmem:$0x10400] =	vst v63  }
0x9d: {  	s17 =	sadd.s32 $0x8900, s16;
	s19 =	sadd.s32 s4, s22  }
0x9e: {  	[tilespmem:s18], [sflag:$0x1] =	stream.linear.gather [hbm4b:s21+s1], $0x80, $0x38;
	[tilespmem:$0x10400] =	vst v63  }
.Ltmp0:
0x9f: {  	_ = 	snop;
	(pc) =	sbr.rel @p0 .LBB2_2-.Ltmp0, $4  }
0xa0: {  	s18 =	sadd.s32 $0x980, s16;
	s21 =	sadd.s32 s3, s20  }
0xa1: {  	[tilespmem:s17], [sflag:$0x1] =	stream.linear.gather [hbm4b:s19+s1], $0x80, $0x38;
	[tilespmem:$0x10400] =	vst v63  }
0xa2: {  	s16 =	sadd.s32 $0x8980, s16;
	s17 =	sadd.s32 s4, s20  }
0xa3: {  	[tilespmem:s18], [sflag:$0x1] =	stream.linear.gather [hbm4b:s21+s1], $0x80, $0x38;
	[tilespmem:$0x10400] =	vst v63  }
0xa4: {  	s15 =	simm.s32 $0x0  }
0xa5: {  	v17 =	vmov s15  }
0xa6: {  	v17 =	vshll.u32 v17, $0x7  }
0xa7: {  	[tilespmem:s16], [sflag:$0x1] =	stream.linear.gather [hbm4b:s17+s1], $0x80, $0x38;
	v17 =	vor.u32 v1, v17;
	[tilespmem:$0x10400] =	vst v63  }
0xa8: {  	_ =	swait.ge [sflag:s9], $0x8000;
	v17 =	vand.u32 $0x7C00, v17  }
0xa9: {  	[sflag:s9] =	ssyncset.done $0x0;
	v18 =	vor.u32 v2, v17  }
0xaa: {  	[sflag:s9] =	ssyncadd.s32 $0xFFFF8000  }
0xab: {  	_ =	swait.ge [sflag:s9], $0x8000;
	v19 =	vor.u32 v0, v17  }
0xac: {  	[sflag:s9] =	ssyncset.done $0x0  }
0xad: {  	v20 =	vor.u32 v3, v17;
	[sflag:s9] =	ssyncadd.s32 $0xFFFF8000  }
0xae: {  	v21 =	vld.idx.msk [tilespmem:v18+s11+$0x0], $0xffff  }
0xaf: {  	v22 =	vor.u32 v4, v17;
	v18 =	vld.idx.msk [tilespmem:v18+s10+$0x0], $0xffff  }
0xb0: {  	v23 =	vld.idx.msk [tilespmem:v19+s11+$0x0], $0xffff  }
0xb1: {  	v24 =	vor.u32 v5, v17;
	v19 =	vld.idx.msk [tilespmem:v19+s10+$0x0], $0xffff  }
0xb2: {  	v25 =	vld.idx.msk [tilespmem:v20+s11+$0x0], $0xffff  }
0xb3: {  	v26 =	vor.u32 v6, v17;
	v20 =	vld.idx.msk [tilespmem:v20+s10+$0x0], $0xffff  }
0xb4: {  	v27 =	vld.idx.msk [tilespmem:v22+s11+$0x0], $0xffff  }
0xb5: {  	v28 =	vor.u32 v7, v17;
	v22 =	vld.idx.msk [tilespmem:v22+s10+$0x0], $0xffff;
	v29 =	vmul.f32 v18, v18;
	v30 =	vmul.f32 v21, v21  }
0xb6: {  	v31 =	vld.idx.msk [tilespmem:v24+s11+$0x0], $0xffff;
	v32 =	vmul.f32 v19, v19;
	v33 =	vmul.f32 v23, v23  }
0xb7: {  	v34 =	vor.u32 v8, v17;
	v24 =	vld.idx.msk [tilespmem:v24+s10+$0x0], $0xffff;
	v35 =	vmul.f32 v25, v25  }
0xb8: {  	v36 =	vld.idx.msk [tilespmem:v26+s11+$0x0], $0xffff;
	v56 =	vmul.f32 v20, v20;
	v29 =	vadd.f32 v29, v32;
	v30 =	vadd.f32 v30, v33  }
0xb9: {  	v57 =	vor.u32 v9, v17;
	v26 =	vld.idx.msk [tilespmem:v26+s10+$0x0], $0xffff;
	v37 =	vmul.f32 v27, v27  }
0xba: {  	v38 =	vld.idx.msk [tilespmem:v28+s11+$0x0], $0xffff;
	v58 =	vmul.f32 v22, v22;
	v29 =	vadd.f32 v56, v29;
	v30 =	vadd.f32 v35, v30  }
0xbb: {  	v59 =	vor.u32 v10, v17;
	v28 =	vld.idx.msk [tilespmem:v28+s10+$0x0], $0xffff;
	v39 =	vmul.f32 v31, v31  }
0xbc: {  	v40 =	vld.idx.msk [tilespmem:v34+s11+$0x0], $0xffff;
	v60 =	vmul.f32 v24, v24;
	v29 =	vadd.f32 v58, v29;
	v30 =	vadd.f32 v37, v30  }
0xbd: {  	v61 =	vor.u32 v11, v17;
	v34 =	vld.idx.msk [tilespmem:v34+s10+$0x0], $0xffff;
	v41 =	vmul.f32 v36, v36  }
0xbe: {  	v42 =	vld.idx.msk [tilespmem:v57+s11+$0x0], $0xffff;
	v62 =	vmul.f32 v26, v26;
	v29 =	vadd.f32 v60, v29;
	v30 =	vadd.f32 v39, v30  }
0xbf: {  	v63 =	vor.u32 v12, v17;
	v43 =	vmul.f32 v38, v38;
	v33 =	vld.idx.msk [tilespmem:v57+s10+$0x0], $0xffff  }
0xc0: {  	v44 =	vld.idx.msk [tilespmem:v59+s11+$0x0], $0xffff;
	v52 =	vmul.f32 v28, v28;
	v29 =	vadd.f32 v62, v29;
	v30 =	vadd.f32 v41, v30  }
0xc1: {  	v53 =	vor.u32 v13, v17;
	v45 =	vmul.f32 v40, v40;
	v35 =	vld.idx.msk [tilespmem:v59+s10+$0x0], $0xffff  }
0xc2: {  	v46 =	vld.idx.msk [tilespmem:v61+s11+$0x0], $0xffff;
	v54 =	vmul.f32 v34, v34;
	v29 =	vadd.f32 v52, v29;
	v30 =	vadd.f32 v43, v30  }
0xc3: {  	v55 =	vor.u32 v14, v17;
	v47 =	vmul.f32 v42, v42;
	v37 =	vld.idx.msk [tilespmem:v61+s10+$0x0], $0xffff  }
0xc4: {  	v48 =	vld.idx.msk [tilespmem:v63+s11+$0x0], $0xffff;
	v56 =	vmul.f32 v33, v33;
	v29 =	vadd.f32 v54, v29;
	v30 =	vadd.f32 v45, v30  }
0xc5: {  	v49 =	vmul.f32 v44, v44;
	v57 =	vor.u32 v15, v17;
	v39 =	vld.idx.msk [tilespmem:v63+s10+$0x0], $0xffff  }
0xc6: {  	v50 =	vld.idx.msk [tilespmem:v53+s11+$0x0], $0xffff;
	v58 =	vmul.f32 v35, v35;
	v29 =	vadd.f32 v56, v29;
	v30 =	vadd.f32 v47, v30  }
0xc7: {  	v17 =	vor.u32 v16, v17;
	v59 =	vmul.f32 v46, v46;
	v41 =	vld.idx.msk [tilespmem:v53+s10+$0x0], $0xffff  }
0xc8: {  	v51 =	vld.idx.msk [tilespmem:v55+s11+$0x0], $0xffff;
	v60 =	vmul.f32 v37, v37;
	v29 =	vadd.f32 v58, v29;
	v30 =	vadd.f32 v49, v30  }
0xc9: {  	v61 =	vmul.f32 v48, v48;
	v43 =	vld.idx.msk [tilespmem:v55+s10+$0x0], $0xffff  }
0xca: {  	v52 =	vld.idx.msk [tilespmem:v57+s11+$0x0], $0xffff;
	v62 =	vmul.f32 v39, v39;
	v29 =	vadd.f32 v60, v29;
	v30 =	vadd.f32 v59, v30  }
0xcb: {  	v63 =	vmul.f32 v50, v50;
	v45 =	vld.idx.msk [tilespmem:v57+s10+$0x0], $0xffff  }
0xcc: {  	v53 =	vld.idx.msk [tilespmem:v17+s11+$0x0], $0xffff;
	v54 =	vmul.f32 v41, v41;
	v29 =	vadd.f32 v62, v29;
	v30 =	vadd.f32 v61, v30  }
0xcd: {  	v17 =	vld.idx.msk [tilespmem:v17+s10+$0x0], $0xffff;
	v55 =	vmul.f32 v51, v51  }
0xce: {  	v56 =	vmul.f32 v43, v43;
	v29 =	vadd.f32 v54, v29;
	v30 =	vadd.f32 v63, v30  }
0xcf: {  	v57 =	vmul.f32 v52, v52  }
0xd0: {  	v58 =	vmul.f32 v45, v45;
	v29 =	vadd.f32 v56, v29;
	v30 =	vadd.f32 v55, v30  }
0xd1: {  	v59 =	vmul.f32 v53, v53  }
0xd2: {  	v60 =	vmul.f32 v17, v17;
	v29 =	vadd.f32 v58, v29;
	v30 =	vadd.f32 v57, v30;
	_ =	sdelay $0x1  }
0xd3: {  	v29 =	vadd.f32 v60, v29;
	v30 =	vadd.f32 v59, v30;
	_ =	sdelay $0x1  }
0xd4: {  	v29 =	vmul.f32 v30, v29;
	_ =	sdelay $0x1  }
0xd5: {  	v30 =	vshra.s32 v29, $0x1;
	v61 =	vmul.f32 $5.000000000e-01, v29  }
0xd6: {  	v30 =	vsub.s32 $0x5F3759DF, v30  }
0xd7: {  	v62 =	vmul.f32 v30, v61;
	_ =	sdelay $0x1  }
0xd8: {  	v19 =	vmul.f32 v23, v19;
	v47 =	vmul.f32 v30, v62;
	_ =	sdelay $0x1  }
0xd9: {  	v18 =	vmul.f32 v21, v18;
	v19 =	vadd.f32 $0.0e+00, v19;
	v63 =	vsub.f32 $1.500000000e+00, v47;
	_ =	sdelay $0x1  }
0xda: {  	v18 =	vadd.f32 v18, v19;
	v19 =	vmul.f32 v25, v20;
	v47 =	vmul.f32 v30, v63;
	_ =	sdelay $0x1  }
0xdb: {  	v18 =	vadd.f32 v19, v18;
	v19 =	vmul.f32 v27, v22;
	v20 =	vmul.f32 v47, v61;
	_ =	sdelay $0x1  }
0xdc: {  	v18 =	vadd.f32 v19, v18;
	v19 =	vmul.f32 v31, v24;
	v20 =	vmul.f32 v20, v47;
	_ =	sdelay $0x1  }
0xdd: {  	v18 =	vadd.f32 v19, v18;
	v19 =	vmul.f32 v36, v26;
	v20 =	vsub.f32 $1.500000000e+00, v20;
	_ =	sdelay $0x1  }
0xde: {  	v18 =	vadd.f32 v19, v18;
	v19 =	vmul.f32 v38, v28;
	v20 =	vmul.f32 v20, v47;
	_ =	sdelay $0x1  }
0xdf: {  	v18 =	vadd.f32 v19, v18;
	v19 =	vmul.f32 v40, v34;
	v21 =	vmul.f32 v20, v61;
	_ =	sdelay $0x1  }
0xe0: {  	v18 =	vadd.f32 v19, v18;
	v19 =	vmul.f32 v42, v33;
	v21 =	vmul.f32 v21, v20;
	_ =	sdelay $0x1  }
0xe1: {  	v18 =	vadd.f32 v19, v18;
	v19 =	vmul.f32 v44, v35;
	v21 =	vsub.f32 $1.500000000e+00, v21;
	_ =	sdelay $0x1  }
0xe2: {  	v18 =	vadd.f32 v19, v18;
	v19 =	vmul.f32 v46, v37;
	v20 =	vmul.f32 v21, v20;
	_ =	sdelay $0x1  }
0xe3: {  	v18 =	vadd.f32 v19, v18;
	v19 =	vmul.f32 v48, v39;
	v20 =	vmul.f32 v20, v29;
	_ =	sdelay $0x1  }
0xe4: {  	v18 =	vadd.f32 v19, v18;
	v19 =	vmul.f32 v50, v41;
	v20 =	vmax.f32 v20, $9.999999930e-09  }
0xe5: {  	(erf) = vrcp.f32 v20  }
0xe6: {  	v18 =	vadd.f32 v19, v18;
	v19 =	vmul.f32 v51, v43;
	_ =	sdelay $0x1  }
0xe7: {  	s14 =	simm.s32 $0x10;
	v18 =	vadd.f32 v19, v18;
	v19 =	vmul.f32 v52, v45  }
0xe8: {  	v20 =	vmov s14  }
0xe9: {  	v18 =	vadd.f32 v19, v18;
	v20 =	vshll.u32 v20, $0x7  }
0xea: {  	v17 =	vmul.f32 v53, v17;
	v20 =	vor.u32 v1, v20  }
0xeb: {  	v19 =	vand.u32 $0x7C00, v20  }
0xec: {  	v17 =	vadd.f32 v17, v18;
	v20 =	vor.u32 v2, v19  }
0xed: {  	v18 =	vpop (erf)  }
0xee: {  	v48 =	vor.u32 v0, v19;
	v17 =	vmul.f32 v18, v17  }
0xef: {  	s16 =	simm.s32 $0x10200  }
0xf0: {  	v18 =	vor.u32 v3, v19;
	[tilespmem:s16+$0x0] =	vst v17  }
0xf1: {  	v17 =	vld.idx.msk [tilespmem:v20+s11+$0x0], $0xffff  }
0xf2: {  	v49 =	vor.u32 v4, v19;
	v20 =	vld.idx.msk [tilespmem:v20+s10+$0x0], $0xffff  }
0xf3: {  	v23 =	vld.idx.msk [tilespmem:v48+s11+$0x0], $0xffff  }
0xf4: {  	v50 =	vor.u32 v5, v19;
	v21 =	vld.idx.msk [tilespmem:v48+s10+$0x0], $0xffff  }
0xf5: {  	v25 =	vld.idx.msk [tilespmem:v18+s11+$0x0], $0xffff  }
0xf6: {  	v51 =	vor.u32 v6, v19;
	v18 =	vld.idx.msk [tilespmem:v18+s10+$0x0], $0xffff  }
0xf7: {  	v27 =	vld.idx.msk [tilespmem:v49+s11+$0x0], $0xffff  }
0xf8: {  	v52 =	vor.u32 v7, v19;
	v22 =	vld.idx.msk [tilespmem:v49+s10+$0x0], $0xffff;
	v53 =	vmul.f32 v20, v20;
	v54 =	vmul.f32 v17, v17  }
0xf9: {  	v31 =	vld.idx.msk [tilespmem:v50+s11+$0x0], $0xffff;
	v55 =	vmul.f32 v21, v21;
	v56 =	vmul.f32 v23, v23  }
0xfa: {  	v57 =	vor.u32 v8, v19;
	v24 =	vld.idx.msk [tilespmem:v50+s10+$0x0], $0xffff;
	v58 =	vmul.f32 v25, v25  }
0xfb: {  	v36 =	vld.idx.msk [tilespmem:v51+s11+$0x0], $0xffff;
	v29 =	vadd.f32 v53, v55;
	v30 =	vadd.f32 v54, v56;
	v59 =	vmul.f32 v18, v18  }
0xfc: {  	v60 =	vor.u32 v9, v19;
	v26 =	vld.idx.msk [tilespmem:v51+s10+$0x0], $0xffff;
	v61 =	vmul.f32 v27, v27  }
0xfd: {  	v38 =	vld.idx.msk [tilespmem:v52+s11+$0x0], $0xffff;
	v62 =	vmul.f32 v22, v22;
	v29 =	vadd.f32 v59, v29;
	v30 =	vadd.f32 v58, v30  }
0xfe: {  	v63 =	vor.u32 v10, v19;
	v28 =	vld.idx.msk [tilespmem:v52+s10+$0x0], $0xffff;
	v47 =	vmul.f32 v31, v31  }
0xff: {  	v40 =	vld.idx.msk [tilespmem:v57+s11+$0x0], $0xffff;
	v48 =	vmul.f32 v24, v24;
	v29 =	vadd.f32 v62, v29;
	v30 =	vadd.f32 v61, v30  }
0x100: {  	v49 =	vor.u32 v11, v19;
	v34 =	vld.idx.msk [tilespmem:v57+s10+$0x0], $0xffff;
	v50 =	vmul.f32 v36, v36  }
0x101: {  	v42 =	vld.idx.msk [tilespmem:v60+s11+$0x0], $0xffff;
	v51 =	vmul.f32 v26, v26;
	v29 =	vadd.f32 v48, v29;
	v30 =	vadd.f32 v47, v30  }
0x102: {  	v52 =	vor.u32 v12, v19;
	v33 =	vld.idx.msk [tilespmem:v60+s10+$0x0], $0xffff;
	v53 =	vmul.f32 v38, v38  }
0x103: {  	v35 =	vld.idx.msk [tilespmem:v63+s10+$0x0], $0xffff;
	v54 =	vmul.f32 v28, v28;
	v29 =	vadd.f32 v51, v29;
	v30 =	vadd.f32 v50, v30  }
0x104: {  	v44 =	vld.idx.msk [tilespmem:v63+s11+$0x0], $0xffff;
	v55 =	vor.u32 v13, v19;
	v58 =	vmul.f32 v40, v40  }
0x105: {  	v46 =	vld.idx.msk [tilespmem:v49+s11+$0x0], $0xffff;
	v59 =	vmul.f32 v34, v34;
	v29 =	vadd.f32 v54, v29;
	v30 =	vadd.f32 v53, v30  }
0x106: {  	v60 =	vor.u32 v14, v19;
	v37 =	vld.idx.msk [tilespmem:v49+s10+$0x0], $0xffff;
	v61 =	vmul.f32 v42, v42  }
0x107: {  	v62 =	vmul.f32 v33, v33;
	v48 =	vld.idx.msk [tilespmem:v52+s11+$0x0], $0xffff;
	v29 =	vadd.f32 v59, v29;
	v30 =	vadd.f32 v58, v30  }
0x108: {  	v63 =	vor.u32 v15, v19;
	v39 =	vld.idx.msk [tilespmem:v52+s10+$0x0], $0xffff;
	v57 =	vmul.f32 v35, v35  }
0x109: {  	v56 =	vmul.f32 v44, v44;
	v41 =	vld.idx.msk [tilespmem:v55+s10+$0x0], $0xffff;
	v29 =	vadd.f32 v62, v29;
	v30 =	vadd.f32 v61, v30  }
0x10a: {  	v19 =	vor.u32 v16, v19;
	v50 =	vld.idx.msk [tilespmem:v55+s11+$0x0], $0xffff;
	v58 =	vmul.f32 v46, v46  }
0x10b: {  	v43 =	vld.idx.msk [tilespmem:v60+s10+$0x0], $0xffff;
	v59 =	vmul.f32 v37, v37;
	v29 =	vadd.f32 v57, v29;
	v30 =	vadd.f32 v56, v30  }
0x10c: {  	v51 =	vld.idx.msk [tilespmem:v60+s11+$0x0], $0xffff;
	v60 =	vmul.f32 v48, v48  }
0x10d: {  	v52 =	vld.idx.msk [tilespmem:v63+s11+$0x0], $0xffff;
	v61 =	vmul.f32 v39, v39;
	v29 =	vadd.f32 v59, v29;
	v30 =	vadd.f32 v58, v30  }
0x10e: {  	v45 =	vld.idx.msk [tilespmem:v63+s10+$0x0], $0xffff;
	v63 =	vmul.f32 v41, v41  }
0x10f: {  	v53 =	vld.idx.msk [tilespmem:v19+s11+$0x0], $0xffff;
	v62 =	vmul.f32 v50, v50;
	v29 =	vadd.f32 v61, v29;
	v30 =	vadd.f32 v60, v30  }
0x110: {  	v55 =	vmul.f32 v43, v43;
	v19 =	vld.idx.msk [tilespmem:v19+s10+$0x0], $0xffff  }
0x111: {  	v54 =	vmul.f32 v51, v51;
	v29 =	vadd.f32 v63, v29;
	v30 =	vadd.f32 v62, v30  }
0x112: {  	v56 =	vmul.f32 v52, v52  }
0x113: {  	v57 =	vmul.f32 v45, v45;
	v29 =	vadd.f32 v55, v29;
	v30 =	vadd.f32 v54, v30  }
0x114: {  	v58 =	vmul.f32 v53, v53  }
0x115: {  	v59 =	vmul.f32 v19, v19;
	v29 =	vadd.f32 v57, v29;
	v30 =	vadd.f32 v56, v30;
	_ =	sdelay $0x1  }
0x116: {  	v29 =	vadd.f32 v59, v29;
	v30 =	vadd.f32 v58, v30;
	_ =	sdelay $0x1  }
0x117: {  	v29 =	vmul.f32 v30, v29;
	_ =	sdelay $0x1  }
0x118: {  	v30 =	vshra.s32 v29, $0x1;
	v60 =	vmul.f32 $5.000000000e-01, v29  }
0x119: {  	v30 =	vsub.s32 $0x5F3759DF, v30  }
0x11a: {  	v61 =	vmul.f32 v30, v60;
	_ =	sdelay $0x1  }
0x11b: {  	v17 =	vmul.f32 v17, v20;
	v20 =	vmul.f32 v30, v61  }
0x11c: {  	v21 =	vmul.f32 v23, v21  }
0x11d: {  	v20 =	vsub.f32 $1.500000000e+00, v20  }
0x11e: {  	v21 =	vadd.f32 $0.0e+00, v21  }
0x11f: {  	v20 =	vmul.f32 v30, v20  }
0x120: {  	v18 =	vmul.f32 v25, v18;
	v17 =	vadd.f32 v17, v21  }
0x121: {  	v62 =	vmul.f32 v20, v60  }
0x122: {  	v17 =	vadd.f32 v18, v17;
	v18 =	vmul.f32 v27, v22  }
0x123: {  	v21 =	vmul.f32 v62, v20  }
0x124: {  	v17 =	vadd.f32 v18, v17;
	v18 =	vmul.f32 v31, v24  }
0x125: {  	v21 =	vsub.f32 $1.500000000e+00, v21  }
0x126: {  	v17 =	vadd.f32 v18, v17;
	v18 =	vmul.f32 v36, v26  }
0x127: {  	v20 =	vmul.f32 v21, v20  }
0x128: {  	v17 =	vadd.f32 v18, v17;
	v18 =	vmul.f32 v38, v28  }
0x129: {  	v21 =	vmul.f32 v20, v60  }
0x12a: {  	v17 =	vadd.f32 v18, v17;
	v18 =	vmul.f32 v40, v34  }
0x12b: {  	v21 =	vmul.f32 v21, v20  }
0x12c: {  	v17 =	vadd.f32 v18, v17;
	v18 =	vmul.f32 v42, v33  }
0x12d: {  	v21 =	vsub.f32 $1.500000000e+00, v21  }
0x12e: {  	v17 =	vadd.f32 v18, v17;
	v18 =	vmul.f32 v44, v35  }
0x12f: {  	v20 =	vmul.f32 v21, v20  }
0x130: {  	v17 =	vadd.f32 v18, v17;
	v18 =	vmul.f32 v46, v37  }
0x131: {  	v20 =	vmul.f32 v20, v29  }
0x132: {  	v17 =	vadd.f32 v18, v17;
	v18 =	vmul.f32 v48, v39  }
0x133: {  	v20 =	vmax.f32 v20, $9.999999930e-09  }
0x134: {  	v17 =	vadd.f32 v18, v17;
	v18 =	vmul.f32 v50, v41;
	(erf) = vrcp.f32 v20;
	_ =	sdelay $0x1  }
0x135: {  	v17 =	vadd.f32 v18, v17;
	v18 =	vmul.f32 v51, v43  }
0x136: {  	s31 =	simm.s32 $0x20  }
0x137: {  	v63 =	vmov s31;
	v17 =	vadd.f32 v18, v17;
	v18 =	vmul.f32 v52, v45  }
0x138: {  	v21 =	vshll.u32 v63, $0x7  }
0x139: {  	v19 =	vmul.f32 v53, v19;
	v18 =	vadd.f32 v18, v17;
	v20 =	vor.u32 v1, v21  }
0x13a: {  	s17 =	simm.s32 $0x30;
	v17 =	vand.u32 $0x7C00, v20  }
.LBB2_4:
0x13b: {  	p0 =	sne.s32 s17, $0xF0;
	v20 =	vor.u32 v2, v17;
	v18 =	vadd.f32 v19, v18  }
0x13c: {  	v19 =	vpop (erf)  }
0x13d: {  	v21 =	vor.u32 v0, v17;
	v18 =	vmul.f32 v19, v18  }
0x13e: {  	s16 =	sadd.s32 $0x10, s16  }
0x13f: {  	v22 =	vor.u32 v3, v17;
	[tilespmem:s16+$0x0] =	vst v18  }
0x140: {  	v18 =	vld.idx.msk [tilespmem:v20+s11+$0x0], $0xffff  }
0x141: {  	v23 =	vor.u32 v4, v17;
	v19 =	vld.idx.msk [tilespmem:v20+s10+$0x0], $0xffff  }
0x142: {  	v25 =	vld.idx.msk [tilespmem:v21+s11+$0x0], $0xffff  }
0x143: {  	v26 =	vor.u32 v5, v17;
	v28 =	vld.idx.msk [tilespmem:v21+s10+$0x0], $0xffff  }
0x144: {  	v20 =	vld.idx.msk [tilespmem:v22+s11+$0x0], $0xffff  }
0x145: {  	v29 =	vor.u32 v6, v17;
	v22 =	vld.idx.msk [tilespmem:v22+s10+$0x0], $0xffff  }
0x146: {  	v21 =	vld.idx.msk [tilespmem:v23+s11+$0x0], $0xffff  }
0x147: {  	v31 =	vor.u32 v7, v17;
	v23 =	vld.idx.msk [tilespmem:v23+s10+$0x0], $0xffff  }
0x148: {  	v32 =	vmul.f32 v18, v18;
	v30 =	vmul.f32 v19, v19;
	v24 =	vld.idx.msk [tilespmem:v26+s11+$0x0], $0xffff  }
0x149: {  	v35 =	vor.u32 v8, v17;
	v34 =	vmul.f32 v25, v25;
	v33 =	vmul.f32 v28, v28;
	v27 =	vld.idx.msk [tilespmem:v26+s10+$0x0], $0xffff  }
0x14a: {  	v37 =	vor.u32 v9, v17;
	v36 =	vmul.f32 v20, v20;
	v26 =	vld.idx.msk [tilespmem:v29+s11+$0x0], $0xffff  }
0x14b: {  	v32 =	vadd.f32 v32, v34;
	v33 =	vadd.f32 v30, v33;
	v34 =	vmul.f32 v22, v22;
	v30 =	vld.idx.msk [tilespmem:v29+s10+$0x0], $0xffff  }
0x14c: {  	v39 =	vor.u32 v10, v17;
	v38 =	vmul.f32 v21, v21;
	v29 =	vld.idx.msk [tilespmem:v31+s11+$0x0], $0xffff  }
0x14d: {  	v33 =	vadd.f32 v34, v33;
	v34 =	vadd.f32 v36, v32;
	v36 =	vmul.f32 v23, v23;
	v32 =	vld.idx.msk [tilespmem:v31+s10+$0x0], $0xffff  }
0x14e: {  	v41 =	vor.u32 v11, v17;
	v40 =	vmul.f32 v24, v24;
	v31 =	vld.idx.msk [tilespmem:v35+s11+$0x0], $0xffff  }
0x14f: {  	v36 =	vadd.f32 v36, v33;
	v38 =	vadd.f32 v38, v34;
	v42 =	vmul.f32 v27, v27;
	v34 =	vld.idx.msk [tilespmem:v35+s10+$0x0], $0xffff  }
0x150: {  	v44 =	vor.u32 v12, v17;
	v43 =	vmul.f32 v26, v26;
	v33 =	vld.idx.msk [tilespmem:v37+s11+$0x0], $0xffff  }
0x151: {  	v42 =	vadd.f32 v42, v36;
	v38 =	vadd.f32 v40, v38;
	v40 =	vmul.f32 v30, v30;
	v36 =	vld.idx.msk [tilespmem:v37+s10+$0x0], $0xffff  }
0x152: {  	v46 =	vor.u32 v13, v17;
	v45 =	vmul.f32 v29, v29;
	v35 =	vld.idx.msk [tilespmem:v39+s11+$0x0], $0xffff  }
0x153: {  	v40 =	vadd.f32 v40, v42;
	v42 =	vadd.f32 v43, v38;
	v43 =	vmul.f32 v32, v32;
	v38 =	vld.idx.msk [tilespmem:v39+s10+$0x0], $0xffff  }
0x154: {  	v48 =	vor.u32 v14, v17;
	v47 =	vmul.f32 v31, v31;
	v37 =	vld.idx.msk [tilespmem:v41+s11+$0x0], $0xffff  }
0x155: {  	v43 =	vadd.f32 v43, v40;
	v42 =	vadd.f32 v45, v42;
	v45 =	vmul.f32 v34, v34;
	v40 =	vld.idx.msk [tilespmem:v41+s10+$0x0], $0xffff  }
0x156: {  	v49 =	vor.u32 v15, v17;
	v41 =	vmul.f32 v33, v33;
	v39 =	vld.idx.msk [tilespmem:v44+s11+$0x0], $0xffff  }
0x157: {  	v43 =	vadd.f32 v45, v43;
	v42 =	vadd.f32 v47, v42;
	v45 =	vmul.f32 v36, v36;
	v44 =	vld.idx.msk [tilespmem:v44+s10+$0x0], $0xffff  }
0x158: {  	v17 =	vor.u32 v16, v17;
	v47 =	vmul.f32 v35, v35;
	v50 =	vld.idx.msk [tilespmem:v46+s11+$0x0], $0xffff  }
0x159: {  	v43 =	vadd.f32 v45, v43;
	v41 =	vadd.f32 v41, v42;
	v42 =	vmul.f32 v38, v38;
	v45 =	vld.idx.msk [tilespmem:v46+s10+$0x0], $0xffff  }
0x15a: {  	v46 =	vmul.f32 v37, v37;
	v51 =	vld.idx.msk [tilespmem:v48+s11+$0x0], $0xffff  }
0x15b: {  	v42 =	vadd.f32 v42, v43;
	v41 =	vadd.f32 v47, v41;
	v43 =	vmul.f32 v40, v40;
	v47 =	vld.idx.msk [tilespmem:v48+s10+$0x0], $0xffff  }
0x15c: {  	v48 =	vmul.f32 v39, v39;
	v52 =	vld.idx.msk [tilespmem:v49+s11+$0x0], $0xffff  }
0x15d: {  	v42 =	vadd.f32 v43, v42;
	v41 =	vadd.f32 v46, v41;
	v43 =	vmul.f32 v44, v44;
	v46 =	vld.idx.msk [tilespmem:v49+s10+$0x0], $0xffff  }
0x15e: {  	v49 =	vmul.f32 v50, v50;
	v53 =	vld.idx.msk [tilespmem:v17+s11+$0x0], $0xffff  }
0x15f: {  	v42 =	vadd.f32 v43, v42;
	v41 =	vadd.f32 v48, v41;
	v43 =	vmul.f32 v45, v45;
	v17 =	vld.idx.msk [tilespmem:v17+s10+$0x0], $0xffff  }
0x160: {  	v48 =	vmul.f32 v51, v51  }
0x161: {  	v42 =	vadd.f32 v43, v42;
	v41 =	vadd.f32 v49, v41;
	v43 =	vmul.f32 v47, v47  }
0x162: {  	v49 =	vmul.f32 v52, v52  }
0x163: {  	v42 =	vadd.f32 v43, v42;
	v41 =	vadd.f32 v48, v41;
	v43 =	vmul.f32 v46, v46  }
0x164: {  	v48 =	vmul.f32 v53, v53  }
0x165: {  	v42 =	vadd.f32 v43, v42;
	v41 =	vadd.f32 v49, v41;
	v43 =	vmul.f32 v17, v17;
	_ =	sdelay $0x1  }
0x166: {  	v42 =	vadd.f32 v43, v42;
	v41 =	vadd.f32 v48, v41;
	_ =	sdelay $0x1  }
0x167: {  	v41 =	vmul.f32 v41, v42;
	_ =	sdelay $0x1  }
0x168: {  	v42 =	vshra.s32 v41, $0x1;
	v43 =	vmul.f32 $5.000000000e-01, v41  }
0x169: {  	v42 =	vsub.s32 $0x5F3759DF, v42  }
0x16a: {  	v48 =	vmul.f32 v42, v43;
	_ =	sdelay $0x1  }
0x16b: {  	v48 =	vmul.f32 v42, v48  }
0x16c: {  	v25 =	vmul.f32 v25, v28  }
0x16d: {  	v28 =	vsub.f32 $1.500000000e+00, v48  }
0x16e: {  	v18 =	vmul.f32 v18, v19;
	v25 =	vadd.f32 $0.0e+00, v25  }
0x16f: {  	v19 =	vmul.f32 v42, v28  }
0x170: {  	v20 =	vmul.f32 v20, v22;
	v18 =	vadd.f32 v18, v25  }
0x171: {  	v22 =	vmul.f32 v19, v43  }
0x172: {  	v18 =	vadd.f32 v20, v18;
	v20 =	vmul.f32 v21, v23  }
0x173: {  	v21 =	vmul.f32 v22, v19  }
0x174: {  	v18 =	vadd.f32 v20, v18;
	v20 =	vmul.f32 v24, v27  }
0x175: {  	v21 =	vsub.f32 $1.500000000e+00, v21  }
0x176: {  	v18 =	vadd.f32 v20, v18;
	v20 =	vmul.f32 v26, v30  }
0x177: {  	v19 =	vmul.f32 v21, v19  }
0x178: {  	v18 =	vadd.f32 v20, v18;
	v20 =	vmul.f32 v29, v32  }
0x179: {  	v21 =	vmul.f32 v19, v43  }
0x17a: {  	v18 =	vadd.f32 v20, v18;
	v20 =	vmul.f32 v31, v34  }
0x17b: {  	v21 =	vmul.f32 v21, v19  }
0x17c: {  	v18 =	vadd.f32 v20, v18;
	v20 =	vmul.f32 v33, v36  }
0x17d: {  	v21 =	vsub.f32 $1.500000000e+00, v21  }
0x17e: {  	v18 =	vadd.f32 v20, v18;
	v20 =	vmul.f32 v35, v38  }
0x17f: {  	v19 =	vmul.f32 v21, v19  }
0x180: {  	v18 =	vadd.f32 v20, v18;
	v20 =	vmul.f32 v37, v40  }
0x181: {  	v19 =	vmul.f32 v19, v41  }
0x182: {  	v18 =	vadd.f32 v20, v18;
	v20 =	vmul.f32 v39, v44  }
0x183: {  	v19 =	vmax.f32 v19, $9.999999930e-09  }
0x184: {  	v18 =	vadd.f32 v20, v18;
	v20 =	vmul.f32 v50, v45;
	(erf) = vrcp.f32 v19;
	_ =	sdelay $0x1  }
0x185: {  	v18 =	vadd.f32 v20, v18;
	v19 =	vmul.f32 v51, v47  }
.Ltmp1:
0x186: {  	(pc) =	sbr.rel @p0 .LBB2_4-.Ltmp1, $4  }
0x187: {  	v20 =	vmov s17;
	v18 =	vadd.f32 v19, v18;
	v19 =	vmul.f32 v52, v46  }
0x188: {  	v20 =	vshll.u32 v20, $0x7  }
0x189: {  	v20 =	vor.u32 v1, v20;
	v18 =	vadd.f32 v19, v18;
	v19 =	vmul.f32 v53, v17  }
0x18a: {  	s17 =	sadd.s32 $0x10, s17;
	v17 =	vand.u32 $0x7C00, v20  }
0x18b: {  	v20 =	vor.u32 v2, v17;
	v18 =	vadd.f32 v19, v18  }
0x18c: {  	v19 =	vpop (erf)  }
0x18d: {  	v21 =	vor.u32 v0, v17;
	v18 =	vmul.f32 v19, v18  }
0x18e: {  	s16 =	sadd.s32 $0x10, s16  }
0x18f: {  	v19 =	vor.u32 v3, v17;
	[tilespmem:s16+$0x0] =	vst v18  }
0x190: {  	v18 =	vld.idx.msk [tilespmem:v20+s11+$0x0], $0xffff  }
0x191: {  	v22 =	vor.u32 v4, v17;
	v20 =	vld.idx.msk [tilespmem:v20+s10+$0x0], $0xffff  }
0x192: {  	v23 =	vld.idx.msk [tilespmem:v21+s11+$0x0], $0xffff  }
0x193: {  	v24 =	vor.u32 v5, v17;
	v21 =	vld.idx.msk [tilespmem:v21+s10+$0x0], $0xffff  }
0x194: {  	v25 =	vld.idx.msk [tilespmem:v19+s11+$0x0], $0xffff  }
0x195: {  	v26 =	vor.u32 v6, v17;
	v19 =	vld.idx.msk [tilespmem:v19+s10+$0x0], $0xffff  }
0x196: {  	v27 =	vld.idx.msk [tilespmem:v22+s11+$0x0], $0xffff  }
0x197: {  	v28 =	vor.u32 v7, v17;
	v22 =	vld.idx.msk [tilespmem:v22+s10+$0x0], $0xffff;
	v29 =	vmul.f32 v20, v20;
	v30 =	vmul.f32 v18, v18  }
0x198: {  	v31 =	vld.idx.msk [tilespmem:v24+s11+$0x0], $0xffff;
	v32 =	vmul.f32 v21, v21;
	v33 =	vmul.f32 v23, v23  }
0x199: {  	v34 =	vor.u32 v8, v17;
	v24 =	vld.idx.msk [tilespmem:v24+s10+$0x0], $0xffff;
	v35 =	vmul.f32 v25, v25  }
0x19a: {  	v36 =	vld.idx.msk [tilespmem:v26+s11+$0x0], $0xffff;
	v29 =	vadd.f32 v29, v32;
	v30 =	vadd.f32 v30, v33;
	v50 =	vmul.f32 v19, v19  }
0x19b: {  	v51 =	vor.u32 v9, v17;
	v26 =	vld.idx.msk [tilespmem:v26+s10+$0x0], $0xffff;
	v37 =	vmul.f32 v27, v27  }
0x19c: {  	v38 =	vld.idx.msk [tilespmem:v28+s11+$0x0], $0xffff;
	v52 =	vmul.f32 v22, v22;
	v29 =	vadd.f32 v50, v29;
	v30 =	vadd.f32 v35, v30  }
0x19d: {  	v53 =	vor.u32 v10, v17;
	v28 =	vld.idx.msk [tilespmem:v28+s10+$0x0], $0xffff;
	v39 =	vmul.f32 v31, v31  }
0x19e: {  	v40 =	vld.idx.msk [tilespmem:v34+s11+$0x0], $0xffff;
	v54 =	vmul.f32 v24, v24;
	v29 =	vadd.f32 v52, v29;
	v30 =	vadd.f32 v37, v30  }
0x19f: {  	v55 =	vor.u32 v11, v17;
	v34 =	vld.idx.msk [tilespmem:v34+s10+$0x0], $0xffff;
	v41 =	vmul.f32 v36, v36  }
0x1a0: {  	v42 =	vld.idx.msk [tilespmem:v51+s11+$0x0], $0xffff;
	v56 =	vmul.f32 v26, v26;
	v29 =	vadd.f32 v54, v29;
	v30 =	vadd.f32 v39, v30  }
0x1a1: {  	v57 =	vor.u32 v12, v17;
	v43 =	vmul.f32 v38, v38;
	v33 =	vld.idx.msk [tilespmem:v51+s10+$0x0], $0xffff  }
0x1a2: {  	v44 =	vld.idx.msk [tilespmem:v53+s11+$0x0], $0xffff;
	v58 =	vmul.f32 v28, v28;
	v29 =	vadd.f32 v56, v29;
	v30 =	vadd.f32 v41, v30  }
0x1a3: {  	v59 =	vor.u32 v13, v17;
	v45 =	vmul.f32 v40, v40;
	v35 =	vld.idx.msk [tilespmem:v53+s10+$0x0], $0xffff  }
0x1a4: {  	v46 =	vld.idx.msk [tilespmem:v55+s11+$0x0], $0xffff;
	v60 =	vmul.f32 v34, v34;
	v29 =	vadd.f32 v58, v29;
	v30 =	vadd.f32 v43, v30  }
0x1a5: {  	v61 =	vor.u32 v14, v17;
	v47 =	vmul.f32 v42, v42;
	v37 =	vld.idx.msk [tilespmem:v55+s10+$0x0], $0xffff  }
0x1a6: {  	v48 =	vld.idx.msk [tilespmem:v57+s11+$0x0], $0xffff;
	v62 =	vmul.f32 v33, v33;
	v29 =	vadd.f32 v60, v29;
	v30 =	vadd.f32 v45, v30  }
0x1a7: {  	v63 =	vor.u32 v15, v17;
	v49 =	vmul.f32 v44, v44;
	v39 =	vld.idx.msk [tilespmem:v57+s10+$0x0], $0xffff  }
0x1a8: {  	v50 =	vld.idx.msk [tilespmem:v59+s11+$0x0], $0xffff;
	v56 =	vmul.f32 v35, v35;
	v29 =	vadd.f32 v62, v29;
	v30 =	vadd.f32 v47, v30  }
0x1a9: {  	v17 =	vor.u32 v16, v17;
	v57 =	vmul.f32 v46, v46;
	v41 =	vld.idx.msk [tilespmem:v59+s10+$0x0], $0xffff  }
0x1aa: {  	v51 =	vld.idx.msk [tilespmem:v61+s11+$0x0], $0xffff;
	v58 =	vmul.f32 v37, v37;
	v29 =	vadd.f32 v56, v29;
	v30 =	vadd.f32 v49, v30  }
0x1ab: {  	v59 =	vmul.f32 v48, v48;
	v43 =	vld.idx.msk [tilespmem:v61+s10+$0x0], $0xffff  }
0x1ac: {  	v52 =	vld.idx.msk [tilespmem:v63+s11+$0x0], $0xffff;
	v60 =	vmul.f32 v39, v39;
	v29 =	vadd.f32 v58, v29;
	v30 =	vadd.f32 v57, v30  }
0x1ad: {  	v61 =	vmul.f32 v50, v50;
	v45 =	vld.idx.msk [tilespmem:v63+s10+$0x0], $0xffff  }
0x1ae: {  	v53 =	vld.idx.msk [tilespmem:v17+s11+$0x0], $0xffff;
	v62 =	vmul.f32 v41, v41;
	v29 =	vadd.f32 v60, v29;
	v30 =	vadd.f32 v59, v30  }
0x1af: {  	v17 =	vld.idx.msk [tilespmem:v17+s10+$0x0], $0xffff;
	v63 =	vmul.f32 v51, v51  }
0x1b0: {  	v54 =	vmul.f32 v43, v43;
	v29 =	vadd.f32 v62, v29;
	v30 =	vadd.f32 v61, v30  }
0x1b1: {  	v55 =	vmul.f32 v52, v52  }
0x1b2: {  	v56 =	vmul.f32 v45, v45;
	v29 =	vadd.f32 v54, v29;
	v30 =	vadd.f32 v63, v30  }
0x1b3: {  	v57 =	vmul.f32 v53, v53  }
0x1b4: {  	v58 =	vmul.f32 v17, v17;
	v29 =	vadd.f32 v56, v29;
	v30 =	vadd.f32 v55, v30;
	_ =	sdelay $0x1  }
0x1b5: {  	v29 =	vadd.f32 v58, v29;
	v30 =	vadd.f32 v57, v30;
	_ =	sdelay $0x1  }
0x1b6: {  	v29 =	vmul.f32 v30, v29;
	_ =	sdelay $0x1  }
0x1b7: {  	v30 =	vshra.s32 v29, $0x1;
	v59 =	vmul.f32 $5.000000000e-01, v29  }
0x1b8: {  	v30 =	vsub.s32 $0x5F3759DF, v30  }
0x1b9: {  	v60 =	vmul.f32 v30, v59;
	_ =	sdelay $0x1  }
0x1ba: {  	v21 =	vmul.f32 v23, v21;
	v47 =	vmul.f32 v30, v60;
	_ =	sdelay $0x1  }
0x1bb: {  	v18 =	vmul.f32 v18, v20;
	v21 =	vadd.f32 $0.0e+00, v21;
	v61 =	vsub.f32 $1.500000000e+00, v47;
	_ =	sdelay $0x1  }
0x1bc: {  	v19 =	vmul.f32 v25, v19;
	v18 =	vadd.f32 v18, v21;
	v62 =	vmul.f32 v30, v61;
	_ =	sdelay $0x1  }
0x1bd: {  	v18 =	vadd.f32 v19, v18;
	v19 =	vmul.f32 v27, v22;
	v63 =	vmul.f32 v62, v59;
	_ =	sdelay $0x1  }
0x1be: {  	v18 =	vadd.f32 v19, v18;
	v19 =	vmul.f32 v31, v24;
	v21 =	vmul.f32 v63, v62;
	_ =	sdelay $0x1  }
0x1bf: {  	v18 =	vadd.f32 v19, v18;
	v19 =	vmul.f32 v36, v26;
	v21 =	vsub.f32 $1.500000000e+00, v21;
	_ =	sdelay $0x1  }
0x1c0: {  	v18 =	vadd.f32 v19, v18;
	v19 =	vmul.f32 v38, v28;
	v20 =	vmul.f32 v21, v62;
	_ =	sdelay $0x1  }
0x1c1: {  	v18 =	vadd.f32 v19, v18;
	v19 =	vmul.f32 v40, v34;
	v21 =	vmul.f32 v20, v59;
	_ =	sdelay $0x1  }
0x1c2: {  	v18 =	vadd.f32 v19, v18;
	v19 =	vmul.f32 v42, v33;
	v21 =	vmul.f32 v21, v20;
	_ =	sdelay $0x1  }
0x1c3: {  	v18 =	vadd.f32 v19, v18;
	v19 =	vmul.f32 v44, v35;
	v21 =	vsub.f32 $1.500000000e+00, v21;
	_ =	sdelay $0x1  }
0x1c4: {  	v18 =	vadd.f32 v19, v18;
	v19 =	vmul.f32 v46, v37;
	v20 =	vmul.f32 v21, v20;
	_ =	sdelay $0x1  }
0x1c5: {  	v18 =	vadd.f32 v19, v18;
	v19 =	vmul.f32 v48, v39;
	v20 =	vmul.f32 v20, v29;
	_ =	sdelay $0x1  }
0x1c6: {  	v18 =	vadd.f32 v19, v18;
	v19 =	vmul.f32 v50, v41;
	v20 =	vmax.f32 v20, $9.999999930e-09  }
0x1c7: {  	(erf) = vrcp.f32 v20  }
0x1c8: {  	v18 =	vadd.f32 v19, v18;
	v19 =	vmul.f32 v51, v43;
	_ =	sdelay $0x1  }
0x1c9: {  	v18 =	vadd.f32 v19, v18;
	v19 =	vmul.f32 v52, v45;
	_ =	sdelay $0x1  }
0x1ca: {  	v18 =	vadd.f32 v19, v18  }
0x1cb: {  	v17 =	vmul.f32 v53, v17;
	_ =	sdelay $0x1  }
0x1cc: {  	v17 =	vadd.f32 v17, v18  }
0x1cd: {  	v18 =	vpop (erf)  }
0x1ce: {  	v17 =	vmul.f32 v18, v17  }
0x1cf: {  	s16 =	sadd.s32 $0x10, s16  }
0x1d0: {  	s15 =	sand.u32 $0xF0, s15;
	[tilespmem:s16+$0x0] =	vst v17  }
0x1d1: {  	v17 =	vld [tilespmem:s15+$0x100];
	_ =	sdelay $0x4  }
0x1d2: {  	v17 =	vshll.u32 v17, $0x4  }
0x1d3: {  	(v2sf) =	vpush v17, $0x0;
	_ =	sdelay $0x1  }
0x1d4: {  	(v2sf) =	vpush v17, $0x1;
	_ =	sdelay $0x3  }
0x1d5: {  	(v2sf) =	vpush v17, $0x2;
	_ =	sdelay $0x3  }
0x1d6: {  	(v2sf) =	vpush v17, $0x3;
	_ =	sdelay $0x1  }
0x1d7: {  	(v2sf) =	vpush v17, $0x4;
	_ =	sdelay $0x2  }
0x1d8: {  	s30 =	spop (v2sf)  }
0x1d9: {  	s18 =	simm.s32 $0x200;
	s19 =	simm.s32 $0x8200;
	s15 =	sand.u32 $0x1FFFFFF0, s30  }
0x1da: {  	s21 =	simm.s32 $0x280;
	s31 =	spop (v2sf);
	s17 =	sadd.s32 s3, s15  }
0x1db: {  	(v2sf) =	vpush v17, $0x5;
	[tilespmem:s18], [sflag:$0x1] =	stream.linear.gather [hbm4b:s17+s1], $0x80, $0x38;
	[tilespmem:$0x10400] =	vst v63  }
0x1dc: {  	s23 =	simm.s32 $0x8280;
	s16 =	sand.u32 $0x1FFFFFF0, s31;
	s15 =	sadd.s32 s4, s15  }
0x1dd: {  	(v2sf) =	vpush v17, $0x6;
	[tilespmem:s19], [sflag:$0x1] =	stream.linear.gather [hbm4b:s15+s1], $0x80, $0x38;
	[tilespmem:$0x10400] =	vst v63  }
0x1de: {  	s25 =	simm.s32 $0x300;
	s20 =	spop (v2sf);
	s22 =	sadd.s32 s3, s16  }
0x1df: {  	(v2sf) =	vpush v17, $0x7;
	[tilespmem:s21], [sflag:$0x1] =	stream.linear.gather [hbm4b:s22+s1], $0x80, $0x38;
	[tilespmem:$0x10400] =	vst v63  }
0x1e0: {  	s28 =	simm.s32 $0x8300;
	s16 =	sadd.s32 s4, s16;
	s15 =	sand.u32 $0x1FFFFFF0, s20  }
0x1e1: {  	[tilespmem:s23], [sflag:$0x1] =	stream.linear.gather [hbm4b:s16+s1], $0x80, $0x38;
	[tilespmem:$0x10400] =	vst v63  }
0x1e2: {  	s30 =	simm.s32 $0x380;
	s24 =	spop (v2sf);
	s26 =	sadd.s32 s3, s15  }
0x1e3: {  	(v2sf) =	vpush v17, $0x8;
	[tilespmem:s25], [sflag:$0x1] =	stream.linear.gather [hbm4b:s26+s1], $0x80, $0x38;
	[tilespmem:$0x10400] =	vst v63  }
0x1e4: {  	s29 =	spop (v2sf);
	s15 =	sadd.s32 s4, s15;
	s16 =	sand.u32 $0x1FFFFFF0, s24  }
0x1e5: {  	[tilespmem:s28], [sflag:$0x1] =	stream.linear.gather [hbm4b:s15+s1], $0x80, $0x38;
	[tilespmem:$0x10400] =	vst v63  }
0x1e6: {  	s19 =	simm.s32 $0x8380;
	s21 =	simm.s32 $0x400;
	s31 =	sadd.s32 s3, s16  }
0x1e7: {  	[tilespmem:s30], [sflag:$0x1] =	stream.linear.gather [hbm4b:s31+s1], $0x80, $0x38;
	[tilespmem:$0x10400] =	vst v63  }
0x1e8: {  	s23 =	simm.s32 $0x8400;
	s16 =	sadd.s32 s4, s16;
	s15 =	sand.u32 $0x1FFFFFF0, s29  }
0x1e9: {  	[tilespmem:s19], [sflag:$0x1] =	stream.linear.gather [hbm4b:s16+s1], $0x80, $0x38;
	[tilespmem:$0x10400] =	vst v63  }
0x1ea: {  	s25 =	simm.s32 $0x480;
	s22 =	sadd.s32 s3, s15;
	s20 =	spop (v2sf)  }
0x1eb: {  	(v2sf) =	vpush v17, $0x9;
	[tilespmem:s21], [sflag:$0x1] =	stream.linear.gather [hbm4b:s22+s1], $0x80, $0x38;
	[tilespmem:$0x10400] =	vst v63  }
0x1ec: {  	s15 =	sadd.s32 s4, s15;
	s24 =	spop (v2sf);
	s16 =	sand.u32 $0x1FFFFFF0, s20  }
0x1ed: {  	(v2sf) =	vpush v17, $0xA;
	[tilespmem:s23], [sflag:$0x1] =	stream.linear.gather [hbm4b:s15+s1], $0x80, $0x38;
	[tilespmem:$0x10400] =	vst v63  }
0x1ee: {  	s28 =	simm.s32 $0x8480;
	s29 =	spop (v2sf);
	s26 =	sadd.s32 s3, s16  }
0x1ef: {  	(v2sf) =	vpush v17, $0xB;
	[tilespmem:s25], [sflag:$0x1] =	stream.linear.gather [hbm4b:s26+s1], $0x80, $0x38;
	[tilespmem:$0x10400] =	vst v63  }
0x1f0: {  	s30 =	simm.s32 $0x500;
	s16 =	sadd.s32 s4, s16;
	s15 =	sand.u32 $0x1FFFFFF0, s24  }
0x1f1: {  	[tilespmem:s28], [sflag:$0x1] =	stream.linear.gather [hbm4b:s16+s1], $0x80, $0x38;
	[tilespmem:$0x10400] =	vst v63  }
0x1f2: {  	s19 =	simm.s32 $0x8500;
	s20 =	spop (v2sf);
	s31 =	sadd.s32 s3, s15  }
0x1f3: {  	(v2sf) =	vpush v17, $0xC;
	[tilespmem:s30], [sflag:$0x1] =	stream.linear.gather [hbm4b:s31+s1], $0x80, $0x38;
	[tilespmem:$0x10400] =	vst v63  }
0x1f4: {  	s21 =	simm.s32 $0x580;
	s15 =	sadd.s32 s4, s15;
	s16 =	sand.u32 $0x1FFFFFF0, s29  }
0x1f5: {  	[tilespmem:s19], [sflag:$0x1] =	stream.linear.gather [hbm4b:s15+s1], $0x80, $0x38;
	[tilespmem:$0x10400] =	vst v63  }
0x1f6: {  	s23 =	simm.s32 $0x8580;
	s25 =	simm.s32 $0x600;
	s22 =	sadd.s32 s3, s16  }
0x1f7: {  	[tilespmem:s21], [sflag:$0x1] =	stream.linear.gather [hbm4b:s22+s1], $0x80, $0x38;
	[tilespmem:$0x10400] =	vst v63  }
0x1f8: {  	s28 =	simm.s32 $0x8600;
	s16 =	sadd.s32 s4, s16;
	s15 =	sand.u32 $0x1FFFFFF0, s20  }
0x1f9: {  	[tilespmem:s23], [sflag:$0x1] =	stream.linear.gather [hbm4b:s16+s1], $0x80, $0x38;
	[tilespmem:$0x10400] =	vst v63  }
0x1fa: {  	s30 =	simm.s32 $0x680;
	s24 =	spop (v2sf);
	s26 =	sadd.s32 s3, s15  }
0x1fb: {  	(v2sf) =	vpush v17, $0xD;
	[tilespmem:s25], [sflag:$0x1] =	stream.linear.gather [hbm4b:s26+s1], $0x80, $0x38;
	[tilespmem:$0x10400] =	vst v63  }
0x1fc: {  	s15 =	sadd.s32 s4, s15;
	s29 =	spop (v2sf);
	s16 =	sand.u32 $0x1FFFFFF0, s24  }
0x1fd: {  	(v2sf) =	vpush v17, $0xE;
	[tilespmem:s28], [sflag:$0x1] =	stream.linear.gather [hbm4b:s15+s1], $0x80, $0x38;
	[tilespmem:$0x10400] =	vst v63  }
0x1fe: {  	s19 =	simm.s32 $0x8680;
	s20 =	spop (v2sf);
	s31 =	sadd.s32 s3, s16  }
0x1ff: {  	(v2sf) =	vpush v17, $0xF;
	[tilespmem:s30], [sflag:$0x1] =	stream.linear.gather [hbm4b:s31+s1], $0x80, $0x38;
	[tilespmem:$0x10400] =	vst v63  }
0x200: {  	s21 =	simm.s32 $0x700;
	s16 =	sadd.s32 s4, s16;
	s15 =	sand.u32 $0x1FFFFFF0, s29  }
0x201: {  	[tilespmem:s19], [sflag:$0x1] =	stream.linear.gather [hbm4b:s16+s1], $0x80, $0x38;
	[tilespmem:$0x10400] =	vst v63  }
0x202: {  	s23 =	simm.s32 $0x8700;
	s24 =	spop (v2sf);
	s22 =	sadd.s32 s3, s15  }
0x203: {  	[tilespmem:s21], [sflag:$0x1] =	stream.linear.gather [hbm4b:s22+s1], $0x80, $0x38;
	[tilespmem:$0x10400] =	vst v63  }
0x204: {  	s25 =	simm.s32 $0x780;
	s15 =	sadd.s32 s4, s15;
	s16 =	sand.u32 $0x1FFFFFF0, s20  }
0x205: {  	[tilespmem:s23], [sflag:$0x1] =	stream.linear.gather [hbm4b:s15+s1], $0x80, $0x38;
	[tilespmem:$0x10400] =	vst v63  }
0x206: {  	s28 =	simm.s32 $0x8780;
	s30 =	simm.s32 $0x800;
	s26 =	sadd.s32 s3, s16  }
0x207: {  	[tilespmem:s25], [sflag:$0x1] =	stream.linear.gather [hbm4b:s26+s1], $0x80, $0x38;
	[tilespmem:$0x10400] =	vst v63  }
0x208: {  	s19 =	simm.s32 $0x8800;
	s16 =	sadd.s32 s4, s16;
	s15 =	sand.u32 $0x1FFFFFF0, s24  }
0x209: {  	[tilespmem:s28], [sflag:$0x1] =	stream.linear.gather [hbm4b:s16+s1], $0x80, $0x38;
	[tilespmem:$0x10400] =	vst v63  }
0x20a: {  	s21 =	simm.s32 $0x880;
	s29 =	spop (v2sf);
	s31 =	sadd.s32 s3, s15  }
0x20b: {  	[tilespmem:s30], [sflag:$0x1] =	stream.linear.gather [hbm4b:s31+s1], $0x80, $0x38;
	[tilespmem:$0x10400] =	vst v63  }
0x20c: {  	s15 =	sadd.s32 s4, s15;
	s20 =	spop (v2sf);
	s16 =	sand.u32 $0x1FFFFFF0, s29  }
0x20d: {  	[tilespmem:s19], [sflag:$0x1] =	stream.linear.gather [hbm4b:s15+s1], $0x80, $0x38;
	[tilespmem:$0x10400] =	vst v63  }
0x20e: {  	s23 =	simm.s32 $0x8880;
	s24 =	spop (v2sf);
	s22 =	sadd.s32 s3, s16  }
0x20f: {  	[tilespmem:s21], [sflag:$0x1] =	stream.linear.gather [hbm4b:s22+s1], $0x80, $0x38;
	[tilespmem:$0x10400] =	vst v63  }
0x210: {  	s25 =	simm.s32 $0x900;
	s16 =	sadd.s32 s4, s16;
	s15 =	sand.u32 $0x1FFFFFF0, s20  }
0x211: {  	[tilespmem:s23], [sflag:$0x1] =	stream.linear.gather [hbm4b:s16+s1], $0x80, $0x38;
	[tilespmem:$0x10400] =	vst v63  }
0x212: {  	s28 =	sand.u32 $0x1FFFFFF0, s24;
	s29 =	simm.s32 $0x8900;
	s26 =	sadd.s32 s3, s15  }
0x213: {  	[tilespmem:s25], [sflag:$0x1] =	stream.linear.gather [hbm4b:s26+s1], $0x80, $0x38;
	[tilespmem:$0x10400] =	vst v63  }
0x214: {  	s17 =	sadd.s32 s4, s28;
	s30 =	simm.s32 $0x980;
	s15 =	sadd.s32 s4, s15  }
0x215: {  	[tilespmem:s29], [sflag:$0x1] =	stream.linear.gather [hbm4b:s15+s1], $0x80, $0x38;
	[tilespmem:$0x10400] =	vst v63  }
0x216: {  	s31 =	sadd.s32 s3, s28;
	s16 =	simm.s32 $0x8980;
	s15 =	simm.s32 $0x2000  }
0x217: {  	[tilespmem:s30], [sflag:$0x1] =	stream.linear.gather [hbm4b:s31+s1], $0x80, $0x38;
	[tilespmem:$0x10400] =	vst v63  }
.LBB2_6:
0x218: {  	s18 =	sand.u32 $0xF0, s14  }
0x219: {  	p0 =	sne.s32 s15, $0x1E000;
	s19 =	smov.u32 s15;
	s15 =	sadd.s32 $0x2000, s15  }
0x21a: {  	[tilespmem:s16], [sflag:$0x1] =	stream.linear.gather [hbm4b:s17+s1], $0x80, $0x38;
	[tilespmem:$0x10400] =	vst v63  }
0x21b: {  	v17 =	vld [tilespmem:s18+$0x100];
	_ =	sdelay $0x4  }
0x21c: {  	v17 =	vshll.u32 v17, $0x4  }
0x21d: {  	(v2sf) =	vpush v17, $0x0  }
0x21e: {  	(v2sf) =	vpush v17, $0x1  }
0x21f: {  	(v2sf) =	vpush v17, $0x2;
	_ =	sdelay $0x2  }
0x220: {  	(v2sf) =	vpush v17, $0x3;
	_ =	sdelay $0x3  }
0x221: {  	(v2sf) =	vpush v17, $0x4;
	_ =	sdelay $0x3  }
0x222: {  	(v2sf) =	vpush v17, $0x5;
	_ =	sdelay $0x1  }
0x223: {  	s17 =	spop (v2sf)  }
0x224: {  	s16 =	sshra.s32 s19, $0x2;
	s17 =	sand.u32 $0x1FFFFFF0, s17;
	s18 =	spop (v2sf)  }
0x225: {  	s20 =	sadd.s32 $0x8200, s16;
	s19 =	sadd.s32 s3, s17;
	s21 =	spop (v2sf);
	(v2sf) =	vpush v17, $0x6  }
0x226: {  	s22 =	sadd.s32 $0x200, s16;
	s18 =	sand.u32 $0x1FFFFFF0, s18;
	s21 =	sand.u32 $0x1FFFFFF0, s21  }
0x227: {  	[tilespmem:s22], [sflag:$0x1] =	stream.linear.gather [hbm4b:s19+s1], $0x80, $0x38;
	[tilespmem:$0x10400] =	vst v63  }
0x228: {  	s17 =	sadd.s32 s4, s17;
	s19 =	sadd.s32 $0x280, s16;
	s22 =	spop (v2sf)  }
0x229: {  	[tilespmem:s20], [sflag:$0x1] =	stream.linear.gather [hbm4b:s17+s1], $0x80, $0x38;
	(v2sf) =	vpush v17, $0x7;
	[tilespmem:$0x10400] =	vst v63  }
0x22a: {  	s17 =	sadd.s32 s3, s18;
	s20 =	sadd.s32 $0x8280, s16;
	s22 =	sand.u32 $0x1FFFFFF0, s22  }
0x22b: {  	[tilespmem:s19], [sflag:$0x1] =	stream.linear.gather [hbm4b:s17+s1], $0x80, $0x38;
	[tilespmem:$0x10400] =	vst v63  }
0x22c: {  	s17 =	sadd.s32 s4, s18;
	s18 =	sadd.s32 $0x300, s16;
	s19 =	spop (v2sf)  }
0x22d: {  	[tilespmem:s20], [sflag:$0x1] =	stream.linear.gather [hbm4b:s17+s1], $0x80, $0x38;
	[tilespmem:$0x10400] =	vst v63  }
0x22e: {  	s17 =	sadd.s32 s3, s21;
	s20 =	sadd.s32 $0x8300, s16;
	s19 =	sand.u32 $0x1FFFFFF0, s19  }
0x22f: {  	[tilespmem:s18], [sflag:$0x1] =	stream.linear.gather [hbm4b:s17+s1], $0x80, $0x38;
	(v2sf) =	vpush v17, $0x8;
	[tilespmem:$0x10400] =	vst v63  }
0x230: {  	s17 =	sadd.s32 s4, s21;
	s18 =	sadd.s32 $0x380, s16;
	s21 =	spop (v2sf)  }
0x231: {  	[tilespmem:s20], [sflag:$0x1] =	stream.linear.gather [hbm4b:s17+s1], $0x80, $0x38;
	[tilespmem:$0x10400] =	vst v63  }
0x232: {  	s17 =	sadd.s32 s3, s22;
	s20 =	sadd.s32 $0x8380, s16;
	s21 =	sand.u32 $0x1FFFFFF0, s21  }
0x233: {  	[tilespmem:s18], [sflag:$0x1] =	stream.linear.gather [hbm4b:s17+s1], $0x80, $0x38;
	(v2sf) =	vpush v17, $0x9;
	[tilespmem:$0x10400] =	vst v63  }
0x234: {  	s17 =	sadd.s32 s4, s22;
	s18 =	sadd.s32 $0x400, s16;
	s22 =	spop (v2sf)  }
0x235: {  	[tilespmem:s20], [sflag:$0x1] =	stream.linear.gather [hbm4b:s17+s1], $0x80, $0x38;
	[tilespmem:$0x10400] =	vst v63  }
0x236: {  	s17 =	sadd.s32 s3, s19;
	s20 =	sadd.s32 $0x8400, s16;
	s22 =	sand.u32 $0x1FFFFFF0, s22  }
0x237: {  	[tilespmem:s18], [sflag:$0x1] =	stream.linear.gather [hbm4b:s17+s1], $0x80, $0x38;
	(v2sf) =	vpush v17, $0xA;
	[tilespmem:$0x10400] =	vst v63  }
0x238: {  	s17 =	sadd.s32 s4, s19;
	s18 =	sadd.s32 $0x480, s16;
	s19 =	spop (v2sf)  }
0x239: {  	[tilespmem:s20], [sflag:$0x1] =	stream.linear.gather [hbm4b:s17+s1], $0x80, $0x38;
	[tilespmem:$0x10400] =	vst v63  }
0x23a: {  	s17 =	sadd.s32 s3, s21;
	s20 =	sadd.s32 $0x8480, s16;
	s19 =	sand.u32 $0x1FFFFFF0, s19  }
0x23b: {  	[tilespmem:s18], [sflag:$0x1] =	stream.linear.gather [hbm4b:s17+s1], $0x80, $0x38;
	(v2sf) =	vpush v17, $0xB;
	[tilespmem:$0x10400] =	vst v63  }
0x23c: {  	s17 =	sadd.s32 s4, s21;
	s18 =	sadd.s32 $0x500, s16;
	s21 =	sadd.s32 s3, s22  }
0x23d: {  	[tilespmem:s20], [sflag:$0x1] =	stream.linear.gather [hbm4b:s17+s1], $0x80, $0x38;
	[tilespmem:$0x10400] =	vst v63  }
0x23e: {  	s17 =	sadd.s32 $0x8500, s16;
	s20 =	sadd.s32 s4, s22;
	s22 =	spop (v2sf)  }
0x23f: {  	[tilespmem:s18], [sflag:$0x1] =	stream.linear.gather [hbm4b:s21+s1], $0x80, $0x38;
	(v2sf) =	vpush v17, $0xC;
	[tilespmem:$0x10400] =	vst v63  }
0x240: {  	s18 =	sadd.s32 $0x580, s16;
	s21 =	sadd.s32 s3, s19;
	s22 =	sand.u32 $0x1FFFFFF0, s22  }
0x241: {  	[tilespmem:s17], [sflag:$0x1] =	stream.linear.gather [hbm4b:s20+s1], $0x80, $0x38;
	[tilespmem:$0x10400] =	vst v63  }
0x242: {  	s19 =	sadd.s32 s4, s19;
	s17 =	sadd.s32 $0x8580, s16;
	s20 =	spop (v2sf)  }
0x243: {  	[tilespmem:s18], [sflag:$0x1] =	stream.linear.gather [hbm4b:s21+s1], $0x80, $0x38;
	(v2sf) =	vpush v17, $0xD;
	[tilespmem:$0x10400] =	vst v63  }
0x244: {  	s18 =	sadd.s32 $0x600, s16;
	s21 =	sadd.s32 s3, s22;
	s20 =	sand.u32 $0x1FFFFFF0, s20  }
0x245: {  	[tilespmem:s17], [sflag:$0x1] =	stream.linear.gather [hbm4b:s19+s1], $0x80, $0x38;
	[tilespmem:$0x10400] =	vst v63  }
0x246: {  	s17 =	sadd.s32 $0x8600, s16;
	s19 =	sadd.s32 s4, s22;
	s22 =	spop (v2sf)  }
0x247: {  	[tilespmem:s18], [sflag:$0x1] =	stream.linear.gather [hbm4b:s21+s1], $0x80, $0x38;
	(v2sf) =	vpush v17, $0xE;
	[tilespmem:$0x10400] =	vst v63  }
0x248: {  	s18 =	sadd.s32 $0x680, s16;
	s21 =	sadd.s32 s3, s20;
	s22 =	sand.u32 $0x1FFFFFF0, s22  }
0x249: {  	[tilespmem:s17], [sflag:$0x1] =	stream.linear.gather [hbm4b:s19+s1], $0x80, $0x38;
	[tilespmem:$0x10400] =	vst v63  }
0x24a: {  	s17 =	sadd.s32 $0x8680, s16;
	s19 =	sadd.s32 s4, s20;
	s20 =	spop (v2sf)  }
0x24b: {  	[tilespmem:s18], [sflag:$0x1] =	stream.linear.gather [hbm4b:s21+s1], $0x80, $0x38;
	(v2sf) =	vpush v17, $0xF;
	[tilespmem:$0x10400] =	vst v63  }
0x24c: {  	s18 =	sadd.s32 $0x700, s16;
	s21 =	sadd.s32 s3, s22;
	s20 =	sand.u32 $0x1FFFFFF0, s20  }
0x24d: {  	[tilespmem:s17], [sflag:$0x1] =	stream.linear.gather [hbm4b:s19+s1], $0x80, $0x38;
	[tilespmem:$0x10400] =	vst v63  }
0x24e: {  	s17 =	sadd.s32 $0x8700, s16;
	s19 =	sadd.s32 s4, s22;
	s22 =	spop (v2sf)  }
0x24f: {  	[tilespmem:s18], [sflag:$0x1] =	stream.linear.gather [hbm4b:s21+s1], $0x80, $0x38;
	[tilespmem:$0x10400] =	vst v63  }
0x250: {  	s18 =	sadd.s32 $0x780, s16;
	s21 =	sadd.s32 s3, s20;
	s22 =	sand.u32 $0x1FFFFFF0, s22  }
0x251: {  	[tilespmem:s17], [sflag:$0x1] =	stream.linear.gather [hbm4b:s19+s1], $0x80, $0x38;
	[tilespmem:$0x10400] =	vst v63  }
0x252: {  	s17 =	sadd.s32 $0x8780, s16;
	s19 =	sadd.s32 s4, s20;
	s20 =	spop (v2sf)  }
0x253: {  	[tilespmem:s18], [sflag:$0x1] =	stream.linear.gather [hbm4b:s21+s1], $0x80, $0x38;
	[tilespmem:$0x10400] =	vst v63  }
0x254: {  	s18 =	sadd.s32 $0x800, s16;
	s21 =	sadd.s32 s3, s22;
	s20 =	sand.u32 $0x1FFFFFF0, s20  }
0x255: {  	[tilespmem:s17], [sflag:$0x1] =	stream.linear.gather [hbm4b:s19+s1], $0x80, $0x38;
	[tilespmem:$0x10400] =	vst v63  }
0x256: {  	s17 =	sadd.s32 $0x8800, s16;
	s19 =	sadd.s32 s4, s22;
	s22 =	spop (v2sf)  }
0x257: {  	[tilespmem:s18], [sflag:$0x1] =	stream.linear.gather [hbm4b:s21+s1], $0x80, $0x38;
	[tilespmem:$0x10400] =	vst v63  }
0x258: {  	s18 =	sadd.s32 $0x880, s16;
	s21 =	sadd.s32 s3, s20;
	s22 =	sand.u32 $0x1FFFFFF0, s22  }
0x259: {  	[tilespmem:s17], [sflag:$0x1] =	stream.linear.gather [hbm4b:s19+s1], $0x80, $0x38;
	[tilespmem:$0x10400] =	vst v63  }
0x25a: {  	s17 =	sadd.s32 $0x8880, s16;
	s19 =	sadd.s32 s4, s20;
	s20 =	spop (v2sf)  }
0x25b: {  	[tilespmem:s18], [sflag:$0x1] =	stream.linear.gather [hbm4b:s21+s1], $0x80, $0x38;
	[tilespmem:$0x10400] =	vst v63  }
0x25c: {  	s18 =	sadd.s32 $0x900, s16;
	s21 =	sadd.s32 s3, s22;
	s20 =	sand.u32 $0x1FFFFFF0, s20  }
0x25d: {  	[tilespmem:s17], [sflag:$0x1] =	stream.linear.gather [hbm4b:s19+s1], $0x80, $0x38;
	[tilespmem:$0x10400] =	vst v63  }
0x25e: {  	s17 =	sadd.s32 $0x8900, s16;
	s19 =	sadd.s32 s4, s22  }
0x25f: {  	[tilespmem:s18], [sflag:$0x1] =	stream.linear.gather [hbm4b:s21+s1], $0x80, $0x38;
	[tilespmem:$0x10400] =	vst v63  }
.Ltmp2:
0x260: {  	_ = 	snop;
	(pc) =	sbr.rel @p0 .LBB2_6-.Ltmp2, $4  }
0x261: {  	s18 =	sadd.s32 $0x980, s16;
	s21 =	sadd.s32 s3, s20  }
0x262: {  	[tilespmem:s17], [sflag:$0x1] =	stream.linear.gather [hbm4b:s19+s1], $0x80, $0x38;
	[tilespmem:$0x10400] =	vst v63  }
0x263: {  	s14 =	sadd.s32 $0x10, s14;
	s16 =	sadd.s32 $0x8980, s16;
	s17 =	sadd.s32 s4, s20  }
0x264: {  	[tilespmem:s18], [sflag:$0x1] =	stream.linear.gather [hbm4b:s21+s1], $0x80, $0x38;
	[tilespmem:$0x10400] =	vst v63  }
0x265: {  	s14 =	simm.s32 $0x0  }
0x266: {  	v17 =	vmov s14  }
0x267: {  	v17 =	vshll.u32 v17, $0x7  }
0x268: {  	[tilespmem:s16], [sflag:$0x1] =	stream.linear.gather [hbm4b:s17+s1], $0x80, $0x38;
	v17 =	vor.u32 v1, v17;
	[tilespmem:$0x10400] =	vst v63  }
0x269: {  	_ =	swait.ge [sflag:s9], $0x8000;
	v17 =	vand.u32 $0x7C00, v17  }
0x26a: {  	[sflag:s9] =	ssyncset.done $0x0;
	v18 =	vor.u32 v2, v17  }
0x26b: {  	[sflag:s9] =	ssyncadd.s32 $0xFFFF8000  }
0x26c: {  	_ =	swait.ge [sflag:s9], $0x8000;
	v19 =	vor.u32 v0, v17  }
0x26d: {  	[sflag:s9] =	ssyncset.done $0x0  }
0x26e: {  	v20 =	vor.u32 v3, v17;
	[sflag:s9] =	ssyncadd.s32 $0xFFFF8000  }
0x26f: {  	v21 =	vld.idx.msk [tilespmem:v18+s11+$0x0], $0xffff  }
0x270: {  	v22 =	vor.u32 v4, v17;
	v18 =	vld.idx.msk [tilespmem:v18+s10+$0x0], $0xffff  }
0x271: {  	v23 =	vld.idx.msk [tilespmem:v19+s11+$0x0], $0xffff  }
0x272: {  	v24 =	vor.u32 v5, v17;
	v19 =	vld.idx.msk [tilespmem:v19+s10+$0x0], $0xffff  }
0x273: {  	v25 =	vld.idx.msk [tilespmem:v20+s11+$0x0], $0xffff  }
0x274: {  	v26 =	vor.u32 v6, v17;
	v20 =	vld.idx.msk [tilespmem:v20+s10+$0x0], $0xffff  }
0x275: {  	v27 =	vld.idx.msk [tilespmem:v22+s11+$0x0], $0xffff  }
0x276: {  	v28 =	vor.u32 v7, v17;
	v22 =	vld.idx.msk [tilespmem:v22+s10+$0x0], $0xffff;
	v29 =	vmul.f32 v18, v18;
	v30 =	vmul.f32 v21, v21  }
0x277: {  	v31 =	vld.idx.msk [tilespmem:v24+s11+$0x0], $0xffff;
	v32 =	vmul.f32 v19, v19;
	v33 =	vmul.f32 v23, v23  }
0x278: {  	v34 =	vor.u32 v8, v17;
	v24 =	vld.idx.msk [tilespmem:v24+s10+$0x0], $0xffff;
	v35 =	vmul.f32 v25, v25  }
0x279: {  	v36 =	vld.idx.msk [tilespmem:v26+s11+$0x0], $0xffff;
	v50 =	vmul.f32 v20, v20;
	v29 =	vadd.f32 v29, v32;
	v30 =	vadd.f32 v30, v33  }
0x27a: {  	v51 =	vor.u32 v9, v17;
	v26 =	vld.idx.msk [tilespmem:v26+s10+$0x0], $0xffff;
	v37 =	vmul.f32 v27, v27  }
0x27b: {  	v38 =	vld.idx.msk [tilespmem:v28+s11+$0x0], $0xffff;
	v52 =	vmul.f32 v22, v22;
	v29 =	vadd.f32 v50, v29;
	v30 =	vadd.f32 v35, v30  }
0x27c: {  	v53 =	vor.u32 v10, v17;
	v28 =	vld.idx.msk [tilespmem:v28+s10+$0x0], $0xffff;
	v39 =	vmul.f32 v31, v31  }
0x27d: {  	v40 =	vld.idx.msk [tilespmem:v34+s11+$0x0], $0xffff;
	v54 =	vmul.f32 v24, v24;
	v29 =	vadd.f32 v52, v29;
	v30 =	vadd.f32 v37, v30  }
0x27e: {  	v55 =	vor.u32 v11, v17;
	v34 =	vld.idx.msk [tilespmem:v34+s10+$0x0], $0xffff;
	v41 =	vmul.f32 v36, v36  }
0x27f: {  	v42 =	vld.idx.msk [tilespmem:v51+s11+$0x0], $0xffff;
	v56 =	vmul.f32 v26, v26;
	v29 =	vadd.f32 v54, v29;
	v30 =	vadd.f32 v39, v30  }
0x280: {  	v57 =	vor.u32 v12, v17;
	v43 =	vmul.f32 v38, v38;
	v33 =	vld.idx.msk [tilespmem:v51+s10+$0x0], $0xffff  }
0x281: {  	v44 =	vld.idx.msk [tilespmem:v53+s11+$0x0], $0xffff;
	v58 =	vmul.f32 v28, v28;
	v29 =	vadd.f32 v56, v29;
	v30 =	vadd.f32 v41, v30  }
0x282: {  	v59 =	vor.u32 v13, v17;
	v45 =	vmul.f32 v40, v40;
	v35 =	vld.idx.msk [tilespmem:v53+s10+$0x0], $0xffff  }
0x283: {  	v46 =	vld.idx.msk [tilespmem:v55+s11+$0x0], $0xffff;
	v60 =	vmul.f32 v34, v34;
	v29 =	vadd.f32 v58, v29;
	v30 =	vadd.f32 v43, v30  }
0x284: {  	v61 =	vor.u32 v14, v17;
	v47 =	vmul.f32 v42, v42;
	v37 =	vld.idx.msk [tilespmem:v55+s10+$0x0], $0xffff  }
0x285: {  	v48 =	vld.idx.msk [tilespmem:v57+s11+$0x0], $0xffff;
	v62 =	vmul.f32 v33, v33;
	v29 =	vadd.f32 v60, v29;
	v30 =	vadd.f32 v45, v30  }
0x286: {  	v63 =	vor.u32 v15, v17;
	v49 =	vmul.f32 v44, v44;
	v39 =	vld.idx.msk [tilespmem:v57+s10+$0x0], $0xffff  }
0x287: {  	v50 =	vld.idx.msk [tilespmem:v59+s11+$0x0], $0xffff;
	v56 =	vmul.f32 v35, v35;
	v29 =	vadd.f32 v62, v29;
	v30 =	vadd.f32 v47, v30  }
0x288: {  	v17 =	vor.u32 v16, v17;
	v57 =	vmul.f32 v46, v46;
	v41 =	vld.idx.msk [tilespmem:v59+s10+$0x0], $0xffff  }
0x289: {  	v51 =	vld.idx.msk [tilespmem:v61+s11+$0x0], $0xffff;
	v58 =	vmul.f32 v37, v37;
	v29 =	vadd.f32 v56, v29;
	v30 =	vadd.f32 v49, v30  }
0x28a: {  	v59 =	vmul.f32 v48, v48;
	v43 =	vld.idx.msk [tilespmem:v61+s10+$0x0], $0xffff  }
0x28b: {  	v52 =	vld.idx.msk [tilespmem:v63+s11+$0x0], $0xffff;
	v60 =	vmul.f32 v39, v39;
	v29 =	vadd.f32 v58, v29;
	v30 =	vadd.f32 v57, v30  }
0x28c: {  	v61 =	vmul.f32 v50, v50;
	v45 =	vld.idx.msk [tilespmem:v63+s10+$0x0], $0xffff  }
0x28d: {  	v53 =	vld.idx.msk [tilespmem:v17+s11+$0x0], $0xffff;
	v62 =	vmul.f32 v41, v41;
	v29 =	vadd.f32 v60, v29;
	v30 =	vadd.f32 v59, v30  }
0x28e: {  	v17 =	vld.idx.msk [tilespmem:v17+s10+$0x0], $0xffff;
	v63 =	vmul.f32 v51, v51  }
0x28f: {  	v54 =	vmul.f32 v43, v43;
	v29 =	vadd.f32 v62, v29;
	v30 =	vadd.f32 v61, v30  }
0x290: {  	v55 =	vmul.f32 v52, v52  }
0x291: {  	v56 =	vmul.f32 v45, v45;
	v29 =	vadd.f32 v54, v29;
	v30 =	vadd.f32 v63, v30  }
0x292: {  	v57 =	vmul.f32 v53, v53  }
0x293: {  	v58 =	vmul.f32 v17, v17;
	v29 =	vadd.f32 v56, v29;
	v30 =	vadd.f32 v55, v30;
	_ =	sdelay $0x1  }
0x294: {  	v29 =	vadd.f32 v58, v29;
	v30 =	vadd.f32 v57, v30;
	_ =	sdelay $0x1  }
0x295: {  	v29 =	vmul.f32 v30, v29;
	_ =	sdelay $0x1  }
0x296: {  	v30 =	vshra.s32 v29, $0x1;
	v59 =	vmul.f32 $5.000000000e-01, v29  }
0x297: {  	v30 =	vsub.s32 $0x5F3759DF, v30  }
0x298: {  	v19 =	vmul.f32 v23, v19;
	v60 =	vmul.f32 v30, v59;
	_ =	sdelay $0x1  }
0x299: {  	v18 =	vmul.f32 v21, v18;
	v19 =	vadd.f32 $0.0e+00, v19;
	v61 =	vmul.f32 v30, v60;
	_ =	sdelay $0x1  }
0x29a: {  	v18 =	vadd.f32 v18, v19;
	v19 =	vmul.f32 v25, v20;
	v20 =	vsub.f32 $1.500000000e+00, v61;
	_ =	sdelay $0x1  }
0x29b: {  	v20 =	vmul.f32 v30, v20;
	_ =	sdelay $0x1  }
0x29c: {  	v62 =	vmul.f32 v20, v59  }
0x29d: {  	v18 =	vadd.f32 v19, v18;
	v19 =	vmul.f32 v27, v22  }
0x29e: {  	v21 =	vmul.f32 v62, v20  }
0x29f: {  	v18 =	vadd.f32 v19, v18;
	v19 =	vmul.f32 v31, v24  }
0x2a0: {  	v21 =	vsub.f32 $1.500000000e+00, v21  }
0x2a1: {  	v18 =	vadd.f32 v19, v18;
	v19 =	vmul.f32 v36, v26  }
0x2a2: {  	v20 =	vmul.f32 v21, v20  }
0x2a3: {  	v18 =	vadd.f32 v19, v18;
	v19 =	vmul.f32 v38, v28  }
0x2a4: {  	v21 =	vmul.f32 v20, v59  }
0x2a5: {  	v18 =	vadd.f32 v19, v18;
	v19 =	vmul.f32 v40, v34  }
0x2a6: {  	v21 =	vmul.f32 v21, v20  }
0x2a7: {  	v18 =	vadd.f32 v19, v18;
	v19 =	vmul.f32 v42, v33  }
0x2a8: {  	v21 =	vsub.f32 $1.500000000e+00, v21  }
0x2a9: {  	v18 =	vadd.f32 v19, v18;
	v19 =	vmul.f32 v44, v35  }
0x2aa: {  	v20 =	vmul.f32 v21, v20  }
0x2ab: {  	v18 =	vadd.f32 v19, v18;
	v19 =	vmul.f32 v46, v37  }
0x2ac: {  	v20 =	vmul.f32 v20, v29  }
0x2ad: {  	v18 =	vadd.f32 v19, v18;
	v19 =	vmul.f32 v48, v39  }
0x2ae: {  	v20 =	vmax.f32 v20, $9.999999930e-09  }
0x2af: {  	v18 =	vadd.f32 v19, v18;
	v19 =	vmul.f32 v50, v41;
	(erf) = vrcp.f32 v20;
	_ =	sdelay $0x1  }
0x2b0: {  	v18 =	vadd.f32 v19, v18;
	v19 =	vmul.f32 v51, v43  }
0x2b1: {  	s15 =	simm.s32 $0x10  }
0x2b2: {  	v63 =	vmov s15;
	v18 =	vadd.f32 v19, v18;
	v19 =	vmul.f32 v52, v45  }
0x2b3: {  	v21 =	vshll.u32 v63, $0x7  }
0x2b4: {  	v18 =	vadd.f32 v19, v18;
	v19 =	vmul.f32 v53, v17;
	v20 =	vor.u32 v1, v21  }
0x2b5: {  	s16 =	simm.s32 $0x20;
	v17 =	vand.u32 $0x7C00, v20  }
.LBB2_8:
0x2b6: {  	p0 =	sne.s32 s16, $0xF0;
	v20 =	vor.u32 v2, v17;
	v18 =	vadd.f32 v19, v18  }
0x2b7: {  	v19 =	vpop (erf)  }
0x2b8: {  	v21 =	vor.u32 v0, v17;
	v18 =	vmul.f32 v19, v18  }
0x2b9: {  	s17 =	sand.u32 $0xF0, s14;
	s14 =	smov.u32 s15;
	s15 =	smov.u32 s16  }
0x2ba: {  	v22 =	vor.u32 v3, v17;
	[tilespmem:s17+$0x10300] =	vst v18  }
0x2bb: {  	v18 =	vld.idx.msk [tilespmem:v20+s11+$0x0], $0xffff  }
0x2bc: {  	v23 =	vor.u32 v4, v17;
	v19 =	vld.idx.msk [tilespmem:v20+s10+$0x0], $0xffff  }
0x2bd: {  	v25 =	vld.idx.msk [tilespmem:v21+s11+$0x0], $0xffff  }
0x2be: {  	v26 =	vor.u32 v5, v17;
	v28 =	vld.idx.msk [tilespmem:v21+s10+$0x0], $0xffff  }
0x2bf: {  	v20 =	vld.idx.msk [tilespmem:v22+s11+$0x0], $0xffff  }
0x2c0: {  	v29 =	vor.u32 v6, v17;
	v22 =	vld.idx.msk [tilespmem:v22+s10+$0x0], $0xffff  }
0x2c1: {  	v21 =	vld.idx.msk [tilespmem:v23+s11+$0x0], $0xffff  }
0x2c2: {  	v31 =	vor.u32 v7, v17;
	v23 =	vld.idx.msk [tilespmem:v23+s10+$0x0], $0xffff  }
0x2c3: {  	v32 =	vmul.f32 v18, v18;
	v30 =	vmul.f32 v19, v19;
	v24 =	vld.idx.msk [tilespmem:v26+s11+$0x0], $0xffff  }
0x2c4: {  	v35 =	vor.u32 v8, v17;
	v34 =	vmul.f32 v25, v25;
	v33 =	vmul.f32 v28, v28;
	v27 =	vld.idx.msk [tilespmem:v26+s10+$0x0], $0xffff  }
0x2c5: {  	v37 =	vor.u32 v9, v17;
	v36 =	vmul.f32 v20, v20;
	v26 =	vld.idx.msk [tilespmem:v29+s11+$0x0], $0xffff  }
0x2c6: {  	v32 =	vadd.f32 v32, v34;
	v33 =	vadd.f32 v30, v33;
	v34 =	vmul.f32 v22, v22;
	v30 =	vld.idx.msk [tilespmem:v29+s10+$0x0], $0xffff  }
0x2c7: {  	v39 =	vor.u32 v10, v17;
	v38 =	vmul.f32 v21, v21;
	v29 =	vld.idx.msk [tilespmem:v31+s11+$0x0], $0xffff  }
0x2c8: {  	v33 =	vadd.f32 v34, v33;
	v34 =	vadd.f32 v36, v32;
	v36 =	vmul.f32 v23, v23;
	v32 =	vld.idx.msk [tilespmem:v31+s10+$0x0], $0xffff  }
0x2c9: {  	v41 =	vor.u32 v11, v17;
	v40 =	vmul.f32 v24, v24;
	v31 =	vld.idx.msk [tilespmem:v35+s11+$0x0], $0xffff  }
0x2ca: {  	v36 =	vadd.f32 v36, v33;
	v38 =	vadd.f32 v38, v34;
	v42 =	vmul.f32 v27, v27;
	v34 =	vld.idx.msk [tilespmem:v35+s10+$0x0], $0xffff  }
0x2cb: {  	v44 =	vor.u32 v12, v17;
	v43 =	vmul.f32 v26, v26;
	v33 =	vld.idx.msk [tilespmem:v37+s11+$0x0], $0xffff  }
0x2cc: {  	v42 =	vadd.f32 v42, v36;
	v38 =	vadd.f32 v40, v38;
	v40 =	vmul.f32 v30, v30;
	v36 =	vld.idx.msk [tilespmem:v37+s10+$0x0], $0xffff  }
0x2cd: {  	v46 =	vor.u32 v13, v17;
	v45 =	vmul.f32 v29, v29;
	v35 =	vld.idx.msk [tilespmem:v39+s11+$0x0], $0xffff  }
0x2ce: {  	v40 =	vadd.f32 v40, v42;
	v42 =	vadd.f32 v43, v38;
	v43 =	vmul.f32 v32, v32;
	v38 =	vld.idx.msk [tilespmem:v39+s10+$0x0], $0xffff  }
0x2cf: {  	v48 =	vor.u32 v14, v17;
	v47 =	vmul.f32 v31, v31;
	v37 =	vld.idx.msk [tilespmem:v41+s11+$0x0], $0xffff  }
0x2d0: {  	v43 =	vadd.f32 v43, v40;
	v42 =	vadd.f32 v45, v42;
	v45 =	vmul.f32 v34, v34;
	v40 =	vld.idx.msk [tilespmem:v41+s10+$0x0], $0xffff  }
0x2d1: {  	v49 =	vor.u32 v15, v17;
	v41 =	vmul.f32 v33, v33;
	v39 =	vld.idx.msk [tilespmem:v44+s11+$0x0], $0xffff  }
0x2d2: {  	v43 =	vadd.f32 v45, v43;
	v42 =	vadd.f32 v47, v42;
	v45 =	vmul.f32 v36, v36;
	v44 =	vld.idx.msk [tilespmem:v44+s10+$0x0], $0xffff  }
0x2d3: {  	v17 =	vor.u32 v16, v17;
	v47 =	vmul.f32 v35, v35;
	v50 =	vld.idx.msk [tilespmem:v46+s11+$0x0], $0xffff  }
0x2d4: {  	v43 =	vadd.f32 v45, v43;
	v41 =	vadd.f32 v41, v42;
	v42 =	vmul.f32 v38, v38;
	v45 =	vld.idx.msk [tilespmem:v46+s10+$0x0], $0xffff  }
0x2d5: {  	v46 =	vmul.f32 v37, v37;
	v51 =	vld.idx.msk [tilespmem:v48+s11+$0x0], $0xffff  }
0x2d6: {  	v42 =	vadd.f32 v42, v43;
	v41 =	vadd.f32 v47, v41;
	v43 =	vmul.f32 v40, v40;
	v47 =	vld.idx.msk [tilespmem:v48+s10+$0x0], $0xffff  }
0x2d7: {  	v48 =	vmul.f32 v39, v39;
	v52 =	vld.idx.msk [tilespmem:v49+s11+$0x0], $0xffff  }
0x2d8: {  	v42 =	vadd.f32 v43, v42;
	v41 =	vadd.f32 v46, v41;
	v43 =	vmul.f32 v44, v44;
	v46 =	vld.idx.msk [tilespmem:v49+s10+$0x0], $0xffff  }
0x2d9: {  	v49 =	vmul.f32 v50, v50;
	v53 =	vld.idx.msk [tilespmem:v17+s11+$0x0], $0xffff  }
0x2da: {  	v42 =	vadd.f32 v43, v42;
	v41 =	vadd.f32 v48, v41;
	v43 =	vmul.f32 v45, v45;
	v17 =	vld.idx.msk [tilespmem:v17+s10+$0x0], $0xffff  }
0x2db: {  	v48 =	vmul.f32 v51, v51  }
0x2dc: {  	v42 =	vadd.f32 v43, v42;
	v41 =	vadd.f32 v49, v41;
	v43 =	vmul.f32 v47, v47  }
0x2dd: {  	v49 =	vmul.f32 v52, v52  }
0x2de: {  	v42 =	vadd.f32 v43, v42;
	v41 =	vadd.f32 v48, v41;
	v43 =	vmul.f32 v46, v46  }
0x2df: {  	v48 =	vmul.f32 v53, v53  }
0x2e0: {  	v42 =	vadd.f32 v43, v42;
	v41 =	vadd.f32 v49, v41;
	v43 =	vmul.f32 v17, v17;
	_ =	sdelay $0x1  }
0x2e1: {  	v42 =	vadd.f32 v43, v42;
	v41 =	vadd.f32 v48, v41;
	_ =	sdelay $0x1  }
0x2e2: {  	v41 =	vmul.f32 v41, v42;
	_ =	sdelay $0x1  }
0x2e3: {  	v42 =	vshra.s32 v41, $0x1;
	v43 =	vmul.f32 $5.000000000e-01, v41  }
0x2e4: {  	v42 =	vsub.s32 $0x5F3759DF, v42  }
0x2e5: {  	v48 =	vmul.f32 v42, v43;
	_ =	sdelay $0x1  }
0x2e6: {  	v48 =	vmul.f32 v42, v48  }
0x2e7: {  	v25 =	vmul.f32 v25, v28  }
0x2e8: {  	v28 =	vsub.f32 $1.500000000e+00, v48  }
0x2e9: {  	v18 =	vmul.f32 v18, v19;
	v25 =	vadd.f32 $0.0e+00, v25  }
0x2ea: {  	v19 =	vmul.f32 v42, v28  }
0x2eb: {  	v20 =	vmul.f32 v20, v22;
	v18 =	vadd.f32 v18, v25  }
0x2ec: {  	v22 =	vmul.f32 v19, v43  }
0x2ed: {  	v18 =	vadd.f32 v20, v18;
	v20 =	vmul.f32 v21, v23  }
0x2ee: {  	v21 =	vmul.f32 v22, v19  }
0x2ef: {  	v18 =	vadd.f32 v20, v18;
	v20 =	vmul.f32 v24, v27  }
0x2f0: {  	v21 =	vsub.f32 $1.500000000e+00, v21  }
0x2f1: {  	v18 =	vadd.f32 v20, v18;
	v20 =	vmul.f32 v26, v30  }
0x2f2: {  	v19 =	vmul.f32 v21, v19  }
0x2f3: {  	v18 =	vadd.f32 v20, v18;
	v20 =	vmul.f32 v29, v32  }
0x2f4: {  	v21 =	vmul.f32 v19, v43  }
0x2f5: {  	v18 =	vadd.f32 v20, v18;
	v20 =	vmul.f32 v31, v34  }
0x2f6: {  	v21 =	vmul.f32 v21, v19  }
0x2f7: {  	v18 =	vadd.f32 v20, v18;
	v20 =	vmul.f32 v33, v36  }
0x2f8: {  	v21 =	vsub.f32 $1.500000000e+00, v21  }
0x2f9: {  	v18 =	vadd.f32 v20, v18;
	v20 =	vmul.f32 v35, v38  }
0x2fa: {  	v19 =	vmul.f32 v21, v19  }
0x2fb: {  	v18 =	vadd.f32 v20, v18;
	v20 =	vmul.f32 v37, v40  }
0x2fc: {  	v19 =	vmul.f32 v19, v41  }
0x2fd: {  	v18 =	vadd.f32 v20, v18;
	v20 =	vmul.f32 v39, v44  }
0x2fe: {  	v19 =	vmax.f32 v19, $9.999999930e-09  }
0x2ff: {  	v18 =	vadd.f32 v20, v18;
	v20 =	vmul.f32 v50, v45;
	(erf) = vrcp.f32 v19;
	_ =	sdelay $0x1  }
0x300: {  	v18 =	vadd.f32 v20, v18;
	v19 =	vmul.f32 v51, v47  }
.Ltmp3:
0x301: {  	(pc) =	sbr.rel @p0 .LBB2_8-.Ltmp3, $4  }
0x302: {  	v20 =	vmov s16;
	v18 =	vadd.f32 v19, v18;
	v19 =	vmul.f32 v52, v46  }
0x303: {  	v20 =	vshll.u32 v20, $0x7  }
0x304: {  	v20 =	vor.u32 v1, v20;
	v18 =	vadd.f32 v19, v18;
	v19 =	vmul.f32 v53, v17  }
0x305: {  	s16 =	sadd.s32 $0x10, s16;
	v17 =	vand.u32 $0x7C00, v20  }
0x306: {  	v20 =	vor.u32 v2, v17;
	v18 =	vadd.f32 v19, v18  }
0x307: {  	v19 =	vpop (erf)  }
0x308: {  	v21 =	vor.u32 v0, v17;
	v18 =	vmul.f32 v19, v18  }
0x309: {  	s14 =	sand.u32 $0xF0, s14  }
0x30a: {  	v19 =	vor.u32 v3, v17;
	[tilespmem:s14+$0x10300] =	vst v18  }
0x30b: {  	v18 =	vld.idx.msk [tilespmem:v20+s11+$0x0], $0xffff  }
0x30c: {  	v22 =	vor.u32 v4, v17;
	v20 =	vld.idx.msk [tilespmem:v20+s10+$0x0], $0xffff  }
0x30d: {  	v23 =	vld.idx.msk [tilespmem:v21+s11+$0x0], $0xffff  }
0x30e: {  	v24 =	vor.u32 v5, v17;
	v21 =	vld.idx.msk [tilespmem:v21+s10+$0x0], $0xffff  }
0x30f: {  	v25 =	vld.idx.msk [tilespmem:v19+s11+$0x0], $0xffff  }
0x310: {  	v26 =	vor.u32 v6, v17;
	v19 =	vld.idx.msk [tilespmem:v19+s10+$0x0], $0xffff  }
0x311: {  	v27 =	vld.idx.msk [tilespmem:v22+s11+$0x0], $0xffff  }
0x312: {  	v28 =	vor.u32 v7, v17;
	v22 =	vld.idx.msk [tilespmem:v22+s10+$0x0], $0xffff;
	v29 =	vmul.f32 v20, v20;
	v30 =	vmul.f32 v18, v18  }
0x313: {  	v31 =	vld.idx.msk [tilespmem:v24+s11+$0x0], $0xffff;
	v32 =	vmul.f32 v21, v21;
	v33 =	vmul.f32 v23, v23  }
0x314: {  	v34 =	vor.u32 v8, v17;
	v24 =	vld.idx.msk [tilespmem:v24+s10+$0x0], $0xffff;
	v35 =	vmul.f32 v25, v25  }
0x315: {  	v36 =	vld.idx.msk [tilespmem:v26+s11+$0x0], $0xffff;
	v29 =	vadd.f32 v29, v32;
	v30 =	vadd.f32 v30, v33;
	v50 =	vmul.f32 v19, v19  }
0x316: {  	v51 =	vor.u32 v9, v17;
	v26 =	vld.idx.msk [tilespmem:v26+s10+$0x0], $0xffff;
	v37 =	vmul.f32 v27, v27  }
0x317: {  	v38 =	vld.idx.msk [tilespmem:v28+s11+$0x0], $0xffff;
	v52 =	vmul.f32 v22, v22;
	v29 =	vadd.f32 v50, v29;
	v30 =	vadd.f32 v35, v30  }
0x318: {  	v53 =	vor.u32 v10, v17;
	v28 =	vld.idx.msk [tilespmem:v28+s10+$0x0], $0xffff;
	v39 =	vmul.f32 v31, v31  }
0x319: {  	v40 =	vld.idx.msk [tilespmem:v34+s11+$0x0], $0xffff;
	v54 =	vmul.f32 v24, v24;
	v29 =	vadd.f32 v52, v29;
	v30 =	vadd.f32 v37, v30  }
0x31a: {  	v55 =	vor.u32 v11, v17;
	v34 =	vld.idx.msk [tilespmem:v34+s10+$0x0], $0xffff;
	v41 =	vmul.f32 v36, v36  }
0x31b: {  	v42 =	vld.idx.msk [tilespmem:v51+s11+$0x0], $0xffff;
	v56 =	vmul.f32 v26, v26;
	v29 =	vadd.f32 v54, v29;
	v30 =	vadd.f32 v39, v30  }
0x31c: {  	v57 =	vor.u32 v12, v17;
	v43 =	vmul.f32 v38, v38;
	v33 =	vld.idx.msk [tilespmem:v51+s10+$0x0], $0xffff  }
0x31d: {  	v44 =	vld.idx.msk [tilespmem:v53+s11+$0x0], $0xffff;
	v58 =	vmul.f32 v28, v28;
	v29 =	vadd.f32 v56, v29;
	v30 =	vadd.f32 v41, v30  }
0x31e: {  	v59 =	vor.u32 v13, v17;
	v45 =	vmul.f32 v40, v40;
	v35 =	vld.idx.msk [tilespmem:v53+s10+$0x0], $0xffff  }
0x31f: {  	v46 =	vld.idx.msk [tilespmem:v55+s11+$0x0], $0xffff;
	v60 =	vmul.f32 v34, v34;
	v29 =	vadd.f32 v58, v29;
	v30 =	vadd.f32 v43, v30  }
0x320: {  	v61 =	vor.u32 v14, v17;
	v47 =	vmul.f32 v42, v42;
	v37 =	vld.idx.msk [tilespmem:v55+s10+$0x0], $0xffff  }
0x321: {  	v48 =	vld.idx.msk [tilespmem:v57+s11+$0x0], $0xffff;
	v62 =	vmul.f32 v33, v33;
	v29 =	vadd.f32 v60, v29;
	v30 =	vadd.f32 v45, v30  }
0x322: {  	v63 =	vor.u32 v15, v17;
	v49 =	vmul.f32 v44, v44;
	v39 =	vld.idx.msk [tilespmem:v57+s10+$0x0], $0xffff  }
0x323: {  	v50 =	vld.idx.msk [tilespmem:v59+s11+$0x0], $0xffff;
	v56 =	vmul.f32 v35, v35;
	v29 =	vadd.f32 v62, v29;
	v30 =	vadd.f32 v47, v30  }
0x324: {  	v17 =	vor.u32 v16, v17;
	v57 =	vmul.f32 v46, v46;
	v41 =	vld.idx.msk [tilespmem:v59+s10+$0x0], $0xffff  }
0x325: {  	v51 =	vld.idx.msk [tilespmem:v61+s11+$0x0], $0xffff;
	v58 =	vmul.f32 v37, v37;
	v29 =	vadd.f32 v56, v29;
	v30 =	vadd.f32 v49, v30  }
0x326: {  	v59 =	vmul.f32 v48, v48;
	v43 =	vld.idx.msk [tilespmem:v61+s10+$0x0], $0xffff  }
0x327: {  	v52 =	vld.idx.msk [tilespmem:v63+s11+$0x0], $0xffff;
	v60 =	vmul.f32 v39, v39;
	v29 =	vadd.f32 v58, v29;
	v30 =	vadd.f32 v57, v30  }
0x328: {  	v61 =	vmul.f32 v50, v50;
	v45 =	vld.idx.msk [tilespmem:v63+s10+$0x0], $0xffff  }
0x329: {  	v53 =	vld.idx.msk [tilespmem:v17+s11+$0x0], $0xffff;
	v62 =	vmul.f32 v41, v41;
	v29 =	vadd.f32 v60, v29;
	v30 =	vadd.f32 v59, v30  }
0x32a: {  	v17 =	vld.idx.msk [tilespmem:v17+s10+$0x0], $0xffff;
	v63 =	vmul.f32 v51, v51  }
0x32b: {  	v54 =	vmul.f32 v43, v43;
	v29 =	vadd.f32 v62, v29;
	v30 =	vadd.f32 v61, v30  }
0x32c: {  	v55 =	vmul.f32 v52, v52  }
0x32d: {  	v56 =	vmul.f32 v45, v45;
	v29 =	vadd.f32 v54, v29;
	v30 =	vadd.f32 v63, v30  }
0x32e: {  	v57 =	vmul.f32 v53, v53  }
0x32f: {  	v58 =	vmul.f32 v17, v17;
	v29 =	vadd.f32 v56, v29;
	v30 =	vadd.f32 v55, v30;
	_ =	sdelay $0x1  }
0x330: {  	v29 =	vadd.f32 v58, v29;
	v30 =	vadd.f32 v57, v30;
	_ =	sdelay $0x1  }
0x331: {  	v29 =	vmul.f32 v30, v29;
	_ =	sdelay $0x1  }
0x332: {  	v30 =	vshra.s32 v29, $0x1;
	v59 =	vmul.f32 $5.000000000e-01, v29  }
0x333: {  	v30 =	vsub.s32 $0x5F3759DF, v30  }
0x334: {  	v60 =	vmul.f32 v30, v59;
	_ =	sdelay $0x1  }
0x335: {  	v21 =	vmul.f32 v23, v21;
	v47 =	vmul.f32 v30, v60;
	_ =	sdelay $0x1  }
0x336: {  	v18 =	vmul.f32 v18, v20;
	v21 =	vadd.f32 $0.0e+00, v21;
	v61 =	vsub.f32 $1.500000000e+00, v47;
	_ =	sdelay $0x1  }
0x337: {  	v19 =	vmul.f32 v25, v19;
	v18 =	vadd.f32 v18, v21;
	v62 =	vmul.f32 v30, v61;
	_ =	sdelay $0x1  }
0x338: {  	v18 =	vadd.f32 v19, v18;
	v19 =	vmul.f32 v27, v22;
	v63 =	vmul.f32 v62, v59;
	_ =	sdelay $0x1  }
0x339: {  	v18 =	vadd.f32 v19, v18;
	v19 =	vmul.f32 v31, v24;
	v21 =	vmul.f32 v63, v62;
	_ =	sdelay $0x1  }
0x33a: {  	v18 =	vadd.f32 v19, v18;
	v19 =	vmul.f32 v36, v26;
	v21 =	vsub.f32 $1.500000000e+00, v21;
	_ =	sdelay $0x1  }
0x33b: {  	v18 =	vadd.f32 v19, v18;
	v19 =	vmul.f32 v38, v28;
	v20 =	vmul.f32 v21, v62;
	_ =	sdelay $0x1  }
0x33c: {  	v18 =	vadd.f32 v19, v18;
	v19 =	vmul.f32 v40, v34;
	v21 =	vmul.f32 v20, v59;
	_ =	sdelay $0x1  }
0x33d: {  	v18 =	vadd.f32 v19, v18;
	v19 =	vmul.f32 v42, v33;
	v21 =	vmul.f32 v21, v20;
	_ =	sdelay $0x1  }
0x33e: {  	v18 =	vadd.f32 v19, v18;
	v19 =	vmul.f32 v44, v35;
	v21 =	vsub.f32 $1.500000000e+00, v21;
	_ =	sdelay $0x1  }
0x33f: {  	v18 =	vadd.f32 v19, v18;
	v19 =	vmul.f32 v46, v37;
	v20 =	vmul.f32 v21, v20;
	_ =	sdelay $0x1  }
0x340: {  	v18 =	vadd.f32 v19, v18;
	v19 =	vmul.f32 v48, v39;
	v20 =	vmul.f32 v20, v29;
	_ =	sdelay $0x1  }
0x341: {  	v18 =	vadd.f32 v19, v18;
	v19 =	vmul.f32 v50, v41;
	v20 =	vmax.f32 v20, $9.999999930e-09  }
0x342: {  	(erf) = vrcp.f32 v20  }
0x343: {  	v18 =	vadd.f32 v19, v18;
	v19 =	vmul.f32 v51, v43;
	_ =	sdelay $0x1  }
0x344: {  	v18 =	vadd.f32 v19, v18;
	v19 =	vmul.f32 v52, v45;
	_ =	sdelay $0x1  }
0x345: {  	v18 =	vadd.f32 v19, v18  }
0x346: {  	v17 =	vmul.f32 v53, v17;
	_ =	sdelay $0x1  }
0x347: {  	v17 =	vadd.f32 v17, v18  }
0x348: {  	v18 =	vpop (erf)  }
0x349: {  	s13 =	sadd.s32 $0x1, s13;
	v17 =	vmul.f32 v18, v17  }
0x34a: {  	s31 =	sand.u32 $0xF0, s15;
	p0 =	sne.s32 s13, s7  }
.Ltmp4:
0x34b: {  	[tilespmem:s31+$0x10300] =	vst v17;
	(pc) =	sbr.rel @p0 .LBB2_1-.Ltmp4, $4  }
0x34c: {  	[hbm4b:s6+s1] =	stream.linear.scatter [tilespmem:s12], [sflag:$0x2], $0x200, $0x38;
	[tilespmem:$0x10400] =	vst v63  }
0x34d: {  	_ =	swait.ge [sflag:s8], $0x200  }
0x34e: {  	[sflag:s8] =	ssyncset.done $0x0  }
0x34f: {  	[sflag:s8] =	ssyncadd.s32 $0xFFFFFE00  }
0x350: {  	_ =	sfence.sel $0x180000  }
0x351: {  	[bflag:$0x0] =	sbarrier.arrive $0xFFFF  }
0x352: {  	p0 =	sne.s32 s2, $0x0;
	_ =	strace $0x90000047  }
0x353: {  	s0 =	sadd.s32 @!p0 $0x100000, s0;
	[bflag:$0x2] =	sbarrier.arrive $0xFFFF  }
0x354: {  	[sflag:s0] =	ssyncadd.tile.s32 @!p0 $0x1;
	_ =	shalt  }
.Lfunc_end2:
_tile_overlayer_lowered:
.L_overlay_start_2:
0x355: {  	(tag) =	ssettag $0x2  }
0x356: {  	s0 =	rddreg [dreg:$0x0];
	s2 =	stileid.u32  }
0x357: {  	s1 =	rddreg [dreg:$0x1];
	p0 =	sne.s32 s2, $0x0  }
0x358: {  	s3 =	rddreg [dreg:$0x2];
	[bflag:$0x3] =	sbarrier.arrive $0xFFFF;
	s2 =	simm.s32 @!p0 $0x1C02  }
0x359: {  	[timem:s3], [sflag:s2] =	dma.local @!p0 [hbm:s0], s1  }
0x35a: {  	s0 =	simm.s32 @!p0 $0x2  }
0x35b: {  	_ =	swait.ge @!p0 [sflag:s0], s1  }
0x35c: {  	s1 =	ssub.s32 @!p0 $0x0, s1;
	[sflag:s0] =	ssyncset.done @!p0 $0x0  }
0x35d: {  	[sflag:s0] =	ssyncadd.s32 @!p0 s1  }
0x35e: {  	[bflag:$0x3] =	sbarrier.arrive $0xFFFF  }
0x35f: {  	_ =	shalt  }

</sc_bundles>
